<compile_context>
chip_gen: v7x
topology: tpu7x:2x2x1
jax: 0.10.2.dev20260603
libtpu: 0.0.44.dev20260713+nightly
codegen_flags: <defaults>
</compile_context>

<pallas_src>
import functools

import jax
import jax.numpy as jnp
from jax import lax
from jax.experimental import pallas as pl
from jax.experimental.pallas import tpu as pltpu
from jax.experimental.pallas import tpu_sc as plsc

N = 10000
E = 320000
D = 128
G = 64
CHUNK = 128
NTILES = 32
CPT = 80
NCH = NTILES * CPT
E_PAD = NCH * CHUNK
NROW = 10240
RPT = NROW // 16

_SC_MESH = plsc.VectorSubcoreMesh(core_axis_name="c", subcore_axis_name="s")



@functools.partial(
    pl.kernel,
    out_type=jax.ShapeDtypeStruct((2, NROW, D), jnp.float32),
    mesh=_SC_MESH,
    scratch_types=[
        pltpu.VMEM((CPT, CHUNK), jnp.int32),
        pltpu.VMEM((CHUNK, D), jnp.float32),
        pltpu.VMEM_SHARED((NROW, D), jnp.float32),
    ],
)
def _deg_kernel(dst_hbm, out_hbm, dst_buf, ones_buf, acc):
    c = lax.axis_index("c")
    s = lax.axis_index("s")
    tile = c * 16 + s

    def zrow(i, _):
        for k in range(D // 16):
            ones_buf[i, pl.ds(k * 16, 16)] = jnp.zeros((16,), jnp.float32)
        return 0
    lax.fori_loop(0, CHUNK, zrow, 0)

    r0 = s * RPT
    for k in range(RPT // CHUNK):
        pltpu.sync_copy(ones_buf, acc.at[pl.ds(r0 + k * CHUNK, CHUNK)])
    rem = RPT % CHUNK
    if rem:
        pltpu.sync_copy(ones_buf.at[pl.ds(0, rem)],
                        acc.at[pl.ds(r0 + (RPT // CHUNK) * CHUNK, rem)])

    def orow(i, _):
        for k in range(D // 16):
            ones_buf[i, pl.ds(k * 16, 16)] = jnp.ones((16,), jnp.float32)
        return 0
    lax.fori_loop(0, CHUNK, orow, 0)

    pltpu.sync_copy(dst_hbm.at[pl.ds(tile * CPT, CPT)], dst_buf)
    plsc.subcore_barrier()

    def body(j, _):
        pltpu.sync_copy(ones_buf, acc.at[dst_buf.at[j]], add=True)
        return 0
    lax.fori_loop(0, CPT, body, 0)

    plsc.subcore_barrier()
    pltpu.sync_copy(acc.at[pl.ds(r0, RPT)], out_hbm.at[c, pl.ds(r0, RPT)])


NB = 40


@functools.partial(
    pl.kernel,
    out_type=jax.ShapeDtypeStruct((2, NROW, D), jnp.float32),
    mesh=_SC_MESH,
    scratch_types=[
        pltpu.VMEM((NB, CHUNK), jnp.int32),
        pltpu.VMEM((NB, CHUNK), jnp.int32),
        pltpu.VMEM((CHUNK, D), jnp.float32),
        pltpu.VMEM((CHUNK, D), jnp.float32),
        pltpu.VMEM_SHARED((NROW, D), jnp.float32),
        pltpu.SemaphoreType.DMA,
        pltpu.SemaphoreType.DMA,
    ],
)
def _scatter_kernel(y_hbm, src_hbm, dst_hbm, out_hbm,
                    src_buf, dst_buf, rows0, rows1, acc, sem0, sem1):
    c = lax.axis_index("c")
    s = lax.axis_index("s")
    tile = c * 16 + s
    bufs = (rows0, rows1)
    sems = (sem0, sem1)

    def zrow(i, _):
        for k in range(D // 16):
            rows0[i, pl.ds(k * 16, 16)] = jnp.zeros((16,), jnp.float32)
        return 0
    lax.fori_loop(0, CHUNK, zrow, 0)

    r0 = s * RPT
    for k in range(RPT // CHUNK):
        pltpu.sync_copy(rows0, acc.at[pl.ds(r0 + k * CHUNK, CHUNK)])
    rem = RPT % CHUNK
    if rem:
        pltpu.sync_copy(rows0.at[pl.ds(0, rem)],
                        acc.at[pl.ds(r0 + (RPT // CHUNK) * CHUNK, rem)])
    plsc.subcore_barrier()

    def wait_gather(b):
        pltpu.make_async_copy(y_hbm.at[pl.ds(0, CHUNK)], bufs[b], sems[b]).wait()

    for blk in range(CPT // NB):
        base = tile * CPT + blk * NB
        pltpu.sync_copy(src_hbm.at[pl.ds(base, NB)], src_buf)
        pltpu.sync_copy(dst_hbm.at[pl.ds(base, NB)], dst_buf)
        for b in range(2):
            pltpu.async_copy(y_hbm.at[src_buf.at[b]], bufs[b], sems[b])

        def pair_body(jj, _):
            for b in range(2):
                j = jj * 2 + b
                wait_gather(b)
                pltpu.sync_copy(bufs[b], acc.at[dst_buf.at[j]], add=True)

                @pl.when(j + 2 < NB)
                def _():
                    pltpu.async_copy(y_hbm.at[src_buf.at[j + 2]],
                                     bufs[b], sems[b])
            return 0
        lax.fori_loop(0, NB // 2, pair_body, 0)

    plsc.subcore_barrier()
    pltpu.sync_copy(acc.at[pl.ds(r0, RPT)], out_hbm.at[c, pl.ds(r0, RPT)])


@functools.partial(
    pl.kernel,
    out_type=jax.ShapeDtypeStruct((NTILES * 8, D), jnp.float32),
    mesh=_SC_MESH,
    scratch_types=[
        pltpu.VMEM((80,), jnp.float32),
        pltpu.VMEM((CHUNK, D), jnp.float32),
        pltpu.VMEM((8, D), jnp.float32),
    ],
)
def _pool_kernel(h2_hbm, offs_hbm, wmax_hbm, offs_buf, bufa, mrows):
    c = lax.axis_index("c")
    s = lax.axis_index("s")
    wid = c * 16 + s
    pltpu.sync_copy(offs_hbm, offs_buf)
    nv = D // 16
    for lg in range(2):
        g = wid * 2 + lg
        ovec = offs_buf[pl.ds(g, 16)]
        start = ovec[0].astype(jnp.int32)
        end = ovec[1].astype(jnp.int32)
        start_al = pl.multiple_of((start // 8) * 8, 8)
        shift = start - start_al
        count = end - start_al
        nchunks = (count + CHUNK - 1) // CHUNK

        def chunk_body(i, accm):
            off = pl.multiple_of(start_al + i * CHUNK, 8)
            pltpu.sync_copy(h2_hbm.at[pl.ds(off, CHUNK)], bufa)
            lo = jnp.where(i == 0, shift, 0)
            hi = jnp.minimum(count - i * CHUNK, CHUNK)

            def row_body(j, a_m):
                return tuple(jnp.maximum(a_m[k], bufa[j, pl.ds(k * 16, 16)])
                             for k in range(nv))
            return lax.fori_loop(lo, hi, row_body, accm)

        init = tuple(jnp.full((16,), -jnp.inf, jnp.float32)
                     for _ in range(nv))
        accm = lax.fori_loop(0, nchunks, chunk_body, init)
        for k in range(nv):
            mrows[lg, pl.ds(k * 16, 16)] = accm[k]
    pltpu.sync_copy(mrows, wmax_hbm.at[pl.ds(wid * 8, 8)])



_BLK = 1024


def _k1a_body(x_ref, w1_ref, xl_ref):
    xl_ref[...] = jnp.dot(x_ref[...], w1_ref[...],
                          preferred_element_type=jnp.float32)


def _k1b_body(xl_ref, d0_ref, d1_ref, y_ref, dinv_ref):
    deg = d0_ref[...] + d1_ref[...] + 1.0
    dinv = lax.rsqrt(deg)
    y_ref[...] = xl_ref[...] * dinv
    dinv_ref[...] = dinv


def _k2_body(a0_ref, a1_ref, xl1_ref, dinv_ref, w2_ref, b1_ref,
             xl2_ref, y2_ref):
    dv = dinv_ref[...]
    h1 = dv * (a0_ref[...] + a1_ref[...]) + dv * dv * xl1_ref[...] + b1_ref[...]
    xl2 = jnp.dot(h1, w2_ref[...], preferred_element_type=jnp.float32)
    xl2_ref[...] = xl2
    y2_ref[...] = xl2 * dv


def _k3_body(a0_ref, a1_ref, xl2_ref, dinv_ref, b2_ref, wp_ref, bp_ref,
             batch_ref, h2_ref, offs_ref, wsum_ref, cnt, wacc):
    i = pl.program_id(0)
    dv = dinv_ref[...]
    h2 = dv * (a0_ref[...] + a1_ref[...]) + dv * dv * xl2_ref[...] + b2_ref[...]
    w = jax.nn.sigmoid(
        jnp.dot(h2, wp_ref[...], preferred_element_type=jnp.float32)
        + bp_ref[...])
    h2_ref[...] = h2
    hw = h2 * w
    gids = lax.broadcasted_iota(jnp.int32, (1, G), 1)
    oh = (batch_ref[...] == gids).astype(jnp.float32)
    bc = jnp.sum(oh, axis=0, keepdims=True)
    ws = lax.dot_general(oh, hw, (((0,), (0,)), ((), ())),
                         preferred_element_type=jnp.float32)

    @pl.when(i == 0)
    def _():
        cnt[...] = bc
        wacc[...] = ws

    @pl.when(i > 0)
    def _():
        cnt[...] = cnt[...] + bc
        wacc[...] = wacc[...] + ws

    wsum_ref[...] = wacc[...]
    counts = cnt[...]
    ii = lax.broadcasted_iota(jnp.int32, (G, G), 0)
    jj = lax.broadcasted_iota(jnp.int32, (G, G), 1)
    tri = (ii < jj).astype(jnp.float32)
    offs = jnp.dot(counts, tri, preferred_element_type=jnp.float32)
    offs_ref[...] = jnp.concatenate(
        [offs, jnp.full((1, 16), float(N), jnp.float32)], axis=1)


def _k4_body(ws_ref, wm_ref, add_ref, wg1_ref, wg2_ref, bgo_ref,
             wf1_ref, wf2_ref, bf_ref, out_ref):
    gmat = (jnp.dot(ws_ref[...], wg1_ref[...], preferred_element_type=jnp.float32)
            + jnp.dot(wm_ref[...], wg2_ref[...], preferred_element_type=jnp.float32)
            + bgo_ref[...])
    out_ref[...] = (
        jnp.dot(gmat, wf1_ref[...], preferred_element_type=jnp.float32)
        + jnp.dot(add_ref[...], wf2_ref[...], preferred_element_type=jnp.float32)
        + bf_ref[...])


def _row_spec(blk, width):
    return pl.BlockSpec((blk, width), lambda i: (i, 0))


def _full_spec(shape):
    return pl.BlockSpec(shape, lambda *i: (0,) * len(shape))



def kernel(x, edge_index, batch, additional_input, W1, b1, W2, b2,
           w_pool, b_pool, W_go, b_go, W_f, b_f):
    src = edge_index[0]
    dst = edge_index[1]
    pad = E_PAD - E
    pad_idx = jnp.arange(pad, dtype=jnp.int32)
    src_p = jnp.concatenate([src, pad_idx % N]).reshape(NCH, CHUNK)
    dst_p = jnp.concatenate([dst, N + pad_idx % (NROW - N)]).reshape(NCH, CHUNK)

    rpad = NROW - N
    xp = jnp.pad(x, ((0, rpad), (0, 0)))
    batchp = jnp.pad(batch.reshape(N, 1), ((0, rpad), (0, 0)),
                     constant_values=G + 63)

    nsteps = NROW // _BLK
    xl1 = pl.pallas_call(
        _k1a_body,
        grid=(nsteps,),
        in_specs=[_row_spec(_BLK, D), _full_spec((D, D))],
        out_specs=_row_spec(_BLK, D),
        out_shape=jax.ShapeDtypeStruct((NROW, D), jnp.float32),
    )(xp, W1)

    degp = _deg_kernel(dst_p)

    y1, dinv = pl.pallas_call(
        _k1b_body,
        grid=(nsteps,),
        in_specs=[_row_spec(_BLK, D), _row_spec(_BLK, 1), _row_spec(_BLK, 1)],
        out_specs=[_row_spec(_BLK, D), _row_spec(_BLK, 1)],
        out_shape=[jax.ShapeDtypeStruct((NROW, D), jnp.float32),
                   jax.ShapeDtypeStruct((NROW, 1), jnp.float32)],
    )(xl1, degp[0, :, 0:1], degp[1, :, 0:1])

    acc1 = _scatter_kernel(y1, src_p, dst_p)

    xl2, y2 = pl.pallas_call(
        _k2_body,
        grid=(nsteps,),
        in_specs=[_row_spec(_BLK, D), _row_spec(_BLK, D), _row_spec(_BLK, D),
                  _row_spec(_BLK, 1), _full_spec((D, D)), _full_spec((1, D))],
        out_specs=[_row_spec(_BLK, D), _row_spec(_BLK, D)],
        out_shape=[jax.ShapeDtypeStruct((NROW, D), jnp.float32),
                   jax.ShapeDtypeStruct((NROW, D), jnp.float32)],
    )(acc1[0], acc1[1], xl1, dinv, W2, b1.reshape(1, D))

    acc2 = _scatter_kernel(y2, src_p, dst_p)

    h2, offs, wsum = pl.pallas_call(
        _k3_body,
        grid=(nsteps,),
        in_specs=[_row_spec(_BLK, D), _row_spec(_BLK, D), _row_spec(_BLK, D),
                  _row_spec(_BLK, 1), _full_spec((1, D)), _full_spec((D, 1)),
                  _full_spec((1, 1)), _row_spec(_BLK, 1)],
        out_specs=[_row_spec(_BLK, D), _full_spec((1, 80)),
                   _full_spec((G, D))],
        out_shape=[jax.ShapeDtypeStruct((NROW, D), jnp.float32),
                   jax.ShapeDtypeStruct((1, 80), jnp.float32),
                   jax.ShapeDtypeStruct((G, D), jnp.float32)],
        scratch_shapes=[pltpu.VMEM((1, G), jnp.float32),
                        pltpu.VMEM((G, D), jnp.float32)],
    )(acc2[0], acc2[1], xl2, dinv, b2.reshape(1, D), w_pool,
      b_pool.reshape(1, 1), batchp)

    wmax8 = _pool_kernel(h2, offs.reshape(80))
    wmax = wmax8.reshape(NTILES, 8, D)[:, :2].reshape(G, D)

    out = pl.pallas_call(
        _k4_body,
        in_specs=[_full_spec((G, D)), _full_spec((G, D)), _full_spec((G, 16)),
                  _full_spec((D, 256)), _full_spec((D, 256)), _full_spec((1, 256)),
                  _full_spec((256, 1)), _full_spec((16, 1)), _full_spec((1, 1))],
        out_specs=_full_spec((G, 1)),
        out_shape=jax.ShapeDtypeStruct((G, 1), jnp.float32),
    )(wsum, wmax, additional_input, W_go[:D], W_go[D:], b_go.reshape(1, 256),
      W_f[:256], W_f[256:], b_f.reshape(1, 1))

    return out

# --- scband reference (transcript-rebuilt; emitter-appended) ---
"""Pipeline reference for scband-gcnmulti-input-predictor-23545010717185 (READ-ONLY COPY).

The authoritative reference and input builder live on the scoring server;
editing this copy changes nothing except your own understanding.
"""

import jax, jax.numpy as jnp
import numpy as np

N = 10000
E = 320000
D = 128
G = 64
ADD = 16
HGO = 256
NT = 1


def gcn_conv(x, src, dst, W, b):
    n = x.shape[0]
    x_lin = x @ W
    loop = jnp.arange(n, dtype=src.dtype)
    src2 = jnp.concatenate([src, loop])
    dst2 = jnp.concatenate([dst, loop])
    deg = jnp.zeros((n,), dtype=x.dtype).at[dst2].add(1.0)
    dinv = jnp.where(deg > 0, 1.0 / jnp.sqrt(deg), 0.0)
    norm = dinv[src2] * dinv[dst2]
    msg = x_lin[src2] * norm[:, None]
    out = jnp.zeros((n, x_lin.shape[1]), dtype=x.dtype).at[dst2].add(msg)
    return out + b


def setup_inputs(seed: int = 0) -> dict:
    key = jax.random.key(seed)
    ks = jax.random.split(key, 12)
    s = 0.05
    x = jax.random.normal(ks[0], (N, D), dtype=jnp.float32)
    edge_index = jax.random.randint(ks[1], (2, E), 0, N, dtype=jnp.int32)
    batch = jnp.sort(jax.random.randint(ks[2], (N,), 0, G, dtype=jnp.int32))
    additional_input = jax.random.normal(ks[3], (G, ADD), dtype=jnp.float32)
    W1 = jax.random.normal(ks[4], (D, D), dtype=jnp.float32) * s
    b1 = jnp.zeros((D,), dtype=jnp.float32)
    W2 = jax.random.normal(ks[5], (D, D), dtype=jnp.float32) * s
    b2 = jnp.zeros((D,), dtype=jnp.float32)
    w_pool = jax.random.normal(ks[6], (D, 1), dtype=jnp.float32) * s
    b_pool = jnp.zeros((1,), dtype=jnp.float32)
    W_go = jax.random.normal(ks[7], (2 * D, HGO), dtype=jnp.float32) * s
    b_go = jnp.zeros((HGO,), dtype=jnp.float32)
    W_f = jax.random.normal(ks[8], (HGO + ADD, NT), dtype=jnp.float32) * s
    b_f = jnp.zeros((NT,), dtype=jnp.float32)
    return {"x": x, "edge_index": edge_index, "batch": batch,
            "additional_input": additional_input,
            "W1": W1, "b1": b1, "W2": W2, "b2": b2,
            "w_pool": w_pool, "b_pool": b_pool,
            "W_go": W_go, "b_go": b_go, "W_f": W_f, "b_f": b_f}


def reference(x, edge_index, batch, additional_input, W1, b1, W2, b2,
              w_pool, b_pool, W_go, b_go, W_f, b_f):
    src = edge_index[0]
    dst = edge_index[1]
    # two stacked GCNConv layers (no inter-layer activation in original forward)
    h = gcn_conv(x, src, dst, W1, b1)
    h = gcn_conv(h, src, dst, W2, b2)
    # WeightedSumAndMax pooling
    weights = jax.nn.sigmoid(h @ w_pool + b_pool)[:, 0]
    wsum = jax.ops.segment_sum(h * weights[:, None], batch, num_segments=G)
    wmax = jax.ops.segment_max(h, batch, num_segments=G)
    pooled = jnp.concatenate([wsum, wmax], axis=1)
    # graph_out linear
    g = pooled @ W_go + b_go
    # concat additional inputs, final layer
    feats = jnp.concatenate([g, additional_input], axis=1)
    out = feats @ W_f + b_f
    return out

if __name__ == "__main__":
    import jax
    _d = setup_inputs()
    print(jax.jit(kernel)(*tuple(_d.values())))

</pallas_src>

<mosaic_0001>
#map = affine_map<(d0, d1) -> (0, 0)>
#map1 = affine_map<(d0, d1) -> (0, 0, 0)>
module attributes {stable_mosaic.version = 14 : i64} {
  func.func @_deg_kernel(%arg0: i32, %arg1: i32, %arg2: memref<2560x128xi32, #tpu.memory_space<hbm>>, %arg3: memref<2x10240x128xf32, #tpu.memory_space<hbm>>, %arg4: memref<80x128xi32, #tpu.memory_space<vmem>>, %arg5: memref<128x128xf32, #tpu.memory_space<vmem>>, %arg6: memref<10240x128xf32, #tpu.memory_space<vmem_shared>>) attributes {dimension_semantics = [#tpu.dimension_semantics<core_parallel>, #tpu.dimension_semantics<subcore_parallel>], iteration_bounds = array<i64: 2, 16>, scalar_prefetch = 0 : i64, scratch_operands = 3 : i64, tpu.core_type = #tpu.core_type<sc_vector_subcore>, window_params = [{transform_indices = #map}, {transform_indices = #map1}]} {
    %mul3A = arith.constant 16 : i32
    %mul3A_0 = arith.muli %arg0, %mul3A : i32
    %add3A = arith.addi %mul3A_0, %arg1 : i32
    %scan3A = arith.constant 0 : i32
    %scan3A_1 = arith.constant 0 : i32
    %scan3A_2 = arith.constant 128 : i32
    %scan3A_3 = arith.addi %scan3A_1, %scan3A_2 : i32
    %scan3A_4 = arith.constant 1 : i32
    %scan3A_5 = scf.for %scan3A_36 = %scan3A_1 to %scan3A_3 step %scan3A_4 iter_args(%scan3A_37 = %scan3A) -> (i32)  : i32 {
      %broadcast_in_dim3A = arith.constant 0.000000e+00 : f32
      %broadcast_in_dim3A_38 = vector.broadcast %broadcast_in_dim3A : f32 to vector<16xf32>
      %swap3A = arith.index_cast %scan3A_36 : i32 to index
      %swap3A_39 = arith.constant 0 : index
      %swap3A_40 = tpu.vector_load %arg5[%swap3A, %swap3A_39] {strides = array<i32>} : memref<128x128xf32, #tpu.memory_space<vmem>>, vector<1x16xf32>,
      %swap3A_41 = vector.shape_cast %swap3A_40 : vector<1x16xf32> to vector<16xf32>
      %swap3A_42 = vector.shape_cast %broadcast_in_dim3A_38 : vector<16xf32> to vector<1x16xf32>
      tpu.vector_store %arg5[%swap3A, %swap3A_39], %swap3A_42 {strides = array<i32>} : memref<128x128xf32, #tpu.memory_space<vmem>>, vector<1x16xf32>,
      %broadcast_in_dim3A_43 = arith.constant 0.000000e+00 : f32
      %broadcast_in_dim3A_44 = vector.broadcast %broadcast_in_dim3A_43 : f32 to vector<16xf32>
      %swap3A_45 = arith.index_cast %scan3A_36 : i32 to index
      %swap3A_46 = arith.constant 16 : index
      %swap3A_47 = tpu.vector_load %arg5[%swap3A_45, %swap3A_46] {strides = array<i32>} : memref<128x128xf32, #tpu.memory_space<vmem>>, vector<1x16xf32>,
      %swap3A_48 = vector.shape_cast %swap3A_47 : vector<1x16xf32> to vector<16xf32>
      %swap3A_49 = vector.shape_cast %broadcast_in_dim3A_44 : vector<16xf32> to vector<1x16xf32>
      tpu.vector_store %arg5[%swap3A_45, %swap3A_46], %swap3A_49 {strides = array<i32>} : memref<128x128xf32, #tpu.memory_space<vmem>>, vector<1x16xf32>,
      %broadcast_in_dim3A_50 = arith.constant 0.000000e+00 : f32
      %broadcast_in_dim3A_51 = vector.broadcast %broadcast_in_dim3A_50 : f32 to vector<16xf32>
      %swap3A_52 = arith.index_cast %scan3A_36 : i32 to index
      %swap3A_53 = arith.constant 32 : index
      %swap3A_54 = tpu.vector_load %arg5[%swap3A_52, %swap3A_53] {strides = array<i32>} : memref<128x128xf32, #tpu.memory_space<vmem>>, vector<1x16xf32>,
      %swap3A_55 = vector.shape_cast %swap3A_54 : vector<1x16xf32> to vector<16xf32>
      %swap3A_56 = vector.shape_cast %broadcast_in_dim3A_51 : vector<16xf32> to vector<1x16xf32>
      tpu.vector_store %arg5[%swap3A_52, %swap3A_53], %swap3A_56 {strides = array<i32>} : memref<128x128xf32, #tpu.memory_space<vmem>>, vector<1x16xf32>,
      %broadcast_in_dim3A_57 = arith.constant 0.000000e+00 : f32
      %broadcast_in_dim3A_58 = vector.broadcast %broadcast_in_dim3A_57 : f32 to vector<16xf32>
      %swap3A_59 = arith.index_cast %scan3A_36 : i32 to index
      %swap3A_60 = arith.constant 48 : index
      %swap3A_61 = tpu.vector_load %arg5[%swap3A_59, %swap3A_60] {strides = array<i32>} : memref<128x128xf32, #tpu.memory_space<vmem>>, vector<1x16xf32>,
      %swap3A_62 = vector.shape_cast %swap3A_61 : vector<1x16xf32> to vector<16xf32>
      %swap3A_63 = vector.shape_cast %broadcast_in_dim3A_58 : vector<16xf32> to vector<1x16xf32>
      tpu.vector_store %arg5[%swap3A_59, %swap3A_60], %swap3A_63 {strides = array<i32>} : memref<128x128xf32, #tpu.memory_space<vmem>>, vector<1x16xf32>,
      %broadcast_in_dim3A_64 = arith.constant 0.000000e+00 : f32
      %broadcast_in_dim3A_65 = vector.broadcast %broadcast_in_dim3A_64 : f32 to vector<16xf32>
      %swap3A_66 = arith.index_cast %scan3A_36 : i32 to index
      %swap3A_67 = arith.constant 64 : index
      %swap3A_68 = tpu.vector_load %arg5[%swap3A_66, %swap3A_67] {strides = array<i32>} : memref<128x128xf32, #tpu.memory_space<vmem>>, vector<1x16xf32>,
      %swap3A_69 = vector.shape_cast %swap3A_68 : vector<1x16xf32> to vector<16xf32>
      %swap3A_70 = vector.shape_cast %broadcast_in_dim3A_65 : vector<16xf32> to vector<1x16xf32>
      tpu.vector_store %arg5[%swap3A_66, %swap3A_67], %swap3A_70 {strides = array<i32>} : memref<128x128xf32, #tpu.memory_space<vmem>>, vector<1x16xf32>,
      %broadcast_in_dim3A_71 = arith.constant 0.000000e+00 : f32
      %broadcast_in_dim3A_72 = vector.broadcast %broadcast_in_dim3A_71 : f32 to vector<16xf32>
      %swap3A_73 = arith.index_cast %scan3A_36 : i32 to index
      %swap3A_74 = arith.constant 80 : index
      %swap3A_75 = tpu.vector_load %arg5[%swap3A_73, %swap3A_74] {strides = array<i32>} : memref<128x128xf32, #tpu.memory_space<vmem>>, vector<1x16xf32>,
      %swap3A_76 = vector.shape_cast %swap3A_75 : vector<1x16xf32> to vector<16xf32>
      %swap3A_77 = vector.shape_cast %broadcast_in_dim3A_72 : vector<16xf32> to vector<1x16xf32>
      tpu.vector_store %arg5[%swap3A_73, %swap3A_74], %swap3A_77 {strides = array<i32>} : memref<128x128xf32, #tpu.memory_space<vmem>>, vector<1x16xf32>,
      %broadcast_in_dim3A_78 = arith.constant 0.000000e+00 : f32
      %broadcast_in_dim3A_79 = vector.broadcast %broadcast_in_dim3A_78 : f32 to vector<16xf32>
      %swap3A_80 = arith.index_cast %scan3A_36 : i32 to index
      %swap3A_81 = arith.constant 96 : index
      %swap3A_82 = tpu.vector_load %arg5[%swap3A_80, %swap3A_81] {strides = array<i32>} : memref<128x128xf32, #tpu.memory_space<vmem>>, vector<1x16xf32>,
      %swap3A_83 = vector.shape_cast %swap3A_82 : vector<1x16xf32> to vector<16xf32>
      %swap3A_84 = vector.shape_cast %broadcast_in_dim3A_79 : vector<16xf32> to vector<1x16xf32>
      tpu.vector_store %arg5[%swap3A_80, %swap3A_81], %swap3A_84 {strides = array<i32>} : memref<128x128xf32, #tpu.memory_space<vmem>>, vector<1x16xf32>,
      %broadcast_in_dim3A_85 = arith.constant 0.000000e+00 : f32
      %broadcast_in_dim3A_86 = vector.broadcast %broadcast_in_dim3A_85 : f32 to vector<16xf32>
      %swap3A_87 = arith.index_cast %scan3A_36 : i32 to index
      %swap3A_88 = arith.constant 112 : index
      %swap3A_89 = tpu.vector_load %arg5[%swap3A_87, %swap3A_88] {strides = array<i32>} : memref<128x128xf32, #tpu.memory_space<vmem>>, vector<1x16xf32>,
      %swap3A_90 = vector.shape_cast %swap3A_89 : vector<1x16xf32> to vector<16xf32>
      %swap3A_91 = vector.shape_cast %broadcast_in_dim3A_86 : vector<16xf32> to vector<1x16xf32>
      tpu.vector_store %arg5[%swap3A_87, %swap3A_88], %swap3A_91 {strides = array<i32>} : memref<128x128xf32, #tpu.memory_space<vmem>>, vector<1x16xf32>,
      %scan3A_92 = arith.constant 0 : i32
      scf.yield %scan3A_92 : i32
    }
    %scan3A_6 = arith.constant 128 : i32
    %mul3A_7 = arith.constant 640 : i32
    %mul3A_8 = arith.muli %arg1, %mul3A_7 : i32
    %add3A_9 = arith.constant 0 : i32
    %add3A_10 = arith.addi %mul3A_8, %add3A_9 : i32
    "tpu.region"() ({
      %run_scoped3A = tpu.sem_alloc : memref<!tpu.dma_semaphore, #tpu.memory_space<semaphore_mem>>
      %dma_start3A = arith.constant 0 : i32
      %dma_start3A_36 = tpu.memref_slice %arg6[%add3A_10, %dma_start3A] : memref<10240x128xf32, #tpu.memory_space<vmem_shared>> -> memref<128x128xf32, #tpu.memory_space<vmem_shared>>
      %dma_start3A_37 = arith.constant 0 : i32
      %dma_start3A_38 = tpu.memref_slice %arg6[%add3A_10, %dma_start3A_37] : memref<10240x128xf32, #tpu.memory_space<vmem_shared>> -> memref<128x128xf32, #tpu.memory_space<vmem_shared>>
      tpu.enqueue_dma source(%arg5 : memref<128x128xf32, #tpu.memory_space<vmem>>) target(%dma_start3A_38 : memref<128x128xf32, #tpu.memory_space<vmem_shared>>) target_semaphore(%run_scoped3A : memref<!tpu.dma_semaphore, #tpu.memory_space<semaphore_mem>>)
      %dma_wait3A = arith.constant 0 : i32
      %dma_wait3A_39 = tpu.memref_slice %arg6[%add3A_10, %dma_wait3A] : memref<10240x128xf32, #tpu.memory_space<vmem_shared>> -> memref<128x128xf32, #tpu.memory_space<vmem_shared>>
      %dma_wait3A_40 = arith.constant 0 : i32
      %dma_wait3A_41 = tpu.memref_slice %arg6[%add3A_10, %dma_wait3A_40] : memref<10240x128xf32, #tpu.memory_space<vmem_shared>> -> memref<128x128xf32, #tpu.memory_space<vmem_shared>>
      tpu.wait_dma2 semaphore(%run_scoped3A : memref<!tpu.dma_semaphore, #tpu.memory_space<semaphore_mem>>) src(%arg5 : memref<128x128xf32, #tpu.memory_space<vmem>>) dst(%dma_wait3A_41 : memref<128x128xf32, #tpu.memory_space<vmem_shared>>)
      tpu.yield
    }) : () -> ()
    %add3A_11 = arith.constant 128 : i32
    %add3A_12 = arith.addi %mul3A_8, %add3A_11 : i32
    "tpu.region"() ({
      %run_scoped3A = tpu.sem_alloc : memref<!tpu.dma_semaphore, #tpu.memory_space<semaphore_mem>>
      %dma_start3A = arith.constant 0 : i32
      %dma_start3A_36 = tpu.memref_slice %arg6[%add3A_12, %dma_start3A] : memref<10240x128xf32, #tpu.memory_space<vmem_shared>> -> memref<128x128xf32, #tpu.memory_space<vmem_shared>>
      %dma_start3A_37 = arith.constant 0 : i32
      %dma_start3A_38 = tpu.memref_slice %arg6[%add3A_12, %dma_start3A_37] : memref<10240x128xf32, #tpu.memory_space<vmem_shared>> -> memref<128x128xf32, #tpu.memory_space<vmem_shared>>
      tpu.enqueue_dma source(%arg5 : memref<128x128xf32, #tpu.memory_space<vmem>>) target(%dma_start3A_38 : memref<128x128xf32, #tpu.memory_space<vmem_shared>>) target_semaphore(%run_scoped3A : memref<!tpu.dma_semaphore, #tpu.memory_space<semaphore_mem>>)
      %dma_wait3A = arith.constant 0 : i32
      %dma_wait3A_39 = tpu.memref_slice %arg6[%add3A_12, %dma_wait3A] : memref<10240x128xf32, #tpu.memory_space<vmem_shared>> -> memref<128x128xf32, #tpu.memory_space<vmem_shared>>
      %dma_wait3A_40 = arith.constant 0 : i32
      %dma_wait3A_41 = tpu.memref_slice %arg6[%add3A_12, %dma_wait3A_40] : memref<10240x128xf32, #tpu.memory_space<vmem_shared>> -> memref<128x128xf32, #tpu.memory_space<vmem_shared>>
      tpu.wait_dma2 semaphore(%run_scoped3A : memref<!tpu.dma_semaphore, #tpu.memory_space<semaphore_mem>>) src(%arg5 : memref<128x128xf32, #tpu.memory_space<vmem>>) dst(%dma_wait3A_41 : memref<128x128xf32, #tpu.memory_space<vmem_shared>>)
      tpu.yield
    }) : () -> ()
    %add3A_13 = arith.constant 256 : i32
    %add3A_14 = arith.addi %mul3A_8, %add3A_13 : i32
    "tpu.region"() ({
      %run_scoped3A = tpu.sem_alloc : memref<!tpu.dma_semaphore, #tpu.memory_space<semaphore_mem>>
      %dma_start3A = arith.constant 0 : i32
      %dma_start3A_36 = tpu.memref_slice %arg6[%add3A_14, %dma_start3A] : memref<10240x128xf32, #tpu.memory_space<vmem_shared>> -> memref<128x128xf32, #tpu.memory_space<vmem_shared>>
      %dma_start3A_37 = arith.constant 0 : i32
      %dma_start3A_38 = tpu.memref_slice %arg6[%add3A_14, %dma_start3A_37] : memref<10240x128xf32, #tpu.memory_space<vmem_shared>> -> memref<128x128xf32, #tpu.memory_space<vmem_shared>>
      tpu.enqueue_dma source(%arg5 : memref<128x128xf32, #tpu.memory_space<vmem>>) target(%dma_start3A_38 : memref<128x128xf32, #tpu.memory_space<vmem_shared>>) target_semaphore(%run_scoped3A : memref<!tpu.dma_semaphore, #tpu.memory_space<semaphore_mem>>)
      %dma_wait3A = arith.constant 0 : i32
      %dma_wait3A_39 = tpu.memref_slice %arg6[%add3A_14, %dma_wait3A] : memref<10240x128xf32, #tpu.memory_space<vmem_shared>> -> memref<128x128xf32, #tpu.memory_space<vmem_shared>>
      %dma_wait3A_40 = arith.constant 0 : i32
      %dma_wait3A_41 = tpu.memref_slice %arg6[%add3A_14, %dma_wait3A_40] : memref<10240x128xf32, #tpu.memory_space<vmem_shared>> -> memref<128x128xf32, #tpu.memory_space<vmem_shared>>
      tpu.wait_dma2 semaphore(%run_scoped3A : memref<!tpu.dma_semaphore, #tpu.memory_space<semaphore_mem>>) src(%arg5 : memref<128x128xf32, #tpu.memory_space<vmem>>) dst(%dma_wait3A_41 : memref<128x128xf32, #tpu.memory_space<vmem_shared>>)
      tpu.yield
    }) : () -> ()
    %add3A_15 = arith.constant 384 : i32
    %add3A_16 = arith.addi %mul3A_8, %add3A_15 : i32
    "tpu.region"() ({
      %run_scoped3A = tpu.sem_alloc : memref<!tpu.dma_semaphore, #tpu.memory_space<semaphore_mem>>
      %dma_start3A = arith.constant 0 : i32
      %dma_start3A_36 = tpu.memref_slice %arg6[%add3A_16, %dma_start3A] : memref<10240x128xf32, #tpu.memory_space<vmem_shared>> -> memref<128x128xf32, #tpu.memory_space<vmem_shared>>
      %dma_start3A_37 = arith.constant 0 : i32
      %dma_start3A_38 = tpu.memref_slice %arg6[%add3A_16, %dma_start3A_37] : memref<10240x128xf32, #tpu.memory_space<vmem_shared>> -> memref<128x128xf32, #tpu.memory_space<vmem_shared>>
      tpu.enqueue_dma source(%arg5 : memref<128x128xf32, #tpu.memory_space<vmem>>) target(%dma_start3A_38 : memref<128x128xf32, #tpu.memory_space<vmem_shared>>) target_semaphore(%run_scoped3A : memref<!tpu.dma_semaphore, #tpu.memory_space<semaphore_mem>>)
      %dma_wait3A = arith.constant 0 : i32
      %dma_wait3A_39 = tpu.memref_slice %arg6[%add3A_16, %dma_wait3A] : memref<10240x128xf32, #tpu.memory_space<vmem_shared>> -> memref<128x128xf32, #tpu.memory_space<vmem_shared>>
      %dma_wait3A_40 = arith.constant 0 : i32
      %dma_wait3A_41 = tpu.memref_slice %arg6[%add3A_16, %dma_wait3A_40] : memref<10240x128xf32, #tpu.memory_space<vmem_shared>> -> memref<128x128xf32, #tpu.memory_space<vmem_shared>>
      tpu.wait_dma2 semaphore(%run_scoped3A : memref<!tpu.dma_semaphore, #tpu.memory_space<semaphore_mem>>) src(%arg5 : memref<128x128xf32, #tpu.memory_space<vmem>>) dst(%dma_wait3A_41 : memref<128x128xf32, #tpu.memory_space<vmem_shared>>)
      tpu.yield
    }) : () -> ()
    %add3A_17 = arith.constant 512 : i32
    %add3A_18 = arith.addi %mul3A_8, %add3A_17 : i32
    "tpu.region"() ({
      %run_scoped3A = tpu.sem_alloc : memref<!tpu.dma_semaphore, #tpu.memory_space<semaphore_mem>>
      %dma_start3A = arith.constant 0 : i32
      %dma_start3A_36 = tpu.memref_slice %arg6[%add3A_18, %dma_start3A] : memref<10240x128xf32, #tpu.memory_space<vmem_shared>> -> memref<128x128xf32, #tpu.memory_space<vmem_shared>>
      %dma_start3A_37 = arith.constant 0 : i32
      %dma_start3A_38 = tpu.memref_slice %arg6[%add3A_18, %dma_start3A_37] : memref<10240x128xf32, #tpu.memory_space<vmem_shared>> -> memref<128x128xf32, #tpu.memory_space<vmem_shared>>
      tpu.enqueue_dma source(%arg5 : memref<128x128xf32, #tpu.memory_space<vmem>>) target(%dma_start3A_38 : memref<128x128xf32, #tpu.memory_space<vmem_shared>>) target_semaphore(%run_scoped3A : memref<!tpu.dma_semaphore, #tpu.memory_space<semaphore_mem>>)
      %dma_wait3A = arith.constant 0 : i32
      %dma_wait3A_39 = tpu.memref_slice %arg6[%add3A_18, %dma_wait3A] : memref<10240x128xf32, #tpu.memory_space<vmem_shared>> -> memref<128x128xf32, #tpu.memory_space<vmem_shared>>
      %dma_wait3A_40 = arith.constant 0 : i32
      %dma_wait3A_41 = tpu.memref_slice %arg6[%add3A_18, %dma_wait3A_40] : memref<10240x128xf32, #tpu.memory_space<vmem_shared>> -> memref<128x128xf32, #tpu.memory_space<vmem_shared>>
      tpu.wait_dma2 semaphore(%run_scoped3A : memref<!tpu.dma_semaphore, #tpu.memory_space<semaphore_mem>>) src(%arg5 : memref<128x128xf32, #tpu.memory_space<vmem>>) dst(%dma_wait3A_41 : memref<128x128xf32, #tpu.memory_space<vmem_shared>>)
      tpu.yield
    }) : () -> ()
    %scan3A_19 = arith.constant 0 : i32
    %scan3A_20 = arith.constant 0 : i32
    %scan3A_21 = arith.constant 128 : i32
    %scan3A_22 = arith.addi %scan3A_20, %scan3A_21 : i32
    %scan3A_23 = arith.constant 1 : i32
    %scan3A_24 = scf.for %scan3A_36 = %scan3A_20 to %scan3A_22 step %scan3A_23 iter_args(%scan3A_37 = %scan3A_19) -> (i32)  : i32 {
      %broadcast_in_dim3A = arith.constant 1.000000e+00 : f32
      %broadcast_in_dim3A_38 = vector.broadcast %broadcast_in_dim3A : f32 to vector<16xf32>
      %swap3A = arith.index_cast %scan3A_36 : i32 to index
      %swap3A_39 = arith.constant 0 : index
      %swap3A_40 = tpu.vector_load %arg5[%swap3A, %swap3A_39] {strides = array<i32>} : memref<128x128xf32, #tpu.memory_space<vmem>>, vector<1x16xf32>,
      %swap3A_41 = vector.shape_cast %swap3A_40 : vector<1x16xf32> to vector<16xf32>
      %swap3A_42 = vector.shape_cast %broadcast_in_dim3A_38 : vector<16xf32> to vector<1x16xf32>
      tpu.vector_store %arg5[%swap3A, %swap3A_39], %swap3A_42 {strides = array<i32>} : memref<128x128xf32, #tpu.memory_space<vmem>>, vector<1x16xf32>,
      %broadcast_in_dim3A_43 = arith.constant 1.000000e+00 : f32
      %broadcast_in_dim3A_44 = vector.broadcast %broadcast_in_dim3A_43 : f32 to vector<16xf32>
      %swap3A_45 = arith.index_cast %scan3A_36 : i32 to index
      %swap3A_46 = arith.constant 16 : index
      %swap3A_47 = tpu.vector_load %arg5[%swap3A_45, %swap3A_46] {strides = array<i32>} : memref<128x128xf32, #tpu.memory_space<vmem>>, vector<1x16xf32>,
      %swap3A_48 = vector.shape_cast %swap3A_47 : vector<1x16xf32> to vector<16xf32>
      %swap3A_49 = vector.shape_cast %broadcast_in_dim3A_44 : vector<16xf32> to vector<1x16xf32>
      tpu.vector_store %arg5[%swap3A_45, %swap3A_46], %swap3A_49 {strides = array<i32>} : memref<128x128xf32, #tpu.memory_space<vmem>>, vector<1x16xf32>,
      %broadcast_in_dim3A_50 = arith.constant 1.000000e+00 : f32
      %broadcast_in_dim3A_51 = vector.broadcast %broadcast_in_dim3A_50 : f32 to vector<16xf32>
      %swap3A_52 = arith.index_cast %scan3A_36 : i32 to index
      %swap3A_53 = arith.constant 32 : index
      %swap3A_54 = tpu.vector_load %arg5[%swap3A_52, %swap3A_53] {strides = array<i32>} : memref<128x128xf32, #tpu.memory_space<vmem>>, vector<1x16xf32>,
      %swap3A_55 = vector.shape_cast %swap3A_54 : vector<1x16xf32> to vector<16xf32>
      %swap3A_56 = vector.shape_cast %broadcast_in_dim3A_51 : vector<16xf32> to vector<1x16xf32>
      tpu.vector_store %arg5[%swap3A_52, %swap3A_53], %swap3A_56 {strides = array<i32>} : memref<128x128xf32, #tpu.memory_space<vmem>>, vector<1x16xf32>,
      %broadcast_in_dim3A_57 = arith.constant 1.000000e+00 : f32
      %broadcast_in_dim3A_58 = vector.broadcast %broadcast_in_dim3A_57 : f32 to vector<16xf32>
      %swap3A_59 = arith.index_cast %scan3A_36 : i32 to index
      %swap3A_60 = arith.constant 48 : index
      %swap3A_61 = tpu.vector_load %arg5[%swap3A_59, %swap3A_60] {strides = array<i32>} : memref<128x128xf32, #tpu.memory_space<vmem>>, vector<1x16xf32>,
      %swap3A_62 = vector.shape_cast %swap3A_61 : vector<1x16xf32> to vector<16xf32>
      %swap3A_63 = vector.shape_cast %broadcast_in_dim3A_58 : vector<16xf32> to vector<1x16xf32>
      tpu.vector_store %arg5[%swap3A_59, %swap3A_60], %swap3A_63 {strides = array<i32>} : memref<128x128xf32, #tpu.memory_space<vmem>>, vector<1x16xf32>,
      %broadcast_in_dim3A_64 = arith.constant 1.000000e+00 : f32
      %broadcast_in_dim3A_65 = vector.broadcast %broadcast_in_dim3A_64 : f32 to vector<16xf32>
      %swap3A_66 = arith.index_cast %scan3A_36 : i32 to index
      %swap3A_67 = arith.constant 64 : index
      %swap3A_68 = tpu.vector_load %arg5[%swap3A_66, %swap3A_67] {strides = array<i32>} : memref<128x128xf32, #tpu.memory_space<vmem>>, vector<1x16xf32>,
      %swap3A_69 = vector.shape_cast %swap3A_68 : vector<1x16xf32> to vector<16xf32>
      %swap3A_70 = vector.shape_cast %broadcast_in_dim3A_65 : vector<16xf32> to vector<1x16xf32>
      tpu.vector_store %arg5[%swap3A_66, %swap3A_67], %swap3A_70 {strides = array<i32>} : memref<128x128xf32, #tpu.memory_space<vmem>>, vector<1x16xf32>,
      %broadcast_in_dim3A_71 = arith.constant 1.000000e+00 : f32
      %broadcast_in_dim3A_72 = vector.broadcast %broadcast_in_dim3A_71 : f32 to vector<16xf32>
      %swap3A_73 = arith.index_cast %scan3A_36 : i32 to index
      %swap3A_74 = arith.constant 80 : index
      %swap3A_75 = tpu.vector_load %arg5[%swap3A_73, %swap3A_74] {strides = array<i32>} : memref<128x128xf32, #tpu.memory_space<vmem>>, vector<1x16xf32>,
      %swap3A_76 = vector.shape_cast %swap3A_75 : vector<1x16xf32> to vector<16xf32>
      %swap3A_77 = vector.shape_cast %broadcast_in_dim3A_72 : vector<16xf32> to vector<1x16xf32>
      tpu.vector_store %arg5[%swap3A_73, %swap3A_74], %swap3A_77 {strides = array<i32>} : memref<128x128xf32, #tpu.memory_space<vmem>>, vector<1x16xf32>,
      %broadcast_in_dim3A_78 = arith.constant 1.000000e+00 : f32
      %broadcast_in_dim3A_79 = vector.broadcast %broadcast_in_dim3A_78 : f32 to vector<16xf32>
      %swap3A_80 = arith.index_cast %scan3A_36 : i32 to index
      %swap3A_81 = arith.constant 96 : index
      %swap3A_82 = tpu.vector_load %arg5[%swap3A_80, %swap3A_81] {strides = array<i32>} : memref<128x128xf32, #tpu.memory_space<vmem>>, vector<1x16xf32>,
      %swap3A_83 = vector.shape_cast %swap3A_82 : vector<1x16xf32> to vector<16xf32>
      %swap3A_84 = vector.shape_cast %broadcast_in_dim3A_79 : vector<16xf32> to vector<1x16xf32>
      tpu.vector_store %arg5[%swap3A_80, %swap3A_81], %swap3A_84 {strides = array<i32>} : memref<128x128xf32, #tpu.memory_space<vmem>>, vector<1x16xf32>,
      %broadcast_in_dim3A_85 = arith.constant 1.000000e+00 : f32
      %broadcast_in_dim3A_86 = vector.broadcast %broadcast_in_dim3A_85 : f32 to vector<16xf32>
      %swap3A_87 = arith.index_cast %scan3A_36 : i32 to index
      %swap3A_88 = arith.constant 112 : index
      %swap3A_89 = tpu.vector_load %arg5[%swap3A_87, %swap3A_88] {strides = array<i32>} : memref<128x128xf32, #tpu.memory_space<vmem>>, vector<1x16xf32>,
      %swap3A_90 = vector.shape_cast %swap3A_89 : vector<1x16xf32> to vector<16xf32>
      %swap3A_91 = vector.shape_cast %broadcast_in_dim3A_86 : vector<16xf32> to vector<1x16xf32>
      tpu.vector_store %arg5[%swap3A_87, %swap3A_88], %swap3A_91 {strides = array<i32>} : memref<128x128xf32, #tpu.memory_space<vmem>>, vector<1x16xf32>,
      %scan3A_92 = arith.constant 0 : i32
      scf.yield %scan3A_92 : i32
    }
    %scan3A_25 = arith.constant 128 : i32
    %mul3A_26 = arith.constant 80 : i32
    %mul3A_27 = arith.muli %add3A, %mul3A_26 : i32
    "tpu.region"() ({
      %run_scoped3A = tpu.sem_alloc : memref<!tpu.dma_semaphore, #tpu.memory_space<semaphore_mem>>
      %dma_start3A = arith.constant 0 : i32
      %dma_start3A_36 = tpu.memref_slice %arg2[%mul3A_27, %dma_start3A] : memref<2560x128xi32, #tpu.memory_space<hbm>> -> memref<80x128xi32, #tpu.memory_space<hbm>>
      %dma_start3A_37 = arith.constant 0 : i32
      %dma_start3A_38 = tpu.memref_slice %arg2[%mul3A_27, %dma_start3A_37] : memref<2560x128xi32, #tpu.memory_space<hbm>> -> memref<80x128xi32, #tpu.memory_space<hbm>>
      tpu.enqueue_dma source(%dma_start3A_38 : memref<80x128xi32, #tpu.memory_space<hbm>>) target(%arg4 : memref<80x128xi32, #tpu.memory_space<vmem>>) target_semaphore(%run_scoped3A : memref<!tpu.dma_semaphore, #tpu.memory_space<semaphore_mem>>)
      %dma_wait3A = arith.constant 0 : i32
      %dma_wait3A_39 = tpu.memref_slice %arg2[%mul3A_27, %dma_wait3A] : memref<2560x128xi32, #tpu.memory_space<hbm>> -> memref<80x128xi32, #tpu.memory_space<hbm>>
      %dma_wait3A_40 = arith.constant 0 : i32
      %dma_wait3A_41 = tpu.memref_slice %arg2[%mul3A_27, %dma_wait3A_40] : memref<2560x128xi32, #tpu.memory_space<hbm>> -> memref<80x128xi32, #tpu.memory_space<hbm>>
      tpu.wait_dma2 semaphore(%run_scoped3A : memref<!tpu.dma_semaphore, #tpu.memory_space<semaphore_mem>>) src(%dma_wait3A_41 : memref<80x128xi32, #tpu.memory_space<hbm>>) dst(%arg4 : memref<80x128xi32, #tpu.memory_space<vmem>>)
      tpu.yield
    }) : () -> ()
    %barrier3A = arith.constant 0 : index
    tpu.barrier barrier_id(%barrier3A)
    %scan3A_28 = arith.constant 0 : i32
    %scan3A_29 = arith.constant 0 : i32
    %scan3A_30 = arith.constant 80 : i32
    %scan3A_31 = arith.addi %scan3A_29, %scan3A_30 : i32
    %scan3A_32 = arith.constant 1 : i32
    %scan3A_33 = scf.for %scan3A_36 = %scan3A_29 to %scan3A_31 step %scan3A_32 iter_args(%scan3A_37 = %scan3A_28) -> (i32)  : i32 {
      "tpu.region"() ({
        %run_scoped3A = tpu.sem_alloc : memref<!tpu.dma_semaphore, #tpu.memory_space<semaphore_mem>>
        %dma_start3A = arith.constant 0 : i32
        %dma_start3A_39 = tpu.memref_slice %arg4[%scan3A_36, %dma_start3A] : memref<80x128xi32, #tpu.memory_space<vmem>> -> memref<1x128xi32, #tpu.memory_space<vmem>>
        %dma_start3A_40 = tpu.memref_squeeze %dma_start3A_39 : memref<1x128xi32, #tpu.memory_space<vmem>> -> memref<128xi32, #tpu.memory_space<vmem>>
        %dma_start3A_41 = arith.constant 0 : i32
        %dma_start3A_42 = arith.constant 0 : i32
        %dma_start3A_43 = tpu.memref_slice %arg6[%dma_start3A_41, %dma_start3A_42] : memref<10240x128xf32, #tpu.memory_space<vmem_shared>> -> memref<10240x128xf32, #tpu.memory_space<vmem_shared>>
        tpu.enqueue_indirect_dma source(%arg5 : memref<128x128xf32, #tpu.memory_space<vmem>>) target(%dma_start3A_43 : memref<10240x128xf32, #tpu.memory_space<vmem_shared>>) offsets(%dma_start3A_40 : memref<128xi32, #tpu.memory_space<vmem>>) semaphore(%run_scoped3A : memref<!tpu.dma_semaphore, #tpu.memory_space<semaphore_mem>>) {add = true}
        %dma_wait3A = arith.constant 0 : i32
        %dma_wait3A_44 = tpu.memref_slice %arg4[%scan3A_36, %dma_wait3A] : memref<80x128xi32, #tpu.memory_space<vmem>> -> memref<1x128xi32, #tpu.memory_space<vmem>>
        %dma_wait3A_45 = tpu.memref_squeeze %dma_wait3A_44 : memref<1x128xi32, #tpu.memory_space<vmem>> -> memref<128xi32, #tpu.memory_space<vmem>>
        %dma_wait3A_46 = arith.constant 0 : i32
        %dma_wait3A_47 = arith.constant 0 : i32
        %dma_wait3A_48 = tpu.memref_slice %arg6[%dma_wait3A_46, %dma_wait3A_47] : memref<10240x128xf32, #tpu.memory_space<vmem_shared>> -> memref<10240x128xf32, #tpu.memory_space<vmem_shared>>
        tpu.wait_indirect_dma semaphore(%run_scoped3A : memref<!tpu.dma_semaphore, #tpu.memory_space<semaphore_mem>>) src(%arg5 : memref<128x128xf32, #tpu.memory_space<vmem>>) dst(%dma_wait3A_48 : memref<10240x128xf32, #tpu.memory_space<vmem_shared>>)
        tpu.yield
      }) : () -> ()
      %scan3A_38 = arith.constant 0 : i32
      scf.yield %scan3A_38 : i32
    }
    %scan3A_34 = arith.constant 80 : i32
    %barrier3A_35 = arith.constant 0 : index
    tpu.barrier barrier_id(%barrier3A_35)
    "tpu.region"() ({
      %run_scoped3A = tpu.sem_alloc : memref<!tpu.dma_semaphore, #tpu.memory_space<semaphore_mem>>
      %dma_start3A = arith.constant 0 : i32
      %dma_start3A_36 = tpu.memref_slice %arg3[%arg0, %mul3A_8, %dma_start3A] : memref<2x10240x128xf32, #tpu.memory_space<hbm>> -> memref<1x640x128xf32, #tpu.memory_space<hbm>>
      %dma_start3A_37 = tpu.memref_squeeze %dma_start3A_36 : memref<1x640x128xf32, #tpu.memory_space<hbm>> -> memref<640x128xf32, #tpu.memory_space<hbm>>
      %dma_start3A_38 = arith.constant 0 : i32
      %dma_start3A_39 = tpu.memref_slice %arg6[%mul3A_8, %dma_start3A_38] : memref<10240x128xf32, #tpu.memory_space<vmem_shared>> -> memref<640x128xf32, #tpu.memory_space<vmem_shared>>
      tpu.enqueue_dma source(%dma_start3A_39 : memref<640x128xf32, #tpu.memory_space<vmem_shared>>) target(%dma_start3A_37 : memref<640x128xf32, #tpu.memory_space<hbm>>) target_semaphore(%run_scoped3A : memref<!tpu.dma_semaphore, #tpu.memory_space<semaphore_mem>>)
      %dma_wait3A = arith.constant 0 : i32
      %dma_wait3A_40 = tpu.memref_slice %arg3[%arg0, %mul3A_8, %dma_wait3A] : memref<2x10240x128xf32, #tpu.memory_space<hbm>> -> memref<1x640x128xf32, #tpu.memory_space<hbm>>
      %dma_wait3A_41 = tpu.memref_squeeze %dma_wait3A_40 : memref<1x640x128xf32, #tpu.memory_space<hbm>> -> memref<640x128xf32, #tpu.memory_space<hbm>>
      %dma_wait3A_42 = arith.constant 0 : i32
      %dma_wait3A_43 = tpu.memref_slice %arg6[%mul3A_8, %dma_wait3A_42] : memref<10240x128xf32, #tpu.memory_space<vmem_shared>> -> memref<640x128xf32, #tpu.memory_space<vmem_shared>>
      tpu.wait_dma2 semaphore(%run_scoped3A : memref<!tpu.dma_semaphore, #tpu.memory_space<semaphore_mem>>) src(%dma_wait3A_43 : memref<640x128xf32, #tpu.memory_space<vmem_shared>>) dst(%dma_wait3A_41 : memref<640x128xf32, #tpu.memory_space<hbm>>)
      tpu.yield
    }) : () -> ()
    return
  }
}

#map = affine_map<(d0, d1) -> (0, 0)>
#map1 = affine_map<(d0, d1) -> (0, 0, 0)>
module attributes {stable_mosaic.version = 14 : i64} {
  func.func @_scatter_kernel(%arg0: i32, %arg1: i32, %arg2: memref<10240x128xf32, #tpu.memory_space<hbm>>, %arg3: memref<2560x128xi32, #tpu.memory_space<hbm>>, %arg4: memref<2560x128xi32, #tpu.memory_space<hbm>>, %arg5: memref<2x10240x128xf32, #tpu.memory_space<hbm>>, %arg6: memref<40x128xi32, #tpu.memory_space<vmem>>, %arg7: memref<40x128xi32, #tpu.memory_space<vmem>>, %arg8: memref<128x128xf32, #tpu.memory_space<vmem>>, %arg9: memref<128x128xf32, #tpu.memory_space<vmem>>, %arg10: memref<10240x128xf32, #tpu.memory_space<vmem_shared>>, %arg11: memref<!tpu.dma_semaphore, #tpu.memory_space<semaphore_mem>>, %arg12: memref<!tpu.dma_semaphore, #tpu.memory_space<semaphore_mem>>) attributes {dimension_semantics = [#tpu.dimension_semantics<core_parallel>, #tpu.dimension_semantics<subcore_parallel>], iteration_bounds = array<i64: 2, 16>, scalar_prefetch = 0 : i64, scratch_operands = 7 : i64, tpu.core_type = #tpu.core_type<sc_vector_subcore>, window_params = [{transform_indices = #map}, {transform_indices = #map}, {transform_indices = #map}, {transform_indices = #map1}]} {
    %mul3A = arith.constant 16 : i32
    %mul3A_0 = arith.muli %arg0, %mul3A : i32
    %add3A = arith.addi %mul3A_0, %arg1 : i32
    %scan3A = arith.constant 0 : i32
    %scan3A_1 = arith.constant 0 : i32
    %scan3A_2 = arith.constant 128 : i32
    %scan3A_3 = arith.addi %scan3A_1, %scan3A_2 : i32
    %scan3A_4 = arith.constant 1 : i32
    %scan3A_5 = scf.for %scan3A_69 = %scan3A_1 to %scan3A_3 step %scan3A_4 iter_args(%scan3A_70 = %scan3A) -> (i32)  : i32 {
      %broadcast_in_dim3A = arith.constant 0.000000e+00 : f32
      %broadcast_in_dim3A_71 = vector.broadcast %broadcast_in_dim3A : f32 to vector<16xf32>
      %swap3A = arith.index_cast %scan3A_69 : i32 to index
      %swap3A_72 = arith.constant 0 : index
      %swap3A_73 = tpu.vector_load %arg8[%swap3A, %swap3A_72] {strides = array<i32>} : memref<128x128xf32, #tpu.memory_space<vmem>>, vector<1x16xf32>,
      %swap3A_74 = vector.shape_cast %swap3A_73 : vector<1x16xf32> to vector<16xf32>
      %swap3A_75 = vector.shape_cast %broadcast_in_dim3A_71 : vector<16xf32> to vector<1x16xf32>
      tpu.vector_store %arg8[%swap3A, %swap3A_72], %swap3A_75 {strides = array<i32>} : memref<128x128xf32, #tpu.memory_space<vmem>>, vector<1x16xf32>,
      %broadcast_in_dim3A_76 = arith.constant 0.000000e+00 : f32
      %broadcast_in_dim3A_77 = vector.broadcast %broadcast_in_dim3A_76 : f32 to vector<16xf32>
      %swap3A_78 = arith.index_cast %scan3A_69 : i32 to index
      %swap3A_79 = arith.constant 16 : index
      %swap3A_80 = tpu.vector_load %arg8[%swap3A_78, %swap3A_79] {strides = array<i32>} : memref<128x128xf32, #tpu.memory_space<vmem>>, vector<1x16xf32>,
      %swap3A_81 = vector.shape_cast %swap3A_80 : vector<1x16xf32> to vector<16xf32>
      %swap3A_82 = vector.shape_cast %broadcast_in_dim3A_77 : vector<16xf32> to vector<1x16xf32>
      tpu.vector_store %arg8[%swap3A_78, %swap3A_79], %swap3A_82 {strides = array<i32>} : memref<128x128xf32, #tpu.memory_space<vmem>>, vector<1x16xf32>,
      %broadcast_in_dim3A_83 = arith.constant 0.000000e+00 : f32
      %broadcast_in_dim3A_84 = vector.broadcast %broadcast_in_dim3A_83 : f32 to vector<16xf32>
      %swap3A_85 = arith.index_cast %scan3A_69 : i32 to index
      %swap3A_86 = arith.constant 32 : index
      %swap3A_87 = tpu.vector_load %arg8[%swap3A_85, %swap3A_86] {strides = array<i32>} : memref<128x128xf32, #tpu.memory_space<vmem>>, vector<1x16xf32>,
      %swap3A_88 = vector.shape_cast %swap3A_87 : vector<1x16xf32> to vector<16xf32>
      %swap3A_89 = vector.shape_cast %broadcast_in_dim3A_84 : vector<16xf32> to vector<1x16xf32>
      tpu.vector_store %arg8[%swap3A_85, %swap3A_86], %swap3A_89 {strides = array<i32>} : memref<128x128xf32, #tpu.memory_space<vmem>>, vector<1x16xf32>,
      %broadcast_in_dim3A_90 = arith.constant 0.000000e+00 : f32
      %broadcast_in_dim3A_91 = vector.broadcast %broadcast_in_dim3A_90 : f32 to vector<16xf32>
      %swap3A_92 = arith.index_cast %scan3A_69 : i32 to index
      %swap3A_93 = arith.constant 48 : index
      %swap3A_94 = tpu.vector_load %arg8[%swap3A_92, %swap3A_93] {strides = array<i32>} : memref<128x128xf32, #tpu.memory_space<vmem>>, vector<1x16xf32>,
      %swap3A_95 = vector.shape_cast %swap3A_94 : vector<1x16xf32> to vector<16xf32>
      %swap3A_96 = vector.shape_cast %broadcast_in_dim3A_91 : vector<16xf32> to vector<1x16xf32>
      tpu.vector_store %arg8[%swap3A_92, %swap3A_93], %swap3A_96 {strides = array<i32>} : memref<128x128xf32, #tpu.memory_space<vmem>>, vector<1x16xf32>,
      %broadcast_in_dim3A_97 = arith.constant 0.000000e+00 : f32
      %broadcast_in_dim3A_98 = vector.broadcast %broadcast_in_dim3A_97 : f32 to vector<16xf32>
      %swap3A_99 = arith.index_cast %scan3A_69 : i32 to index
      %swap3A_100 = arith.constant 64 : index
      %swap3A_101 = tpu.vector_load %arg8[%swap3A_99, %swap3A_100] {strides = array<i32>} : memref<128x128xf32, #tpu.memory_space<vmem>>, vector<1x16xf32>,
      %swap3A_102 = vector.shape_cast %swap3A_101 : vector<1x16xf32> to vector<16xf32>
      %swap3A_103 = vector.shape_cast %broadcast_in_dim3A_98 : vector<16xf32> to vector<1x16xf32>
      tpu.vector_store %arg8[%swap3A_99, %swap3A_100], %swap3A_103 {strides = array<i32>} : memref<128x128xf32, #tpu.memory_space<vmem>>, vector<1x16xf32>,
      %broadcast_in_dim3A_104 = arith.constant 0.000000e+00 : f32
      %broadcast_in_dim3A_105 = vector.broadcast %broadcast_in_dim3A_104 : f32 to vector<16xf32>
      %swap3A_106 = arith.index_cast %scan3A_69 : i32 to index
      %swap3A_107 = arith.constant 80 : index
      %swap3A_108 = tpu.vector_load %arg8[%swap3A_106, %swap3A_107] {strides = array<i32>} : memref<128x128xf32, #tpu.memory_space<vmem>>, vector<1x16xf32>,
      %swap3A_109 = vector.shape_cast %swap3A_108 : vector<1x16xf32> to vector<16xf32>
      %swap3A_110 = vector.shape_cast %broadcast_in_dim3A_105 : vector<16xf32> to vector<1x16xf32>
      tpu.vector_store %arg8[%swap3A_106, %swap3A_107], %swap3A_110 {strides = array<i32>} : memref<128x128xf32, #tpu.memory_space<vmem>>, vector<1x16xf32>,
      %broadcast_in_dim3A_111 = arith.constant 0.000000e+00 : f32
      %broadcast_in_dim3A_112 = vector.broadcast %broadcast_in_dim3A_111 : f32 to vector<16xf32>
      %swap3A_113 = arith.index_cast %scan3A_69 : i32 to index
      %swap3A_114 = arith.constant 96 : index
      %swap3A_115 = tpu.vector_load %arg8[%swap3A_113, %swap3A_114] {strides = array<i32>} : memref<128x128xf32, #tpu.memory_space<vmem>>, vector<1x16xf32>,
      %swap3A_116 = vector.shape_cast %swap3A_115 : vector<1x16xf32> to vector<16xf32>
      %swap3A_117 = vector.shape_cast %broadcast_in_dim3A_112 : vector<16xf32> to vector<1x16xf32>
      tpu.vector_store %arg8[%swap3A_113, %swap3A_114], %swap3A_117 {strides = array<i32>} : memref<128x128xf32, #tpu.memory_space<vmem>>, vector<1x16xf32>,
      %broadcast_in_dim3A_118 = arith.constant 0.000000e+00 : f32
      %broadcast_in_dim3A_119 = vector.broadcast %broadcast_in_dim3A_118 : f32 to vector<16xf32>
      %swap3A_120 = arith.index_cast %scan3A_69 : i32 to index
      %swap3A_121 = arith.constant 112 : index
      %swap3A_122 = tpu.vector_load %arg8[%swap3A_120, %swap3A_121] {strides = array<i32>} : memref<128x128xf32, #tpu.memory_space<vmem>>, vector<1x16xf32>,
      %swap3A_123 = vector.shape_cast %swap3A_122 : vector<1x16xf32> to vector<16xf32>
      %swap3A_124 = vector.shape_cast %broadcast_in_dim3A_119 : vector<16xf32> to vector<1x16xf32>
      tpu.vector_store %arg8[%swap3A_120, %swap3A_121], %swap3A_124 {strides = array<i32>} : memref<128x128xf32, #tpu.memory_space<vmem>>, vector<1x16xf32>,
      %scan3A_125 = arith.constant 0 : i32
      scf.yield %scan3A_125 : i32
    }
    %scan3A_6 = arith.constant 128 : i32
    %mul3A_7 = arith.constant 640 : i32
    %mul3A_8 = arith.muli %arg1, %mul3A_7 : i32
    %add3A_9 = arith.constant 0 : i32
    %add3A_10 = arith.addi %mul3A_8, %add3A_9 : i32
    "tpu.region"() ({
      %run_scoped3A = tpu.sem_alloc : memref<!tpu.dma_semaphore, #tpu.memory_space<semaphore_mem>>
      %dma_start3A_69 = arith.constant 0 : i32
      %dma_start3A_70 = tpu.memref_slice %arg10[%add3A_10, %dma_start3A_69] : memref<10240x128xf32, #tpu.memory_space<vmem_shared>> -> memref<128x128xf32, #tpu.memory_space<vmem_shared>>
      %dma_start3A_71 = arith.constant 0 : i32
      %dma_start3A_72 = tpu.memref_slice %arg10[%add3A_10, %dma_start3A_71] : memref<10240x128xf32, #tpu.memory_space<vmem_shared>> -> memref<128x128xf32, #tpu.memory_space<vmem_shared>>
      tpu.enqueue_dma source(%arg8 : memref<128x128xf32, #tpu.memory_space<vmem>>) target(%dma_start3A_72 : memref<128x128xf32, #tpu.memory_space<vmem_shared>>) target_semaphore(%run_scoped3A : memref<!tpu.dma_semaphore, #tpu.memory_space<semaphore_mem>>)
      %dma_wait3A = arith.constant 0 : i32
      %dma_wait3A_73 = tpu.memref_slice %arg10[%add3A_10, %dma_wait3A] : memref<10240x128xf32, #tpu.memory_space<vmem_shared>> -> memref<128x128xf32, #tpu.memory_space<vmem_shared>>
      %dma_wait3A_74 = arith.constant 0 : i32
      %dma_wait3A_75 = tpu.memref_slice %arg10[%add3A_10, %dma_wait3A_74] : memref<10240x128xf32, #tpu.memory_space<vmem_shared>> -> memref<128x128xf32, #tpu.memory_space<vmem_shared>>
      tpu.wait_dma2 semaphore(%run_scoped3A : memref<!tpu.dma_semaphore, #tpu.memory_space<semaphore_mem>>) src(%arg8 : memref<128x128xf32, #tpu.memory_space<vmem>>) dst(%dma_wait3A_75 : memref<128x128xf32, #tpu.memory_space<vmem_shared>>)
      tpu.yield
    }) : () -> ()
    %add3A_11 = arith.constant 128 : i32
    %add3A_12 = arith.addi %mul3A_8, %add3A_11 : i32
    "tpu.region"() ({
      %run_scoped3A = tpu.sem_alloc : memref<!tpu.dma_semaphore, #tpu.memory_space<semaphore_mem>>
      %dma_start3A_69 = arith.constant 0 : i32
      %dma_start3A_70 = tpu.memref_slice %arg10[%add3A_12, %dma_start3A_69] : memref<10240x128xf32, #tpu.memory_space<vmem_shared>> -> memref<128x128xf32, #tpu.memory_space<vmem_shared>>
      %dma_start3A_71 = arith.constant 0 : i32
      %dma_start3A_72 = tpu.memref_slice %arg10[%add3A_12, %dma_start3A_71] : memref<10240x128xf32, #tpu.memory_space<vmem_shared>> -> memref<128x128xf32, #tpu.memory_space<vmem_shared>>
      tpu.enqueue_dma source(%arg8 : memref<128x128xf32, #tpu.memory_space<vmem>>) target(%dma_start3A_72 : memref<128x128xf32, #tpu.memory_space<vmem_shared>>) target_semaphore(%run_scoped3A : memref<!tpu.dma_semaphore, #tpu.memory_space<semaphore_mem>>)
      %dma_wait3A = arith.constant 0 : i32
      %dma_wait3A_73 = tpu.memref_slice %arg10[%add3A_12, %dma_wait3A] : memref<10240x128xf32, #tpu.memory_space<vmem_shared>> -> memref<128x128xf32, #tpu.memory_space<vmem_shared>>
      %dma_wait3A_74 = arith.constant 0 : i32
      %dma_wait3A_75 = tpu.memref_slice %arg10[%add3A_12, %dma_wait3A_74] : memref<10240x128xf32, #tpu.memory_space<vmem_shared>> -> memref<128x128xf32, #tpu.memory_space<vmem_shared>>
      tpu.wait_dma2 semaphore(%run_scoped3A : memref<!tpu.dma_semaphore, #tpu.memory_space<semaphore_mem>>) src(%arg8 : memref<128x128xf32, #tpu.memory_space<vmem>>) dst(%dma_wait3A_75 : memref<128x128xf32, #tpu.memory_space<vmem_shared>>)
      tpu.yield
    }) : () -> ()
    %add3A_13 = arith.constant 256 : i32
    %add3A_14 = arith.addi %mul3A_8, %add3A_13 : i32
    "tpu.region"() ({
      %run_scoped3A = tpu.sem_alloc : memref<!tpu.dma_semaphore, #tpu.memory_space<semaphore_mem>>
      %dma_start3A_69 = arith.constant 0 : i32
      %dma_start3A_70 = tpu.memref_slice %arg10[%add3A_14, %dma_start3A_69] : memref<10240x128xf32, #tpu.memory_space<vmem_shared>> -> memref<128x128xf32, #tpu.memory_space<vmem_shared>>
      %dma_start3A_71 = arith.constant 0 : i32
      %dma_start3A_72 = tpu.memref_slice %arg10[%add3A_14, %dma_start3A_71] : memref<10240x128xf32, #tpu.memory_space<vmem_shared>> -> memref<128x128xf32, #tpu.memory_space<vmem_shared>>
      tpu.enqueue_dma source(%arg8 : memref<128x128xf32, #tpu.memory_space<vmem>>) target(%dma_start3A_72 : memref<128x128xf32, #tpu.memory_space<vmem_shared>>) target_semaphore(%run_scoped3A : memref<!tpu.dma_semaphore, #tpu.memory_space<semaphore_mem>>)
      %dma_wait3A = arith.constant 0 : i32
      %dma_wait3A_73 = tpu.memref_slice %arg10[%add3A_14, %dma_wait3A] : memref<10240x128xf32, #tpu.memory_space<vmem_shared>> -> memref<128x128xf32, #tpu.memory_space<vmem_shared>>
      %dma_wait3A_74 = arith.constant 0 : i32
      %dma_wait3A_75 = tpu.memref_slice %arg10[%add3A_14, %dma_wait3A_74] : memref<10240x128xf32, #tpu.memory_space<vmem_shared>> -> memref<128x128xf32, #tpu.memory_space<vmem_shared>>
      tpu.wait_dma2 semaphore(%run_scoped3A : memref<!tpu.dma_semaphore, #tpu.memory_space<semaphore_mem>>) src(%arg8 : memref<128x128xf32, #tpu.memory_space<vmem>>) dst(%dma_wait3A_75 : memref<128x128xf32, #tpu.memory_space<vmem_shared>>)
      tpu.yield
    }) : () -> ()
    %add3A_15 = arith.constant 384 : i32
    %add3A_16 = arith.addi %mul3A_8, %add3A_15 : i32
    "tpu.region"() ({
      %run_scoped3A = tpu.sem_alloc : memref<!tpu.dma_semaphore, #tpu.memory_space<semaphore_mem>>
      %dma_start3A_69 = arith.constant 0 : i32
      %dma_start3A_70 = tpu.memref_slice %arg10[%add3A_16, %dma_start3A_69] : memref<10240x128xf32, #tpu.memory_space<vmem_shared>> -> memref<128x128xf32, #tpu.memory_space<vmem_shared>>
      %dma_start3A_71 = arith.constant 0 : i32
      %dma_start3A_72 = tpu.memref_slice %arg10[%add3A_16, %dma_start3A_71] : memref<10240x128xf32, #tpu.memory_space<vmem_shared>> -> memref<128x128xf32, #tpu.memory_space<vmem_shared>>
      tpu.enqueue_dma source(%arg8 : memref<128x128xf32, #tpu.memory_space<vmem>>) target(%dma_start3A_72 : memref<128x128xf32, #tpu.memory_space<vmem_shared>>) target_semaphore(%run_scoped3A : memref<!tpu.dma_semaphore, #tpu.memory_space<semaphore_mem>>)
      %dma_wait3A = arith.constant 0 : i32
      %dma_wait3A_73 = tpu.memref_slice %arg10[%add3A_16, %dma_wait3A] : memref<10240x128xf32, #tpu.memory_space<vmem_shared>> -> memref<128x128xf32, #tpu.memory_space<vmem_shared>>
      %dma_wait3A_74 = arith.constant 0 : i32
      %dma_wait3A_75 = tpu.memref_slice %arg10[%add3A_16, %dma_wait3A_74] : memref<10240x128xf32, #tpu.memory_space<vmem_shared>> -> memref<128x128xf32, #tpu.memory_space<vmem_shared>>
      tpu.wait_dma2 semaphore(%run_scoped3A : memref<!tpu.dma_semaphore, #tpu.memory_space<semaphore_mem>>) src(%arg8 : memref<128x128xf32, #tpu.memory_space<vmem>>) dst(%dma_wait3A_75 : memref<128x128xf32, #tpu.memory_space<vmem_shared>>)
      tpu.yield
    }) : () -> ()
    %add3A_17 = arith.constant 512 : i32
    %add3A_18 = arith.addi %mul3A_8, %add3A_17 : i32
    "tpu.region"() ({
      %run_scoped3A = tpu.sem_alloc : memref<!tpu.dma_semaphore, #tpu.memory_space<semaphore_mem>>
      %dma_start3A_69 = arith.constant 0 : i32
      %dma_start3A_70 = tpu.memref_slice %arg10[%add3A_18, %dma_start3A_69] : memref<10240x128xf32, #tpu.memory_space<vmem_shared>> -> memref<128x128xf32, #tpu.memory_space<vmem_shared>>
      %dma_start3A_71 = arith.constant 0 : i32
      %dma_start3A_72 = tpu.memref_slice %arg10[%add3A_18, %dma_start3A_71] : memref<10240x128xf32, #tpu.memory_space<vmem_shared>> -> memref<128x128xf32, #tpu.memory_space<vmem_shared>>
      tpu.enqueue_dma source(%arg8 : memref<128x128xf32, #tpu.memory_space<vmem>>) target(%dma_start3A_72 : memref<128x128xf32, #tpu.memory_space<vmem_shared>>) target_semaphore(%run_scoped3A : memref<!tpu.dma_semaphore, #tpu.memory_space<semaphore_mem>>)
      %dma_wait3A = arith.constant 0 : i32
      %dma_wait3A_73 = tpu.memref_slice %arg10[%add3A_18, %dma_wait3A] : memref<10240x128xf32, #tpu.memory_space<vmem_shared>> -> memref<128x128xf32, #tpu.memory_space<vmem_shared>>
      %dma_wait3A_74 = arith.constant 0 : i32
      %dma_wait3A_75 = tpu.memref_slice %arg10[%add3A_18, %dma_wait3A_74] : memref<10240x128xf32, #tpu.memory_space<vmem_shared>> -> memref<128x128xf32, #tpu.memory_space<vmem_shared>>
      tpu.wait_dma2 semaphore(%run_scoped3A : memref<!tpu.dma_semaphore, #tpu.memory_space<semaphore_mem>>) src(%arg8 : memref<128x128xf32, #tpu.memory_space<vmem>>) dst(%dma_wait3A_75 : memref<128x128xf32, #tpu.memory_space<vmem_shared>>)
      tpu.yield
    }) : () -> ()
    %barrier3A = arith.constant 0 : index
    tpu.barrier barrier_id(%barrier3A)
    %mul3A_19 = arith.constant 80 : i32
    %mul3A_20 = arith.muli %add3A, %mul3A_19 : i32
    %add3A_21 = arith.constant 0 : i32
    %add3A_22 = arith.addi %mul3A_20, %add3A_21 : i32
    "tpu.region"() ({
      %run_scoped3A = tpu.sem_alloc : memref<!tpu.dma_semaphore, #tpu.memory_space<semaphore_mem>>
      %dma_start3A_69 = arith.constant 0 : i32
      %dma_start3A_70 = tpu.memref_slice %arg3[%add3A_22, %dma_start3A_69] : memref<2560x128xi32, #tpu.memory_space<hbm>> -> memref<40x128xi32, #tpu.memory_space<hbm>>
      %dma_start3A_71 = arith.constant 0 : i32
      %dma_start3A_72 = tpu.memref_slice %arg3[%add3A_22, %dma_start3A_71] : memref<2560x128xi32, #tpu.memory_space<hbm>> -> memref<40x128xi32, #tpu.memory_space<hbm>>
      tpu.enqueue_dma source(%dma_start3A_72 : memref<40x128xi32, #tpu.memory_space<hbm>>) target(%arg6 : memref<40x128xi32, #tpu.memory_space<vmem>>) target_semaphore(%run_scoped3A : memref<!tpu.dma_semaphore, #tpu.memory_space<semaphore_mem>>)
      %dma_wait3A = arith.constant 0 : i32
      %dma_wait3A_73 = tpu.memref_slice %arg3[%add3A_22, %dma_wait3A] : memref<2560x128xi32, #tpu.memory_space<hbm>> -> memref<40x128xi32, #tpu.memory_space<hbm>>
      %dma_wait3A_74 = arith.constant 0 : i32
      %dma_wait3A_75 = tpu.memref_slice %arg3[%add3A_22, %dma_wait3A_74] : memref<2560x128xi32, #tpu.memory_space<hbm>> -> memref<40x128xi32, #tpu.memory_space<hbm>>
      tpu.wait_dma2 semaphore(%run_scoped3A : memref<!tpu.dma_semaphore, #tpu.memory_space<semaphore_mem>>) src(%dma_wait3A_75 : memref<40x128xi32, #tpu.memory_space<hbm>>) dst(%arg6 : memref<40x128xi32, #tpu.memory_space<vmem>>)
      tpu.yield
    }) : () -> ()
    "tpu.region"() ({
      %run_scoped3A = tpu.sem_alloc : memref<!tpu.dma_semaphore, #tpu.memory_space<semaphore_mem>>
      %dma_start3A_69 = arith.constant 0 : i32
      %dma_start3A_70 = tpu.memref_slice %arg4[%add3A_22, %dma_start3A_69] : memref<2560x128xi32, #tpu.memory_space<hbm>> -> memref<40x128xi32, #tpu.memory_space<hbm>>
      %dma_start3A_71 = arith.constant 0 : i32
      %dma_start3A_72 = tpu.memref_slice %arg4[%add3A_22, %dma_start3A_71] : memref<2560x128xi32, #tpu.memory_space<hbm>> -> memref<40x128xi32, #tpu.memory_space<hbm>>
      tpu.enqueue_dma source(%dma_start3A_72 : memref<40x128xi32, #tpu.memory_space<hbm>>) target(%arg7 : memref<40x128xi32, #tpu.memory_space<vmem>>) target_semaphore(%run_scoped3A : memref<!tpu.dma_semaphore, #tpu.memory_space<semaphore_mem>>)
      %dma_wait3A = arith.constant 0 : i32
      %dma_wait3A_73 = tpu.memref_slice %arg4[%add3A_22, %dma_wait3A] : memref<2560x128xi32, #tpu.memory_space<hbm>> -> memref<40x128xi32, #tpu.memory_space<hbm>>
      %dma_wait3A_74 = arith.constant 0 : i32
      %dma_wait3A_75 = tpu.memref_slice %arg4[%add3A_22, %dma_wait3A_74] : memref<2560x128xi32, #tpu.memory_space<hbm>> -> memref<40x128xi32, #tpu.memory_space<hbm>>
      tpu.wait_dma2 semaphore(%run_scoped3A : memref<!tpu.dma_semaphore, #tpu.memory_space<semaphore_mem>>) src(%dma_wait3A_75 : memref<40x128xi32, #tpu.memory_space<hbm>>) dst(%arg7 : memref<40x128xi32, #tpu.memory_space<vmem>>)
      tpu.yield
    }) : () -> ()
    %dma_start3A = arith.constant 0 : i32
    %dma_start3A_23 = arith.constant 0 : i32
    %dma_start3A_24 = tpu.memref_slice %arg6[%dma_start3A, %dma_start3A_23] : memref<40x128xi32, #tpu.memory_space<vmem>> -> memref<1x128xi32, #tpu.memory_space<vmem>>
    %dma_start3A_25 = tpu.memref_squeeze %dma_start3A_24 : memref<1x128xi32, #tpu.memory_space<vmem>> -> memref<128xi32, #tpu.memory_space<vmem>>
    %dma_start3A_26 = arith.constant 0 : i32
    %dma_start3A_27 = arith.constant 0 : i32
    %dma_start3A_28 = tpu.memref_slice %arg2[%dma_start3A_26, %dma_start3A_27] : memref<10240x128xf32, #tpu.memory_space<hbm>> -> memref<10240x128xf32, #tpu.memory_space<hbm>>
    tpu.enqueue_indirect_dma source(%dma_start3A_28 : memref<10240x128xf32, #tpu.memory_space<hbm>>) target(%arg8 : memref<128x128xf32, #tpu.memory_space<vmem>>) offsets(%dma_start3A_25 : memref<128xi32, #tpu.memory_space<vmem>>) semaphore(%arg11 : memref<!tpu.dma_semaphore, #tpu.memory_space<semaphore_mem>>)
    %dma_start3A_29 = arith.constant 1 : i32
    %dma_start3A_30 = arith.constant 0 : i32
    %dma_start3A_31 = tpu.memref_slice %arg6[%dma_start3A_29, %dma_start3A_30] : memref<40x128xi32, #tpu.memory_space<vmem>> -> memref<1x128xi32, #tpu.memory_space<vmem>>
    %dma_start3A_32 = tpu.memref_squeeze %dma_start3A_31 : memref<1x128xi32, #tpu.memory_space<vmem>> -> memref<128xi32, #tpu.memory_space<vmem>>
    %dma_start3A_33 = arith.constant 0 : i32
    %dma_start3A_34 = arith.constant 0 : i32
    %dma_start3A_35 = tpu.memref_slice %arg2[%dma_start3A_33, %dma_start3A_34] : memref<10240x128xf32, #tpu.memory_space<hbm>> -> memref<10240x128xf32, #tpu.memory_space<hbm>>
    tpu.enqueue_indirect_dma source(%dma_start3A_35 : memref<10240x128xf32, #tpu.memory_space<hbm>>) target(%arg9 : memref<128x128xf32, #tpu.memory_space<vmem>>) offsets(%dma_start3A_32 : memref<128xi32, #tpu.memory_space<vmem>>) semaphore(%arg12 : memref<!tpu.dma_semaphore, #tpu.memory_space<semaphore_mem>>)
    %scan3A_36 = arith.constant 0 : i32
    %scan3A_37 = arith.constant 0 : i32
    %scan3A_38 = arith.constant 20 : i32
    %scan3A_39 = arith.addi %scan3A_37, %scan3A_38 : i32
    %scan3A_40 = arith.constant 1 : i32
    %scan3A_41 = scf.for %scan3A_69 = %scan3A_37 to %scan3A_39 step %scan3A_40 iter_args(%scan3A_70 = %scan3A_36) -> (i32)  : i32 {
      %mul3A_71 = arith.constant 2 : i32
      %mul3A_72 = arith.muli %scan3A_69, %mul3A_71 : i32
      %add3A_73 = arith.constant 0 : i32
      %add3A_74 = arith.addi %mul3A_72, %add3A_73 : i32
      %dma_wait3A = arith.constant 0 : i32
      %dma_wait3A_75 = arith.constant 0 : i32
      %dma_wait3A_76 = tpu.memref_slice %arg2[%dma_wait3A, %dma_wait3A_75] : memref<10240x128xf32, #tpu.memory_space<hbm>> -> memref<128x128xf32, #tpu.memory_space<hbm>>
      %dma_wait3A_77 = arith.constant 0 : i32
      %dma_wait3A_78 = arith.constant 0 : i32
      %dma_wait3A_79 = tpu.memref_slice %arg2[%dma_wait3A_77, %dma_wait3A_78] : memref<10240x128xf32, #tpu.memory_space<hbm>> -> memref<128x128xf32, #tpu.memory_space<hbm>>
      tpu.wait_dma2 semaphore(%arg11 : memref<!tpu.dma_semaphore, #tpu.memory_space<semaphore_mem>>) src(%dma_wait3A_79 : memref<128x128xf32, #tpu.memory_space<hbm>>) dst(%arg8 : memref<128x128xf32, #tpu.memory_space<vmem>>)
      "tpu.region"() ({
        %run_scoped3A = tpu.sem_alloc : memref<!tpu.dma_semaphore, #tpu.memory_space<semaphore_mem>>
        %dma_start3A_102 = arith.constant 0 : i32
        %dma_start3A_103 = tpu.memref_slice %arg7[%add3A_74, %dma_start3A_102] : memref<40x128xi32, #tpu.memory_space<vmem>> -> memref<1x128xi32, #tpu.memory_space<vmem>>
        %dma_start3A_104 = tpu.memref_squeeze %dma_start3A_103 : memref<1x128xi32, #tpu.memory_space<vmem>> -> memref<128xi32, #tpu.memory_space<vmem>>
        %dma_start3A_105 = arith.constant 0 : i32
        %dma_start3A_106 = arith.constant 0 : i32
        %dma_start3A_107 = tpu.memref_slice %arg10[%dma_start3A_105, %dma_start3A_106] : memref<10240x128xf32, #tpu.memory_space<vmem_shared>> -> memref<10240x128xf32, #tpu.memory_space<vmem_shared>>
        tpu.enqueue_indirect_dma source(%arg8 : memref<128x128xf32, #tpu.memory_space<vmem>>) target(%dma_start3A_107 : memref<10240x128xf32, #tpu.memory_space<vmem_shared>>) offsets(%dma_start3A_104 : memref<128xi32, #tpu.memory_space<vmem>>) semaphore(%run_scoped3A : memref<!tpu.dma_semaphore, #tpu.memory_space<semaphore_mem>>) {add = true}
        %dma_wait3A_108 = arith.constant 0 : i32
        %dma_wait3A_109 = tpu.memref_slice %arg7[%add3A_74, %dma_wait3A_108] : memref<40x128xi32, #tpu.memory_space<vmem>> -> memref<1x128xi32, #tpu.memory_space<vmem>>
        %dma_wait3A_110 = tpu.memref_squeeze %dma_wait3A_109 : memref<1x128xi32, #tpu.memory_space<vmem>> -> memref<128xi32, #tpu.memory_space<vmem>>
        %dma_wait3A_111 = arith.constant 0 : i32
        %dma_wait3A_112 = arith.constant 0 : i32
        %dma_wait3A_113 = tpu.memref_slice %arg10[%dma_wait3A_111, %dma_wait3A_112] : memref<10240x128xf32, #tpu.memory_space<vmem_shared>> -> memref<10240x128xf32, #tpu.memory_space<vmem_shared>>
        tpu.wait_indirect_dma semaphore(%run_scoped3A : memref<!tpu.dma_semaphore, #tpu.memory_space<semaphore_mem>>) src(%arg8 : memref<128x128xf32, #tpu.memory_space<vmem>>) dst(%dma_wait3A_113 : memref<10240x128xf32, #tpu.memory_space<vmem_shared>>)
        tpu.yield
      }) : () -> ()
      %add3A_80 = arith.constant 2 : i32
      %add3A_81 = arith.addi %add3A_74, %add3A_80 : i32
      %lt3A = arith.constant 40 : i32
      %lt3A_82 = arith.cmpi slt, %add3A_81, %lt3A : i32
      %convert_element_type3A = arith.extui %lt3A_82 : i1 to i32
      %cond3A = arith.constant 0 : i32
      %cond3A_83 = arith.cmpi ne, %convert_element_type3A, %cond3A : i32
      scf.if %cond3A_83 {
        %add3A_102 = arith.constant 2 : i32
        %add3A_103 = arith.addi %add3A_74, %add3A_102 : i32
        %dma_start3A_104 = arith.constant 0 : i32
        %dma_start3A_105 = tpu.memref_slice %arg6[%add3A_103, %dma_start3A_104] : memref<40x128xi32, #tpu.memory_space<vmem>> -> memref<1x128xi32, #tpu.memory_space<vmem>>
        %dma_start3A_106 = tpu.memref_squeeze %dma_start3A_105 : memref<1x128xi32, #tpu.memory_space<vmem>> -> memref<128xi32, #tpu.memory_space<vmem>>
        %dma_start3A_107 = arith.constant 0 : i32
        %dma_start3A_108 = arith.constant 0 : i32
        %dma_start3A_109 = tpu.memref_slice %arg2[%dma_start3A_107, %dma_start3A_108] : memref<10240x128xf32, #tpu.memory_space<hbm>> -> memref<10240x128xf32, #tpu.memory_space<hbm>>
        tpu.enqueue_indirect_dma source(%dma_start3A_109 : memref<10240x128xf32, #tpu.memory_space<hbm>>) target(%arg8 : memref<128x128xf32, #tpu.memory_space<vmem>>) offsets(%dma_start3A_106 : memref<128xi32, #tpu.memory_space<vmem>>) semaphore(%arg11 : memref<!tpu.dma_semaphore, #tpu.memory_space<semaphore_mem>>)
      } else {
      }
      %mul3A_84 = arith.constant 2 : i32
      %mul3A_85 = arith.muli %scan3A_69, %mul3A_84 : i32
      %add3A_86 = arith.constant 1 : i32
      %add3A_87 = arith.addi %mul3A_85, %add3A_86 : i32
      %dma_wait3A_88 = arith.constant 0 : i32
      %dma_wait3A_89 = arith.constant 0 : i32
      %dma_wait3A_90 = tpu.memref_slice %arg2[%dma_wait3A_88, %dma_wait3A_89] : memref<10240x128xf32, #tpu.memory_space<hbm>> -> memref<128x128xf32, #tpu.memory_space<hbm>>
      %dma_wait3A_91 = arith.constant 0 : i32
      %dma_wait3A_92 = arith.constant 0 : i32
      %dma_wait3A_93 = tpu.memref_slice %arg2[%dma_wait3A_91, %dma_wait3A_92] : memref<10240x128xf32, #tpu.memory_space<hbm>> -> memref<128x128xf32, #tpu.memory_space<hbm>>
      tpu.wait_dma2 semaphore(%arg12 : memref<!tpu.dma_semaphore, #tpu.memory_space<semaphore_mem>>) src(%dma_wait3A_93 : memref<128x128xf32, #tpu.memory_space<hbm>>) dst(%arg9 : memref<128x128xf32, #tpu.memory_space<vmem>>)
      "tpu.region"() ({
        %run_scoped3A = tpu.sem_alloc : memref<!tpu.dma_semaphore, #tpu.memory_space<semaphore_mem>>
        %dma_start3A_102 = arith.constant 0 : i32
        %dma_start3A_103 = tpu.memref_slice %arg7[%add3A_87, %dma_start3A_102] : memref<40x128xi32, #tpu.memory_space<vmem>> -> memref<1x128xi32, #tpu.memory_space<vmem>>
        %dma_start3A_104 = tpu.memref_squeeze %dma_start3A_103 : memref<1x128xi32, #tpu.memory_space<vmem>> -> memref<128xi32, #tpu.memory_space<vmem>>
        %dma_start3A_105 = arith.constant 0 : i32
        %dma_start3A_106 = arith.constant 0 : i32
        %dma_start3A_107 = tpu.memref_slice %arg10[%dma_start3A_105, %dma_start3A_106] : memref<10240x128xf32, #tpu.memory_space<vmem_shared>> -> memref<10240x128xf32, #tpu.memory_space<vmem_shared>>
        tpu.enqueue_indirect_dma source(%arg9 : memref<128x128xf32, #tpu.memory_space<vmem>>) target(%dma_start3A_107 : memref<10240x128xf32, #tpu.memory_space<vmem_shared>>) offsets(%dma_start3A_104 : memref<128xi32, #tpu.memory_space<vmem>>) semaphore(%run_scoped3A : memref<!tpu.dma_semaphore, #tpu.memory_space<semaphore_mem>>) {add = true}
        %dma_wait3A_108 = arith.constant 0 : i32
        %dma_wait3A_109 = tpu.memref_slice %arg7[%add3A_87, %dma_wait3A_108] : memref<40x128xi32, #tpu.memory_space<vmem>> -> memref<1x128xi32, #tpu.memory_space<vmem>>
        %dma_wait3A_110 = tpu.memref_squeeze %dma_wait3A_109 : memref<1x128xi32, #tpu.memory_space<vmem>> -> memref<128xi32, #tpu.memory_space<vmem>>
        %dma_wait3A_111 = arith.constant 0 : i32
        %dma_wait3A_112 = arith.constant 0 : i32
        %dma_wait3A_113 = tpu.memref_slice %arg10[%dma_wait3A_111, %dma_wait3A_112] : memref<10240x128xf32, #tpu.memory_space<vmem_shared>> -> memref<10240x128xf32, #tpu.memory_space<vmem_shared>>
        tpu.wait_indirect_dma semaphore(%run_scoped3A : memref<!tpu.dma_semaphore, #tpu.memory_space<semaphore_mem>>) src(%arg9 : memref<128x128xf32, #tpu.memory_space<vmem>>) dst(%dma_wait3A_113 : memref<10240x128xf32, #tpu.memory_space<vmem_shared>>)
        tpu.yield
      }) : () -> ()
      %add3A_94 = arith.constant 2 : i32
      %add3A_95 = arith.addi %add3A_87, %add3A_94 : i32
      %lt3A_96 = arith.constant 40 : i32
      %lt3A_97 = arith.cmpi slt, %add3A_95, %lt3A_96 : i32
      %convert_element_type3A_98 = arith.extui %lt3A_97 : i1 to i32
      %cond3A_99 = arith.constant 0 : i32
      %cond3A_100 = arith.cmpi ne, %convert_element_type3A_98, %cond3A_99 : i32
      scf.if %cond3A_100 {
        %add3A_102 = arith.constant 2 : i32
        %add3A_103 = arith.addi %add3A_87, %add3A_102 : i32
        %dma_start3A_104 = arith.constant 0 : i32
        %dma_start3A_105 = tpu.memref_slice %arg6[%add3A_103, %dma_start3A_104] : memref<40x128xi32, #tpu.memory_space<vmem>> -> memref<1x128xi32, #tpu.memory_space<vmem>>
        %dma_start3A_106 = tpu.memref_squeeze %dma_start3A_105 : memref<1x128xi32, #tpu.memory_space<vmem>> -> memref<128xi32, #tpu.memory_space<vmem>>
        %dma_start3A_107 = arith.constant 0 : i32
        %dma_start3A_108 = arith.constant 0 : i32
        %dma_start3A_109 = tpu.memref_slice %arg2[%dma_start3A_107, %dma_start3A_108] : memref<10240x128xf32, #tpu.memory_space<hbm>> -> memref<10240x128xf32, #tpu.memory_space<hbm>>
        tpu.enqueue_indirect_dma source(%dma_start3A_109 : memref<10240x128xf32, #tpu.memory_space<hbm>>) target(%arg9 : memref<128x128xf32, #tpu.memory_space<vmem>>) offsets(%dma_start3A_106 : memref<128xi32, #tpu.memory_space<vmem>>) semaphore(%arg12 : memref<!tpu.dma_semaphore, #tpu.memory_space<semaphore_mem>>)
      } else {
      }
      %scan3A_101 = arith.constant 0 : i32
      scf.yield %scan3A_101 : i32
    }
    %scan3A_42 = arith.constant 20 : i32
    %mul3A_43 = arith.constant 80 : i32
    %mul3A_44 = arith.muli %add3A, %mul3A_43 : i32
    %add3A_45 = arith.constant 40 : i32
    %add3A_46 = arith.addi %mul3A_44, %add3A_45 : i32
    "tpu.region"() ({
      %run_scoped3A = tpu.sem_alloc : memref<!tpu.dma_semaphore, #tpu.memory_space<semaphore_mem>>
      %dma_start3A_69 = arith.constant 0 : i32
      %dma_start3A_70 = tpu.memref_slice %arg3[%add3A_46, %dma_start3A_69] : memref<2560x128xi32, #tpu.memory_space<hbm>> -> memref<40x128xi32, #tpu.memory_space<hbm>>
      %dma_start3A_71 = arith.constant 0 : i32
      %dma_start3A_72 = tpu.memref_slice %arg3[%add3A_46, %dma_start3A_71] : memref<2560x128xi32, #tpu.memory_space<hbm>> -> memref<40x128xi32, #tpu.memory_space<hbm>>
      tpu.enqueue_dma source(%dma_start3A_72 : memref<40x128xi32, #tpu.memory_space<hbm>>) target(%arg6 : memref<40x128xi32, #tpu.memory_space<vmem>>) target_semaphore(%run_scoped3A : memref<!tpu.dma_semaphore, #tpu.memory_space<semaphore_mem>>)
      %dma_wait3A = arith.constant 0 : i32
      %dma_wait3A_73 = tpu.memref_slice %arg3[%add3A_46, %dma_wait3A] : memref<2560x128xi32, #tpu.memory_space<hbm>> -> memref<40x128xi32, #tpu.memory_space<hbm>>
      %dma_wait3A_74 = arith.constant 0 : i32
      %dma_wait3A_75 = tpu.memref_slice %arg3[%add3A_46, %dma_wait3A_74] : memref<2560x128xi32, #tpu.memory_space<hbm>> -> memref<40x128xi32, #tpu.memory_space<hbm>>
      tpu.wait_dma2 semaphore(%run_scoped3A : memref<!tpu.dma_semaphore, #tpu.memory_space<semaphore_mem>>) src(%dma_wait3A_75 : memref<40x128xi32, #tpu.memory_space<hbm>>) dst(%arg6 : memref<40x128xi32, #tpu.memory_space<vmem>>)
      tpu.yield
    }) : () -> ()
    "tpu.region"() ({
      %run_scoped3A = tpu.sem_alloc : memref<!tpu.dma_semaphore, #tpu.memory_space<semaphore_mem>>
      %dma_start3A_69 = arith.constant 0 : i32
      %dma_start3A_70 = tpu.memref_slice %arg4[%add3A_46, %dma_start3A_69] : memref<2560x128xi32, #tpu.memory_space<hbm>> -> memref<40x128xi32, #tpu.memory_space<hbm>>
      %dma_start3A_71 = arith.constant 0 : i32
      %dma_start3A_72 = tpu.memref_slice %arg4[%add3A_46, %dma_start3A_71] : memref<2560x128xi32, #tpu.memory_space<hbm>> -> memref<40x128xi32, #tpu.memory_space<hbm>>
      tpu.enqueue_dma source(%dma_start3A_72 : memref<40x128xi32, #tpu.memory_space<hbm>>) target(%arg7 : memref<40x128xi32, #tpu.memory_space<vmem>>) target_semaphore(%run_scoped3A : memref<!tpu.dma_semaphore, #tpu.memory_space<semaphore_mem>>)
      %dma_wait3A = arith.constant 0 : i32
      %dma_wait3A_73 = tpu.memref_slice %arg4[%add3A_46, %dma_wait3A] : memref<2560x128xi32, #tpu.memory_space<hbm>> -> memref<40x128xi32, #tpu.memory_space<hbm>>
      %dma_wait3A_74 = arith.constant 0 : i32
      %dma_wait3A_75 = tpu.memref_slice %arg4[%add3A_46, %dma_wait3A_74] : memref<2560x128xi32, #tpu.memory_space<hbm>> -> memref<40x128xi32, #tpu.memory_space<hbm>>
      tpu.wait_dma2 semaphore(%run_scoped3A : memref<!tpu.dma_semaphore, #tpu.memory_space<semaphore_mem>>) src(%dma_wait3A_75 : memref<40x128xi32, #tpu.memory_space<hbm>>) dst(%arg7 : memref<40x128xi32, #tpu.memory_space<vmem>>)
      tpu.yield
    }) : () -> ()
    %dma_start3A_47 = arith.constant 0 : i32
    %dma_start3A_48 = arith.constant 0 : i32
    %dma_start3A_49 = tpu.memref_slice %arg6[%dma_start3A_47, %dma_start3A_48] : memref<40x128xi32, #tpu.memory_space<vmem>> -> memref<1x128xi32, #tpu.memory_space<vmem>>
    %dma_start3A_50 = tpu.memref_squeeze %dma_start3A_49 : memref<1x128xi32, #tpu.memory_space<vmem>> -> memref<128xi32, #tpu.memory_space<vmem>>
    %dma_start3A_51 = arith.constant 0 : i32
    %dma_start3A_52 = arith.constant 0 : i32
    %dma_start3A_53 = tpu.memref_slice %arg2[%dma_start3A_51, %dma_start3A_52] : memref<10240x128xf32, #tpu.memory_space<hbm>> -> memref<10240x128xf32, #tpu.memory_space<hbm>>
    tpu.enqueue_indirect_dma source(%dma_start3A_53 : memref<10240x128xf32, #tpu.memory_space<hbm>>) target(%arg8 : memref<128x128xf32, #tpu.memory_space<vmem>>) offsets(%dma_start3A_50 : memref<128xi32, #tpu.memory_space<vmem>>) semaphore(%arg11 : memref<!tpu.dma_semaphore, #tpu.memory_space<semaphore_mem>>)
    %dma_start3A_54 = arith.constant 1 : i32
    %dma_start3A_55 = arith.constant 0 : i32
    %dma_start3A_56 = tpu.memref_slice %arg6[%dma_start3A_54, %dma_start3A_55] : memref<40x128xi32, #tpu.memory_space<vmem>> -> memref<1x128xi32, #tpu.memory_space<vmem>>
    %dma_start3A_57 = tpu.memref_squeeze %dma_start3A_56 : memref<1x128xi32, #tpu.memory_space<vmem>> -> memref<128xi32, #tpu.memory_space<vmem>>
    %dma_start3A_58 = arith.constant 0 : i32
    %dma_start3A_59 = arith.constant 0 : i32
    %dma_start3A_60 = tpu.memref_slice %arg2[%dma_start3A_58, %dma_start3A_59] : memref<10240x128xf32, #tpu.memory_space<hbm>> -> memref<10240x128xf32, #tpu.memory_space<hbm>>
    tpu.enqueue_indirect_dma source(%dma_start3A_60 : memref<10240x128xf32, #tpu.memory_space<hbm>>) target(%arg9 : memref<128x128xf32, #tpu.memory_space<vmem>>) offsets(%dma_start3A_57 : memref<128xi32, #tpu.memory_space<vmem>>) semaphore(%arg12 : memref<!tpu.dma_semaphore, #tpu.memory_space<semaphore_mem>>)
    %scan3A_61 = arith.constant 0 : i32
    %scan3A_62 = arith.constant 0 : i32
    %scan3A_63 = arith.constant 20 : i32
    %scan3A_64 = arith.addi %scan3A_62, %scan3A_63 : i32
    %scan3A_65 = arith.constant 1 : i32
    %scan3A_66 = scf.for %scan3A_69 = %scan3A_62 to %scan3A_64 step %scan3A_65 iter_args(%scan3A_70 = %scan3A_61) -> (i32)  : i32 {
      %mul3A_71 = arith.constant 2 : i32
      %mul3A_72 = arith.muli %scan3A_69, %mul3A_71 : i32
      %add3A_73 = arith.constant 0 : i32
      %add3A_74 = arith.addi %mul3A_72, %add3A_73 : i32
      %dma_wait3A = arith.constant 0 : i32
      %dma_wait3A_75 = arith.constant 0 : i32
      %dma_wait3A_76 = tpu.memref_slice %arg2[%dma_wait3A, %dma_wait3A_75] : memref<10240x128xf32, #tpu.memory_space<hbm>> -> memref<128x128xf32, #tpu.memory_space<hbm>>
      %dma_wait3A_77 = arith.constant 0 : i32
      %dma_wait3A_78 = arith.constant 0 : i32
      %dma_wait3A_79 = tpu.memref_slice %arg2[%dma_wait3A_77, %dma_wait3A_78] : memref<10240x128xf32, #tpu.memory_space<hbm>> -> memref<128x128xf32, #tpu.memory_space<hbm>>
      tpu.wait_dma2 semaphore(%arg11 : memref<!tpu.dma_semaphore, #tpu.memory_space<semaphore_mem>>) src(%dma_wait3A_79 : memref<128x128xf32, #tpu.memory_space<hbm>>) dst(%arg8 : memref<128x128xf32, #tpu.memory_space<vmem>>)
      "tpu.region"() ({
        %run_scoped3A = tpu.sem_alloc : memref<!tpu.dma_semaphore, #tpu.memory_space<semaphore_mem>>
        %dma_start3A_102 = arith.constant 0 : i32
        %dma_start3A_103 = tpu.memref_slice %arg7[%add3A_74, %dma_start3A_102] : memref<40x128xi32, #tpu.memory_space<vmem>> -> memref<1x128xi32, #tpu.memory_space<vmem>>
        %dma_start3A_104 = tpu.memref_squeeze %dma_start3A_103 : memref<1x128xi32, #tpu.memory_space<vmem>> -> memref<128xi32, #tpu.memory_space<vmem>>
        %dma_start3A_105 = arith.constant 0 : i32
        %dma_start3A_106 = arith.constant 0 : i32
        %dma_start3A_107 = tpu.memref_slice %arg10[%dma_start3A_105, %dma_start3A_106] : memref<10240x128xf32, #tpu.memory_space<vmem_shared>> -> memref<10240x128xf32, #tpu.memory_space<vmem_shared>>
        tpu.enqueue_indirect_dma source(%arg8 : memref<128x128xf32, #tpu.memory_space<vmem>>) target(%dma_start3A_107 : memref<10240x128xf32, #tpu.memory_space<vmem_shared>>) offsets(%dma_start3A_104 : memref<128xi32, #tpu.memory_space<vmem>>) semaphore(%run_scoped3A : memref<!tpu.dma_semaphore, #tpu.memory_space<semaphore_mem>>) {add = true}
        %dma_wait3A_108 = arith.constant 0 : i32
        %dma_wait3A_109 = tpu.memref_slice %arg7[%add3A_74, %dma_wait3A_108] : memref<40x128xi32, #tpu.memory_space<vmem>> -> memref<1x128xi32, #tpu.memory_space<vmem>>
        %dma_wait3A_110 = tpu.memref_squeeze %dma_wait3A_109 : memref<1x128xi32, #tpu.memory_space<vmem>> -> memref<128xi32, #tpu.memory_space<vmem>>
        %dma_wait3A_111 = arith.constant 0 : i32
        %dma_wait3A_112 = arith.constant 0 : i32
        %dma_wait3A_113 = tpu.memref_slice %arg10[%dma_wait3A_111, %dma_wait3A_112] : memref<10240x128xf32, #tpu.memory_space<vmem_shared>> -> memref<10240x128xf32, #tpu.memory_space<vmem_shared>>
        tpu.wait_indirect_dma semaphore(%run_scoped3A : memref<!tpu.dma_semaphore, #tpu.memory_space<semaphore_mem>>) src(%arg8 : memref<128x128xf32, #tpu.memory_space<vmem>>) dst(%dma_wait3A_113 : memref<10240x128xf32, #tpu.memory_space<vmem_shared>>)
        tpu.yield
      }) : () -> ()
      %add3A_80 = arith.constant 2 : i32
      %add3A_81 = arith.addi %add3A_74, %add3A_80 : i32
      %lt3A = arith.constant 40 : i32
      %lt3A_82 = arith.cmpi slt, %add3A_81, %lt3A : i32
      %convert_element_type3A = arith.extui %lt3A_82 : i1 to i32
      %cond3A = arith.constant 0 : i32
      %cond3A_83 = arith.cmpi ne, %convert_element_type3A, %cond3A : i32
      scf.if %cond3A_83 {
        %add3A_102 = arith.constant 2 : i32
        %add3A_103 = arith.addi %add3A_74, %add3A_102 : i32
        %dma_start3A_104 = arith.constant 0 : i32
        %dma_start3A_105 = tpu.memref_slice %arg6[%add3A_103, %dma_start3A_104] : memref<40x128xi32, #tpu.memory_space<vmem>> -> memref<1x128xi32, #tpu.memory_space<vmem>>
        %dma_start3A_106 = tpu.memref_squeeze %dma_start3A_105 : memref<1x128xi32, #tpu.memory_space<vmem>> -> memref<128xi32, #tpu.memory_space<vmem>>
        %dma_start3A_107 = arith.constant 0 : i32
        %dma_start3A_108 = arith.constant 0 : i32
        %dma_start3A_109 = tpu.memref_slice %arg2[%dma_start3A_107, %dma_start3A_108] : memref<10240x128xf32, #tpu.memory_space<hbm>> -> memref<10240x128xf32, #tpu.memory_space<hbm>>
        tpu.enqueue_indirect_dma source(%dma_start3A_109 : memref<10240x128xf32, #tpu.memory_space<hbm>>) target(%arg8 : memref<128x128xf32, #tpu.memory_space<vmem>>) offsets(%dma_start3A_106 : memref<128xi32, #tpu.memory_space<vmem>>) semaphore(%arg11 : memref<!tpu.dma_semaphore, #tpu.memory_space<semaphore_mem>>)
      } else {
      }
      %mul3A_84 = arith.constant 2 : i32
      %mul3A_85 = arith.muli %scan3A_69, %mul3A_84 : i32
      %add3A_86 = arith.constant 1 : i32
      %add3A_87 = arith.addi %mul3A_85, %add3A_86 : i32
      %dma_wait3A_88 = arith.constant 0 : i32
      %dma_wait3A_89 = arith.constant 0 : i32
      %dma_wait3A_90 = tpu.memref_slice %arg2[%dma_wait3A_88, %dma_wait3A_89] : memref<10240x128xf32, #tpu.memory_space<hbm>> -> memref<128x128xf32, #tpu.memory_space<hbm>>
      %dma_wait3A_91 = arith.constant 0 : i32
      %dma_wait3A_92 = arith.constant 0 : i32
      %dma_wait3A_93 = tpu.memref_slice %arg2[%dma_wait3A_91, %dma_wait3A_92] : memref<10240x128xf32, #tpu.memory_space<hbm>> -> memref<128x128xf32, #tpu.memory_space<hbm>>
      tpu.wait_dma2 semaphore(%arg12 : memref<!tpu.dma_semaphore, #tpu.memory_space<semaphore_mem>>) src(%dma_wait3A_93 : memref<128x128xf32, #tpu.memory_space<hbm>>) dst(%arg9 : memref<128x128xf32, #tpu.memory_space<vmem>>)
      "tpu.region"() ({
        %run_scoped3A = tpu.sem_alloc : memref<!tpu.dma_semaphore, #tpu.memory_space<semaphore_mem>>
        %dma_start3A_102 = arith.constant 0 : i32
        %dma_start3A_103 = tpu.memref_slice %arg7[%add3A_87, %dma_start3A_102] : memref<40x128xi32, #tpu.memory_space<vmem>> -> memref<1x128xi32, #tpu.memory_space<vmem>>
        %dma_start3A_104 = tpu.memref_squeeze %dma_start3A_103 : memref<1x128xi32, #tpu.memory_space<vmem>> -> memref<128xi32, #tpu.memory_space<vmem>>
        %dma_start3A_105 = arith.constant 0 : i32
        %dma_start3A_106 = arith.constant 0 : i32
        %dma_start3A_107 = tpu.memref_slice %arg10[%dma_start3A_105, %dma_start3A_106] : memref<10240x128xf32, #tpu.memory_space<vmem_shared>> -> memref<10240x128xf32, #tpu.memory_space<vmem_shared>>
        tpu.enqueue_indirect_dma source(%arg9 : memref<128x128xf32, #tpu.memory_space<vmem>>) target(%dma_start3A_107 : memref<10240x128xf32, #tpu.memory_space<vmem_shared>>) offsets(%dma_start3A_104 : memref<128xi32, #tpu.memory_space<vmem>>) semaphore(%run_scoped3A : memref<!tpu.dma_semaphore, #tpu.memory_space<semaphore_mem>>) {add = true}
        %dma_wait3A_108 = arith.constant 0 : i32
        %dma_wait3A_109 = tpu.memref_slice %arg7[%add3A_87, %dma_wait3A_108] : memref<40x128xi32, #tpu.memory_space<vmem>> -> memref<1x128xi32, #tpu.memory_space<vmem>>
        %dma_wait3A_110 = tpu.memref_squeeze %dma_wait3A_109 : memref<1x128xi32, #tpu.memory_space<vmem>> -> memref<128xi32, #tpu.memory_space<vmem>>
        %dma_wait3A_111 = arith.constant 0 : i32
        %dma_wait3A_112 = arith.constant 0 : i32
        %dma_wait3A_113 = tpu.memref_slice %arg10[%dma_wait3A_111, %dma_wait3A_112] : memref<10240x128xf32, #tpu.memory_space<vmem_shared>> -> memref<10240x128xf32, #tpu.memory_space<vmem_shared>>
        tpu.wait_indirect_dma semaphore(%run_scoped3A : memref<!tpu.dma_semaphore, #tpu.memory_space<semaphore_mem>>) src(%arg9 : memref<128x128xf32, #tpu.memory_space<vmem>>) dst(%dma_wait3A_113 : memref<10240x128xf32, #tpu.memory_space<vmem_shared>>)
        tpu.yield
      }) : () -> ()
      %add3A_94 = arith.constant 2 : i32
      %add3A_95 = arith.addi %add3A_87, %add3A_94 : i32
      %lt3A_96 = arith.constant 40 : i32
      %lt3A_97 = arith.cmpi slt, %add3A_95, %lt3A_96 : i32
      %convert_element_type3A_98 = arith.extui %lt3A_97 : i1 to i32
      %cond3A_99 = arith.constant 0 : i32
      %cond3A_100 = arith.cmpi ne, %convert_element_type3A_98, %cond3A_99 : i32
      scf.if %cond3A_100 {
        %add3A_102 = arith.constant 2 : i32
        %add3A_103 = arith.addi %add3A_87, %add3A_102 : i32
        %dma_start3A_104 = arith.constant 0 : i32
        %dma_start3A_105 = tpu.memref_slice %arg6[%add3A_103, %dma_start3A_104] : memref<40x128xi32, #tpu.memory_space<vmem>> -> memref<1x128xi32, #tpu.memory_space<vmem>>
        %dma_start3A_106 = tpu.memref_squeeze %dma_start3A_105 : memref<1x128xi32, #tpu.memory_space<vmem>> -> memref<128xi32, #tpu.memory_space<vmem>>
        %dma_start3A_107 = arith.constant 0 : i32
        %dma_start3A_108 = arith.constant 0 : i32
        %dma_start3A_109 = tpu.memref_slice %arg2[%dma_start3A_107, %dma_start3A_108] : memref<10240x128xf32, #tpu.memory_space<hbm>> -> memref<10240x128xf32, #tpu.memory_space<hbm>>
        tpu.enqueue_indirect_dma source(%dma_start3A_109 : memref<10240x128xf32, #tpu.memory_space<hbm>>) target(%arg9 : memref<128x128xf32, #tpu.memory_space<vmem>>) offsets(%dma_start3A_106 : memref<128xi32, #tpu.memory_space<vmem>>) semaphore(%arg12 : memref<!tpu.dma_semaphore, #tpu.memory_space<semaphore_mem>>)
      } else {
      }
      %scan3A_101 = arith.constant 0 : i32
      scf.yield %scan3A_101 : i32
    }
    %scan3A_67 = arith.constant 20 : i32
    %barrier3A_68 = arith.constant 0 : index
    tpu.barrier barrier_id(%barrier3A_68)
    "tpu.region"() ({
      %run_scoped3A = tpu.sem_alloc : memref<!tpu.dma_semaphore, #tpu.memory_space<semaphore_mem>>
      %dma_start3A_69 = arith.constant 0 : i32
      %dma_start3A_70 = tpu.memref_slice %arg5[%arg0, %mul3A_8, %dma_start3A_69] : memref<2x10240x128xf32, #tpu.memory_space<hbm>> -> memref<1x640x128xf32, #tpu.memory_space<hbm>>
      %dma_start3A_71 = tpu.memref_squeeze %dma_start3A_70 : memref<1x640x128xf32, #tpu.memory_space<hbm>> -> memref<640x128xf32, #tpu.memory_space<hbm>>
      %dma_start3A_72 = arith.constant 0 : i32
      %dma_start3A_73 = tpu.memref_slice %arg10[%mul3A_8, %dma_start3A_72] : memref<10240x128xf32, #tpu.memory_space<vmem_shared>> -> memref<640x128xf32, #tpu.memory_space<vmem_shared>>
      tpu.enqueue_dma source(%dma_start3A_73 : memref<640x128xf32, #tpu.memory_space<vmem_shared>>) target(%dma_start3A_71 : memref<640x128xf32, #tpu.memory_space<hbm>>) target_semaphore(%run_scoped3A : memref<!tpu.dma_semaphore, #tpu.memory_space<semaphore_mem>>)
      %dma_wait3A = arith.constant 0 : i32
      %dma_wait3A_74 = tpu.memref_slice %arg5[%arg0, %mul3A_8, %dma_wait3A] : memref<2x10240x128xf32, #tpu.memory_space<hbm>> -> memref<1x640x128xf32, #tpu.memory_space<hbm>>
      %dma_wait3A_75 = tpu.memref_squeeze %dma_wait3A_74 : memref<1x640x128xf32, #tpu.memory_space<hbm>> -> memref<640x128xf32, #tpu.memory_space<hbm>>
      %dma_wait3A_76 = arith.constant 0 : i32
      %dma_wait3A_77 = tpu.memref_slice %arg10[%mul3A_8, %dma_wait3A_76] : memref<10240x128xf32, #tpu.memory_space<vmem_shared>> -> memref<640x128xf32, #tpu.memory_space<vmem_shared>>
      tpu.wait_dma2 semaphore(%run_scoped3A : memref<!tpu.dma_semaphore, #tpu.memory_space<semaphore_mem>>) src(%dma_wait3A_77 : memref<640x128xf32, #tpu.memory_space<vmem_shared>>) dst(%dma_wait3A_75 : memref<640x128xf32, #tpu.memory_space<hbm>>)
      tpu.yield
    }) : () -> ()
    return
  }
}

#map = affine_map<(d0, d1) -> (0, 0)>
#map1 = affine_map<(d0, d1) -> (0)>
module attributes {stable_mosaic.version = 14 : i64} {
  func.func @_pool_kernel(%arg0: i32, %arg1: i32, %arg2: memref<10240x128xf32, #tpu.memory_space<hbm>>, %arg3: memref<80xf32, #tpu.memory_space<hbm>>, %arg4: memref<256x128xf32, #tpu.memory_space<hbm>>, %arg5: memref<80xf32, #tpu.memory_space<vmem>>, %arg6: memref<128x128xf32, #tpu.memory_space<vmem>>, %arg7: memref<8x128xf32, #tpu.memory_space<vmem>>) attributes {dimension_semantics = [#tpu.dimension_semantics<core_parallel>, #tpu.dimension_semantics<subcore_parallel>], iteration_bounds = array<i64: 2, 16>, scalar_prefetch = 0 : i64, scratch_operands = 3 : i64, tpu.core_type = #tpu.core_type<sc_vector_subcore>, window_params = [{transform_indices = #map}, {transform_indices = #map1}, {transform_indices = #map}]} {
    %mul3A = arith.constant 16 : i32
    %mul3A_0 = arith.muli %arg0, %mul3A : i32
    %add3A = arith.addi %mul3A_0, %arg1 : i32
    "tpu.region"() ({
      %run_scoped3A = tpu.sem_alloc : memref<!tpu.dma_semaphore, #tpu.memory_space<semaphore_mem>>
      tpu.enqueue_dma source(%arg3 : memref<80xf32, #tpu.memory_space<hbm>>) target(%arg5 : memref<80xf32, #tpu.memory_space<vmem>>) target_semaphore(%run_scoped3A : memref<!tpu.dma_semaphore, #tpu.memory_space<semaphore_mem>>)
      tpu.wait_dma2 semaphore(%run_scoped3A : memref<!tpu.dma_semaphore, #tpu.memory_space<semaphore_mem>>) src(%arg3 : memref<80xf32, #tpu.memory_space<hbm>>) dst(%arg5 : memref<80xf32, #tpu.memory_space<vmem>>)
      tpu.yield
    }) : () -> ()
    %mul3A_1 = arith.constant 2 : i32
    %mul3A_2 = arith.muli %add3A, %mul3A_1 : i32
    %add3A_3 = arith.constant 0 : i32
    %add3A_4 = arith.addi %mul3A_2, %add3A_3 : i32
    %get3A = arith.index_cast %add3A_4 : i32 to index
    %get3A_5 = tpu.vector_load %arg5[%get3A] {strides = array<i32>} : memref<80xf32, #tpu.memory_space<vmem>>, vector<16xf32>,
    %get3A_6 = vector.shape_cast %get3A_5 : vector<16xf32> to vector<16xf32>
    %slice3A = vector.extract_strided_slice %get3A_6 {offsets = [0], sizes = [1], strides = [1]} : vector<16xf32> to vector<1xf32>
    %squeeze3A = vector.extract %slice3A[0] : f32 from vector<1xf32>
    %convert_element_type3A = arith.fptosi %squeeze3A : f32 to i32
    %slice3A_7 = vector.extract_strided_slice %get3A_6 {offsets = [1], sizes = [1], strides = [1]} : vector<16xf32> to vector<1xf32>
    %squeeze3A_8 = vector.extract %slice3A_7[0] : f32 from vector<1xf32>
    %convert_element_type3A_9 = arith.fptosi %squeeze3A_8 : f32 to i32
    %jit3A = arith.constant 8 : i32
    %div3A = arith.divsi %convert_element_type3A, %jit3A : i32
    %sign3A = arith.constant 0 : i32
    %sign3A_10 = arith.cmpi sgt, %convert_element_type3A, %sign3A : i32
    %sign3A_11 = arith.extui %sign3A_10 : i1 to i32
    %sign3A_12 = arith.constant 0 : i32
    %sign3A_13 = arith.cmpi slt, %convert_element_type3A, %sign3A_12 : i32
    %sign3A_14 = arith.extui %sign3A_13 : i1 to i32
    %sign3A_15 = arith.subi %sign3A_11, %sign3A_14 : i32
    %sign3A_16 = arith.constant 0 : i32
    %sign3A_17 = arith.cmpi sgt, %jit3A, %sign3A_16 : i32
    %sign3A_18 = arith.extui %sign3A_17 : i1 to i32
    %sign3A_19 = arith.constant 0 : i32
    %sign3A_20 = arith.cmpi slt, %jit3A, %sign3A_19 : i32
    %sign3A_21 = arith.extui %sign3A_20 : i1 to i32
    %sign3A_22 = arith.subi %sign3A_18, %sign3A_21 : i32
    %ne3A = arith.cmpi ne, %sign3A_15, %sign3A_22 : i32
    %rem3A = arith.remsi %convert_element_type3A, %jit3A : i32
    %ne3A_23 = arith.constant 0 : i32
    %ne3A_24 = arith.cmpi ne, %rem3A, %ne3A_23 : i32
    %and3A = arith.andi %ne3A, %ne3A_24 : i1
    %sub3A = arith.constant 1 : i32
    %sub3A_25 = arith.subi %div3A, %sub3A : i32
    %select_n3A = arith.select %and3A, %sub3A_25, %div3A : i32
    %mul3A_26 = arith.constant 8 : i32
    %mul3A_27 = arith.muli %select_n3A, %mul3A_26 : i32
    %multiple_of3A = tpu.assume_multiple %mul3A_27, 8 : i32
    %sub3A_28 = arith.subi %convert_element_type3A, %multiple_of3A : i32
    %sub3A_29 = arith.subi %convert_element_type3A_9, %multiple_of3A : i32
    %add3A_30 = arith.constant 128 : i32
    %add3A_31 = arith.addi %sub3A_29, %add3A_30 : i32
    %sub3A_32 = arith.constant 1 : i32
    %sub3A_33 = arith.subi %add3A_31, %sub3A_32 : i32
    %jit3A_34 = arith.constant 128 : i32
    %div3A_35 = arith.divsi %sub3A_33, %jit3A_34 : i32
    %sign3A_36 = arith.constant 0 : i32
    %sign3A_37 = arith.cmpi sgt, %sub3A_33, %sign3A_36 : i32
    %sign3A_38 = arith.extui %sign3A_37 : i1 to i32
    %sign3A_39 = arith.constant 0 : i32
    %sign3A_40 = arith.cmpi slt, %sub3A_33, %sign3A_39 : i32
    %sign3A_41 = arith.extui %sign3A_40 : i1 to i32
    %sign3A_42 = arith.subi %sign3A_38, %sign3A_41 : i32
    %sign3A_43 = arith.constant 0 : i32
    %sign3A_44 = arith.cmpi sgt, %jit3A_34, %sign3A_43 : i32
    %sign3A_45 = arith.extui %sign3A_44 : i1 to i32
    %sign3A_46 = arith.constant 0 : i32
    %sign3A_47 = arith.cmpi slt, %jit3A_34, %sign3A_46 : i32
    %sign3A_48 = arith.extui %sign3A_47 : i1 to i32
    %sign3A_49 = arith.subi %sign3A_45, %sign3A_48 : i32
    %ne3A_50 = arith.cmpi ne, %sign3A_42, %sign3A_49 : i32
    %rem3A_51 = arith.remsi %sub3A_33, %jit3A_34 : i32
    %ne3A_52 = arith.constant 0 : i32
    %ne3A_53 = arith.cmpi ne, %rem3A_51, %ne3A_52 : i32
    %and3A_54 = arith.andi %ne3A_50, %ne3A_53 : i1
    %sub3A_55 = arith.constant 1 : i32
    %sub3A_56 = arith.subi %div3A_35, %sub3A_55 : i32
    %select_n3A_57 = arith.select %and3A_54, %sub3A_56, %div3A_35 : i32
    %broadcast_in_dim3A = arith.constant 0xFF800000 : f32
    %broadcast_in_dim3A_58 = vector.broadcast %broadcast_in_dim3A : f32 to vector<16xf32>
    %broadcast_in_dim3A_59 = arith.constant 0xFF800000 : f32
    %broadcast_in_dim3A_60 = vector.broadcast %broadcast_in_dim3A_59 : f32 to vector<16xf32>
    %broadcast_in_dim3A_61 = arith.constant 0xFF800000 : f32
    %broadcast_in_dim3A_62 = vector.broadcast %broadcast_in_dim3A_61 : f32 to vector<16xf32>
    %broadcast_in_dim3A_63 = arith.constant 0xFF800000 : f32
    %broadcast_in_dim3A_64 = vector.broadcast %broadcast_in_dim3A_63 : f32 to vector<16xf32>
    %broadcast_in_dim3A_65 = arith.constant 0xFF800000 : f32
    %broadcast_in_dim3A_66 = vector.broadcast %broadcast_in_dim3A_65 : f32 to vector<16xf32>
    %broadcast_in_dim3A_67 = arith.constant 0xFF800000 : f32
    %broadcast_in_dim3A_68 = vector.broadcast %broadcast_in_dim3A_67 : f32 to vector<16xf32>
    %broadcast_in_dim3A_69 = arith.constant 0xFF800000 : f32
    %broadcast_in_dim3A_70 = vector.broadcast %broadcast_in_dim3A_69 : f32 to vector<16xf32>
    %broadcast_in_dim3A_71 = arith.constant 0xFF800000 : f32
    %broadcast_in_dim3A_72 = vector.broadcast %broadcast_in_dim3A_71 : f32 to vector<16xf32>
    %while3A = arith.constant 0 : i32
    %while3A_73 = arith.subi %select_n3A_57, %while3A : i32
    %while3A_74 = arith.addi %while3A, %while3A_73 : i32
    %while3A_75 = arith.constant 1 : i32
    %while3A_76 = arith.divsi %while3A_73, %while3A_75 : i32
    %while3A_77 = arith.muli %while3A_76, %while3A_75 : i32
    %while3A_78 = arith.addi %while3A, %while3A_77 : i32
    %while3A_79 = arith.constant 1 : i32
    %while3A_80:8 = scf.for %while3A_277 = %while3A to %while3A_78 step %while3A_79 iter_args(%while3A_278 = %broadcast_in_dim3A_58, %while3A_279 = %broadcast_in_dim3A_60, %while3A_280 = %broadcast_in_dim3A_62, %while3A_281 = %broadcast_in_dim3A_64, %while3A_282 = %broadcast_in_dim3A_66, %while3A_283 = %broadcast_in_dim3A_68, %while3A_284 = %broadcast_in_dim3A_70, %while3A_285 = %broadcast_in_dim3A_72) -> (vector<16xf32>, vector<16xf32>, vector<16xf32>, vector<16xf32>, vector<16xf32>, vector<16xf32>, vector<16xf32>, vector<16xf32>)  : i32 {
      %mul3A_286 = arith.constant 128 : i32
      %mul3A_287 = arith.muli %while3A_277, %mul3A_286 : i32
      %add3A_288 = arith.addi %multiple_of3A, %mul3A_287 : i32
      %multiple_of3A_289 = tpu.assume_multiple %add3A_288, 8 : i32
      "tpu.region"() ({
        %run_scoped3A = tpu.sem_alloc : memref<!tpu.dma_semaphore, #tpu.memory_space<semaphore_mem>>
        %dma_start3A = arith.constant 0 : i32
        %dma_start3A_307 = tpu.memref_slice %arg2[%multiple_of3A_289, %dma_start3A] : memref<10240x128xf32, #tpu.memory_space<hbm>> -> memref<128x128xf32, #tpu.memory_space<hbm>>
        %dma_start3A_308 = arith.constant 0 : i32
        %dma_start3A_309 = tpu.memref_slice %arg2[%multiple_of3A_289, %dma_start3A_308] : memref<10240x128xf32, #tpu.memory_space<hbm>> -> memref<128x128xf32, #tpu.memory_space<hbm>>
        tpu.enqueue_dma source(%dma_start3A_309 : memref<128x128xf32, #tpu.memory_space<hbm>>) target(%arg6 : memref<128x128xf32, #tpu.memory_space<vmem>>) target_semaphore(%run_scoped3A : memref<!tpu.dma_semaphore, #tpu.memory_space<semaphore_mem>>)
        %dma_wait3A = arith.constant 0 : i32
        %dma_wait3A_310 = tpu.memref_slice %arg2[%multiple_of3A_289, %dma_wait3A] : memref<10240x128xf32, #tpu.memory_space<hbm>> -> memref<128x128xf32, #tpu.memory_space<hbm>>
        %dma_wait3A_311 = arith.constant 0 : i32
        %dma_wait3A_312 = tpu.memref_slice %arg2[%multiple_of3A_289, %dma_wait3A_311] : memref<10240x128xf32, #tpu.memory_space<hbm>> -> memref<128x128xf32, #tpu.memory_space<hbm>>
        tpu.wait_dma2 semaphore(%run_scoped3A : memref<!tpu.dma_semaphore, #tpu.memory_space<semaphore_mem>>) src(%dma_wait3A_312 : memref<128x128xf32, #tpu.memory_space<hbm>>) dst(%arg6 : memref<128x128xf32, #tpu.memory_space<vmem>>)
        tpu.yield
      }) : () -> ()
      %eq3A = arith.constant 0 : i32
      %eq3A_290 = arith.cmpi eq, %while3A_277, %eq3A : i32
      %jit3A_291 = arith.constant 0 : i32
      %select_n3A_292 = arith.select %eq3A_290, %sub3A_28, %jit3A_291 : i32
      %mul3A_293 = arith.constant 128 : i32
      %mul3A_294 = arith.muli %while3A_277, %mul3A_293 : i32
      %sub3A_295 = arith.subi %sub3A_29, %mul3A_294 : i32
      %min3A = arith.constant 128 : i32
      %min3A_296 = arith.minsi %sub3A_295, %min3A : i32
      %while3A_297 = arith.subi %min3A_296, %select_n3A_292 : i32
      %while3A_298 = arith.addi %select_n3A_292, %while3A_297 : i32
      %while3A_299 = arith.constant 1 : i32
      %while3A_300 = arith.divsi %while3A_297, %while3A_299 : i32
      %while3A_301 = arith.muli %while3A_300, %while3A_299 : i32
      %while3A_302 = arith.addi %select_n3A_292, %while3A_301 : i32
      %while3A_303 = arith.constant 1 : i32
      %while3A_304:8 = scf.for %while3A_307 = %select_n3A_292 to %while3A_302 step %while3A_303 iter_args(%while3A_308 = %while3A_278, %while3A_309 = %while3A_279, %while3A_310 = %while3A_280, %while3A_311 = %while3A_281, %while3A_312 = %while3A_282, %while3A_313 = %while3A_283, %while3A_314 = %while3A_284, %while3A_315 = %while3A_285) -> (vector<16xf32>, vector<16xf32>, vector<16xf32>, vector<16xf32>, vector<16xf32>, vector<16xf32>, vector<16xf32>, vector<16xf32>)  : i32 {
        %get3A_316 = arith.index_cast %while3A_307 : i32 to index
        %get3A_317 = arith.constant 0 : index
        %get3A_318 = tpu.vector_load %arg6[%get3A_316, %get3A_317] {strides = array<i32>} : memref<128x128xf32, #tpu.memory_space<vmem>>, vector<1x16xf32>,
        %get3A_319 = vector.shape_cast %get3A_318 : vector<1x16xf32> to vector<16xf32>
        %max3A = arith.maximumf %while3A_308, %get3A_319 : vector<16xf32>
        %get3A_320 = arith.index_cast %while3A_307 : i32 to index
        %get3A_321 = arith.constant 16 : index
        %get3A_322 = tpu.vector_load %arg6[%get3A_320, %get3A_321] {strides = array<i32>} : memref<128x128xf32, #tpu.memory_space<vmem>>, vector<1x16xf32>,
        %get3A_323 = vector.shape_cast %get3A_322 : vector<1x16xf32> to vector<16xf32>
        %max3A_324 = arith.maximumf %while3A_309, %get3A_323 : vector<16xf32>
        %get3A_325 = arith.index_cast %while3A_307 : i32 to index
        %get3A_326 = arith.constant 32 : index
        %get3A_327 = tpu.vector_load %arg6[%get3A_325, %get3A_326] {strides = array<i32>} : memref<128x128xf32, #tpu.memory_space<vmem>>, vector<1x16xf32>,
        %get3A_328 = vector.shape_cast %get3A_327 : vector<1x16xf32> to vector<16xf32>
        %max3A_329 = arith.maximumf %while3A_310, %get3A_328 : vector<16xf32>
        %get3A_330 = arith.index_cast %while3A_307 : i32 to index
        %get3A_331 = arith.constant 48 : index
        %get3A_332 = tpu.vector_load %arg6[%get3A_330, %get3A_331] {strides = array<i32>} : memref<128x128xf32, #tpu.memory_space<vmem>>, vector<1x16xf32>,
        %get3A_333 = vector.shape_cast %get3A_332 : vector<1x16xf32> to vector<16xf32>
        %max3A_334 = arith.maximumf %while3A_311, %get3A_333 : vector<16xf32>
        %get3A_335 = arith.index_cast %while3A_307 : i32 to index
        %get3A_336 = arith.constant 64 : index
        %get3A_337 = tpu.vector_load %arg6[%get3A_335, %get3A_336] {strides = array<i32>} : memref<128x128xf32, #tpu.memory_space<vmem>>, vector<1x16xf32>,
        %get3A_338 = vector.shape_cast %get3A_337 : vector<1x16xf32> to vector<16xf32>
        %max3A_339 = arith.maximumf %while3A_312, %get3A_338 : vector<16xf32>
        %get3A_340 = arith.index_cast %while3A_307 : i32 to index
        %get3A_341 = arith.constant 80 : index
        %get3A_342 = tpu.vector_load %arg6[%get3A_340, %get3A_341] {strides = array<i32>} : memref<128x128xf32, #tpu.memory_space<vmem>>, vector<1x16xf32>,
        %get3A_343 = vector.shape_cast %get3A_342 : vector<1x16xf32> to vector<16xf32>
        %max3A_344 = arith.maximumf %while3A_313, %get3A_343 : vector<16xf32>
        %get3A_345 = arith.index_cast %while3A_307 : i32 to index
        %get3A_346 = arith.constant 96 : index
        %get3A_347 = tpu.vector_load %arg6[%get3A_345, %get3A_346] {strides = array<i32>} : memref<128x128xf32, #tpu.memory_space<vmem>>, vector<1x16xf32>,
        %get3A_348 = vector.shape_cast %get3A_347 : vector<1x16xf32> to vector<16xf32>
        %max3A_349 = arith.maximumf %while3A_314, %get3A_348 : vector<16xf32>
        %get3A_350 = arith.index_cast %while3A_307 : i32 to index
        %get3A_351 = arith.constant 112 : index
        %get3A_352 = tpu.vector_load %arg6[%get3A_350, %get3A_351] {strides = array<i32>} : memref<128x128xf32, #tpu.memory_space<vmem>>, vector<1x16xf32>,
        %get3A_353 = vector.shape_cast %get3A_352 : vector<1x16xf32> to vector<16xf32>
        %max3A_354 = arith.maximumf %while3A_315, %get3A_353 : vector<16xf32>
        scf.yield %max3A, %max3A_324, %max3A_329, %max3A_334, %max3A_339, %max3A_344, %max3A_349, %max3A_354 : vector<16xf32>, vector<16xf32>, vector<16xf32>, vector<16xf32>, vector<16xf32>, vector<16xf32>, vector<16xf32>, vector<16xf32>
      }
      %while3A_305 = arith.constant 1 : i32
      %while3A_306:8 = scf.for %while3A_307 = %while3A_302 to %while3A_298 step %while3A_305 iter_args(%while3A_308 = %while3A_304#0, %while3A_309 = %while3A_304#1, %while3A_310 = %while3A_304#2, %while3A_311 = %while3A_304#3, %while3A_312 = %while3A_304#4, %while3A_313 = %while3A_304#5, %while3A_314 = %while3A_304#6, %while3A_315 = %while3A_304#7) -> (vector<16xf32>, vector<16xf32>, vector<16xf32>, vector<16xf32>, vector<16xf32>, vector<16xf32>, vector<16xf32>, vector<16xf32>)  : i32 {
        %get3A_316 = arith.index_cast %while3A_307 : i32 to index
        %get3A_317 = arith.constant 0 : index
        %get3A_318 = tpu.vector_load %arg6[%get3A_316, %get3A_317] {strides = array<i32>} : memref<128x128xf32, #tpu.memory_space<vmem>>, vector<1x16xf32>,
        %get3A_319 = vector.shape_cast %get3A_318 : vector<1x16xf32> to vector<16xf32>
        %max3A = arith.maximumf %while3A_308, %get3A_319 : vector<16xf32>
        %get3A_320 = arith.index_cast %while3A_307 : i32 to index
        %get3A_321 = arith.constant 16 : index
        %get3A_322 = tpu.vector_load %arg6[%get3A_320, %get3A_321] {strides = array<i32>} : memref<128x128xf32, #tpu.memory_space<vmem>>, vector<1x16xf32>,
        %get3A_323 = vector.shape_cast %get3A_322 : vector<1x16xf32> to vector<16xf32>
        %max3A_324 = arith.maximumf %while3A_309, %get3A_323 : vector<16xf32>
        %get3A_325 = arith.index_cast %while3A_307 : i32 to index
        %get3A_326 = arith.constant 32 : index
        %get3A_327 = tpu.vector_load %arg6[%get3A_325, %get3A_326] {strides = array<i32>} : memref<128x128xf32, #tpu.memory_space<vmem>>, vector<1x16xf32>,
        %get3A_328 = vector.shape_cast %get3A_327 : vector<1x16xf32> to vector<16xf32>
        %max3A_329 = arith.maximumf %while3A_310, %get3A_328 : vector<16xf32>
        %get3A_330 = arith.index_cast %while3A_307 : i32 to index
        %get3A_331 = arith.constant 48 : index
        %get3A_332 = tpu.vector_load %arg6[%get3A_330, %get3A_331] {strides = array<i32>} : memref<128x128xf32, #tpu.memory_space<vmem>>, vector<1x16xf32>,
        %get3A_333 = vector.shape_cast %get3A_332 : vector<1x16xf32> to vector<16xf32>
        %max3A_334 = arith.maximumf %while3A_311, %get3A_333 : vector<16xf32>
        %get3A_335 = arith.index_cast %while3A_307 : i32 to index
        %get3A_336 = arith.constant 64 : index
        %get3A_337 = tpu.vector_load %arg6[%get3A_335, %get3A_336] {strides = array<i32>} : memref<128x128xf32, #tpu.memory_space<vmem>>, vector<1x16xf32>,
        %get3A_338 = vector.shape_cast %get3A_337 : vector<1x16xf32> to vector<16xf32>
        %max3A_339 = arith.maximumf %while3A_312, %get3A_338 : vector<16xf32>
        %get3A_340 = arith.index_cast %while3A_307 : i32 to index
        %get3A_341 = arith.constant 80 : index
        %get3A_342 = tpu.vector_load %arg6[%get3A_340, %get3A_341] {strides = array<i32>} : memref<128x128xf32, #tpu.memory_space<vmem>>, vector<1x16xf32>,
        %get3A_343 = vector.shape_cast %get3A_342 : vector<1x16xf32> to vector<16xf32>
        %max3A_344 = arith.maximumf %while3A_313, %get3A_343 : vector<16xf32>
        %get3A_345 = arith.index_cast %while3A_307 : i32 to index
        %get3A_346 = arith.constant 96 : index
        %get3A_347 = tpu.vector_load %arg6[%get3A_345, %get3A_346] {strides = array<i32>} : memref<128x128xf32, #tpu.memory_space<vmem>>, vector<1x16xf32>,
        %get3A_348 = vector.shape_cast %get3A_347 : vector<1x16xf32> to vector<16xf32>
        %max3A_349 = arith.maximumf %while3A_314, %get3A_348 : vector<16xf32>
        %get3A_350 = arith.index_cast %while3A_307 : i32 to index
        %get3A_351 = arith.constant 112 : index
        %get3A_352 = tpu.vector_load %arg6[%get3A_350, %get3A_351] {strides = array<i32>} : memref<128x128xf32, #tpu.memory_space<vmem>>, vector<1x16xf32>,
        %get3A_353 = vector.shape_cast %get3A_352 : vector<1x16xf32> to vector<16xf32>
        %max3A_354 = arith.maximumf %while3A_315, %get3A_353 : vector<16xf32>
        scf.yield %max3A, %max3A_324, %max3A_329, %max3A_334, %max3A_339, %max3A_344, %max3A_349, %max3A_354 : vector<16xf32>, vector<16xf32>, vector<16xf32>, vector<16xf32>, vector<16xf32>, vector<16xf32>, vector<16xf32>, vector<16xf32>
      }
      scf.yield %while3A_306#0, %while3A_306#1, %while3A_306#2, %while3A_306#3, %while3A_306#4, %while3A_306#5, %while3A_306#6, %while3A_306#7 : vector<16xf32>, vector<16xf32>, vector<16xf32>, vector<16xf32>, vector<16xf32>, vector<16xf32>, vector<16xf32>, vector<16xf32>
    }
    %while3A_81 = arith.constant 1 : i32
    %while3A_82:8 = scf.for %while3A_277 = %while3A_78 to %while3A_74 step %while3A_81 iter_args(%while3A_278 = %while3A_80#0, %while3A_279 = %while3A_80#1, %while3A_280 = %while3A_80#2, %while3A_281 = %while3A_80#3, %while3A_282 = %while3A_80#4, %while3A_283 = %while3A_80#5, %while3A_284 = %while3A_80#6, %while3A_285 = %while3A_80#7) -> (vector<16xf32>, vector<16xf32>, vector<16xf32>, vector<16xf32>, vector<16xf32>, vector<16xf32>, vector<16xf32>, vector<16xf32>)  : i32 {
      %mul3A_286 = arith.constant 128 : i32
      %mul3A_287 = arith.muli %while3A_277, %mul3A_286 : i32
      %add3A_288 = arith.addi %multiple_of3A, %mul3A_287 : i32
      %multiple_of3A_289 = tpu.assume_multiple %add3A_288, 8 : i32
      "tpu.region"() ({
        %run_scoped3A = tpu.sem_alloc : memref<!tpu.dma_semaphore, #tpu.memory_space<semaphore_mem>>
        %dma_start3A = arith.constant 0 : i32
        %dma_start3A_307 = tpu.memref_slice %arg2[%multiple_of3A_289, %dma_start3A] : memref<10240x128xf32, #tpu.memory_space<hbm>> -> memref<128x128xf32, #tpu.memory_space<hbm>>
        %dma_start3A_308 = arith.constant 0 : i32
        %dma_start3A_309 = tpu.memref_slice %arg2[%multiple_of3A_289, %dma_start3A_308] : memref<10240x128xf32, #tpu.memory_space<hbm>> -> memref<128x128xf32, #tpu.memory_space<hbm>>
        tpu.enqueue_dma source(%dma_start3A_309 : memref<128x128xf32, #tpu.memory_space<hbm>>) target(%arg6 : memref<128x128xf32, #tpu.memory_space<vmem>>) target_semaphore(%run_scoped3A : memref<!tpu.dma_semaphore, #tpu.memory_space<semaphore_mem>>)
        %dma_wait3A = arith.constant 0 : i32
        %dma_wait3A_310 = tpu.memref_slice %arg2[%multiple_of3A_289, %dma_wait3A] : memref<10240x128xf32, #tpu.memory_space<hbm>> -> memref<128x128xf32, #tpu.memory_space<hbm>>
        %dma_wait3A_311 = arith.constant 0 : i32
        %dma_wait3A_312 = tpu.memref_slice %arg2[%multiple_of3A_289, %dma_wait3A_311] : memref<10240x128xf32, #tpu.memory_space<hbm>> -> memref<128x128xf32, #tpu.memory_space<hbm>>
        tpu.wait_dma2 semaphore(%run_scoped3A : memref<!tpu.dma_semaphore, #tpu.memory_space<semaphore_mem>>) src(%dma_wait3A_312 : memref<128x128xf32, #tpu.memory_space<hbm>>) dst(%arg6 : memref<128x128xf32, #tpu.memory_space<vmem>>)
        tpu.yield
      }) : () -> ()
      %eq3A = arith.constant 0 : i32
      %eq3A_290 = arith.cmpi eq, %while3A_277, %eq3A : i32
      %jit3A_291 = arith.constant 0 : i32
      %select_n3A_292 = arith.select %eq3A_290, %sub3A_28, %jit3A_291 : i32
      %mul3A_293 = arith.constant 128 : i32
      %mul3A_294 = arith.muli %while3A_277, %mul3A_293 : i32
      %sub3A_295 = arith.subi %sub3A_29, %mul3A_294 : i32
      %min3A = arith.constant 128 : i32
      %min3A_296 = arith.minsi %sub3A_295, %min3A : i32
      %while3A_297 = arith.subi %min3A_296, %select_n3A_292 : i32
      %while3A_298 = arith.addi %select_n3A_292, %while3A_297 : i32
      %while3A_299 = arith.constant 1 : i32
      %while3A_300 = arith.divsi %while3A_297, %while3A_299 : i32
      %while3A_301 = arith.muli %while3A_300, %while3A_299 : i32
      %while3A_302 = arith.addi %select_n3A_292, %while3A_301 : i32
      %while3A_303 = arith.constant 1 : i32
      %while3A_304:8 = scf.for %while3A_307 = %select_n3A_292 to %while3A_302 step %while3A_303 iter_args(%while3A_308 = %while3A_278, %while3A_309 = %while3A_279, %while3A_310 = %while3A_280, %while3A_311 = %while3A_281, %while3A_312 = %while3A_282, %while3A_313 = %while3A_283, %while3A_314 = %while3A_284, %while3A_315 = %while3A_285) -> (vector<16xf32>, vector<16xf32>, vector<16xf32>, vector<16xf32>, vector<16xf32>, vector<16xf32>, vector<16xf32>, vector<16xf32>)  : i32 {
        %get3A_316 = arith.index_cast %while3A_307 : i32 to index
        %get3A_317 = arith.constant 0 : index
        %get3A_318 = tpu.vector_load %arg6[%get3A_316, %get3A_317] {strides = array<i32>} : memref<128x128xf32, #tpu.memory_space<vmem>>, vector<1x16xf32>,
        %get3A_319 = vector.shape_cast %get3A_318 : vector<1x16xf32> to vector<16xf32>
        %max3A = arith.maximumf %while3A_308, %get3A_319 : vector<16xf32>
        %get3A_320 = arith.index_cast %while3A_307 : i32 to index
        %get3A_321 = arith.constant 16 : index
        %get3A_322 = tpu.vector_load %arg6[%get3A_320, %get3A_321] {strides = array<i32>} : memref<128x128xf32, #tpu.memory_space<vmem>>, vector<1x16xf32>,
        %get3A_323 = vector.shape_cast %get3A_322 : vector<1x16xf32> to vector<16xf32>
        %max3A_324 = arith.maximumf %while3A_309, %get3A_323 : vector<16xf32>
        %get3A_325 = arith.index_cast %while3A_307 : i32 to index
        %get3A_326 = arith.constant 32 : index
        %get3A_327 = tpu.vector_load %arg6[%get3A_325, %get3A_326] {strides = array<i32>} : memref<128x128xf32, #tpu.memory_space<vmem>>, vector<1x16xf32>,
        %get3A_328 = vector.shape_cast %get3A_327 : vector<1x16xf32> to vector<16xf32>
        %max3A_329 = arith.maximumf %while3A_310, %get3A_328 : vector<16xf32>
        %get3A_330 = arith.index_cast %while3A_307 : i32 to index
        %get3A_331 = arith.constant 48 : index
        %get3A_332 = tpu.vector_load %arg6[%get3A_330, %get3A_331] {strides = array<i32>} : memref<128x128xf32, #tpu.memory_space<vmem>>, vector<1x16xf32>,
        %get3A_333 = vector.shape_cast %get3A_332 : vector<1x16xf32> to vector<16xf32>
        %max3A_334 = arith.maximumf %while3A_311, %get3A_333 : vector<16xf32>
        %get3A_335 = arith.index_cast %while3A_307 : i32 to index
        %get3A_336 = arith.constant 64 : index
        %get3A_337 = tpu.vector_load %arg6[%get3A_335, %get3A_336] {strides = array<i32>} : memref<128x128xf32, #tpu.memory_space<vmem>>, vector<1x16xf32>,
        %get3A_338 = vector.shape_cast %get3A_337 : vector<1x16xf32> to vector<16xf32>
        %max3A_339 = arith.maximumf %while3A_312, %get3A_338 : vector<16xf32>
        %get3A_340 = arith.index_cast %while3A_307 : i32 to index
        %get3A_341 = arith.constant 80 : index
        %get3A_342 = tpu.vector_load %arg6[%get3A_340, %get3A_341] {strides = array<i32>} : memref<128x128xf32, #tpu.memory_space<vmem>>, vector<1x16xf32>,
        %get3A_343 = vector.shape_cast %get3A_342 : vector<1x16xf32> to vector<16xf32>
        %max3A_344 = arith.maximumf %while3A_313, %get3A_343 : vector<16xf32>
        %get3A_345 = arith.index_cast %while3A_307 : i32 to index
        %get3A_346 = arith.constant 96 : index
        %get3A_347 = tpu.vector_load %arg6[%get3A_345, %get3A_346] {strides = array<i32>} : memref<128x128xf32, #tpu.memory_space<vmem>>, vector<1x16xf32>,
        %get3A_348 = vector.shape_cast %get3A_347 : vector<1x16xf32> to vector<16xf32>
        %max3A_349 = arith.maximumf %while3A_314, %get3A_348 : vector<16xf32>
        %get3A_350 = arith.index_cast %while3A_307 : i32 to index
        %get3A_351 = arith.constant 112 : index
        %get3A_352 = tpu.vector_load %arg6[%get3A_350, %get3A_351] {strides = array<i32>} : memref<128x128xf32, #tpu.memory_space<vmem>>, vector<1x16xf32>,
        %get3A_353 = vector.shape_cast %get3A_352 : vector<1x16xf32> to vector<16xf32>
        %max3A_354 = arith.maximumf %while3A_315, %get3A_353 : vector<16xf32>
        scf.yield %max3A, %max3A_324, %max3A_329, %max3A_334, %max3A_339, %max3A_344, %max3A_349, %max3A_354 : vector<16xf32>, vector<16xf32>, vector<16xf32>, vector<16xf32>, vector<16xf32>, vector<16xf32>, vector<16xf32>, vector<16xf32>
      }
      %while3A_305 = arith.constant 1 : i32
      %while3A_306:8 = scf.for %while3A_307 = %while3A_302 to %while3A_298 step %while3A_305 iter_args(%while3A_308 = %while3A_304#0, %while3A_309 = %while3A_304#1, %while3A_310 = %while3A_304#2, %while3A_311 = %while3A_304#3, %while3A_312 = %while3A_304#4, %while3A_313 = %while3A_304#5, %while3A_314 = %while3A_304#6, %while3A_315 = %while3A_304#7) -> (vector<16xf32>, vector<16xf32>, vector<16xf32>, vector<16xf32>, vector<16xf32>, vector<16xf32>, vector<16xf32>, vector<16xf32>)  : i32 {
        %get3A_316 = arith.index_cast %while3A_307 : i32 to index
        %get3A_317 = arith.constant 0 : index
        %get3A_318 = tpu.vector_load %arg6[%get3A_316, %get3A_317] {strides = array<i32>} : memref<128x128xf32, #tpu.memory_space<vmem>>, vector<1x16xf32>,
        %get3A_319 = vector.shape_cast %get3A_318 : vector<1x16xf32> to vector<16xf32>
        %max3A = arith.maximumf %while3A_308, %get3A_319 : vector<16xf32>
        %get3A_320 = arith.index_cast %while3A_307 : i32 to index
        %get3A_321 = arith.constant 16 : index
        %get3A_322 = tpu.vector_load %arg6[%get3A_320, %get3A_321] {strides = array<i32>} : memref<128x128xf32, #tpu.memory_space<vmem>>, vector<1x16xf32>,
        %get3A_323 = vector.shape_cast %get3A_322 : vector<1x16xf32> to vector<16xf32>
        %max3A_324 = arith.maximumf %while3A_309, %get3A_323 : vector<16xf32>
        %get3A_325 = arith.index_cast %while3A_307 : i32 to index
        %get3A_326 = arith.constant 32 : index
        %get3A_327 = tpu.vector_load %arg6[%get3A_325, %get3A_326] {strides = array<i32>} : memref<128x128xf32, #tpu.memory_space<vmem>>, vector<1x16xf32>,
        %get3A_328 = vector.shape_cast %get3A_327 : vector<1x16xf32> to vector<16xf32>
        %max3A_329 = arith.maximumf %while3A_310, %get3A_328 : vector<16xf32>
        %get3A_330 = arith.index_cast %while3A_307 : i32 to index
        %get3A_331 = arith.constant 48 : index
        %get3A_332 = tpu.vector_load %arg6[%get3A_330, %get3A_331] {strides = array<i32>} : memref<128x128xf32, #tpu.memory_space<vmem>>, vector<1x16xf32>,
        %get3A_333 = vector.shape_cast %get3A_332 : vector<1x16xf32> to vector<16xf32>
        %max3A_334 = arith.maximumf %while3A_311, %get3A_333 : vector<16xf32>
        %get3A_335 = arith.index_cast %while3A_307 : i32 to index
        %get3A_336 = arith.constant 64 : index
        %get3A_337 = tpu.vector_load %arg6[%get3A_335, %get3A_336] {strides = array<i32>} : memref<128x128xf32, #tpu.memory_space<vmem>>, vector<1x16xf32>,
        %get3A_338 = vector.shape_cast %get3A_337 : vector<1x16xf32> to vector<16xf32>
        %max3A_339 = arith.maximumf %while3A_312, %get3A_338 : vector<16xf32>
        %get3A_340 = arith.index_cast %while3A_307 : i32 to index
        %get3A_341 = arith.constant 80 : index
        %get3A_342 = tpu.vector_load %arg6[%get3A_340, %get3A_341] {strides = array<i32>} : memref<128x128xf32, #tpu.memory_space<vmem>>, vector<1x16xf32>,
        %get3A_343 = vector.shape_cast %get3A_342 : vector<1x16xf32> to vector<16xf32>
        %max3A_344 = arith.maximumf %while3A_313, %get3A_343 : vector<16xf32>
        %get3A_345 = arith.index_cast %while3A_307 : i32 to index
        %get3A_346 = arith.constant 96 : index
        %get3A_347 = tpu.vector_load %arg6[%get3A_345, %get3A_346] {strides = array<i32>} : memref<128x128xf32, #tpu.memory_space<vmem>>, vector<1x16xf32>,
        %get3A_348 = vector.shape_cast %get3A_347 : vector<1x16xf32> to vector<16xf32>
        %max3A_349 = arith.maximumf %while3A_314, %get3A_348 : vector<16xf32>
        %get3A_350 = arith.index_cast %while3A_307 : i32 to index
        %get3A_351 = arith.constant 112 : index
        %get3A_352 = tpu.vector_load %arg6[%get3A_350, %get3A_351] {strides = array<i32>} : memref<128x128xf32, #tpu.memory_space<vmem>>, vector<1x16xf32>,
        %get3A_353 = vector.shape_cast %get3A_352 : vector<1x16xf32> to vector<16xf32>
        %max3A_354 = arith.maximumf %while3A_315, %get3A_353 : vector<16xf32>
        scf.yield %max3A, %max3A_324, %max3A_329, %max3A_334, %max3A_339, %max3A_344, %max3A_349, %max3A_354 : vector<16xf32>, vector<16xf32>, vector<16xf32>, vector<16xf32>, vector<16xf32>, vector<16xf32>, vector<16xf32>, vector<16xf32>
      }
      scf.yield %while3A_306#0, %while3A_306#1, %while3A_306#2, %while3A_306#3, %while3A_306#4, %while3A_306#5, %while3A_306#6, %while3A_306#7 : vector<16xf32>, vector<16xf32>, vector<16xf32>, vector<16xf32>, vector<16xf32>, vector<16xf32>, vector<16xf32>, vector<16xf32>
    }
    %swap3A = arith.constant 0 : i32
    %swap3A_83 = arith.index_cast %swap3A : i32 to index
    %swap3A_84 = arith.constant 0 : index
    %swap3A_85 = tpu.vector_load %arg7[%swap3A_83, %swap3A_84] {strides = array<i32>} : memref<8x128xf32, #tpu.memory_space<vmem>>, vector<1x16xf32>,
    %swap3A_86 = vector.shape_cast %swap3A_85 : vector<1x16xf32> to vector<16xf32>
    %swap3A_87 = vector.shape_cast %while3A_82#0 : vector<16xf32> to vector<1x16xf32>
    tpu.vector_store %arg7[%swap3A_83, %swap3A_84], %swap3A_87 {strides = array<i32>} : memref<8x128xf32, #tpu.memory_space<vmem>>, vector<1x16xf32>,
    %swap3A_88 = arith.constant 0 : i32
    %swap3A_89 = arith.index_cast %swap3A_88 : i32 to index
    %swap3A_90 = arith.constant 16 : index
    %swap3A_91 = tpu.vector_load %arg7[%swap3A_89, %swap3A_90] {strides = array<i32>} : memref<8x128xf32, #tpu.memory_space<vmem>>, vector<1x16xf32>,
    %swap3A_92 = vector.shape_cast %swap3A_91 : vector<1x16xf32> to vector<16xf32>
    %swap3A_93 = vector.shape_cast %while3A_82#1 : vector<16xf32> to vector<1x16xf32>
    tpu.vector_store %arg7[%swap3A_89, %swap3A_90], %swap3A_93 {strides = array<i32>} : memref<8x128xf32, #tpu.memory_space<vmem>>, vector<1x16xf32>,
    %swap3A_94 = arith.constant 0 : i32
    %swap3A_95 = arith.index_cast %swap3A_94 : i32 to index
    %swap3A_96 = arith.constant 32 : index
    %swap3A_97 = tpu.vector_load %arg7[%swap3A_95, %swap3A_96] {strides = array<i32>} : memref<8x128xf32, #tpu.memory_space<vmem>>, vector<1x16xf32>,
    %swap3A_98 = vector.shape_cast %swap3A_97 : vector<1x16xf32> to vector<16xf32>
    %swap3A_99 = vector.shape_cast %while3A_82#2 : vector<16xf32> to vector<1x16xf32>
    tpu.vector_store %arg7[%swap3A_95, %swap3A_96], %swap3A_99 {strides = array<i32>} : memref<8x128xf32, #tpu.memory_space<vmem>>, vector<1x16xf32>,
    %swap3A_100 = arith.constant 0 : i32
    %swap3A_101 = arith.index_cast %swap3A_100 : i32 to index
    %swap3A_102 = arith.constant 48 : index
    %swap3A_103 = tpu.vector_load %arg7[%swap3A_101, %swap3A_102] {strides = array<i32>} : memref<8x128xf32, #tpu.memory_space<vmem>>, vector<1x16xf32>,
    %swap3A_104 = vector.shape_cast %swap3A_103 : vector<1x16xf32> to vector<16xf32>
    %swap3A_105 = vector.shape_cast %while3A_82#3 : vector<16xf32> to vector<1x16xf32>
    tpu.vector_store %arg7[%swap3A_101, %swap3A_102], %swap3A_105 {strides = array<i32>} : memref<8x128xf32, #tpu.memory_space<vmem>>, vector<1x16xf32>,
    %swap3A_106 = arith.constant 0 : i32
    %swap3A_107 = arith.index_cast %swap3A_106 : i32 to index
    %swap3A_108 = arith.constant 64 : index
    %swap3A_109 = tpu.vector_load %arg7[%swap3A_107, %swap3A_108] {strides = array<i32>} : memref<8x128xf32, #tpu.memory_space<vmem>>, vector<1x16xf32>,
    %swap3A_110 = vector.shape_cast %swap3A_109 : vector<1x16xf32> to vector<16xf32>
    %swap3A_111 = vector.shape_cast %while3A_82#4 : vector<16xf32> to vector<1x16xf32>
    tpu.vector_store %arg7[%swap3A_107, %swap3A_108], %swap3A_111 {strides = array<i32>} : memref<8x128xf32, #tpu.memory_space<vmem>>, vector<1x16xf32>,
    %swap3A_112 = arith.constant 0 : i32
    %swap3A_113 = arith.index_cast %swap3A_112 : i32 to index
    %swap3A_114 = arith.constant 80 : index
    %swap3A_115 = tpu.vector_load %arg7[%swap3A_113, %swap3A_114] {strides = array<i32>} : memref<8x128xf32, #tpu.memory_space<vmem>>, vector<1x16xf32>,
    %swap3A_116 = vector.shape_cast %swap3A_115 : vector<1x16xf32> to vector<16xf32>
    %swap3A_117 = vector.shape_cast %while3A_82#5 : vector<16xf32> to vector<1x16xf32>
    tpu.vector_store %arg7[%swap3A_113, %swap3A_114], %swap3A_117 {strides = array<i32>} : memref<8x128xf32, #tpu.memory_space<vmem>>, vector<1x16xf32>,
    %swap3A_118 = arith.constant 0 : i32
    %swap3A_119 = arith.index_cast %swap3A_118 : i32 to index
    %swap3A_120 = arith.constant 96 : index
    %swap3A_121 = tpu.vector_load %arg7[%swap3A_119, %swap3A_120] {strides = array<i32>} : memref<8x128xf32, #tpu.memory_space<vmem>>, vector<1x16xf32>,
    %swap3A_122 = vector.shape_cast %swap3A_121 : vector<1x16xf32> to vector<16xf32>
    %swap3A_123 = vector.shape_cast %while3A_82#6 : vector<16xf32> to vector<1x16xf32>
    tpu.vector_store %arg7[%swap3A_119, %swap3A_120], %swap3A_123 {strides = array<i32>} : memref<8x128xf32, #tpu.memory_space<vmem>>, vector<1x16xf32>,
    %swap3A_124 = arith.constant 0 : i32
    %swap3A_125 = arith.index_cast %swap3A_124 : i32 to index
    %swap3A_126 = arith.constant 112 : index
    %swap3A_127 = tpu.vector_load %arg7[%swap3A_125, %swap3A_126] {strides = array<i32>} : memref<8x128xf32, #tpu.memory_space<vmem>>, vector<1x16xf32>,
    %swap3A_128 = vector.shape_cast %swap3A_127 : vector<1x16xf32> to vector<16xf32>
    %swap3A_129 = vector.shape_cast %while3A_82#7 : vector<16xf32> to vector<1x16xf32>
    tpu.vector_store %arg7[%swap3A_125, %swap3A_126], %swap3A_129 {strides = array<i32>} : memref<8x128xf32, #tpu.memory_space<vmem>>, vector<1x16xf32>,
    %mul3A_130 = arith.constant 2 : i32
    %mul3A_131 = arith.muli %add3A, %mul3A_130 : i32
    %add3A_132 = arith.constant 1 : i32
    %add3A_133 = arith.addi %mul3A_131, %add3A_132 : i32
    %get3A_134 = arith.index_cast %add3A_133 : i32 to index
    %get3A_135 = tpu.vector_load %arg5[%get3A_134] {strides = array<i32>} : memref<80xf32, #tpu.memory_space<vmem>>, vector<16xf32>,
    %get3A_136 = vector.shape_cast %get3A_135 : vector<16xf32> to vector<16xf32>
    %slice3A_137 = vector.extract_strided_slice %get3A_136 {offsets = [0], sizes = [1], strides = [1]} : vector<16xf32> to vector<1xf32>
    %squeeze3A_138 = vector.extract %slice3A_137[0] : f32 from vector<1xf32>
    %convert_element_type3A_139 = arith.fptosi %squeeze3A_138 : f32 to i32
    %slice3A_140 = vector.extract_strided_slice %get3A_136 {offsets = [1], sizes = [1], strides = [1]} : vector<16xf32> to vector<1xf32>
    %squeeze3A_141 = vector.extract %slice3A_140[0] : f32 from vector<1xf32>
    %convert_element_type3A_142 = arith.fptosi %squeeze3A_141 : f32 to i32
    %jit3A_143 = arith.constant 8 : i32
    %div3A_144 = arith.divsi %convert_element_type3A_139, %jit3A_143 : i32
    %sign3A_145 = arith.constant 0 : i32
    %sign3A_146 = arith.cmpi sgt, %convert_element_type3A_139, %sign3A_145 : i32
    %sign3A_147 = arith.extui %sign3A_146 : i1 to i32
    %sign3A_148 = arith.constant 0 : i32
    %sign3A_149 = arith.cmpi slt, %convert_element_type3A_139, %sign3A_148 : i32
    %sign3A_150 = arith.extui %sign3A_149 : i1 to i32
    %sign3A_151 = arith.subi %sign3A_147, %sign3A_150 : i32
    %sign3A_152 = arith.constant 0 : i32
    %sign3A_153 = arith.cmpi sgt, %jit3A_143, %sign3A_152 : i32
    %sign3A_154 = arith.extui %sign3A_153 : i1 to i32
    %sign3A_155 = arith.constant 0 : i32
    %sign3A_156 = arith.cmpi slt, %jit3A_143, %sign3A_155 : i32
    %sign3A_157 = arith.extui %sign3A_156 : i1 to i32
    %sign3A_158 = arith.subi %sign3A_154, %sign3A_157 : i32
    %ne3A_159 = arith.cmpi ne, %sign3A_151, %sign3A_158 : i32
    %rem3A_160 = arith.remsi %convert_element_type3A_139, %jit3A_143 : i32
    %ne3A_161 = arith.constant 0 : i32
    %ne3A_162 = arith.cmpi ne, %rem3A_160, %ne3A_161 : i32
    %and3A_163 = arith.andi %ne3A_159, %ne3A_162 : i1
    %sub3A_164 = arith.constant 1 : i32
    %sub3A_165 = arith.subi %div3A_144, %sub3A_164 : i32
    %select_n3A_166 = arith.select %and3A_163, %sub3A_165, %div3A_144 : i32
    %mul3A_167 = arith.constant 8 : i32
    %mul3A_168 = arith.muli %select_n3A_166, %mul3A_167 : i32
    %multiple_of3A_169 = tpu.assume_multiple %mul3A_168, 8 : i32
    %sub3A_170 = arith.subi %convert_element_type3A_139, %multiple_of3A_169 : i32
    %sub3A_171 = arith.subi %convert_element_type3A_142, %multiple_of3A_169 : i32
    %add3A_172 = arith.constant 128 : i32
    %add3A_173 = arith.addi %sub3A_171, %add3A_172 : i32
    %sub3A_174 = arith.constant 1 : i32
    %sub3A_175 = arith.subi %add3A_173, %sub3A_174 : i32
    %jit3A_176 = arith.constant 128 : i32
    %div3A_177 = arith.divsi %sub3A_175, %jit3A_176 : i32
    %sign3A_178 = arith.constant 0 : i32
    %sign3A_179 = arith.cmpi sgt, %sub3A_175, %sign3A_178 : i32
    %sign3A_180 = arith.extui %sign3A_179 : i1 to i32
    %sign3A_181 = arith.constant 0 : i32
    %sign3A_182 = arith.cmpi slt, %sub3A_175, %sign3A_181 : i32
    %sign3A_183 = arith.extui %sign3A_182 : i1 to i32
    %sign3A_184 = arith.subi %sign3A_180, %sign3A_183 : i32
    %sign3A_185 = arith.constant 0 : i32
    %sign3A_186 = arith.cmpi sgt, %jit3A_176, %sign3A_185 : i32
    %sign3A_187 = arith.extui %sign3A_186 : i1 to i32
    %sign3A_188 = arith.constant 0 : i32
    %sign3A_189 = arith.cmpi slt, %jit3A_176, %sign3A_188 : i32
    %sign3A_190 = arith.extui %sign3A_189 : i1 to i32
    %sign3A_191 = arith.subi %sign3A_187, %sign3A_190 : i32
    %ne3A_192 = arith.cmpi ne, %sign3A_184, %sign3A_191 : i32
    %rem3A_193 = arith.remsi %sub3A_175, %jit3A_176 : i32
    %ne3A_194 = arith.constant 0 : i32
    %ne3A_195 = arith.cmpi ne, %rem3A_193, %ne3A_194 : i32
    %and3A_196 = arith.andi %ne3A_192, %ne3A_195 : i1
    %sub3A_197 = arith.constant 1 : i32
    %sub3A_198 = arith.subi %div3A_177, %sub3A_197 : i32
    %select_n3A_199 = arith.select %and3A_196, %sub3A_198, %div3A_177 : i32
    %broadcast_in_dim3A_200 = arith.constant 0xFF800000 : f32
    %broadcast_in_dim3A_201 = vector.broadcast %broadcast_in_dim3A_200 : f32 to vector<16xf32>
    %broadcast_in_dim3A_202 = arith.constant 0xFF800000 : f32
    %broadcast_in_dim3A_203 = vector.broadcast %broadcast_in_dim3A_202 : f32 to vector<16xf32>
    %broadcast_in_dim3A_204 = arith.constant 0xFF800000 : f32
    %broadcast_in_dim3A_205 = vector.broadcast %broadcast_in_dim3A_204 : f32 to vector<16xf32>
    %broadcast_in_dim3A_206 = arith.constant 0xFF800000 : f32
    %broadcast_in_dim3A_207 = vector.broadcast %broadcast_in_dim3A_206 : f32 to vector<16xf32>
    %broadcast_in_dim3A_208 = arith.constant 0xFF800000 : f32
    %broadcast_in_dim3A_209 = vector.broadcast %broadcast_in_dim3A_208 : f32 to vector<16xf32>
    %broadcast_in_dim3A_210 = arith.constant 0xFF800000 : f32
    %broadcast_in_dim3A_211 = vector.broadcast %broadcast_in_dim3A_210 : f32 to vector<16xf32>
    %broadcast_in_dim3A_212 = arith.constant 0xFF800000 : f32
    %broadcast_in_dim3A_213 = vector.broadcast %broadcast_in_dim3A_212 : f32 to vector<16xf32>
    %broadcast_in_dim3A_214 = arith.constant 0xFF800000 : f32
    %broadcast_in_dim3A_215 = vector.broadcast %broadcast_in_dim3A_214 : f32 to vector<16xf32>
    %while3A_216 = arith.constant 0 : i32
    %while3A_217 = arith.subi %select_n3A_199, %while3A_216 : i32
    %while3A_218 = arith.addi %while3A_216, %while3A_217 : i32
    %while3A_219 = arith.constant 1 : i32
    %while3A_220 = arith.divsi %while3A_217, %while3A_219 : i32
    %while3A_221 = arith.muli %while3A_220, %while3A_219 : i32
    %while3A_222 = arith.addi %while3A_216, %while3A_221 : i32
    %while3A_223 = arith.constant 1 : i32
    %while3A_224:8 = scf.for %while3A_277 = %while3A_216 to %while3A_222 step %while3A_223 iter_args(%while3A_278 = %broadcast_in_dim3A_201, %while3A_279 = %broadcast_in_dim3A_203, %while3A_280 = %broadcast_in_dim3A_205, %while3A_281 = %broadcast_in_dim3A_207, %while3A_282 = %broadcast_in_dim3A_209, %while3A_283 = %broadcast_in_dim3A_211, %while3A_284 = %broadcast_in_dim3A_213, %while3A_285 = %broadcast_in_dim3A_215) -> (vector<16xf32>, vector<16xf32>, vector<16xf32>, vector<16xf32>, vector<16xf32>, vector<16xf32>, vector<16xf32>, vector<16xf32>)  : i32 {
      %mul3A_286 = arith.constant 128 : i32
      %mul3A_287 = arith.muli %while3A_277, %mul3A_286 : i32
      %add3A_288 = arith.addi %multiple_of3A_169, %mul3A_287 : i32
      %multiple_of3A_289 = tpu.assume_multiple %add3A_288, 8 : i32
      "tpu.region"() ({
        %run_scoped3A = tpu.sem_alloc : memref<!tpu.dma_semaphore, #tpu.memory_space<semaphore_mem>>
        %dma_start3A = arith.constant 0 : i32
        %dma_start3A_307 = tpu.memref_slice %arg2[%multiple_of3A_289, %dma_start3A] : memref<10240x128xf32, #tpu.memory_space<hbm>> -> memref<128x128xf32, #tpu.memory_space<hbm>>
        %dma_start3A_308 = arith.constant 0 : i32
        %dma_start3A_309 = tpu.memref_slice %arg2[%multiple_of3A_289, %dma_start3A_308] : memref<10240x128xf32, #tpu.memory_space<hbm>> -> memref<128x128xf32, #tpu.memory_space<hbm>>
        tpu.enqueue_dma source(%dma_start3A_309 : memref<128x128xf32, #tpu.memory_space<hbm>>) target(%arg6 : memref<128x128xf32, #tpu.memory_space<vmem>>) target_semaphore(%run_scoped3A : memref<!tpu.dma_semaphore, #tpu.memory_space<semaphore_mem>>)
        %dma_wait3A = arith.constant 0 : i32
        %dma_wait3A_310 = tpu.memref_slice %arg2[%multiple_of3A_289, %dma_wait3A] : memref<10240x128xf32, #tpu.memory_space<hbm>> -> memref<128x128xf32, #tpu.memory_space<hbm>>
        %dma_wait3A_311 = arith.constant 0 : i32
        %dma_wait3A_312 = tpu.memref_slice %arg2[%multiple_of3A_289, %dma_wait3A_311] : memref<10240x128xf32, #tpu.memory_space<hbm>> -> memref<128x128xf32, #tpu.memory_space<hbm>>
        tpu.wait_dma2 semaphore(%run_scoped3A : memref<!tpu.dma_semaphore, #tpu.memory_space<semaphore_mem>>) src(%dma_wait3A_312 : memref<128x128xf32, #tpu.memory_space<hbm>>) dst(%arg6 : memref<128x128xf32, #tpu.memory_space<vmem>>)
        tpu.yield
      }) : () -> ()
      %eq3A = arith.constant 0 : i32
      %eq3A_290 = arith.cmpi eq, %while3A_277, %eq3A : i32
      %jit3A_291 = arith.constant 0 : i32
      %select_n3A_292 = arith.select %eq3A_290, %sub3A_170, %jit3A_291 : i32
      %mul3A_293 = arith.constant 128 : i32
      %mul3A_294 = arith.muli %while3A_277, %mul3A_293 : i32
      %sub3A_295 = arith.subi %sub3A_171, %mul3A_294 : i32
      %min3A = arith.constant 128 : i32
      %min3A_296 = arith.minsi %sub3A_295, %min3A : i32
      %while3A_297 = arith.subi %min3A_296, %select_n3A_292 : i32
      %while3A_298 = arith.addi %select_n3A_292, %while3A_297 : i32
      %while3A_299 = arith.constant 1 : i32
      %while3A_300 = arith.divsi %while3A_297, %while3A_299 : i32
      %while3A_301 = arith.muli %while3A_300, %while3A_299 : i32
      %while3A_302 = arith.addi %select_n3A_292, %while3A_301 : i32
      %while3A_303 = arith.constant 1 : i32
      %while3A_304:8 = scf.for %while3A_307 = %select_n3A_292 to %while3A_302 step %while3A_303 iter_args(%while3A_308 = %while3A_278, %while3A_309 = %while3A_279, %while3A_310 = %while3A_280, %while3A_311 = %while3A_281, %while3A_312 = %while3A_282, %while3A_313 = %while3A_283, %while3A_314 = %while3A_284, %while3A_315 = %while3A_285) -> (vector<16xf32>, vector<16xf32>, vector<16xf32>, vector<16xf32>, vector<16xf32>, vector<16xf32>, vector<16xf32>, vector<16xf32>)  : i32 {
        %get3A_316 = arith.index_cast %while3A_307 : i32 to index
        %get3A_317 = arith.constant 0 : index
        %get3A_318 = tpu.vector_load %arg6[%get3A_316, %get3A_317] {strides = array<i32>} : memref<128x128xf32, #tpu.memory_space<vmem>>, vector<1x16xf32>,
        %get3A_319 = vector.shape_cast %get3A_318 : vector<1x16xf32> to vector<16xf32>
        %max3A = arith.maximumf %while3A_308, %get3A_319 : vector<16xf32>
        %get3A_320 = arith.index_cast %while3A_307 : i32 to index
        %get3A_321 = arith.constant 16 : index
        %get3A_322 = tpu.vector_load %arg6[%get3A_320, %get3A_321] {strides = array<i32>} : memref<128x128xf32, #tpu.memory_space<vmem>>, vector<1x16xf32>,
        %get3A_323 = vector.shape_cast %get3A_322 : vector<1x16xf32> to vector<16xf32>
        %max3A_324 = arith.maximumf %while3A_309, %get3A_323 : vector<16xf32>
        %get3A_325 = arith.index_cast %while3A_307 : i32 to index
        %get3A_326 = arith.constant 32 : index
        %get3A_327 = tpu.vector_load %arg6[%get3A_325, %get3A_326] {strides = array<i32>} : memref<128x128xf32, #tpu.memory_space<vmem>>, vector<1x16xf32>,
        %get3A_328 = vector.shape_cast %get3A_327 : vector<1x16xf32> to vector<16xf32>
        %max3A_329 = arith.maximumf %while3A_310, %get3A_328 : vector<16xf32>
        %get3A_330 = arith.index_cast %while3A_307 : i32 to index
        %get3A_331 = arith.constant 48 : index
        %get3A_332 = tpu.vector_load %arg6[%get3A_330, %get3A_331] {strides = array<i32>} : memref<128x128xf32, #tpu.memory_space<vmem>>, vector<1x16xf32>,
        %get3A_333 = vector.shape_cast %get3A_332 : vector<1x16xf32> to vector<16xf32>
        %max3A_334 = arith.maximumf %while3A_311, %get3A_333 : vector<16xf32>
        %get3A_335 = arith.index_cast %while3A_307 : i32 to index
        %get3A_336 = arith.constant 64 : index
        %get3A_337 = tpu.vector_load %arg6[%get3A_335, %get3A_336] {strides = array<i32>} : memref<128x128xf32, #tpu.memory_space<vmem>>, vector<1x16xf32>,
        %get3A_338 = vector.shape_cast %get3A_337 : vector<1x16xf32> to vector<16xf32>
        %max3A_339 = arith.maximumf %while3A_312, %get3A_338 : vector<16xf32>
        %get3A_340 = arith.index_cast %while3A_307 : i32 to index
        %get3A_341 = arith.constant 80 : index
        %get3A_342 = tpu.vector_load %arg6[%get3A_340, %get3A_341] {strides = array<i32>} : memref<128x128xf32, #tpu.memory_space<vmem>>, vector<1x16xf32>,
        %get3A_343 = vector.shape_cast %get3A_342 : vector<1x16xf32> to vector<16xf32>
        %max3A_344 = arith.maximumf %while3A_313, %get3A_343 : vector<16xf32>
        %get3A_345 = arith.index_cast %while3A_307 : i32 to index
        %get3A_346 = arith.constant 96 : index
        %get3A_347 = tpu.vector_load %arg6[%get3A_345, %get3A_346] {strides = array<i32>} : memref<128x128xf32, #tpu.memory_space<vmem>>, vector<1x16xf32>,
        %get3A_348 = vector.shape_cast %get3A_347 : vector<1x16xf32> to vector<16xf32>
        %max3A_349 = arith.maximumf %while3A_314, %get3A_348 : vector<16xf32>
        %get3A_350 = arith.index_cast %while3A_307 : i32 to index
        %get3A_351 = arith.constant 112 : index
        %get3A_352 = tpu.vector_load %arg6[%get3A_350, %get3A_351] {strides = array<i32>} : memref<128x128xf32, #tpu.memory_space<vmem>>, vector<1x16xf32>,
        %get3A_353 = vector.shape_cast %get3A_352 : vector<1x16xf32> to vector<16xf32>
        %max3A_354 = arith.maximumf %while3A_315, %get3A_353 : vector<16xf32>
        scf.yield %max3A, %max3A_324, %max3A_329, %max3A_334, %max3A_339, %max3A_344, %max3A_349, %max3A_354 : vector<16xf32>, vector<16xf32>, vector<16xf32>, vector<16xf32>, vector<16xf32>, vector<16xf32>, vector<16xf32>, vector<16xf32>
      }
      %while3A_305 = arith.constant 1 : i32
      %while3A_306:8 = scf.for %while3A_307 = %while3A_302 to %while3A_298 step %while3A_305 iter_args(%while3A_308 = %while3A_304#0, %while3A_309 = %while3A_304#1, %while3A_310 = %while3A_304#2, %while3A_311 = %while3A_304#3, %while3A_312 = %while3A_304#4, %while3A_313 = %while3A_304#5, %while3A_314 = %while3A_304#6, %while3A_315 = %while3A_304#7) -> (vector<16xf32>, vector<16xf32>, vector<16xf32>, vector<16xf32>, vector<16xf32>, vector<16xf32>, vector<16xf32>, vector<16xf32>)  : i32 {
        %get3A_316 = arith.index_cast %while3A_307 : i32 to index
        %get3A_317 = arith.constant 0 : index
        %get3A_318 = tpu.vector_load %arg6[%get3A_316, %get3A_317] {strides = array<i32>} : memref<128x128xf32, #tpu.memory_space<vmem>>, vector<1x16xf32>,
        %get3A_319 = vector.shape_cast %get3A_318 : vector<1x16xf32> to vector<16xf32>
        %max3A = arith.maximumf %while3A_308, %get3A_319 : vector<16xf32>
        %get3A_320 = arith.index_cast %while3A_307 : i32 to index
        %get3A_321 = arith.constant 16 : index
        %get3A_322 = tpu.vector_load %arg6[%get3A_320, %get3A_321] {strides = array<i32>} : memref<128x128xf32, #tpu.memory_space<vmem>>, vector<1x16xf32>,
        %get3A_323 = vector.shape_cast %get3A_322 : vector<1x16xf32> to vector<16xf32>
        %max3A_324 = arith.maximumf %while3A_309, %get3A_323 : vector<16xf32>
        %get3A_325 = arith.index_cast %while3A_307 : i32 to index
        %get3A_326 = arith.constant 32 : index
        %get3A_327 = tpu.vector_load %arg6[%get3A_325, %get3A_326] {strides = array<i32>} : memref<128x128xf32, #tpu.memory_space<vmem>>, vector<1x16xf32>,
        %get3A_328 = vector.shape_cast %get3A_327 : vector<1x16xf32> to vector<16xf32>
        %max3A_329 = arith.maximumf %while3A_310, %get3A_328 : vector<16xf32>
        %get3A_330 = arith.index_cast %while3A_307 : i32 to index
        %get3A_331 = arith.constant 48 : index
        %get3A_332 = tpu.vector_load %arg6[%get3A_330, %get3A_331] {strides = array<i32>} : memref<128x128xf32, #tpu.memory_space<vmem>>, vector<1x16xf32>,
        %get3A_333 = vector.shape_cast %get3A_332 : vector<1x16xf32> to vector<16xf32>
        %max3A_334 = arith.maximumf %while3A_311, %get3A_333 : vector<16xf32>
        %get3A_335 = arith.index_cast %while3A_307 : i32 to index
        %get3A_336 = arith.constant 64 : index
        %get3A_337 = tpu.vector_load %arg6[%get3A_335, %get3A_336] {strides = array<i32>} : memref<128x128xf32, #tpu.memory_space<vmem>>, vector<1x16xf32>,
        %get3A_338 = vector.shape_cast %get3A_337 : vector<1x16xf32> to vector<16xf32>
        %max3A_339 = arith.maximumf %while3A_312, %get3A_338 : vector<16xf32>
        %get3A_340 = arith.index_cast %while3A_307 : i32 to index
        %get3A_341 = arith.constant 80 : index
        %get3A_342 = tpu.vector_load %arg6[%get3A_340, %get3A_341] {strides = array<i32>} : memref<128x128xf32, #tpu.memory_space<vmem>>, vector<1x16xf32>,
        %get3A_343 = vector.shape_cast %get3A_342 : vector<1x16xf32> to vector<16xf32>
        %max3A_344 = arith.maximumf %while3A_313, %get3A_343 : vector<16xf32>
        %get3A_345 = arith.index_cast %while3A_307 : i32 to index
        %get3A_346 = arith.constant 96 : index
        %get3A_347 = tpu.vector_load %arg6[%get3A_345, %get3A_346] {strides = array<i32>} : memref<128x128xf32, #tpu.memory_space<vmem>>, vector<1x16xf32>,
        %get3A_348 = vector.shape_cast %get3A_347 : vector<1x16xf32> to vector<16xf32>
        %max3A_349 = arith.maximumf %while3A_314, %get3A_348 : vector<16xf32>
        %get3A_350 = arith.index_cast %while3A_307 : i32 to index
        %get3A_351 = arith.constant 112 : index
        %get3A_352 = tpu.vector_load %arg6[%get3A_350, %get3A_351] {strides = array<i32>} : memref<128x128xf32, #tpu.memory_space<vmem>>, vector<1x16xf32>,
        %get3A_353 = vector.shape_cast %get3A_352 : vector<1x16xf32> to vector<16xf32>
        %max3A_354 = arith.maximumf %while3A_315, %get3A_353 : vector<16xf32>
        scf.yield %max3A, %max3A_324, %max3A_329, %max3A_334, %max3A_339, %max3A_344, %max3A_349, %max3A_354 : vector<16xf32>, vector<16xf32>, vector<16xf32>, vector<16xf32>, vector<16xf32>, vector<16xf32>, vector<16xf32>, vector<16xf32>
      }
      scf.yield %while3A_306#0, %while3A_306#1, %while3A_306#2, %while3A_306#3, %while3A_306#4, %while3A_306#5, %while3A_306#6, %while3A_306#7 : vector<16xf32>, vector<16xf32>, vector<16xf32>, vector<16xf32>, vector<16xf32>, vector<16xf32>, vector<16xf32>, vector<16xf32>
    }
    %while3A_225 = arith.constant 1 : i32
    %while3A_226:8 = scf.for %while3A_277 = %while3A_222 to %while3A_218 step %while3A_225 iter_args(%while3A_278 = %while3A_224#0, %while3A_279 = %while3A_224#1, %while3A_280 = %while3A_224#2, %while3A_281 = %while3A_224#3, %while3A_282 = %while3A_224#4, %while3A_283 = %while3A_224#5, %while3A_284 = %while3A_224#6, %while3A_285 = %while3A_224#7) -> (vector<16xf32>, vector<16xf32>, vector<16xf32>, vector<16xf32>, vector<16xf32>, vector<16xf32>, vector<16xf32>, vector<16xf32>)  : i32 {
      %mul3A_286 = arith.constant 128 : i32
      %mul3A_287 = arith.muli %while3A_277, %mul3A_286 : i32
      %add3A_288 = arith.addi %multiple_of3A_169, %mul3A_287 : i32
      %multiple_of3A_289 = tpu.assume_multiple %add3A_288, 8 : i32
      "tpu.region"() ({
        %run_scoped3A = tpu.sem_alloc : memref<!tpu.dma_semaphore, #tpu.memory_space<semaphore_mem>>
        %dma_start3A = arith.constant 0 : i32
        %dma_start3A_307 = tpu.memref_slice %arg2[%multiple_of3A_289, %dma_start3A] : memref<10240x128xf32, #tpu.memory_space<hbm>> -> memref<128x128xf32, #tpu.memory_space<hbm>>
        %dma_start3A_308 = arith.constant 0 : i32
        %dma_start3A_309 = tpu.memref_slice %arg2[%multiple_of3A_289, %dma_start3A_308] : memref<10240x128xf32, #tpu.memory_space<hbm>> -> memref<128x128xf32, #tpu.memory_space<hbm>>
        tpu.enqueue_dma source(%dma_start3A_309 : memref<128x128xf32, #tpu.memory_space<hbm>>) target(%arg6 : memref<128x128xf32, #tpu.memory_space<vmem>>) target_semaphore(%run_scoped3A : memref<!tpu.dma_semaphore, #tpu.memory_space<semaphore_mem>>)
        %dma_wait3A = arith.constant 0 : i32
        %dma_wait3A_310 = tpu.memref_slice %arg2[%multiple_of3A_289, %dma_wait3A] : memref<10240x128xf32, #tpu.memory_space<hbm>> -> memref<128x128xf32, #tpu.memory_space<hbm>>
        %dma_wait3A_311 = arith.constant 0 : i32
        %dma_wait3A_312 = tpu.memref_slice %arg2[%multiple_of3A_289, %dma_wait3A_311] : memref<10240x128xf32, #tpu.memory_space<hbm>> -> memref<128x128xf32, #tpu.memory_space<hbm>>
        tpu.wait_dma2 semaphore(%run_scoped3A : memref<!tpu.dma_semaphore, #tpu.memory_space<semaphore_mem>>) src(%dma_wait3A_312 : memref<128x128xf32, #tpu.memory_space<hbm>>) dst(%arg6 : memref<128x128xf32, #tpu.memory_space<vmem>>)
        tpu.yield
      }) : () -> ()
      %eq3A = arith.constant 0 : i32
      %eq3A_290 = arith.cmpi eq, %while3A_277, %eq3A : i32
      %jit3A_291 = arith.constant 0 : i32
      %select_n3A_292 = arith.select %eq3A_290, %sub3A_170, %jit3A_291 : i32
      %mul3A_293 = arith.constant 128 : i32
      %mul3A_294 = arith.muli %while3A_277, %mul3A_293 : i32
      %sub3A_295 = arith.subi %sub3A_171, %mul3A_294 : i32
      %min3A = arith.constant 128 : i32
      %min3A_296 = arith.minsi %sub3A_295, %min3A : i32
      %while3A_297 = arith.subi %min3A_296, %select_n3A_292 : i32
      %while3A_298 = arith.addi %select_n3A_292, %while3A_297 : i32
      %while3A_299 = arith.constant 1 : i32
      %while3A_300 = arith.divsi %while3A_297, %while3A_299 : i32
      %while3A_301 = arith.muli %while3A_300, %while3A_299 : i32
      %while3A_302 = arith.addi %select_n3A_292, %while3A_301 : i32
      %while3A_303 = arith.constant 1 : i32
      %while3A_304:8 = scf.for %while3A_307 = %select_n3A_292 to %while3A_302 step %while3A_303 iter_args(%while3A_308 = %while3A_278, %while3A_309 = %while3A_279, %while3A_310 = %while3A_280, %while3A_311 = %while3A_281, %while3A_312 = %while3A_282, %while3A_313 = %while3A_283, %while3A_314 = %while3A_284, %while3A_315 = %while3A_285) -> (vector<16xf32>, vector<16xf32>, vector<16xf32>, vector<16xf32>, vector<16xf32>, vector<16xf32>, vector<16xf32>, vector<16xf32>)  : i32 {
        %get3A_316 = arith.index_cast %while3A_307 : i32 to index
        %get3A_317 = arith.constant 0 : index
        %get3A_318 = tpu.vector_load %arg6[%get3A_316, %get3A_317] {strides = array<i32>} : memref<128x128xf32, #tpu.memory_space<vmem>>, vector<1x16xf32>,
        %get3A_319 = vector.shape_cast %get3A_318 : vector<1x16xf32> to vector<16xf32>
        %max3A = arith.maximumf %while3A_308, %get3A_319 : vector<16xf32>
        %get3A_320 = arith.index_cast %while3A_307 : i32 to index
        %get3A_321 = arith.constant 16 : index
        %get3A_322 = tpu.vector_load %arg6[%get3A_320, %get3A_321] {strides = array<i32>} : memref<128x128xf32, #tpu.memory_space<vmem>>, vector<1x16xf32>,
        %get3A_323 = vector.shape_cast %get3A_322 : vector<1x16xf32> to vector<16xf32>
        %max3A_324 = arith.maximumf %while3A_309, %get3A_323 : vector<16xf32>
        %get3A_325 = arith.index_cast %while3A_307 : i32 to index
        %get3A_326 = arith.constant 32 : index
        %get3A_327 = tpu.vector_load %arg6[%get3A_325, %get3A_326] {strides = array<i32>} : memref<128x128xf32, #tpu.memory_space<vmem>>, vector<1x16xf32>,
        %get3A_328 = vector.shape_cast %get3A_327 : vector<1x16xf32> to vector<16xf32>
        %max3A_329 = arith.maximumf %while3A_310, %get3A_328 : vector<16xf32>
        %get3A_330 = arith.index_cast %while3A_307 : i32 to index
        %get3A_331 = arith.constant 48 : index
        %get3A_332 = tpu.vector_load %arg6[%get3A_330, %get3A_331] {strides = array<i32>} : memref<128x128xf32, #tpu.memory_space<vmem>>, vector<1x16xf32>,
        %get3A_333 = vector.shape_cast %get3A_332 : vector<1x16xf32> to vector<16xf32>
        %max3A_334 = arith.maximumf %while3A_311, %get3A_333 : vector<16xf32>
        %get3A_335 = arith.index_cast %while3A_307 : i32 to index
        %get3A_336 = arith.constant 64 : index
        %get3A_337 = tpu.vector_load %arg6[%get3A_335, %get3A_336] {strides = array<i32>} : memref<128x128xf32, #tpu.memory_space<vmem>>, vector<1x16xf32>,
        %get3A_338 = vector.shape_cast %get3A_337 : vector<1x16xf32> to vector<16xf32>
        %max3A_339 = arith.maximumf %while3A_312, %get3A_338 : vector<16xf32>
        %get3A_340 = arith.index_cast %while3A_307 : i32 to index
        %get3A_341 = arith.constant 80 : index
        %get3A_342 = tpu.vector_load %arg6[%get3A_340, %get3A_341] {strides = array<i32>} : memref<128x128xf32, #tpu.memory_space<vmem>>, vector<1x16xf32>,
        %get3A_343 = vector.shape_cast %get3A_342 : vector<1x16xf32> to vector<16xf32>
        %max3A_344 = arith.maximumf %while3A_313, %get3A_343 : vector<16xf32>
        %get3A_345 = arith.index_cast %while3A_307 : i32 to index
        %get3A_346 = arith.constant 96 : index
        %get3A_347 = tpu.vector_load %arg6[%get3A_345, %get3A_346] {strides = array<i32>} : memref<128x128xf32, #tpu.memory_space<vmem>>, vector<1x16xf32>,
        %get3A_348 = vector.shape_cast %get3A_347 : vector<1x16xf32> to vector<16xf32>
        %max3A_349 = arith.maximumf %while3A_314, %get3A_348 : vector<16xf32>
        %get3A_350 = arith.index_cast %while3A_307 : i32 to index
        %get3A_351 = arith.constant 112 : index
        %get3A_352 = tpu.vector_load %arg6[%get3A_350, %get3A_351] {strides = array<i32>} : memref<128x128xf32, #tpu.memory_space<vmem>>, vector<1x16xf32>,
        %get3A_353 = vector.shape_cast %get3A_352 : vector<1x16xf32> to vector<16xf32>
        %max3A_354 = arith.maximumf %while3A_315, %get3A_353 : vector<16xf32>
        scf.yield %max3A, %max3A_324, %max3A_329, %max3A_334, %max3A_339, %max3A_344, %max3A_349, %max3A_354 : vector<16xf32>, vector<16xf32>, vector<16xf32>, vector<16xf32>, vector<16xf32>, vector<16xf32>, vector<16xf32>, vector<16xf32>
      }
      %while3A_305 = arith.constant 1 : i32
      %while3A_306:8 = scf.for %while3A_307 = %while3A_302 to %while3A_298 step %while3A_305 iter_args(%while3A_308 = %while3A_304#0, %while3A_309 = %while3A_304#1, %while3A_310 = %while3A_304#2, %while3A_311 = %while3A_304#3, %while3A_312 = %while3A_304#4, %while3A_313 = %while3A_304#5, %while3A_314 = %while3A_304#6, %while3A_315 = %while3A_304#7) -> (vector<16xf32>, vector<16xf32>, vector<16xf32>, vector<16xf32>, vector<16xf32>, vector<16xf32>, vector<16xf32>, vector<16xf32>)  : i32 {
        %get3A_316 = arith.index_cast %while3A_307 : i32 to index
        %get3A_317 = arith.constant 0 : index
        %get3A_318 = tpu.vector_load %arg6[%get3A_316, %get3A_317] {strides = array<i32>} : memref<128x128xf32, #tpu.memory_space<vmem>>, vector<1x16xf32>,
        %get3A_319 = vector.shape_cast %get3A_318 : vector<1x16xf32> to vector<16xf32>
        %max3A = arith.maximumf %while3A_308, %get3A_319 : vector<16xf32>
        %get3A_320 = arith.index_cast %while3A_307 : i32 to index
        %get3A_321 = arith.constant 16 : index
        %get3A_322 = tpu.vector_load %arg6[%get3A_320, %get3A_321] {strides = array<i32>} : memref<128x128xf32, #tpu.memory_space<vmem>>, vector<1x16xf32>,
        %get3A_323 = vector.shape_cast %get3A_322 : vector<1x16xf32> to vector<16xf32>
        %max3A_324 = arith.maximumf %while3A_309, %get3A_323 : vector<16xf32>
        %get3A_325 = arith.index_cast %while3A_307 : i32 to index
        %get3A_326 = arith.constant 32 : index
        %get3A_327 = tpu.vector_load %arg6[%get3A_325, %get3A_326] {strides = array<i32>} : memref<128x128xf32, #tpu.memory_space<vmem>>, vector<1x16xf32>,
        %get3A_328 = vector.shape_cast %get3A_327 : vector<1x16xf32> to vector<16xf32>
        %max3A_329 = arith.maximumf %while3A_310, %get3A_328 : vector<16xf32>
        %get3A_330 = arith.index_cast %while3A_307 : i32 to index
        %get3A_331 = arith.constant 48 : index
        %get3A_332 = tpu.vector_load %arg6[%get3A_330, %get3A_331] {strides = array<i32>} : memref<128x128xf32, #tpu.memory_space<vmem>>, vector<1x16xf32>,
        %get3A_333 = vector.shape_cast %get3A_332 : vector<1x16xf32> to vector<16xf32>
        %max3A_334 = arith.maximumf %while3A_311, %get3A_333 : vector<16xf32>
        %get3A_335 = arith.index_cast %while3A_307 : i32 to index
        %get3A_336 = arith.constant 64 : index
        %get3A_337 = tpu.vector_load %arg6[%get3A_335, %get3A_336] {strides = array<i32>} : memref<128x128xf32, #tpu.memory_space<vmem>>, vector<1x16xf32>,
        %get3A_338 = vector.shape_cast %get3A_337 : vector<1x16xf32> to vector<16xf32>
        %max3A_339 = arith.maximumf %while3A_312, %get3A_338 : vector<16xf32>
        %get3A_340 = arith.index_cast %while3A_307 : i32 to index
        %get3A_341 = arith.constant 80 : index
        %get3A_342 = tpu.vector_load %arg6[%get3A_340, %get3A_341] {strides = array<i32>} : memref<128x128xf32, #tpu.memory_space<vmem>>, vector<1x16xf32>,
        %get3A_343 = vector.shape_cast %get3A_342 : vector<1x16xf32> to vector<16xf32>
        %max3A_344 = arith.maximumf %while3A_313, %get3A_343 : vector<16xf32>
        %get3A_345 = arith.index_cast %while3A_307 : i32 to index
        %get3A_346 = arith.constant 96 : index
        %get3A_347 = tpu.vector_load %arg6[%get3A_345, %get3A_346] {strides = array<i32>} : memref<128x128xf32, #tpu.memory_space<vmem>>, vector<1x16xf32>,
        %get3A_348 = vector.shape_cast %get3A_347 : vector<1x16xf32> to vector<16xf32>
        %max3A_349 = arith.maximumf %while3A_314, %get3A_348 : vector<16xf32>
        %get3A_350 = arith.index_cast %while3A_307 : i32 to index
        %get3A_351 = arith.constant 112 : index
        %get3A_352 = tpu.vector_load %arg6[%get3A_350, %get3A_351] {strides = array<i32>} : memref<128x128xf32, #tpu.memory_space<vmem>>, vector<1x16xf32>,
        %get3A_353 = vector.shape_cast %get3A_352 : vector<1x16xf32> to vector<16xf32>
        %max3A_354 = arith.maximumf %while3A_315, %get3A_353 : vector<16xf32>
        scf.yield %max3A, %max3A_324, %max3A_329, %max3A_334, %max3A_339, %max3A_344, %max3A_349, %max3A_354 : vector<16xf32>, vector<16xf32>, vector<16xf32>, vector<16xf32>, vector<16xf32>, vector<16xf32>, vector<16xf32>, vector<16xf32>
      }
      scf.yield %while3A_306#0, %while3A_306#1, %while3A_306#2, %while3A_306#3, %while3A_306#4, %while3A_306#5, %while3A_306#6, %while3A_306#7 : vector<16xf32>, vector<16xf32>, vector<16xf32>, vector<16xf32>, vector<16xf32>, vector<16xf32>, vector<16xf32>, vector<16xf32>
    }
    %swap3A_227 = arith.constant 1 : i32
    %swap3A_228 = arith.index_cast %swap3A_227 : i32 to index
    %swap3A_229 = arith.constant 0 : index
    %swap3A_230 = tpu.vector_load %arg7[%swap3A_228, %swap3A_229] {strides = array<i32>} : memref<8x128xf32, #tpu.memory_space<vmem>>, vector<1x16xf32>,
    %swap3A_231 = vector.shape_cast %swap3A_230 : vector<1x16xf32> to vector<16xf32>
    %swap3A_232 = vector.shape_cast %while3A_226#0 : vector<16xf32> to vector<1x16xf32>
    tpu.vector_store %arg7[%swap3A_228, %swap3A_229], %swap3A_232 {strides = array<i32>} : memref<8x128xf32, #tpu.memory_space<vmem>>, vector<1x16xf32>,
    %swap3A_233 = arith.constant 1 : i32
    %swap3A_234 = arith.index_cast %swap3A_233 : i32 to index
    %swap3A_235 = arith.constant 16 : index
    %swap3A_236 = tpu.vector_load %arg7[%swap3A_234, %swap3A_235] {strides = array<i32>} : memref<8x128xf32, #tpu.memory_space<vmem>>, vector<1x16xf32>,
    %swap3A_237 = vector.shape_cast %swap3A_236 : vector<1x16xf32> to vector<16xf32>
    %swap3A_238 = vector.shape_cast %while3A_226#1 : vector<16xf32> to vector<1x16xf32>
    tpu.vector_store %arg7[%swap3A_234, %swap3A_235], %swap3A_238 {strides = array<i32>} : memref<8x128xf32, #tpu.memory_space<vmem>>, vector<1x16xf32>,
    %swap3A_239 = arith.constant 1 : i32
    %swap3A_240 = arith.index_cast %swap3A_239 : i32 to index
    %swap3A_241 = arith.constant 32 : index
    %swap3A_242 = tpu.vector_load %arg7[%swap3A_240, %swap3A_241] {strides = array<i32>} : memref<8x128xf32, #tpu.memory_space<vmem>>, vector<1x16xf32>,
    %swap3A_243 = vector.shape_cast %swap3A_242 : vector<1x16xf32> to vector<16xf32>
    %swap3A_244 = vector.shape_cast %while3A_226#2 : vector<16xf32> to vector<1x16xf32>
    tpu.vector_store %arg7[%swap3A_240, %swap3A_241], %swap3A_244 {strides = array<i32>} : memref<8x128xf32, #tpu.memory_space<vmem>>, vector<1x16xf32>,
    %swap3A_245 = arith.constant 1 : i32
    %swap3A_246 = arith.index_cast %swap3A_245 : i32 to index
    %swap3A_247 = arith.constant 48 : index
    %swap3A_248 = tpu.vector_load %arg7[%swap3A_246, %swap3A_247] {strides = array<i32>} : memref<8x128xf32, #tpu.memory_space<vmem>>, vector<1x16xf32>,
    %swap3A_249 = vector.shape_cast %swap3A_248 : vector<1x16xf32> to vector<16xf32>
    %swap3A_250 = vector.shape_cast %while3A_226#3 : vector<16xf32> to vector<1x16xf32>
    tpu.vector_store %arg7[%swap3A_246, %swap3A_247], %swap3A_250 {strides = array<i32>} : memref<8x128xf32, #tpu.memory_space<vmem>>, vector<1x16xf32>,
    %swap3A_251 = arith.constant 1 : i32
    %swap3A_252 = arith.index_cast %swap3A_251 : i32 to index
    %swap3A_253 = arith.constant 64 : index
    %swap3A_254 = tpu.vector_load %arg7[%swap3A_252, %swap3A_253] {strides = array<i32>} : memref<8x128xf32, #tpu.memory_space<vmem>>, vector<1x16xf32>,
    %swap3A_255 = vector.shape_cast %swap3A_254 : vector<1x16xf32> to vector<16xf32>
    %swap3A_256 = vector.shape_cast %while3A_226#4 : vector<16xf32> to vector<1x16xf32>
    tpu.vector_store %arg7[%swap3A_252, %swap3A_253], %swap3A_256 {strides = array<i32>} : memref<8x128xf32, #tpu.memory_space<vmem>>, vector<1x16xf32>,
    %swap3A_257 = arith.constant 1 : i32
    %swap3A_258 = arith.index_cast %swap3A_257 : i32 to index
    %swap3A_259 = arith.constant 80 : index
    %swap3A_260 = tpu.vector_load %arg7[%swap3A_258, %swap3A_259] {strides = array<i32>} : memref<8x128xf32, #tpu.memory_space<vmem>>, vector<1x16xf32>,
    %swap3A_261 = vector.shape_cast %swap3A_260 : vector<1x16xf32> to vector<16xf32>
    %swap3A_262 = vector.shape_cast %while3A_226#5 : vector<16xf32> to vector<1x16xf32>
    tpu.vector_store %arg7[%swap3A_258, %swap3A_259], %swap3A_262 {strides = array<i32>} : memref<8x128xf32, #tpu.memory_space<vmem>>, vector<1x16xf32>,
    %swap3A_263 = arith.constant 1 : i32
    %swap3A_264 = arith.index_cast %swap3A_263 : i32 to index
    %swap3A_265 = arith.constant 96 : index
    %swap3A_266 = tpu.vector_load %arg7[%swap3A_264, %swap3A_265] {strides = array<i32>} : memref<8x128xf32, #tpu.memory_space<vmem>>, vector<1x16xf32>,
    %swap3A_267 = vector.shape_cast %swap3A_266 : vector<1x16xf32> to vector<16xf32>
    %swap3A_268 = vector.shape_cast %while3A_226#6 : vector<16xf32> to vector<1x16xf32>
    tpu.vector_store %arg7[%swap3A_264, %swap3A_265], %swap3A_268 {strides = array<i32>} : memref<8x128xf32, #tpu.memory_space<vmem>>, vector<1x16xf32>,
    %swap3A_269 = arith.constant 1 : i32
    %swap3A_270 = arith.index_cast %swap3A_269 : i32 to index
    %swap3A_271 = arith.constant 112 : index
    %swap3A_272 = tpu.vector_load %arg7[%swap3A_270, %swap3A_271] {strides = array<i32>} : memref<8x128xf32, #tpu.memory_space<vmem>>, vector<1x16xf32>,
    %swap3A_273 = vector.shape_cast %swap3A_272 : vector<1x16xf32> to vector<16xf32>
    %swap3A_274 = vector.shape_cast %while3A_226#7 : vector<16xf32> to vector<1x16xf32>
    tpu.vector_store %arg7[%swap3A_270, %swap3A_271], %swap3A_274 {strides = array<i32>} : memref<8x128xf32, #tpu.memory_space<vmem>>, vector<1x16xf32>,
    %mul3A_275 = arith.constant 8 : i32
    %mul3A_276 = arith.muli %add3A, %mul3A_275 : i32
    "tpu.region"() ({
      %run_scoped3A = tpu.sem_alloc : memref<!tpu.dma_semaphore, #tpu.memory_space<semaphore_mem>>
      %dma_start3A = arith.constant 0 : i32
      %dma_start3A_277 = tpu.memref_slice %arg4[%mul3A_276, %dma_start3A] : memref<256x128xf32, #tpu.memory_space<hbm>> -> memref<8x128xf32, #tpu.memory_space<hbm>>
      %dma_start3A_278 = arith.constant 0 : i32
      %dma_start3A_279 = tpu.memref_slice %arg4[%mul3A_276, %dma_start3A_278] : memref<256x128xf32, #tpu.memory_space<hbm>> -> memref<8x128xf32, #tpu.memory_space<hbm>>
      tpu.enqueue_dma source(%arg7 : memref<8x128xf32, #tpu.memory_space<vmem>>) target(%dma_start3A_279 : memref<8x128xf32, #tpu.memory_space<hbm>>) target_semaphore(%run_scoped3A : memref<!tpu.dma_semaphore, #tpu.memory_space<semaphore_mem>>)
      %dma_wait3A = arith.constant 0 : i32
      %dma_wait3A_280 = tpu.memref_slice %arg4[%mul3A_276, %dma_wait3A] : memref<256x128xf32, #tpu.memory_space<hbm>> -> memref<8x128xf32, #tpu.memory_space<hbm>>
      %dma_wait3A_281 = arith.constant 0 : i32
      %dma_wait3A_282 = tpu.memref_slice %arg4[%mul3A_276, %dma_wait3A_281] : memref<256x128xf32, #tpu.memory_space<hbm>> -> memref<8x128xf32, #tpu.memory_space<hbm>>
      tpu.wait_dma2 semaphore(%run_scoped3A : memref<!tpu.dma_semaphore, #tpu.memory_space<semaphore_mem>>) src(%arg7 : memref<8x128xf32, #tpu.memory_space<vmem>>) dst(%dma_wait3A_282 : memref<8x128xf32, #tpu.memory_space<hbm>>)
      tpu.yield
    }) : () -> ()
    return
  }
}

#map = affine_map<(d0, d1) -> (0, 0)>
#map1 = affine_map<(d0, d1) -> (0, 0, 0)>
module attributes {stable_mosaic.version = 14 : i64} {
  func.func @_scatter_kernel(%arg0: i32, %arg1: i32, %arg2: memref<10240x128xf32, #tpu.memory_space<hbm>>, %arg3: memref<2560x128xi32, #tpu.memory_space<hbm>>, %arg4: memref<2560x128xi32, #tpu.memory_space<hbm>>, %arg5: memref<2x10240x128xf32, #tpu.memory_space<hbm>>, %arg6: memref<40x128xi32, #tpu.memory_space<vmem>>, %arg7: memref<40x128xi32, #tpu.memory_space<vmem>>, %arg8: memref<128x128xf32, #tpu.memory_space<vmem>>, %arg9: memref<128x128xf32, #tpu.memory_space<vmem>>, %arg10: memref<10240x128xf32, #tpu.memory_space<vmem_shared>>, %arg11: memref<!tpu.dma_semaphore, #tpu.memory_space<semaphore_mem>>, %arg12: memref<!tpu.dma_semaphore, #tpu.memory_space<semaphore_mem>>) attributes {dimension_semantics = [#tpu.dimension_semantics<core_parallel>, #tpu.dimension_semantics<subcore_parallel>], iteration_bounds = array<i64: 2, 16>, scalar_prefetch = 0 : i64, scratch_operands = 7 : i64, tpu.core_type = #tpu.core_type<sc_vector_subcore>, window_params = [{transform_indices = #map}, {transform_indices = #map}, {transform_indices = #map}, {transform_indices = #map1}]} {
    %mul3A = arith.constant 16 : i32
    %mul3A_0 = arith.muli %arg0, %mul3A : i32
    %add3A = arith.addi %mul3A_0, %arg1 : i32
    %scan3A = arith.constant 0 : i32
    %scan3A_1 = arith.constant 0 : i32
    %scan3A_2 = arith.constant 128 : i32
    %scan3A_3 = arith.addi %scan3A_1, %scan3A_2 : i32
    %scan3A_4 = arith.constant 1 : i32
    %scan3A_5 = scf.for %scan3A_69 = %scan3A_1 to %scan3A_3 step %scan3A_4 iter_args(%scan3A_70 = %scan3A) -> (i32)  : i32 {
      %broadcast_in_dim3A = arith.constant 0.000000e+00 : f32
      %broadcast_in_dim3A_71 = vector.broadcast %broadcast_in_dim3A : f32 to vector<16xf32>
      %swap3A = arith.index_cast %scan3A_69 : i32 to index
      %swap3A_72 = arith.constant 0 : index
      %swap3A_73 = tpu.vector_load %arg8[%swap3A, %swap3A_72] {strides = array<i32>} : memref<128x128xf32, #tpu.memory_space<vmem>>, vector<1x16xf32>,
      %swap3A_74 = vector.shape_cast %swap3A_73 : vector<1x16xf32> to vector<16xf32>
      %swap3A_75 = vector.shape_cast %broadcast_in_dim3A_71 : vector<16xf32> to vector<1x16xf32>
      tpu.vector_store %arg8[%swap3A, %swap3A_72], %swap3A_75 {strides = array<i32>} : memref<128x128xf32, #tpu.memory_space<vmem>>, vector<1x16xf32>,
      %broadcast_in_dim3A_76 = arith.constant 0.000000e+00 : f32
      %broadcast_in_dim3A_77 = vector.broadcast %broadcast_in_dim3A_76 : f32 to vector<16xf32>
      %swap3A_78 = arith.index_cast %scan3A_69 : i32 to index
      %swap3A_79 = arith.constant 16 : index
      %swap3A_80 = tpu.vector_load %arg8[%swap3A_78, %swap3A_79] {strides = array<i32>} : memref<128x128xf32, #tpu.memory_space<vmem>>, vector<1x16xf32>,
      %swap3A_81 = vector.shape_cast %swap3A_80 : vector<1x16xf32> to vector<16xf32>
      %swap3A_82 = vector.shape_cast %broadcast_in_dim3A_77 : vector<16xf32> to vector<1x16xf32>
      tpu.vector_store %arg8[%swap3A_78, %swap3A_79], %swap3A_82 {strides = array<i32>} : memref<128x128xf32, #tpu.memory_space<vmem>>, vector<1x16xf32>,
      %broadcast_in_dim3A_83 = arith.constant 0.000000e+00 : f32
      %broadcast_in_dim3A_84 = vector.broadcast %broadcast_in_dim3A_83 : f32 to vector<16xf32>
      %swap3A_85 = arith.index_cast %scan3A_69 : i32 to index
      %swap3A_86 = arith.constant 32 : index
      %swap3A_87 = tpu.vector_load %arg8[%swap3A_85, %swap3A_86] {strides = array<i32>} : memref<128x128xf32, #tpu.memory_space<vmem>>, vector<1x16xf32>,
      %swap3A_88 = vector.shape_cast %swap3A_87 : vector<1x16xf32> to vector<16xf32>
      %swap3A_89 = vector.shape_cast %broadcast_in_dim3A_84 : vector<16xf32> to vector<1x16xf32>
      tpu.vector_store %arg8[%swap3A_85, %swap3A_86], %swap3A_89 {strides = array<i32>} : memref<128x128xf32, #tpu.memory_space<vmem>>, vector<1x16xf32>,
      %broadcast_in_dim3A_90 = arith.constant 0.000000e+00 : f32
      %broadcast_in_dim3A_91 = vector.broadcast %broadcast_in_dim3A_90 : f32 to vector<16xf32>
      %swap3A_92 = arith.index_cast %scan3A_69 : i32 to index
      %swap3A_93 = arith.constant 48 : index
      %swap3A_94 = tpu.vector_load %arg8[%swap3A_92, %swap3A_93] {strides = array<i32>} : memref<128x128xf32, #tpu.memory_space<vmem>>, vector<1x16xf32>,
      %swap3A_95 = vector.shape_cast %swap3A_94 : vector<1x16xf32> to vector<16xf32>
      %swap3A_96 = vector.shape_cast %broadcast_in_dim3A_91 : vector<16xf32> to vector<1x16xf32>
      tpu.vector_store %arg8[%swap3A_92, %swap3A_93], %swap3A_96 {strides = array<i32>} : memref<128x128xf32, #tpu.memory_space<vmem>>, vector<1x16xf32>,
      %broadcast_in_dim3A_97 = arith.constant 0.000000e+00 : f32
      %broadcast_in_dim3A_98 = vector.broadcast %broadcast_in_dim3A_97 : f32 to vector<16xf32>
      %swap3A_99 = arith.index_cast %scan3A_69 : i32 to index
      %swap3A_100 = arith.constant 64 : index
      %swap3A_101 = tpu.vector_load %arg8[%swap3A_99, %swap3A_100] {strides = array<i32>} : memref<128x128xf32, #tpu.memory_space<vmem>>, vector<1x16xf32>,
      %swap3A_102 = vector.shape_cast %swap3A_101 : vector<1x16xf32> to vector<16xf32>
      %swap3A_103 = vector.shape_cast %broadcast_in_dim3A_98 : vector<16xf32> to vector<1x16xf32>
      tpu.vector_store %arg8[%swap3A_99, %swap3A_100], %swap3A_103 {strides = array<i32>} : memref<128x128xf32, #tpu.memory_space<vmem>>, vector<1x16xf32>,
      %broadcast_in_dim3A_104 = arith.constant 0.000000e+00 : f32
      %broadcast_in_dim3A_105 = vector.broadcast %broadcast_in_dim3A_104 : f32 to vector<16xf32>
      %swap3A_106 = arith.index_cast %scan3A_69 : i32 to index
      %swap3A_107 = arith.constant 80 : index
      %swap3A_108 = tpu.vector_load %arg8[%swap3A_106, %swap3A_107] {strides = array<i32>} : memref<128x128xf32, #tpu.memory_space<vmem>>, vector<1x16xf32>,
      %swap3A_109 = vector.shape_cast %swap3A_108 : vector<1x16xf32> to vector<16xf32>
      %swap3A_110 = vector.shape_cast %broadcast_in_dim3A_105 : vector<16xf32> to vector<1x16xf32>
      tpu.vector_store %arg8[%swap3A_106, %swap3A_107], %swap3A_110 {strides = array<i32>} : memref<128x128xf32, #tpu.memory_space<vmem>>, vector<1x16xf32>,
      %broadcast_in_dim3A_111 = arith.constant 0.000000e+00 : f32
      %broadcast_in_dim3A_112 = vector.broadcast %broadcast_in_dim3A_111 : f32 to vector<16xf32>
      %swap3A_113 = arith.index_cast %scan3A_69 : i32 to index
      %swap3A_114 = arith.constant 96 : index
      %swap3A_115 = tpu.vector_load %arg8[%swap3A_113, %swap3A_114] {strides = array<i32>} : memref<128x128xf32, #tpu.memory_space<vmem>>, vector<1x16xf32>,
      %swap3A_116 = vector.shape_cast %swap3A_115 : vector<1x16xf32> to vector<16xf32>
      %swap3A_117 = vector.shape_cast %broadcast_in_dim3A_112 : vector<16xf32> to vector<1x16xf32>
      tpu.vector_store %arg8[%swap3A_113, %swap3A_114], %swap3A_117 {strides = array<i32>} : memref<128x128xf32, #tpu.memory_space<vmem>>, vector<1x16xf32>,
      %broadcast_in_dim3A_118 = arith.constant 0.000000e+00 : f32
      %broadcast_in_dim3A_119 = vector.broadcast %broadcast_in_dim3A_118 : f32 to vector<16xf32>
      %swap3A_120 = arith.index_cast %scan3A_69 : i32 to index
      %swap3A_121 = arith.constant 112 : index
      %swap3A_122 = tpu.vector_load %arg8[%swap3A_120, %swap3A_121] {strides = array<i32>} : memref<128x128xf32, #tpu.memory_space<vmem>>, vector<1x16xf32>,
      %swap3A_123 = vector.shape_cast %swap3A_122 : vector<1x16xf32> to vector<16xf32>
      %swap3A_124 = vector.shape_cast %broadcast_in_dim3A_119 : vector<16xf32> to vector<1x16xf32>
      tpu.vector_store %arg8[%swap3A_120, %swap3A_121], %swap3A_124 {strides = array<i32>} : memref<128x128xf32, #tpu.memory_space<vmem>>, vector<1x16xf32>,
      %scan3A_125 = arith.constant 0 : i32
      scf.yield %scan3A_125 : i32
    }
    %scan3A_6 = arith.constant 128 : i32
    %mul3A_7 = arith.constant 640 : i32
    %mul3A_8 = arith.muli %arg1, %mul3A_7 : i32
    %add3A_9 = arith.constant 0 : i32
    %add3A_10 = arith.addi %mul3A_8, %add3A_9 : i32
    "tpu.region"() ({
      %run_scoped3A = tpu.sem_alloc : memref<!tpu.dma_semaphore, #tpu.memory_space<semaphore_mem>>
      %dma_start3A_69 = arith.constant 0 : i32
      %dma_start3A_70 = tpu.memref_slice %arg10[%add3A_10, %dma_start3A_69] : memref<10240x128xf32, #tpu.memory_space<vmem_shared>> -> memref<128x128xf32, #tpu.memory_space<vmem_shared>>
      %dma_start3A_71 = arith.constant 0 : i32
      %dma_start3A_72 = tpu.memref_slice %arg10[%add3A_10, %dma_start3A_71] : memref<10240x128xf32, #tpu.memory_space<vmem_shared>> -> memref<128x128xf32, #tpu.memory_space<vmem_shared>>
      tpu.enqueue_dma source(%arg8 : memref<128x128xf32, #tpu.memory_space<vmem>>) target(%dma_start3A_72 : memref<128x128xf32, #tpu.memory_space<vmem_shared>>) target_semaphore(%run_scoped3A : memref<!tpu.dma_semaphore, #tpu.memory_space<semaphore_mem>>)
      %dma_wait3A = arith.constant 0 : i32
      %dma_wait3A_73 = tpu.memref_slice %arg10[%add3A_10, %dma_wait3A] : memref<10240x128xf32, #tpu.memory_space<vmem_shared>> -> memref<128x128xf32, #tpu.memory_space<vmem_shared>>
      %dma_wait3A_74 = arith.constant 0 : i32
      %dma_wait3A_75 = tpu.memref_slice %arg10[%add3A_10, %dma_wait3A_74] : memref<10240x128xf32, #tpu.memory_space<vmem_shared>> -> memref<128x128xf32, #tpu.memory_space<vmem_shared>>
      tpu.wait_dma2 semaphore(%run_scoped3A : memref<!tpu.dma_semaphore, #tpu.memory_space<semaphore_mem>>) src(%arg8 : memref<128x128xf32, #tpu.memory_space<vmem>>) dst(%dma_wait3A_75 : memref<128x128xf32, #tpu.memory_space<vmem_shared>>)
      tpu.yield
    }) : () -> ()
    %add3A_11 = arith.constant 128 : i32
    %add3A_12 = arith.addi %mul3A_8, %add3A_11 : i32
    "tpu.region"() ({
      %run_scoped3A = tpu.sem_alloc : memref<!tpu.dma_semaphore, #tpu.memory_space<semaphore_mem>>
      %dma_start3A_69 = arith.constant 0 : i32
      %dma_start3A_70 = tpu.memref_slice %arg10[%add3A_12, %dma_start3A_69] : memref<10240x128xf32, #tpu.memory_space<vmem_shared>> -> memref<128x128xf32, #tpu.memory_space<vmem_shared>>
      %dma_start3A_71 = arith.constant 0 : i32
      %dma_start3A_72 = tpu.memref_slice %arg10[%add3A_12, %dma_start3A_71] : memref<10240x128xf32, #tpu.memory_space<vmem_shared>> -> memref<128x128xf32, #tpu.memory_space<vmem_shared>>
      tpu.enqueue_dma source(%arg8 : memref<128x128xf32, #tpu.memory_space<vmem>>) target(%dma_start3A_72 : memref<128x128xf32, #tpu.memory_space<vmem_shared>>) target_semaphore(%run_scoped3A : memref<!tpu.dma_semaphore, #tpu.memory_space<semaphore_mem>>)
      %dma_wait3A = arith.constant 0 : i32
      %dma_wait3A_73 = tpu.memref_slice %arg10[%add3A_12, %dma_wait3A] : memref<10240x128xf32, #tpu.memory_space<vmem_shared>> -> memref<128x128xf32, #tpu.memory_space<vmem_shared>>
      %dma_wait3A_74 = arith.constant 0 : i32
      %dma_wait3A_75 = tpu.memref_slice %arg10[%add3A_12, %dma_wait3A_74] : memref<10240x128xf32, #tpu.memory_space<vmem_shared>> -> memref<128x128xf32, #tpu.memory_space<vmem_shared>>
      tpu.wait_dma2 semaphore(%run_scoped3A : memref<!tpu.dma_semaphore, #tpu.memory_space<semaphore_mem>>) src(%arg8 : memref<128x128xf32, #tpu.memory_space<vmem>>) dst(%dma_wait3A_75 : memref<128x128xf32, #tpu.memory_space<vmem_shared>>)
      tpu.yield
    }) : () -> ()
    %add3A_13 = arith.constant 256 : i32
    %add3A_14 = arith.addi %mul3A_8, %add3A_13 : i32
    "tpu.region"() ({
      %run_scoped3A = tpu.sem_alloc : memref<!tpu.dma_semaphore, #tpu.memory_space<semaphore_mem>>
      %dma_start3A_69 = arith.constant 0 : i32
      %dma_start3A_70 = tpu.memref_slice %arg10[%add3A_14, %dma_start3A_69] : memref<10240x128xf32, #tpu.memory_space<vmem_shared>> -> memref<128x128xf32, #tpu.memory_space<vmem_shared>>
      %dma_start3A_71 = arith.constant 0 : i32
      %dma_start3A_72 = tpu.memref_slice %arg10[%add3A_14, %dma_start3A_71] : memref<10240x128xf32, #tpu.memory_space<vmem_shared>> -> memref<128x128xf32, #tpu.memory_space<vmem_shared>>
      tpu.enqueue_dma source(%arg8 : memref<128x128xf32, #tpu.memory_space<vmem>>) target(%dma_start3A_72 : memref<128x128xf32, #tpu.memory_space<vmem_shared>>) target_semaphore(%run_scoped3A : memref<!tpu.dma_semaphore, #tpu.memory_space<semaphore_mem>>)
      %dma_wait3A = arith.constant 0 : i32
      %dma_wait3A_73 = tpu.memref_slice %arg10[%add3A_14, %dma_wait3A] : memref<10240x128xf32, #tpu.memory_space<vmem_shared>> -> memref<128x128xf32, #tpu.memory_space<vmem_shared>>
      %dma_wait3A_74 = arith.constant 0 : i32
      %dma_wait3A_75 = tpu.memref_slice %arg10[%add3A_14, %dma_wait3A_74] : memref<10240x128xf32, #tpu.memory_space<vmem_shared>> -> memref<128x128xf32, #tpu.memory_space<vmem_shared>>
      tpu.wait_dma2 semaphore(%run_scoped3A : memref<!tpu.dma_semaphore, #tpu.memory_space<semaphore_mem>>) src(%arg8 : memref<128x128xf32, #tpu.memory_space<vmem>>) dst(%dma_wait3A_75 : memref<128x128xf32, #tpu.memory_space<vmem_shared>>)
      tpu.yield
    }) : () -> ()
    %add3A_15 = arith.constant 384 : i32
    %add3A_16 = arith.addi %mul3A_8, %add3A_15 : i32
    "tpu.region"() ({
      %run_scoped3A = tpu.sem_alloc : memref<!tpu.dma_semaphore, #tpu.memory_space<semaphore_mem>>
      %dma_start3A_69 = arith.constant 0 : i32
      %dma_start3A_70 = tpu.memref_slice %arg10[%add3A_16, %dma_start3A_69] : memref<10240x128xf32, #tpu.memory_space<vmem_shared>> -> memref<128x128xf32, #tpu.memory_space<vmem_shared>>
      %dma_start3A_71 = arith.constant 0 : i32
      %dma_start3A_72 = tpu.memref_slice %arg10[%add3A_16, %dma_start3A_71] : memref<10240x128xf32, #tpu.memory_space<vmem_shared>> -> memref<128x128xf32, #tpu.memory_space<vmem_shared>>
      tpu.enqueue_dma source(%arg8 : memref<128x128xf32, #tpu.memory_space<vmem>>) target(%dma_start3A_72 : memref<128x128xf32, #tpu.memory_space<vmem_shared>>) target_semaphore(%run_scoped3A : memref<!tpu.dma_semaphore, #tpu.memory_space<semaphore_mem>>)
      %dma_wait3A = arith.constant 0 : i32
      %dma_wait3A_73 = tpu.memref_slice %arg10[%add3A_16, %dma_wait3A] : memref<10240x128xf32, #tpu.memory_space<vmem_shared>> -> memref<128x128xf32, #tpu.memory_space<vmem_shared>>
      %dma_wait3A_74 = arith.constant 0 : i32
      %dma_wait3A_75 = tpu.memref_slice %arg10[%add3A_16, %dma_wait3A_74] : memref<10240x128xf32, #tpu.memory_space<vmem_shared>> -> memref<128x128xf32, #tpu.memory_space<vmem_shared>>
      tpu.wait_dma2 semaphore(%run_scoped3A : memref<!tpu.dma_semaphore, #tpu.memory_space<semaphore_mem>>) src(%arg8 : memref<128x128xf32, #tpu.memory_space<vmem>>) dst(%dma_wait3A_75 : memref<128x128xf32, #tpu.memory_space<vmem_shared>>)
      tpu.yield
    }) : () -> ()
    %add3A_17 = arith.constant 512 : i32
    %add3A_18 = arith.addi %mul3A_8, %add3A_17 : i32
    "tpu.region"() ({
      %run_scoped3A = tpu.sem_alloc : memref<!tpu.dma_semaphore, #tpu.memory_space<semaphore_mem>>
      %dma_start3A_69 = arith.constant 0 : i32
      %dma_start3A_70 = tpu.memref_slice %arg10[%add3A_18, %dma_start3A_69] : memref<10240x128xf32, #tpu.memory_space<vmem_shared>> -> memref<128x128xf32, #tpu.memory_space<vmem_shared>>
      %dma_start3A_71 = arith.constant 0 : i32
      %dma_start3A_72 = tpu.memref_slice %arg10[%add3A_18, %dma_start3A_71] : memref<10240x128xf32, #tpu.memory_space<vmem_shared>> -> memref<128x128xf32, #tpu.memory_space<vmem_shared>>
      tpu.enqueue_dma source(%arg8 : memref<128x128xf32, #tpu.memory_space<vmem>>) target(%dma_start3A_72 : memref<128x128xf32, #tpu.memory_space<vmem_shared>>) target_semaphore(%run_scoped3A : memref<!tpu.dma_semaphore, #tpu.memory_space<semaphore_mem>>)
      %dma_wait3A = arith.constant 0 : i32
      %dma_wait3A_73 = tpu.memref_slice %arg10[%add3A_18, %dma_wait3A] : memref<10240x128xf32, #tpu.memory_space<vmem_shared>> -> memref<128x128xf32, #tpu.memory_space<vmem_shared>>
      %dma_wait3A_74 = arith.constant 0 : i32
      %dma_wait3A_75 = tpu.memref_slice %arg10[%add3A_18, %dma_wait3A_74] : memref<10240x128xf32, #tpu.memory_space<vmem_shared>> -> memref<128x128xf32, #tpu.memory_space<vmem_shared>>
      tpu.wait_dma2 semaphore(%run_scoped3A : memref<!tpu.dma_semaphore, #tpu.memory_space<semaphore_mem>>) src(%arg8 : memref<128x128xf32, #tpu.memory_space<vmem>>) dst(%dma_wait3A_75 : memref<128x128xf32, #tpu.memory_space<vmem_shared>>)
      tpu.yield
    }) : () -> ()
    %barrier3A = arith.constant 0 : index
    tpu.barrier barrier_id(%barrier3A)
    %mul3A_19 = arith.constant 80 : i32
    %mul3A_20 = arith.muli %add3A, %mul3A_19 : i32
    %add3A_21 = arith.constant 0 : i32
    %add3A_22 = arith.addi %mul3A_20, %add3A_21 : i32
    "tpu.region"() ({
      %run_scoped3A = tpu.sem_alloc : memref<!tpu.dma_semaphore, #tpu.memory_space<semaphore_mem>>
      %dma_start3A_69 = arith.constant 0 : i32
      %dma_start3A_70 = tpu.memref_slice %arg3[%add3A_22, %dma_start3A_69] : memref<2560x128xi32, #tpu.memory_space<hbm>> -> memref<40x128xi32, #tpu.memory_space<hbm>>
      %dma_start3A_71 = arith.constant 0 : i32
      %dma_start3A_72 = tpu.memref_slice %arg3[%add3A_22, %dma_start3A_71] : memref<2560x128xi32, #tpu.memory_space<hbm>> -> memref<40x128xi32, #tpu.memory_space<hbm>>
      tpu.enqueue_dma source(%dma_start3A_72 : memref<40x128xi32, #tpu.memory_space<hbm>>) target(%arg6 : memref<40x128xi32, #tpu.memory_space<vmem>>) target_semaphore(%run_scoped3A : memref<!tpu.dma_semaphore, #tpu.memory_space<semaphore_mem>>)
      %dma_wait3A = arith.constant 0 : i32
      %dma_wait3A_73 = tpu.memref_slice %arg3[%add3A_22, %dma_wait3A] : memref<2560x128xi32, #tpu.memory_space<hbm>> -> memref<40x128xi32, #tpu.memory_space<hbm>>
      %dma_wait3A_74 = arith.constant 0 : i32
      %dma_wait3A_75 = tpu.memref_slice %arg3[%add3A_22, %dma_wait3A_74] : memref<2560x128xi32, #tpu.memory_space<hbm>> -> memref<40x128xi32, #tpu.memory_space<hbm>>
      tpu.wait_dma2 semaphore(%run_scoped3A : memref<!tpu.dma_semaphore, #tpu.memory_space<semaphore_mem>>) src(%dma_wait3A_75 : memref<40x128xi32, #tpu.memory_space<hbm>>) dst(%arg6 : memref<40x128xi32, #tpu.memory_space<vmem>>)
      tpu.yield
    }) : () -> ()
    "tpu.region"() ({
      %run_scoped3A = tpu.sem_alloc : memref<!tpu.dma_semaphore, #tpu.memory_space<semaphore_mem>>
      %dma_start3A_69 = arith.constant 0 : i32
      %dma_start3A_70 = tpu.memref_slice %arg4[%add3A_22, %dma_start3A_69] : memref<2560x128xi32, #tpu.memory_space<hbm>> -> memref<40x128xi32, #tpu.memory_space<hbm>>
      %dma_start3A_71 = arith.constant 0 : i32
      %dma_start3A_72 = tpu.memref_slice %arg4[%add3A_22, %dma_start3A_71] : memref<2560x128xi32, #tpu.memory_space<hbm>> -> memref<40x128xi32, #tpu.memory_space<hbm>>
      tpu.enqueue_dma source(%dma_start3A_72 : memref<40x128xi32, #tpu.memory_space<hbm>>) target(%arg7 : memref<40x128xi32, #tpu.memory_space<vmem>>) target_semaphore(%run_scoped3A : memref<!tpu.dma_semaphore, #tpu.memory_space<semaphore_mem>>)
      %dma_wait3A = arith.constant 0 : i32
      %dma_wait3A_73 = tpu.memref_slice %arg4[%add3A_22, %dma_wait3A] : memref<2560x128xi32, #tpu.memory_space<hbm>> -> memref<40x128xi32, #tpu.memory_space<hbm>>
      %dma_wait3A_74 = arith.constant 0 : i32
      %dma_wait3A_75 = tpu.memref_slice %arg4[%add3A_22, %dma_wait3A_74] : memref<2560x128xi32, #tpu.memory_space<hbm>> -> memref<40x128xi32, #tpu.memory_space<hbm>>
      tpu.wait_dma2 semaphore(%run_scoped3A : memref<!tpu.dma_semaphore, #tpu.memory_space<semaphore_mem>>) src(%dma_wait3A_75 : memref<40x128xi32, #tpu.memory_space<hbm>>) dst(%arg7 : memref<40x128xi32, #tpu.memory_space<vmem>>)
      tpu.yield
    }) : () -> ()
    %dma_start3A = arith.constant 0 : i32
    %dma_start3A_23 = arith.constant 0 : i32
    %dma_start3A_24 = tpu.memref_slice %arg6[%dma_start3A, %dma_start3A_23] : memref<40x128xi32, #tpu.memory_space<vmem>> -> memref<1x128xi32, #tpu.memory_space<vmem>>
    %dma_start3A_25 = tpu.memref_squeeze %dma_start3A_24 : memref<1x128xi32, #tpu.memory_space<vmem>> -> memref<128xi32, #tpu.memory_space<vmem>>
    %dma_start3A_26 = arith.constant 0 : i32
    %dma_start3A_27 = arith.constant 0 : i32
    %dma_start3A_28 = tpu.memref_slice %arg2[%dma_start3A_26, %dma_start3A_27] : memref<10240x128xf32, #tpu.memory_space<hbm>> -> memref<10240x128xf32, #tpu.memory_space<hbm>>
    tpu.enqueue_indirect_dma source(%dma_start3A_28 : memref<10240x128xf32, #tpu.memory_space<hbm>>) target(%arg8 : memref<128x128xf32, #tpu.memory_space<vmem>>) offsets(%dma_start3A_25 : memref<128xi32, #tpu.memory_space<vmem>>) semaphore(%arg11 : memref<!tpu.dma_semaphore, #tpu.memory_space<semaphore_mem>>)
    %dma_start3A_29 = arith.constant 1 : i32
    %dma_start3A_30 = arith.constant 0 : i32
    %dma_start3A_31 = tpu.memref_slice %arg6[%dma_start3A_29, %dma_start3A_30] : memref<40x128xi32, #tpu.memory_space<vmem>> -> memref<1x128xi32, #tpu.memory_space<vmem>>
    %dma_start3A_32 = tpu.memref_squeeze %dma_start3A_31 : memref<1x128xi32, #tpu.memory_space<vmem>> -> memref<128xi32, #tpu.memory_space<vmem>>
    %dma_start3A_33 = arith.constant 0 : i32
    %dma_start3A_34 = arith.constant 0 : i32
    %dma_start3A_35 = tpu.memref_slice %arg2[%dma_start3A_33, %dma_start3A_34] : memref<10240x128xf32, #tpu.memory_space<hbm>> -> memref<10240x128xf32, #tpu.memory_space<hbm>>
    tpu.enqueue_indirect_dma source(%dma_start3A_35 : memref<10240x128xf32, #tpu.memory_space<hbm>>) target(%arg9 : memref<128x128xf32, #tpu.memory_space<vmem>>) offsets(%dma_start3A_32 : memref<128xi32, #tpu.memory_space<vmem>>) semaphore(%arg12 : memref<!tpu.dma_semaphore, #tpu.memory_space<semaphore_mem>>)
    %scan3A_36 = arith.constant 0 : i32
    %scan3A_37 = arith.constant 0 : i32
    %scan3A_38 = arith.constant 20 : i32
    %scan3A_39 = arith.addi %scan3A_37, %scan3A_38 : i32
    %scan3A_40 = arith.constant 1 : i32
    %scan3A_41 = scf.for %scan3A_69 = %scan3A_37 to %scan3A_39 step %scan3A_40 iter_args(%scan3A_70 = %scan3A_36) -> (i32)  : i32 {
      %mul3A_71 = arith.constant 2 : i32
      %mul3A_72 = arith.muli %scan3A_69, %mul3A_71 : i32
      %add3A_73 = arith.constant 0 : i32
      %add3A_74 = arith.addi %mul3A_72, %add3A_73 : i32
      %dma_wait3A = arith.constant 0 : i32
      %dma_wait3A_75 = arith.constant 0 : i32
      %dma_wait3A_76 = tpu.memref_slice %arg2[%dma_wait3A, %dma_wait3A_75] : memref<10240x128xf32, #tpu.memory_space<hbm>> -> memref<128x128xf32, #tpu.memory_space<hbm>>
      %dma_wait3A_77 = arith.constant 0 : i32
      %dma_wait3A_78 = arith.constant 0 : i32
      %dma_wait3A_79 = tpu.memref_slice %arg2[%dma_wait3A_77, %dma_wait3A_78] : memref<10240x128xf32, #tpu.memory_space<hbm>> -> memref<128x128xf32, #tpu.memory_space<hbm>>
      tpu.wait_dma2 semaphore(%arg11 : memref<!tpu.dma_semaphore, #tpu.memory_space<semaphore_mem>>) src(%dma_wait3A_79 : memref<128x128xf32, #tpu.memory_space<hbm>>) dst(%arg8 : memref<128x128xf32, #tpu.memory_space<vmem>>)
      "tpu.region"() ({
        %run_scoped3A = tpu.sem_alloc : memref<!tpu.dma_semaphore, #tpu.memory_space<semaphore_mem>>
        %dma_start3A_102 = arith.constant 0 : i32
        %dma_start3A_103 = tpu.memref_slice %arg7[%add3A_74, %dma_start3A_102] : memref<40x128xi32, #tpu.memory_space<vmem>> -> memref<1x128xi32, #tpu.memory_space<vmem>>
        %dma_start3A_104 = tpu.memref_squeeze %dma_start3A_103 : memref<1x128xi32, #tpu.memory_space<vmem>> -> memref<128xi32, #tpu.memory_space<vmem>>
        %dma_start3A_105 = arith.constant 0 : i32
        %dma_start3A_106 = arith.constant 0 : i32
        %dma_start3A_107 = tpu.memref_slice %arg10[%dma_start3A_105, %dma_start3A_106] : memref<10240x128xf32, #tpu.memory_space<vmem_shared>> -> memref<10240x128xf32, #tpu.memory_space<vmem_shared>>
        tpu.enqueue_indirect_dma source(%arg8 : memref<128x128xf32, #tpu.memory_space<vmem>>) target(%dma_start3A_107 : memref<10240x128xf32, #tpu.memory_space<vmem_shared>>) offsets(%dma_start3A_104 : memref<128xi32, #tpu.memory_space<vmem>>) semaphore(%run_scoped3A : memref<!tpu.dma_semaphore, #tpu.memory_space<semaphore_mem>>) {add = true}
        %dma_wait3A_108 = arith.constant 0 : i32
        %dma_wait3A_109 = tpu.memref_slice %arg7[%add3A_74, %dma_wait3A_108] : memref<40x128xi32, #tpu.memory_space<vmem>> -> memref<1x128xi32, #tpu.memory_space<vmem>>
        %dma_wait3A_110 = tpu.memref_squeeze %dma_wait3A_109 : memref<1x128xi32, #tpu.memory_space<vmem>> -> memref<128xi32, #tpu.memory_space<vmem>>
        %dma_wait3A_111 = arith.constant 0 : i32
        %dma_wait3A_112 = arith.constant 0 : i32
        %dma_wait3A_113 = tpu.memref_slice %arg10[%dma_wait3A_111, %dma_wait3A_112] : memref<10240x128xf32, #tpu.memory_space<vmem_shared>> -> memref<10240x128xf32, #tpu.memory_space<vmem_shared>>
        tpu.wait_indirect_dma semaphore(%run_scoped3A : memref<!tpu.dma_semaphore, #tpu.memory_space<semaphore_mem>>) src(%arg8 : memref<128x128xf32, #tpu.memory_space<vmem>>) dst(%dma_wait3A_113 : memref<10240x128xf32, #tpu.memory_space<vmem_shared>>)
        tpu.yield
      }) : () -> ()
      %add3A_80 = arith.constant 2 : i32
      %add3A_81 = arith.addi %add3A_74, %add3A_80 : i32
      %lt3A = arith.constant 40 : i32
      %lt3A_82 = arith.cmpi slt, %add3A_81, %lt3A : i32
      %convert_element_type3A = arith.extui %lt3A_82 : i1 to i32
      %cond3A = arith.constant 0 : i32
      %cond3A_83 = arith.cmpi ne, %convert_element_type3A, %cond3A : i32
      scf.if %cond3A_83 {
        %add3A_102 = arith.constant 2 : i32
        %add3A_103 = arith.addi %add3A_74, %add3A_102 : i32
        %dma_start3A_104 = arith.constant 0 : i32
        %dma_start3A_105 = tpu.memref_slice %arg6[%add3A_103, %dma_start3A_104] : memref<40x128xi32, #tpu.memory_space<vmem>> -> memref<1x128xi32, #tpu.memory_space<vmem>>
        %dma_start3A_106 = tpu.memref_squeeze %dma_start3A_105 : memref<1x128xi32, #tpu.memory_space<vmem>> -> memref<128xi32, #tpu.memory_space<vmem>>
        %dma_start3A_107 = arith.constant 0 : i32
        %dma_start3A_108 = arith.constant 0 : i32
        %dma_start3A_109 = tpu.memref_slice %arg2[%dma_start3A_107, %dma_start3A_108] : memref<10240x128xf32, #tpu.memory_space<hbm>> -> memref<10240x128xf32, #tpu.memory_space<hbm>>
        tpu.enqueue_indirect_dma source(%dma_start3A_109 : memref<10240x128xf32, #tpu.memory_space<hbm>>) target(%arg8 : memref<128x128xf32, #tpu.memory_space<vmem>>) offsets(%dma_start3A_106 : memref<128xi32, #tpu.memory_space<vmem>>) semaphore(%arg11 : memref<!tpu.dma_semaphore, #tpu.memory_space<semaphore_mem>>)
      } else {
      }
      %mul3A_84 = arith.constant 2 : i32
      %mul3A_85 = arith.muli %scan3A_69, %mul3A_84 : i32
      %add3A_86 = arith.constant 1 : i32
      %add3A_87 = arith.addi %mul3A_85, %add3A_86 : i32
      %dma_wait3A_88 = arith.constant 0 : i32
      %dma_wait3A_89 = arith.constant 0 : i32
      %dma_wait3A_90 = tpu.memref_slice %arg2[%dma_wait3A_88, %dma_wait3A_89] : memref<10240x128xf32, #tpu.memory_space<hbm>> -> memref<128x128xf32, #tpu.memory_space<hbm>>
      %dma_wait3A_91 = arith.constant 0 : i32
      %dma_wait3A_92 = arith.constant 0 : i32
      %dma_wait3A_93 = tpu.memref_slice %arg2[%dma_wait3A_91, %dma_wait3A_92] : memref<10240x128xf32, #tpu.memory_space<hbm>> -> memref<128x128xf32, #tpu.memory_space<hbm>>
      tpu.wait_dma2 semaphore(%arg12 : memref<!tpu.dma_semaphore, #tpu.memory_space<semaphore_mem>>) src(%dma_wait3A_93 : memref<128x128xf32, #tpu.memory_space<hbm>>) dst(%arg9 : memref<128x128xf32, #tpu.memory_space<vmem>>)
      "tpu.region"() ({
        %run_scoped3A = tpu.sem_alloc : memref<!tpu.dma_semaphore, #tpu.memory_space<semaphore_mem>>
        %dma_start3A_102 = arith.constant 0 : i32
        %dma_start3A_103 = tpu.memref_slice %arg7[%add3A_87, %dma_start3A_102] : memref<40x128xi32, #tpu.memory_space<vmem>> -> memref<1x128xi32, #tpu.memory_space<vmem>>
        %dma_start3A_104 = tpu.memref_squeeze %dma_start3A_103 : memref<1x128xi32, #tpu.memory_space<vmem>> -> memref<128xi32, #tpu.memory_space<vmem>>
        %dma_start3A_105 = arith.constant 0 : i32
        %dma_start3A_106 = arith.constant 0 : i32
        %dma_start3A_107 = tpu.memref_slice %arg10[%dma_start3A_105, %dma_start3A_106] : memref<10240x128xf32, #tpu.memory_space<vmem_shared>> -> memref<10240x128xf32, #tpu.memory_space<vmem_shared>>
        tpu.enqueue_indirect_dma source(%arg9 : memref<128x128xf32, #tpu.memory_space<vmem>>) target(%dma_start3A_107 : memref<10240x128xf32, #tpu.memory_space<vmem_shared>>) offsets(%dma_start3A_104 : memref<128xi32, #tpu.memory_space<vmem>>) semaphore(%run_scoped3A : memref<!tpu.dma_semaphore, #tpu.memory_space<semaphore_mem>>) {add = true}
        %dma_wait3A_108 = arith.constant 0 : i32
        %dma_wait3A_109 = tpu.memref_slice %arg7[%add3A_87, %dma_wait3A_108] : memref<40x128xi32, #tpu.memory_space<vmem>> -> memref<1x128xi32, #tpu.memory_space<vmem>>
        %dma_wait3A_110 = tpu.memref_squeeze %dma_wait3A_109 : memref<1x128xi32, #tpu.memory_space<vmem>> -> memref<128xi32, #tpu.memory_space<vmem>>
        %dma_wait3A_111 = arith.constant 0 : i32
        %dma_wait3A_112 = arith.constant 0 : i32
        %dma_wait3A_113 = tpu.memref_slice %arg10[%dma_wait3A_111, %dma_wait3A_112] : memref<10240x128xf32, #tpu.memory_space<vmem_shared>> -> memref<10240x128xf32, #tpu.memory_space<vmem_shared>>
        tpu.wait_indirect_dma semaphore(%run_scoped3A : memref<!tpu.dma_semaphore, #tpu.memory_space<semaphore_mem>>) src(%arg9 : memref<128x128xf32, #tpu.memory_space<vmem>>) dst(%dma_wait3A_113 : memref<10240x128xf32, #tpu.memory_space<vmem_shared>>)
        tpu.yield
      }) : () -> ()
      %add3A_94 = arith.constant 2 : i32
      %add3A_95 = arith.addi %add3A_87, %add3A_94 : i32
      %lt3A_96 = arith.constant 40 : i32
      %lt3A_97 = arith.cmpi slt, %add3A_95, %lt3A_96 : i32
      %convert_element_type3A_98 = arith.extui %lt3A_97 : i1 to i32
      %cond3A_99 = arith.constant 0 : i32
      %cond3A_100 = arith.cmpi ne, %convert_element_type3A_98, %cond3A_99 : i32
      scf.if %cond3A_100 {
        %add3A_102 = arith.constant 2 : i32
        %add3A_103 = arith.addi %add3A_87, %add3A_102 : i32
        %dma_start3A_104 = arith.constant 0 : i32
        %dma_start3A_105 = tpu.memref_slice %arg6[%add3A_103, %dma_start3A_104] : memref<40x128xi32, #tpu.memory_space<vmem>> -> memref<1x128xi32, #tpu.memory_space<vmem>>
        %dma_start3A_106 = tpu.memref_squeeze %dma_start3A_105 : memref<1x128xi32, #tpu.memory_space<vmem>> -> memref<128xi32, #tpu.memory_space<vmem>>
        %dma_start3A_107 = arith.constant 0 : i32
        %dma_start3A_108 = arith.constant 0 : i32
        %dma_start3A_109 = tpu.memref_slice %arg2[%dma_start3A_107, %dma_start3A_108] : memref<10240x128xf32, #tpu.memory_space<hbm>> -> memref<10240x128xf32, #tpu.memory_space<hbm>>
        tpu.enqueue_indirect_dma source(%dma_start3A_109 : memref<10240x128xf32, #tpu.memory_space<hbm>>) target(%arg9 : memref<128x128xf32, #tpu.memory_space<vmem>>) offsets(%dma_start3A_106 : memref<128xi32, #tpu.memory_space<vmem>>) semaphore(%arg12 : memref<!tpu.dma_semaphore, #tpu.memory_space<semaphore_mem>>)
      } else {
      }
      %scan3A_101 = arith.constant 0 : i32
      scf.yield %scan3A_101 : i32
    }
    %scan3A_42 = arith.constant 20 : i32
    %mul3A_43 = arith.constant 80 : i32
    %mul3A_44 = arith.muli %add3A, %mul3A_43 : i32
    %add3A_45 = arith.constant 40 : i32
    %add3A_46 = arith.addi %mul3A_44, %add3A_45 : i32
    "tpu.region"() ({
      %run_scoped3A = tpu.sem_alloc : memref<!tpu.dma_semaphore, #tpu.memory_space<semaphore_mem>>
      %dma_start3A_69 = arith.constant 0 : i32
      %dma_start3A_70 = tpu.memref_slice %arg3[%add3A_46, %dma_start3A_69] : memref<2560x128xi32, #tpu.memory_space<hbm>> -> memref<40x128xi32, #tpu.memory_space<hbm>>
      %dma_start3A_71 = arith.constant 0 : i32
      %dma_start3A_72 = tpu.memref_slice %arg3[%add3A_46, %dma_start3A_71] : memref<2560x128xi32, #tpu.memory_space<hbm>> -> memref<40x128xi32, #tpu.memory_space<hbm>>
      tpu.enqueue_dma source(%dma_start3A_72 : memref<40x128xi32, #tpu.memory_space<hbm>>) target(%arg6 : memref<40x128xi32, #tpu.memory_space<vmem>>) target_semaphore(%run_scoped3A : memref<!tpu.dma_semaphore, #tpu.memory_space<semaphore_mem>>)
      %dma_wait3A = arith.constant 0 : i32
      %dma_wait3A_73 = tpu.memref_slice %arg3[%add3A_46, %dma_wait3A] : memref<2560x128xi32, #tpu.memory_space<hbm>> -> memref<40x128xi32, #tpu.memory_space<hbm>>
      %dma_wait3A_74 = arith.constant 0 : i32
      %dma_wait3A_75 = tpu.memref_slice %arg3[%add3A_46, %dma_wait3A_74] : memref<2560x128xi32, #tpu.memory_space<hbm>> -> memref<40x128xi32, #tpu.memory_space<hbm>>
      tpu.wait_dma2 semaphore(%run_scoped3A : memref<!tpu.dma_semaphore, #tpu.memory_space<semaphore_mem>>) src(%dma_wait3A_75 : memref<40x128xi32, #tpu.memory_space<hbm>>) dst(%arg6 : memref<40x128xi32, #tpu.memory_space<vmem>>)
      tpu.yield
    }) : () -> ()
    "tpu.region"() ({
      %run_scoped3A = tpu.sem_alloc : memref<!tpu.dma_semaphore, #tpu.memory_space<semaphore_mem>>
      %dma_start3A_69 = arith.constant 0 : i32
      %dma_start3A_70 = tpu.memref_slice %arg4[%add3A_46, %dma_start3A_69] : memref<2560x128xi32, #tpu.memory_space<hbm>> -> memref<40x128xi32, #tpu.memory_space<hbm>>
      %dma_start3A_71 = arith.constant 0 : i32
      %dma_start3A_72 = tpu.memref_slice %arg4[%add3A_46, %dma_start3A_71] : memref<2560x128xi32, #tpu.memory_space<hbm>> -> memref<40x128xi32, #tpu.memory_space<hbm>>
      tpu.enqueue_dma source(%dma_start3A_72 : memref<40x128xi32, #tpu.memory_space<hbm>>) target(%arg7 : memref<40x128xi32, #tpu.memory_space<vmem>>) target_semaphore(%run_scoped3A : memref<!tpu.dma_semaphore, #tpu.memory_space<semaphore_mem>>)
      %dma_wait3A = arith.constant 0 : i32
      %dma_wait3A_73 = tpu.memref_slice %arg4[%add3A_46, %dma_wait3A] : memref<2560x128xi32, #tpu.memory_space<hbm>> -> memref<40x128xi32, #tpu.memory_space<hbm>>
      %dma_wait3A_74 = arith.constant 0 : i32
      %dma_wait3A_75 = tpu.memref_slice %arg4[%add3A_46, %dma_wait3A_74] : memref<2560x128xi32, #tpu.memory_space<hbm>> -> memref<40x128xi32, #tpu.memory_space<hbm>>
      tpu.wait_dma2 semaphore(%run_scoped3A : memref<!tpu.dma_semaphore, #tpu.memory_space<semaphore_mem>>) src(%dma_wait3A_75 : memref<40x128xi32, #tpu.memory_space<hbm>>) dst(%arg7 : memref<40x128xi32, #tpu.memory_space<vmem>>)
      tpu.yield
    }) : () -> ()
    %dma_start3A_47 = arith.constant 0 : i32
    %dma_start3A_48 = arith.constant 0 : i32
    %dma_start3A_49 = tpu.memref_slice %arg6[%dma_start3A_47, %dma_start3A_48] : memref<40x128xi32, #tpu.memory_space<vmem>> -> memref<1x128xi32, #tpu.memory_space<vmem>>
    %dma_start3A_50 = tpu.memref_squeeze %dma_start3A_49 : memref<1x128xi32, #tpu.memory_space<vmem>> -> memref<128xi32, #tpu.memory_space<vmem>>
    %dma_start3A_51 = arith.constant 0 : i32
    %dma_start3A_52 = arith.constant 0 : i32
    %dma_start3A_53 = tpu.memref_slice %arg2[%dma_start3A_51, %dma_start3A_52] : memref<10240x128xf32, #tpu.memory_space<hbm>> -> memref<10240x128xf32, #tpu.memory_space<hbm>>
    tpu.enqueue_indirect_dma source(%dma_start3A_53 : memref<10240x128xf32, #tpu.memory_space<hbm>>) target(%arg8 : memref<128x128xf32, #tpu.memory_space<vmem>>) offsets(%dma_start3A_50 : memref<128xi32, #tpu.memory_space<vmem>>) semaphore(%arg11 : memref<!tpu.dma_semaphore, #tpu.memory_space<semaphore_mem>>)
    %dma_start3A_54 = arith.constant 1 : i32
    %dma_start3A_55 = arith.constant 0 : i32
    %dma_start3A_56 = tpu.memref_slice %arg6[%dma_start3A_54, %dma_start3A_55] : memref<40x128xi32, #tpu.memory_space<vmem>> -> memref<1x128xi32, #tpu.memory_space<vmem>>
    %dma_start3A_57 = tpu.memref_squeeze %dma_start3A_56 : memref<1x128xi32, #tpu.memory_space<vmem>> -> memref<128xi32, #tpu.memory_space<vmem>>
    %dma_start3A_58 = arith.constant 0 : i32
    %dma_start3A_59 = arith.constant 0 : i32
    %dma_start3A_60 = tpu.memref_slice %arg2[%dma_start3A_58, %dma_start3A_59] : memref<10240x128xf32, #tpu.memory_space<hbm>> -> memref<10240x128xf32, #tpu.memory_space<hbm>>
    tpu.enqueue_indirect_dma source(%dma_start3A_60 : memref<10240x128xf32, #tpu.memory_space<hbm>>) target(%arg9 : memref<128x128xf32, #tpu.memory_space<vmem>>) offsets(%dma_start3A_57 : memref<128xi32, #tpu.memory_space<vmem>>) semaphore(%arg12 : memref<!tpu.dma_semaphore, #tpu.memory_space<semaphore_mem>>)
    %scan3A_61 = arith.constant 0 : i32
    %scan3A_62 = arith.constant 0 : i32
    %scan3A_63 = arith.constant 20 : i32
    %scan3A_64 = arith.addi %scan3A_62, %scan3A_63 : i32
    %scan3A_65 = arith.constant 1 : i32
    %scan3A_66 = scf.for %scan3A_69 = %scan3A_62 to %scan3A_64 step %scan3A_65 iter_args(%scan3A_70 = %scan3A_61) -> (i32)  : i32 {
      %mul3A_71 = arith.constant 2 : i32
      %mul3A_72 = arith.muli %scan3A_69, %mul3A_71 : i32
      %add3A_73 = arith.constant 0 : i32
      %add3A_74 = arith.addi %mul3A_72, %add3A_73 : i32
      %dma_wait3A = arith.constant 0 : i32
      %dma_wait3A_75 = arith.constant 0 : i32
      %dma_wait3A_76 = tpu.memref_slice %arg2[%dma_wait3A, %dma_wait3A_75] : memref<10240x128xf32, #tpu.memory_space<hbm>> -> memref<128x128xf32, #tpu.memory_space<hbm>>
      %dma_wait3A_77 = arith.constant 0 : i32
      %dma_wait3A_78 = arith.constant 0 : i32
      %dma_wait3A_79 = tpu.memref_slice %arg2[%dma_wait3A_77, %dma_wait3A_78] : memref<10240x128xf32, #tpu.memory_space<hbm>> -> memref<128x128xf32, #tpu.memory_space<hbm>>
      tpu.wait_dma2 semaphore(%arg11 : memref<!tpu.dma_semaphore, #tpu.memory_space<semaphore_mem>>) src(%dma_wait3A_79 : memref<128x128xf32, #tpu.memory_space<hbm>>) dst(%arg8 : memref<128x128xf32, #tpu.memory_space<vmem>>)
      "tpu.region"() ({
        %run_scoped3A = tpu.sem_alloc : memref<!tpu.dma_semaphore, #tpu.memory_space<semaphore_mem>>
        %dma_start3A_102 = arith.constant 0 : i32
        %dma_start3A_103 = tpu.memref_slice %arg7[%add3A_74, %dma_start3A_102] : memref<40x128xi32, #tpu.memory_space<vmem>> -> memref<1x128xi32, #tpu.memory_space<vmem>>
        %dma_start3A_104 = tpu.memref_squeeze %dma_start3A_103 : memref<1x128xi32, #tpu.memory_space<vmem>> -> memref<128xi32, #tpu.memory_space<vmem>>
        %dma_start3A_105 = arith.constant 0 : i32
        %dma_start3A_106 = arith.constant 0 : i32
        %dma_start3A_107 = tpu.memref_slice %arg10[%dma_start3A_105, %dma_start3A_106] : memref<10240x128xf32, #tpu.memory_space<vmem_shared>> -> memref<10240x128xf32, #tpu.memory_space<vmem_shared>>
        tpu.enqueue_indirect_dma source(%arg8 : memref<128x128xf32, #tpu.memory_space<vmem>>) target(%dma_start3A_107 : memref<10240x128xf32, #tpu.memory_space<vmem_shared>>) offsets(%dma_start3A_104 : memref<128xi32, #tpu.memory_space<vmem>>) semaphore(%run_scoped3A : memref<!tpu.dma_semaphore, #tpu.memory_space<semaphore_mem>>) {add = true}
        %dma_wait3A_108 = arith.constant 0 : i32
        %dma_wait3A_109 = tpu.memref_slice %arg7[%add3A_74, %dma_wait3A_108] : memref<40x128xi32, #tpu.memory_space<vmem>> -> memref<1x128xi32, #tpu.memory_space<vmem>>
        %dma_wait3A_110 = tpu.memref_squeeze %dma_wait3A_109 : memref<1x128xi32, #tpu.memory_space<vmem>> -> memref<128xi32, #tpu.memory_space<vmem>>
        %dma_wait3A_111 = arith.constant 0 : i32
        %dma_wait3A_112 = arith.constant 0 : i32
        %dma_wait3A_113 = tpu.memref_slice %arg10[%dma_wait3A_111, %dma_wait3A_112] : memref<10240x128xf32, #tpu.memory_space<vmem_shared>> -> memref<10240x128xf32, #tpu.memory_space<vmem_shared>>
        tpu.wait_indirect_dma semaphore(%run_scoped3A : memref<!tpu.dma_semaphore, #tpu.memory_space<semaphore_mem>>) src(%arg8 : memref<128x128xf32, #tpu.memory_space<vmem>>) dst(%dma_wait3A_113 : memref<10240x128xf32, #tpu.memory_space<vmem_shared>>)
        tpu.yield
      }) : () -> ()
      %add3A_80 = arith.constant 2 : i32
      %add3A_81 = arith.addi %add3A_74, %add3A_80 : i32
      %lt3A = arith.constant 40 : i32
      %lt3A_82 = arith.cmpi slt, %add3A_81, %lt3A : i32
      %convert_element_type3A = arith.extui %lt3A_82 : i1 to i32
      %cond3A = arith.constant 0 : i32
      %cond3A_83 = arith.cmpi ne, %convert_element_type3A, %cond3A : i32
      scf.if %cond3A_83 {
        %add3A_102 = arith.constant 2 : i32
        %add3A_103 = arith.addi %add3A_74, %add3A_102 : i32
        %dma_start3A_104 = arith.constant 0 : i32
        %dma_start3A_105 = tpu.memref_slice %arg6[%add3A_103, %dma_start3A_104] : memref<40x128xi32, #tpu.memory_space<vmem>> -> memref<1x128xi32, #tpu.memory_space<vmem>>
        %dma_start3A_106 = tpu.memref_squeeze %dma_start3A_105 : memref<1x128xi32, #tpu.memory_space<vmem>> -> memref<128xi32, #tpu.memory_space<vmem>>
        %dma_start3A_107 = arith.constant 0 : i32
        %dma_start3A_108 = arith.constant 0 : i32
        %dma_start3A_109 = tpu.memref_slice %arg2[%dma_start3A_107, %dma_start3A_108] : memref<10240x128xf32, #tpu.memory_space<hbm>> -> memref<10240x128xf32, #tpu.memory_space<hbm>>
        tpu.enqueue_indirect_dma source(%dma_start3A_109 : memref<10240x128xf32, #tpu.memory_space<hbm>>) target(%arg8 : memref<128x128xf32, #tpu.memory_space<vmem>>) offsets(%dma_start3A_106 : memref<128xi32, #tpu.memory_space<vmem>>) semaphore(%arg11 : memref<!tpu.dma_semaphore, #tpu.memory_space<semaphore_mem>>)
      } else {
      }
      %mul3A_84 = arith.constant 2 : i32
      %mul3A_85 = arith.muli %scan3A_69, %mul3A_84 : i32
      %add3A_86 = arith.constant 1 : i32
      %add3A_87 = arith.addi %mul3A_85, %add3A_86 : i32
      %dma_wait3A_88 = arith.constant 0 : i32
      %dma_wait3A_89 = arith.constant 0 : i32
      %dma_wait3A_90 = tpu.memref_slice %arg2[%dma_wait3A_88, %dma_wait3A_89] : memref<10240x128xf32, #tpu.memory_space<hbm>> -> memref<128x128xf32, #tpu.memory_space<hbm>>
      %dma_wait3A_91 = arith.constant 0 : i32
      %dma_wait3A_92 = arith.constant 0 : i32
      %dma_wait3A_93 = tpu.memref_slice %arg2[%dma_wait3A_91, %dma_wait3A_92] : memref<10240x128xf32, #tpu.memory_space<hbm>> -> memref<128x128xf32, #tpu.memory_space<hbm>>
      tpu.wait_dma2 semaphore(%arg12 : memref<!tpu.dma_semaphore, #tpu.memory_space<semaphore_mem>>) src(%dma_wait3A_93 : memref<128x128xf32, #tpu.memory_space<hbm>>) dst(%arg9 : memref<128x128xf32, #tpu.memory_space<vmem>>)
      "tpu.region"() ({
        %run_scoped3A = tpu.sem_alloc : memref<!tpu.dma_semaphore, #tpu.memory_space<semaphore_mem>>
        %dma_start3A_102 = arith.constant 0 : i32
        %dma_start3A_103 = tpu.memref_slice %arg7[%add3A_87, %dma_start3A_102] : memref<40x128xi32, #tpu.memory_space<vmem>> -> memref<1x128xi32, #tpu.memory_space<vmem>>
        %dma_start3A_104 = tpu.memref_squeeze %dma_start3A_103 : memref<1x128xi32, #tpu.memory_space<vmem>> -> memref<128xi32, #tpu.memory_space<vmem>>
        %dma_start3A_105 = arith.constant 0 : i32
        %dma_start3A_106 = arith.constant 0 : i32
        %dma_start3A_107 = tpu.memref_slice %arg10[%dma_start3A_105, %dma_start3A_106] : memref<10240x128xf32, #tpu.memory_space<vmem_shared>> -> memref<10240x128xf32, #tpu.memory_space<vmem_shared>>
        tpu.enqueue_indirect_dma source(%arg9 : memref<128x128xf32, #tpu.memory_space<vmem>>) target(%dma_start3A_107 : memref<10240x128xf32, #tpu.memory_space<vmem_shared>>) offsets(%dma_start3A_104 : memref<128xi32, #tpu.memory_space<vmem>>) semaphore(%run_scoped3A : memref<!tpu.dma_semaphore, #tpu.memory_space<semaphore_mem>>) {add = true}
        %dma_wait3A_108 = arith.constant 0 : i32
        %dma_wait3A_109 = tpu.memref_slice %arg7[%add3A_87, %dma_wait3A_108] : memref<40x128xi32, #tpu.memory_space<vmem>> -> memref<1x128xi32, #tpu.memory_space<vmem>>
        %dma_wait3A_110 = tpu.memref_squeeze %dma_wait3A_109 : memref<1x128xi32, #tpu.memory_space<vmem>> -> memref<128xi32, #tpu.memory_space<vmem>>
        %dma_wait3A_111 = arith.constant 0 : i32
        %dma_wait3A_112 = arith.constant 0 : i32
        %dma_wait3A_113 = tpu.memref_slice %arg10[%dma_wait3A_111, %dma_wait3A_112] : memref<10240x128xf32, #tpu.memory_space<vmem_shared>> -> memref<10240x128xf32, #tpu.memory_space<vmem_shared>>
        tpu.wait_indirect_dma semaphore(%run_scoped3A : memref<!tpu.dma_semaphore, #tpu.memory_space<semaphore_mem>>) src(%arg9 : memref<128x128xf32, #tpu.memory_space<vmem>>) dst(%dma_wait3A_113 : memref<10240x128xf32, #tpu.memory_space<vmem_shared>>)
        tpu.yield
      }) : () -> ()
      %add3A_94 = arith.constant 2 : i32
      %add3A_95 = arith.addi %add3A_87, %add3A_94 : i32
      %lt3A_96 = arith.constant 40 : i32
      %lt3A_97 = arith.cmpi slt, %add3A_95, %lt3A_96 : i32
      %convert_element_type3A_98 = arith.extui %lt3A_97 : i1 to i32
      %cond3A_99 = arith.constant 0 : i32
      %cond3A_100 = arith.cmpi ne, %convert_element_type3A_98, %cond3A_99 : i32
      scf.if %cond3A_100 {
        %add3A_102 = arith.constant 2 : i32
        %add3A_103 = arith.addi %add3A_87, %add3A_102 : i32
        %dma_start3A_104 = arith.constant 0 : i32
        %dma_start3A_105 = tpu.memref_slice %arg6[%add3A_103, %dma_start3A_104] : memref<40x128xi32, #tpu.memory_space<vmem>> -> memref<1x128xi32, #tpu.memory_space<vmem>>
        %dma_start3A_106 = tpu.memref_squeeze %dma_start3A_105 : memref<1x128xi32, #tpu.memory_space<vmem>> -> memref<128xi32, #tpu.memory_space<vmem>>
        %dma_start3A_107 = arith.constant 0 : i32
        %dma_start3A_108 = arith.constant 0 : i32
        %dma_start3A_109 = tpu.memref_slice %arg2[%dma_start3A_107, %dma_start3A_108] : memref<10240x128xf32, #tpu.memory_space<hbm>> -> memref<10240x128xf32, #tpu.memory_space<hbm>>
        tpu.enqueue_indirect_dma source(%dma_start3A_109 : memref<10240x128xf32, #tpu.memory_space<hbm>>) target(%arg9 : memref<128x128xf32, #tpu.memory_space<vmem>>) offsets(%dma_start3A_106 : memref<128xi32, #tpu.memory_space<vmem>>) semaphore(%arg12 : memref<!tpu.dma_semaphore, #tpu.memory_space<semaphore_mem>>)
      } else {
      }
      %scan3A_101 = arith.constant 0 : i32
      scf.yield %scan3A_101 : i32
    }
    %scan3A_67 = arith.constant 20 : i32
    %barrier3A_68 = arith.constant 0 : index
    tpu.barrier barrier_id(%barrier3A_68)
    "tpu.region"() ({
      %run_scoped3A = tpu.sem_alloc : memref<!tpu.dma_semaphore, #tpu.memory_space<semaphore_mem>>
      %dma_start3A_69 = arith.constant 0 : i32
      %dma_start3A_70 = tpu.memref_slice %arg5[%arg0, %mul3A_8, %dma_start3A_69] : memref<2x10240x128xf32, #tpu.memory_space<hbm>> -> memref<1x640x128xf32, #tpu.memory_space<hbm>>
      %dma_start3A_71 = tpu.memref_squeeze %dma_start3A_70 : memref<1x640x128xf32, #tpu.memory_space<hbm>> -> memref<640x128xf32, #tpu.memory_space<hbm>>
      %dma_start3A_72 = arith.constant 0 : i32
      %dma_start3A_73 = tpu.memref_slice %arg10[%mul3A_8, %dma_start3A_72] : memref<10240x128xf32, #tpu.memory_space<vmem_shared>> -> memref<640x128xf32, #tpu.memory_space<vmem_shared>>
      tpu.enqueue_dma source(%dma_start3A_73 : memref<640x128xf32, #tpu.memory_space<vmem_shared>>) target(%dma_start3A_71 : memref<640x128xf32, #tpu.memory_space<hbm>>) target_semaphore(%run_scoped3A : memref<!tpu.dma_semaphore, #tpu.memory_space<semaphore_mem>>)
      %dma_wait3A = arith.constant 0 : i32
      %dma_wait3A_74 = tpu.memref_slice %arg5[%arg0, %mul3A_8, %dma_wait3A] : memref<2x10240x128xf32, #tpu.memory_space<hbm>> -> memref<1x640x128xf32, #tpu.memory_space<hbm>>
      %dma_wait3A_75 = tpu.memref_squeeze %dma_wait3A_74 : memref<1x640x128xf32, #tpu.memory_space<hbm>> -> memref<640x128xf32, #tpu.memory_space<hbm>>
      %dma_wait3A_76 = arith.constant 0 : i32
      %dma_wait3A_77 = tpu.memref_slice %arg10[%mul3A_8, %dma_wait3A_76] : memref<10240x128xf32, #tpu.memory_space<vmem_shared>> -> memref<640x128xf32, #tpu.memory_space<vmem_shared>>
      tpu.wait_dma2 semaphore(%run_scoped3A : memref<!tpu.dma_semaphore, #tpu.memory_space<semaphore_mem>>) src(%dma_wait3A_77 : memref<640x128xf32, #tpu.memory_space<vmem_shared>>) dst(%dma_wait3A_75 : memref<640x128xf32, #tpu.memory_space<hbm>>)
      tpu.yield
    }) : () -> ()
    return
  }
}

module attributes {stable_mosaic.version = 14 : i64} {
  func.func @_k1a_body(%arg0: i32, %arg1: memref<1024x128xf32, #tpu.memory_space<vmem>>, %arg2: memref<128x128xf32, #tpu.memory_space<vmem>>, %arg3: memref<1024x128xf32, #tpu.memory_space<vmem>>) attributes {dimension_semantics = [#tpu.dimension_semantics<arbitrary>], iteration_bounds = array<i64: 10>, scalar_prefetch = 0 : i64, scratch_operands = 0 : i64, tpu.core_type = #tpu.core_type<tc>, window_params = [{transform_indices = @transform_0, window_bounds = array<i64: 1024, 128>}, {pipeline_mode = #tpu.pipeline_mode<synchronous>, transform_indices = @transform_1, window_bounds = array<i64: 128, 128>}, {transform_indices = @transform_2, window_bounds = array<i64: 1024, 128>}]} {
    %get3A = arith.constant 0 : index
    %get3A_0 = arith.constant 0 : index
    %get3A_1 = vector.load %arg1[%get3A, %get3A_0] : memref<1024x128xf32, #tpu.memory_space<vmem>>, vector<1024x128xf32>
    %get3A_2 = arith.constant 0 : index
    %get3A_3 = arith.constant 0 : index
    %get3A_4 = vector.load %arg2[%get3A_2, %get3A_3] : memref<128x128xf32, #tpu.memory_space<vmem>>, vector<128x128xf32>
    %dot_general3A = arith.constant dense<0.000000e+00> : vector<1024x128xf32>
    %dot_general3A_5 = tpu.matmul %get3A_1, %get3A_4, %dot_general3A {dimension_numbers = #tpu.dot_dimension_numbers<[1], [0], [0], [1], [0, 0, 1, 1], [], []>, transpose_lhs_hint = false} : vector<1024x128xf32>, vector<128x128xf32>, vector<1024x128xf32> -> vector<1024x128xf32>
    %swap3A = arith.constant 0 : index
    %swap3A_6 = arith.constant 0 : index
    %swap3A_7 = vector.load %arg3[%swap3A, %swap3A_6] : memref<1024x128xf32, #tpu.memory_space<vmem>>, vector<1024x128xf32>
    tpu.vector_store %arg3[%swap3A, %swap3A_6], %dot_general3A_5 {strides = array<i32>} : memref<1024x128xf32, #tpu.memory_space<vmem>>, vector<1024x128xf32>,
    return
  }
  func.func @transform_0(%arg0: i32) -> (i32, i32) {
    %c0_i32 = arith.constant 0 : i32
    %c0_i32_0 = arith.constant 0 : i32
    return %arg0, %c0_i32 : i32, i32
  }
  func.func @transform_1(%arg0: i32) -> (i32, i32) {
    %c0_i32 = arith.constant 0 : i32
    %c0_i32_0 = arith.constant 0 : i32
    %c0_i32_1 = arith.constant 0 : i32
    return %c0_i32, %c0_i32_0 : i32, i32
  }
  func.func @transform_2(%arg0: i32) -> (i32, i32) {
    %c0_i32 = arith.constant 0 : i32
    %c0_i32_0 = arith.constant 0 : i32
    return %arg0, %c0_i32 : i32, i32
  }
}

module attributes {stable_mosaic.version = 14 : i64} {
  func.func @_k1b_body(%arg0: i32, %arg1: memref<1024x128xf32, #tpu.memory_space<vmem>>, %arg2: memref<1024x1xf32, #tpu.memory_space<vmem>>, %arg3: memref<1024x1xf32, #tpu.memory_space<vmem>>, %arg4: memref<1024x128xf32, #tpu.memory_space<vmem>>, %arg5: memref<1024x1xf32, #tpu.memory_space<vmem>>) attributes {dimension_semantics = [#tpu.dimension_semantics<arbitrary>], iteration_bounds = array<i64: 10>, scalar_prefetch = 0 : i64, scratch_operands = 0 : i64, tpu.core_type = #tpu.core_type<tc>, window_params = [{transform_indices = @transform_0, window_bounds = array<i64: 1024, 128>}, {transform_indices = @transform_1, window_bounds = array<i64: 1024, 1>}, {transform_indices = @transform_2, window_bounds = array<i64: 1024, 1>}, {transform_indices = @transform_3, window_bounds = array<i64: 1024, 128>}, {transform_indices = @transform_4, window_bounds = array<i64: 1024, 1>}]} {
    %get3A = arith.constant 0 : index
    %get3A_0 = arith.constant 0 : index
    %get3A_1 = vector.load %arg2[%get3A, %get3A_0] : memref<1024x1xf32, #tpu.memory_space<vmem>>, vector<1024x1xf32>
    %get3A_2 = arith.constant 0 : index
    %get3A_3 = arith.constant 0 : index
    %get3A_4 = vector.load %arg3[%get3A_2, %get3A_3] : memref<1024x1xf32, #tpu.memory_space<vmem>>, vector<1024x1xf32>
    %add3A = arith.addf %get3A_1, %get3A_4 : vector<1024x1xf32>
    %add3A_5 = arith.constant 1.000000e+00 : f32
    %add3A_6 = vector.broadcast %add3A_5 : f32 to vector<1024x1xf32>
    %add3A_7 = arith.addf %add3A, %add3A_6 : vector<1024x1xf32>
    %rsqrt3A = math.rsqrt %add3A_7 : vector<1024x1xf32>
    %get3A_8 = arith.constant 0 : index
    %get3A_9 = arith.constant 0 : index
    %get3A_10 = vector.load %arg1[%get3A_8, %get3A_9] : memref<1024x128xf32, #tpu.memory_space<vmem>>, vector<1024x128xf32>
    %mul3A = vector.broadcast %rsqrt3A : vector<1024x1xf32> to vector<1024x128xf32>
    %mul3A_11 = arith.mulf %get3A_10, %mul3A : vector<1024x128xf32>
    %swap3A = arith.constant 0 : index
    %swap3A_12 = arith.constant 0 : index
    %swap3A_13 = vector.load %arg4[%swap3A, %swap3A_12] : memref<1024x128xf32, #tpu.memory_space<vmem>>, vector<1024x128xf32>
    tpu.vector_store %arg4[%swap3A, %swap3A_12], %mul3A_11 {strides = array<i32>} : memref<1024x128xf32, #tpu.memory_space<vmem>>, vector<1024x128xf32>,
    %swap3A_14 = arith.constant 0 : index
    %swap3A_15 = arith.constant 0 : index
    %swap3A_16 = vector.load %arg5[%swap3A_14, %swap3A_15] : memref<1024x1xf32, #tpu.memory_space<vmem>>, vector<1024x1xf32>
    tpu.vector_store %arg5[%swap3A_14, %swap3A_15], %rsqrt3A {strides = array<i32>} : memref<1024x1xf32, #tpu.memory_space<vmem>>, vector<1024x1xf32>,
    return
  }
  func.func @transform_0(%arg0: i32) -> (i32, i32) {
    %c0_i32 = arith.constant 0 : i32
    %c0_i32_0 = arith.constant 0 : i32
    return %arg0, %c0_i32 : i32, i32
  }
  func.func @transform_1(%arg0: i32) -> (i32, i32) {
    %c0_i32 = arith.constant 0 : i32
    %c0_i32_0 = arith.constant 0 : i32
    return %arg0, %c0_i32 : i32, i32
  }
  func.func @transform_2(%arg0: i32) -> (i32, i32) {
    %c0_i32 = arith.constant 0 : i32
    %c0_i32_0 = arith.constant 0 : i32
    return %arg0, %c0_i32 : i32, i32
  }
  func.func @transform_3(%arg0: i32) -> (i32, i32) {
    %c0_i32 = arith.constant 0 : i32
    %c0_i32_0 = arith.constant 0 : i32
    return %arg0, %c0_i32 : i32, i32
  }
  func.func @transform_4(%arg0: i32) -> (i32, i32) {
    %c0_i32 = arith.constant 0 : i32
    %c0_i32_0 = arith.constant 0 : i32
    return %arg0, %c0_i32 : i32, i32
  }
}

module attributes {stable_mosaic.version = 14 : i64} {
  func.func @_k2_body(%arg0: i32, %arg1: memref<1024x128xf32, #tpu.memory_space<vmem>>, %arg2: memref<1024x128xf32, #tpu.memory_space<vmem>>, %arg3: memref<1024x128xf32, #tpu.memory_space<vmem>>, %arg4: memref<1024x1xf32, #tpu.memory_space<vmem>>, %arg5: memref<128x128xf32, #tpu.memory_space<vmem>>, %arg6: memref<1x128xf32, #tpu.memory_space<vmem>>, %arg7: memref<1024x128xf32, #tpu.memory_space<vmem>>, %arg8: memref<1024x128xf32, #tpu.memory_space<vmem>>) attributes {dimension_semantics = [#tpu.dimension_semantics<arbitrary>], iteration_bounds = array<i64: 10>, scalar_prefetch = 0 : i64, scratch_operands = 0 : i64, tpu.core_type = #tpu.core_type<tc>, window_params = [{transform_indices = @transform_0, window_bounds = array<i64: 1024, 128>}, {transform_indices = @transform_1, window_bounds = array<i64: 1024, 128>}, {transform_indices = @transform_2, window_bounds = array<i64: 1024, 128>}, {transform_indices = @transform_3, window_bounds = array<i64: 1024, 1>}, {pipeline_mode = #tpu.pipeline_mode<synchronous>, transform_indices = @transform_4, window_bounds = array<i64: 128, 128>}, {pipeline_mode = #tpu.pipeline_mode<synchronous>, transform_indices = @transform_5, window_bounds = array<i64: 1, 128>}, {transform_indices = @transform_6, window_bounds = array<i64: 1024, 128>}, {transform_indices = @transform_7, window_bounds = array<i64: 1024, 128>}]} {
    %get3A = arith.constant 0 : index
    %get3A_0 = arith.constant 0 : index
    %get3A_1 = vector.load %arg4[%get3A, %get3A_0] : memref<1024x1xf32, #tpu.memory_space<vmem>>, vector<1024x1xf32>
    %get3A_2 = arith.constant 0 : index
    %get3A_3 = arith.constant 0 : index
    %get3A_4 = vector.load %arg1[%get3A_2, %get3A_3] : memref<1024x128xf32, #tpu.memory_space<vmem>>, vector<1024x128xf32>
    %get3A_5 = arith.constant 0 : index
    %get3A_6 = arith.constant 0 : index
    %get3A_7 = vector.load %arg2[%get3A_5, %get3A_6] : memref<1024x128xf32, #tpu.memory_space<vmem>>, vector<1024x128xf32>
    %add3A = arith.addf %get3A_4, %get3A_7 : vector<1024x128xf32>
    %mul3A = vector.broadcast %get3A_1 : vector<1024x1xf32> to vector<1024x128xf32>
    %mul3A_8 = arith.mulf %mul3A, %add3A : vector<1024x128xf32>
    %mul3A_9 = arith.mulf %get3A_1, %get3A_1 : vector<1024x1xf32>
    %get3A_10 = arith.constant 0 : index
    %get3A_11 = arith.constant 0 : index
    %get3A_12 = vector.load %arg3[%get3A_10, %get3A_11] : memref<1024x128xf32, #tpu.memory_space<vmem>>, vector<1024x128xf32>
    %mul3A_13 = vector.broadcast %mul3A_9 : vector<1024x1xf32> to vector<1024x128xf32>
    %mul3A_14 = arith.mulf %mul3A_13, %get3A_12 : vector<1024x128xf32>
    %add3A_15 = arith.addf %mul3A_8, %mul3A_14 : vector<1024x128xf32>
    %get3A_16 = arith.constant 0 : index
    %get3A_17 = arith.constant 0 : index
    %get3A_18 = vector.load %arg6[%get3A_16, %get3A_17] : memref<1x128xf32, #tpu.memory_space<vmem>>, vector<1x128xf32>
    %add3A_19 = vector.broadcast %get3A_18 : vector<1x128xf32> to vector<1024x128xf32>
    %add3A_20 = arith.addf %add3A_15, %add3A_19 : vector<1024x128xf32>
    %get3A_21 = arith.constant 0 : index
    %get3A_22 = arith.constant 0 : index
    %get3A_23 = vector.load %arg5[%get3A_21, %get3A_22] : memref<128x128xf32, #tpu.memory_space<vmem>>, vector<128x128xf32>
    %dot_general3A = arith.constant dense<0.000000e+00> : vector<1024x128xf32>
    %dot_general3A_24 = tpu.matmul %add3A_20, %get3A_23, %dot_general3A {dimension_numbers = #tpu.dot_dimension_numbers<[1], [0], [0], [1], [0, 0, 1, 1], [], []>, transpose_lhs_hint = false} : vector<1024x128xf32>, vector<128x128xf32>, vector<1024x128xf32> -> vector<1024x128xf32>
    %swap3A = arith.constant 0 : index
    %swap3A_25 = arith.constant 0 : index
    %swap3A_26 = vector.load %arg7[%swap3A, %swap3A_25] : memref<1024x128xf32, #tpu.memory_space<vmem>>, vector<1024x128xf32>
    tpu.vector_store %arg7[%swap3A, %swap3A_25], %dot_general3A_24 {strides = array<i32>} : memref<1024x128xf32, #tpu.memory_space<vmem>>, vector<1024x128xf32>,
    %mul3A_27 = vector.broadcast %get3A_1 : vector<1024x1xf32> to vector<1024x128xf32>
    %mul3A_28 = arith.mulf %dot_general3A_24, %mul3A_27 : vector<1024x128xf32>
    %swap3A_29 = arith.constant 0 : index
    %swap3A_30 = arith.constant 0 : index
    %swap3A_31 = vector.load %arg8[%swap3A_29, %swap3A_30] : memref<1024x128xf32, #tpu.memory_space<vmem>>, vector<1024x128xf32>
    tpu.vector_store %arg8[%swap3A_29, %swap3A_30], %mul3A_28 {strides = array<i32>} : memref<1024x128xf32, #tpu.memory_space<vmem>>, vector<1024x128xf32>,
    return
  }
  func.func @transform_0(%arg0: i32) -> (i32, i32) {
    %c0_i32 = arith.constant 0 : i32
    %c0_i32_0 = arith.constant 0 : i32
    return %arg0, %c0_i32 : i32, i32
  }
  func.func @transform_1(%arg0: i32) -> (i32, i32) {
    %c0_i32 = arith.constant 0 : i32
    %c0_i32_0 = arith.constant 0 : i32
    return %arg0, %c0_i32 : i32, i32
  }
  func.func @transform_2(%arg0: i32) -> (i32, i32) {
    %c0_i32 = arith.constant 0 : i32
    %c0_i32_0 = arith.constant 0 : i32
    return %arg0, %c0_i32 : i32, i32
  }
  func.func @transform_3(%arg0: i32) -> (i32, i32) {
    %c0_i32 = arith.constant 0 : i32
    %c0_i32_0 = arith.constant 0 : i32
    return %arg0, %c0_i32 : i32, i32
  }
  func.func @transform_4(%arg0: i32) -> (i32, i32) {
    %c0_i32 = arith.constant 0 : i32
    %c0_i32_0 = arith.constant 0 : i32
    %c0_i32_1 = arith.constant 0 : i32
    return %c0_i32, %c0_i32_0 : i32, i32
  }
  func.func @transform_5(%arg0: i32) -> (i32, i32) {
    %c0_i32 = arith.constant 0 : i32
    %c0_i32_0 = arith.constant 0 : i32
    %c0_i32_1 = arith.constant 0 : i32
    return %c0_i32, %c0_i32_0 : i32, i32
  }
  func.func @transform_6(%arg0: i32) -> (i32, i32) {
    %c0_i32 = arith.constant 0 : i32
    %c0_i32_0 = arith.constant 0 : i32
    return %arg0, %c0_i32 : i32, i32
  }
  func.func @transform_7(%arg0: i32) -> (i32, i32) {
    %c0_i32 = arith.constant 0 : i32
    %c0_i32_0 = arith.constant 0 : i32
    return %arg0, %c0_i32 : i32, i32
  }
}

module attributes {stable_mosaic.version = 14 : i64} {
  func.func @_k3_body(%arg0: i32, %arg1: memref<1024x128xf32, #tpu.memory_space<vmem>>, %arg2: memref<1024x128xf32, #tpu.memory_space<vmem>>, %arg3: memref<1024x128xf32, #tpu.memory_space<vmem>>, %arg4: memref<1024x1xf32, #tpu.memory_space<vmem>>, %arg5: memref<1x128xf32, #tpu.memory_space<vmem>>, %arg6: memref<128x1xf32, #tpu.memory_space<vmem>>, %arg7: memref<1x1xf32, #tpu.memory_space<vmem>>, %arg8: memref<1024x1xi32, #tpu.memory_space<vmem>>, %arg9: memref<1024x128xf32, #tpu.memory_space<vmem>>, %arg10: memref<1x80xf32, #tpu.memory_space<vmem>>, %arg11: memref<64x128xf32, #tpu.memory_space<vmem>>, %arg12: memref<1x64xf32, #tpu.memory_space<vmem>>, %arg13: memref<64x128xf32, #tpu.memory_space<vmem>>) attributes {dimension_semantics = [#tpu.dimension_semantics<arbitrary>], iteration_bounds = array<i64: 10>, scalar_prefetch = 0 : i64, scratch_operands = 2 : i64, tpu.core_type = #tpu.core_type<tc>, window_params = [{transform_indices = @transform_0, window_bounds = array<i64: 1024, 128>}, {transform_indices = @transform_1, window_bounds = array<i64: 1024, 128>}, {transform_indices = @transform_2, window_bounds = array<i64: 1024, 128>}, {transform_indices = @transform_3, window_bounds = array<i64: 1024, 1>}, {pipeline_mode = #tpu.pipeline_mode<synchronous>, transform_indices = @transform_4, window_bounds = array<i64: 1, 128>}, {pipeline_mode = #tpu.pipeline_mode<synchronous>, transform_indices = @transform_5, window_bounds = array<i64: 128, 1>}, {pipeline_mode = #tpu.pipeline_mode<synchronous>, transform_indices = @transform_6, window_bounds = array<i64: 1, 1>}, {transform_indices = @transform_7, window_bounds = array<i64: 1024, 1>}, {transform_indices = @transform_8, window_bounds = array<i64: 1024, 128>}, {pipeline_mode = #tpu.pipeline_mode<synchronous>, transform_indices = @transform_9, window_bounds = array<i64: 1, 80>}, {pipeline_mode = #tpu.pipeline_mode<synchronous>, transform_indices = @transform_10, window_bounds = array<i64: 64, 128>}]} {
    %get3A = arith.constant 0 : index
    %get3A_0 = arith.constant 0 : index
    %get3A_1 = vector.load %arg4[%get3A, %get3A_0] : memref<1024x1xf32, #tpu.memory_space<vmem>>, vector<1024x1xf32>
    %get3A_2 = arith.constant 0 : index
    %get3A_3 = arith.constant 0 : index
    %get3A_4 = vector.load %arg1[%get3A_2, %get3A_3] : memref<1024x128xf32, #tpu.memory_space<vmem>>, vector<1024x128xf32>
    %get3A_5 = arith.constant 0 : index
    %get3A_6 = arith.constant 0 : index
    %get3A_7 = vector.load %arg2[%get3A_5, %get3A_6] : memref<1024x128xf32, #tpu.memory_space<vmem>>, vector<1024x128xf32>
    %add3A = arith.addf %get3A_4, %get3A_7 : vector<1024x128xf32>
    %mul3A = vector.broadcast %get3A_1 : vector<1024x1xf32> to vector<1024x128xf32>
    %mul3A_8 = arith.mulf %mul3A, %add3A : vector<1024x128xf32>
    %mul3A_9 = arith.mulf %get3A_1, %get3A_1 : vector<1024x1xf32>
    %get3A_10 = arith.constant 0 : index
    %get3A_11 = arith.constant 0 : index
    %get3A_12 = vector.load %arg3[%get3A_10, %get3A_11] : memref<1024x128xf32, #tpu.memory_space<vmem>>, vector<1024x128xf32>
    %mul3A_13 = vector.broadcast %mul3A_9 : vector<1024x1xf32> to vector<1024x128xf32>
    %mul3A_14 = arith.mulf %mul3A_13, %get3A_12 : vector<1024x128xf32>
    %add3A_15 = arith.addf %mul3A_8, %mul3A_14 : vector<1024x128xf32>
    %get3A_16 = arith.constant 0 : index
    %get3A_17 = arith.constant 0 : index
    %get3A_18 = vector.load %arg5[%get3A_16, %get3A_17] : memref<1x128xf32, #tpu.memory_space<vmem>>, vector<1x128xf32>
    %add3A_19 = vector.broadcast %get3A_18 : vector<1x128xf32> to vector<1024x128xf32>
    %add3A_20 = arith.addf %add3A_15, %add3A_19 : vector<1024x128xf32>
    %get3A_21 = arith.constant 0 : index
    %get3A_22 = arith.constant 0 : index
    %get3A_23 = vector.load %arg6[%get3A_21, %get3A_22] : memref<128x1xf32, #tpu.memory_space<vmem>>, vector<128x1xf32>
    %dot_general3A = arith.constant dense<0.000000e+00> : vector<1024x1xf32>
    %dot_general3A_24 = tpu.matmul %add3A_20, %get3A_23, %dot_general3A {dimension_numbers = #tpu.dot_dimension_numbers<[1], [0], [0], [1], [0, 0, 1, 1], [], []>, transpose_lhs_hint = false} : vector<1024x128xf32>, vector<128x1xf32>, vector<1024x1xf32> -> vector<1024x1xf32>
    %get3A_25 = arith.constant 0 : index
    %get3A_26 = arith.constant 0 : index
    %get3A_27 = vector.load %arg7[%get3A_25, %get3A_26] : memref<1x1xf32, #tpu.memory_space<vmem>>, vector<1x1xf32>
    %add3A_28 = vector.broadcast %get3A_27 : vector<1x1xf32> to vector<1024x1xf32>
    %add3A_29 = arith.addf %dot_general3A_24, %add3A_28 : vector<1024x1xf32>
    %logistic3A = arith.negf %add3A_29 : vector<1024x1xf32>
    %logistic3A_30 = math.exp %logistic3A : vector<1024x1xf32>
    %logistic3A_31 = arith.constant 1.000000e+00 : f32
    %logistic3A_32 = vector.broadcast %logistic3A_31 : f32 to vector<1024x1xf32>
    %logistic3A_33 = arith.addf %logistic3A_32, %logistic3A_30 : vector<1024x1xf32>
    %logistic3A_34 = arith.divf %logistic3A_32, %logistic3A_33 : vector<1024x1xf32>
    %swap3A = arith.constant 0 : index
    %swap3A_35 = arith.constant 0 : index
    %swap3A_36 = vector.load %arg9[%swap3A, %swap3A_35] : memref<1024x128xf32, #tpu.memory_space<vmem>>, vector<1024x128xf32>
    tpu.vector_store %arg9[%swap3A, %swap3A_35], %add3A_20 {strides = array<i32>} : memref<1024x128xf32, #tpu.memory_space<vmem>>, vector<1024x128xf32>,
    %mul3A_37 = vector.broadcast %logistic3A_34 : vector<1024x1xf32> to vector<1024x128xf32>
    %mul3A_38 = arith.mulf %add3A_20, %mul3A_37 : vector<1024x128xf32>
    %iota3A = tpu.iota {dimensions = array<i32: 1>} : vector<1x64xi32>
    %get3A_39 = arith.constant 0 : index
    %get3A_40 = arith.constant 0 : index
    %get3A_41 = vector.load %arg8[%get3A_39, %get3A_40] : memref<1024x1xi32, #tpu.memory_space<vmem>>, vector<1024x1xi32>
    %eq3A = vector.broadcast %get3A_41 : vector<1024x1xi32> to vector<1024x64xi32>
    %eq3A_42 = vector.broadcast %iota3A : vector<1x64xi32> to vector<1024x64xi32>
    %eq3A_43 = arith.cmpi eq, %eq3A, %eq3A_42 : vector<1024x64xi32>
    %convert_element_type3A = arith.extui %eq3A_43 : vector<1024x64xi1> to vector<1024x64xi32>
    %convert_element_type3A_44 = arith.sitofp %convert_element_type3A : vector<1024x64xi32> to vector<1024x64xf32>
    %reduce_sum3A = arith.constant dense<0.000000e+00> : vector<64xf32>
    %reduce_sum3A_45 = vector.multi_reduction <add>, %convert_element_type3A_44, %reduce_sum3A [0] : vector<1024x64xf32> to vector<64xf32>
    %broadcast_in_dim3A = vector.shape_cast %reduce_sum3A_45 : vector<64xf32> to vector<1x64xf32>
    %dot_general3A_46 = arith.constant dense<0.000000e+00> : vector<64x128xf32>
    %dot_general3A_47 = tpu.matmul %convert_element_type3A_44, %mul3A_38, %dot_general3A_46 {dimension_numbers = #tpu.dot_dimension_numbers<[0], [0], [1], [1], [0, 1, 1, 1], [], []>, transpose_lhs_hint = false} : vector<1024x64xf32>, vector<1024x128xf32>, vector<64x128xf32> -> vector<64x128xf32>
    %eq3A_48 = arith.constant 0 : i32
    %eq3A_49 = arith.cmpi eq, %arg0, %eq3A_48 : i32
    %convert_element_type3A_50 = arith.extui %eq3A_49 : i1 to i32
    %cond3A = arith.constant 0 : i32
    %cond3A_51 = arith.cmpi ne, %convert_element_type3A_50, %cond3A : i32
    scf.if %cond3A_51 {
      %swap3A_76 = arith.constant 0 : index
      %swap3A_77 = arith.constant 0 : index
      %swap3A_78 = vector.load %arg12[%swap3A_76, %swap3A_77] : memref<1x64xf32, #tpu.memory_space<vmem>>, vector<1x64xf32>
      tpu.vector_store %arg12[%swap3A_76, %swap3A_77], %broadcast_in_dim3A {strides = array<i32>} : memref<1x64xf32, #tpu.memory_space<vmem>>, vector<1x64xf32>,
      %swap3A_79 = arith.constant 0 : index
      %swap3A_80 = arith.constant 0 : index
      %swap3A_81 = vector.load %arg13[%swap3A_79, %swap3A_80] : memref<64x128xf32, #tpu.memory_space<vmem>>, vector<64x128xf32>
      tpu.vector_store %arg13[%swap3A_79, %swap3A_80], %dot_general3A_47 {strides = array<i32>} : memref<64x128xf32, #tpu.memory_space<vmem>>, vector<64x128xf32>,
    } else {
    }
    %gt3A = arith.constant 0 : i32
    %gt3A_52 = arith.cmpi sgt, %arg0, %gt3A : i32
    %convert_element_type3A_53 = arith.extui %gt3A_52 : i1 to i32
    %cond3A_54 = arith.constant 0 : i32
    %cond3A_55 = arith.cmpi ne, %convert_element_type3A_53, %cond3A_54 : i32
    scf.if %cond3A_55 {
      %get3A_76 = arith.constant 0 : index
      %get3A_77 = arith.constant 0 : index
      %get3A_78 = vector.load %arg12[%get3A_76, %get3A_77] : memref<1x64xf32, #tpu.memory_space<vmem>>, vector<1x64xf32>
      %add3A_79 = arith.addf %get3A_78, %broadcast_in_dim3A : vector<1x64xf32>
      %swap3A_80 = arith.constant 0 : index
      %swap3A_81 = arith.constant 0 : index
      %swap3A_82 = vector.load %arg12[%swap3A_80, %swap3A_81] : memref<1x64xf32, #tpu.memory_space<vmem>>, vector<1x64xf32>
      tpu.vector_store %arg12[%swap3A_80, %swap3A_81], %add3A_79 {strides = array<i32>} : memref<1x64xf32, #tpu.memory_space<vmem>>, vector<1x64xf32>,
      %get3A_83 = arith.constant 0 : index
      %get3A_84 = arith.constant 0 : index
      %get3A_85 = vector.load %arg13[%get3A_83, %get3A_84] : memref<64x128xf32, #tpu.memory_space<vmem>>, vector<64x128xf32>
      %add3A_86 = arith.addf %get3A_85, %dot_general3A_47 : vector<64x128xf32>
      %swap3A_87 = arith.constant 0 : index
      %swap3A_88 = arith.constant 0 : index
      %swap3A_89 = vector.load %arg13[%swap3A_87, %swap3A_88] : memref<64x128xf32, #tpu.memory_space<vmem>>, vector<64x128xf32>
      tpu.vector_store %arg13[%swap3A_87, %swap3A_88], %add3A_86 {strides = array<i32>} : memref<64x128xf32, #tpu.memory_space<vmem>>, vector<64x128xf32>,
    } else {
    }
    %get3A_56 = arith.constant 0 : index
    %get3A_57 = arith.constant 0 : index
    %get3A_58 = vector.load %arg13[%get3A_56, %get3A_57] : memref<64x128xf32, #tpu.memory_space<vmem>>, vector<64x128xf32>
    %swap3A_59 = arith.constant 0 : index
    %swap3A_60 = arith.constant 0 : index
    %swap3A_61 = vector.load %arg11[%swap3A_59, %swap3A_60] : memref<64x128xf32, #tpu.memory_space<vmem>>, vector<64x128xf32>
    tpu.vector_store %arg11[%swap3A_59, %swap3A_60], %get3A_58 {strides = array<i32>} : memref<64x128xf32, #tpu.memory_space<vmem>>, vector<64x128xf32>,
    %get3A_62 = arith.constant 0 : index
    %get3A_63 = arith.constant 0 : index
    %get3A_64 = vector.load %arg12[%get3A_62, %get3A_63] : memref<1x64xf32, #tpu.memory_space<vmem>>, vector<1x64xf32>
    %iota3A_65 = tpu.iota {dimensions = array<i32: 0>} : vector<64x64xi32>
    %iota3A_66 = tpu.iota {dimensions = array<i32: 1>} : vector<64x64xi32>
    %lt3A = arith.cmpi slt, %iota3A_65, %iota3A_66 : vector<64x64xi32>
    %convert_element_type3A_67 = arith.extui %lt3A : vector<64x64xi1> to vector<64x64xi32>
    %convert_element_type3A_68 = arith.sitofp %convert_element_type3A_67 : vector<64x64xi32> to vector<64x64xf32>
    %dot_general3A_69 = arith.constant dense<0.000000e+00> : vector<1x64xf32>
    %dot_general3A_70 = tpu.matmul %get3A_64, %convert_element_type3A_68, %dot_general3A_69 {dimension_numbers = #tpu.dot_dimension_numbers<[1], [0], [0], [1], [0, 0, 1, 1], [], []>, transpose_lhs_hint = false} : vector<1x64xf32>, vector<64x64xf32>, vector<1x64xf32> -> vector<1x64xf32>
    %broadcast_in_dim3A_71 = arith.constant 1.000000e+04 : f32
    %broadcast_in_dim3A_72 = vector.broadcast %broadcast_in_dim3A_71 : f32 to vector<1x16xf32>
    %concatenate3A = tpu.concatenate %dot_general3A_70, %broadcast_in_dim3A_72 in 1 : vector<1x64xf32>, vector<1x16xf32> -> vector<1x80xf32>
    %swap3A_73 = arith.constant 0 : index
    %swap3A_74 = arith.constant 0 : index
    %swap3A_75 = vector.load %arg10[%swap3A_73, %swap3A_74] : memref<1x80xf32, #tpu.memory_space<vmem>>, vector<1x80xf32>
    tpu.vector_store %arg10[%swap3A_73, %swap3A_74], %concatenate3A {strides = array<i32>} : memref<1x80xf32, #tpu.memory_space<vmem>>, vector<1x80xf32>,
    return
  }
  func.func @transform_0(%arg0: i32) -> (i32, i32) {
    %c0_i32 = arith.constant 0 : i32
    %c0_i32_0 = arith.constant 0 : i32
    return %arg0, %c0_i32 : i32, i32
  }
  func.func @transform_1(%arg0: i32) -> (i32, i32) {
    %c0_i32 = arith.constant 0 : i32
    %c0_i32_0 = arith.constant 0 : i32
    return %arg0, %c0_i32 : i32, i32
  }
  func.func @transform_2(%arg0: i32) -> (i32, i32) {
    %c0_i32 = arith.constant 0 : i32
    %c0_i32_0 = arith.constant 0 : i32
    return %arg0, %c0_i32 : i32, i32
  }
  func.func @transform_3(%arg0: i32) -> (i32, i32) {
    %c0_i32 = arith.constant 0 : i32
    %c0_i32_0 = arith.constant 0 : i32
    return %arg0, %c0_i32 : i32, i32
  }
  func.func @transform_4(%arg0: i32) -> (i32, i32) {
    %c0_i32 = arith.constant 0 : i32
    %c0_i32_0 = arith.constant 0 : i32
    %c0_i32_1 = arith.constant 0 : i32
    return %c0_i32, %c0_i32_0 : i32, i32
  }
  func.func @transform_5(%arg0: i32) -> (i32, i32) {
    %c0_i32 = arith.constant 0 : i32
    %c0_i32_0 = arith.constant 0 : i32
    %c0_i32_1 = arith.constant 0 : i32
    return %c0_i32, %c0_i32_0 : i32, i32
  }
  func.func @transform_6(%arg0: i32) -> (i32, i32) {
    %c0_i32 = arith.constant 0 : i32
    %c0_i32_0 = arith.constant 0 : i32
    %c0_i32_1 = arith.constant 0 : i32
    return %c0_i32, %c0_i32_0 : i32, i32
  }
  func.func @transform_7(%arg0: i32) -> (i32, i32) {
    %c0_i32 = arith.constant 0 : i32
    %c0_i32_0 = arith.constant 0 : i32
    return %arg0, %c0_i32 : i32, i32
  }
  func.func @transform_8(%arg0: i32) -> (i32, i32) {
    %c0_i32 = arith.constant 0 : i32
    %c0_i32_0 = arith.constant 0 : i32
    return %arg0, %c0_i32 : i32, i32
  }
  func.func @transform_9(%arg0: i32) -> (i32, i32) {
    %c0_i32 = arith.constant 0 : i32
    %c0_i32_0 = arith.constant 0 : i32
    %c0_i32_1 = arith.constant 0 : i32
    return %c0_i32, %c0_i32_0 : i32, i32
  }
  func.func @transform_10(%arg0: i32) -> (i32, i32) {
    %c0_i32 = arith.constant 0 : i32
    %c0_i32_0 = arith.constant 0 : i32
    %c0_i32_1 = arith.constant 0 : i32
    return %c0_i32, %c0_i32_0 : i32, i32
  }
}

module attributes {stable_mosaic.version = 14 : i64} {
  func.func @_k4_body(%arg0: memref<64x128xf32, #tpu.memory_space<vmem>>, %arg1: memref<64x128xf32, #tpu.memory_space<vmem>>, %arg2: memref<64x16xf32, #tpu.memory_space<vmem>>, %arg3: memref<128x256xf32, #tpu.memory_space<vmem>>, %arg4: memref<128x256xf32, #tpu.memory_space<vmem>>, %arg5: memref<1x256xf32, #tpu.memory_space<vmem>>, %arg6: memref<256x1xf32, #tpu.memory_space<vmem>>, %arg7: memref<16x1xf32, #tpu.memory_space<vmem>>, %arg8: memref<1x1xf32, #tpu.memory_space<vmem>>, %arg9: memref<64x1xf32, #tpu.memory_space<vmem>>) attributes {dimension_semantics = [], scalar_prefetch = 0 : i64, scratch_operands = 0 : i64, tpu.core_type = #tpu.core_type<tc>} {
    %get3A = arith.constant 0 : index
    %get3A_0 = arith.constant 0 : index
    %get3A_1 = vector.load %arg0[%get3A, %get3A_0] : memref<64x128xf32, #tpu.memory_space<vmem>>, vector<64x128xf32>
    %get3A_2 = arith.constant 0 : index
    %get3A_3 = arith.constant 0 : index
    %get3A_4 = vector.load %arg3[%get3A_2, %get3A_3] : memref<128x256xf32, #tpu.memory_space<vmem>>, vector<128x256xf32>
    %dot_general3A = arith.constant dense<0.000000e+00> : vector<64x256xf32>
    %dot_general3A_5 = tpu.matmul %get3A_1, %get3A_4, %dot_general3A {dimension_numbers = #tpu.dot_dimension_numbers<[1], [0], [0], [1], [0, 0, 1, 1], [], []>, transpose_lhs_hint = false} : vector<64x128xf32>, vector<128x256xf32>, vector<64x256xf32> -> vector<64x256xf32>
    %get3A_6 = arith.constant 0 : index
    %get3A_7 = arith.constant 0 : index
    %get3A_8 = vector.load %arg1[%get3A_6, %get3A_7] : memref<64x128xf32, #tpu.memory_space<vmem>>, vector<64x128xf32>
    %get3A_9 = arith.constant 0 : index
    %get3A_10 = arith.constant 0 : index
    %get3A_11 = vector.load %arg4[%get3A_9, %get3A_10] : memref<128x256xf32, #tpu.memory_space<vmem>>, vector<128x256xf32>
    %dot_general3A_12 = arith.constant dense<0.000000e+00> : vector<64x256xf32>
    %dot_general3A_13 = tpu.matmul %get3A_8, %get3A_11, %dot_general3A_12 {dimension_numbers = #tpu.dot_dimension_numbers<[1], [0], [0], [1], [0, 0, 1, 1], [], []>, transpose_lhs_hint = false} : vector<64x128xf32>, vector<128x256xf32>, vector<64x256xf32> -> vector<64x256xf32>
    %add3A = arith.addf %dot_general3A_5, %dot_general3A_13 : vector<64x256xf32>
    %get3A_14 = arith.constant 0 : index
    %get3A_15 = arith.constant 0 : index
    %get3A_16 = vector.load %arg5[%get3A_14, %get3A_15] : memref<1x256xf32, #tpu.memory_space<vmem>>, vector<1x256xf32>
    %add3A_17 = vector.broadcast %get3A_16 : vector<1x256xf32> to vector<64x256xf32>
    %add3A_18 = arith.addf %add3A, %add3A_17 : vector<64x256xf32>
    %get3A_19 = arith.constant 0 : index
    %get3A_20 = arith.constant 0 : index
    %get3A_21 = vector.load %arg6[%get3A_19, %get3A_20] : memref<256x1xf32, #tpu.memory_space<vmem>>, vector<256x1xf32>
    %dot_general3A_22 = arith.constant dense<0.000000e+00> : vector<64x1xf32>
    %dot_general3A_23 = tpu.matmul %add3A_18, %get3A_21, %dot_general3A_22 {dimension_numbers = #tpu.dot_dimension_numbers<[1], [0], [0], [1], [0, 0, 1, 1], [], []>, transpose_lhs_hint = false} : vector<64x256xf32>, vector<256x1xf32>, vector<64x1xf32> -> vector<64x1xf32>
    %get3A_24 = arith.constant 0 : index
    %get3A_25 = arith.constant 0 : index
    %get3A_26 = vector.load %arg2[%get3A_24, %get3A_25] : memref<64x16xf32, #tpu.memory_space<vmem>>, vector<64x16xf32>
    %get3A_27 = arith.constant 0 : index
    %get3A_28 = arith.constant 0 : index
    %get3A_29 = vector.load %arg7[%get3A_27, %get3A_28] : memref<16x1xf32, #tpu.memory_space<vmem>>, vector<16x1xf32>
    %dot_general3A_30 = arith.constant dense<0.000000e+00> : vector<64x1xf32>
    %dot_general3A_31 = tpu.matmul %get3A_26, %get3A_29, %dot_general3A_30 {dimension_numbers = #tpu.dot_dimension_numbers<[1], [0], [0], [1], [0, 0, 1, 1], [], []>, transpose_lhs_hint = false} : vector<64x16xf32>, vector<16x1xf32>, vector<64x1xf32> -> vector<64x1xf32>
    %add3A_32 = arith.addf %dot_general3A_23, %dot_general3A_31 : vector<64x1xf32>
    %get3A_33 = arith.constant 0 : index
    %get3A_34 = arith.constant 0 : index
    %get3A_35 = vector.load %arg8[%get3A_33, %get3A_34] : memref<1x1xf32, #tpu.memory_space<vmem>>, vector<1x1xf32>
    %add3A_36 = vector.broadcast %get3A_35 : vector<1x1xf32> to vector<64x1xf32>
    %add3A_37 = arith.addf %add3A_32, %add3A_36 : vector<64x1xf32>
    %swap3A = arith.constant 0 : index
    %swap3A_38 = arith.constant 0 : index
    %swap3A_39 = vector.load %arg9[%swap3A, %swap3A_38] : memref<64x1xf32, #tpu.memory_space<vmem>>, vector<64x1xf32>
    tpu.vector_store %arg9[%swap3A, %swap3A_38], %add3A_37 {strides = array<i32>} : memref<64x1xf32, #tpu.memory_space<vmem>>, vector<64x1xf32>,
    return
  }
}

</mosaic_0001>

<sc_bundles>
// kernel: kernel.11.cloned.1.call-start
scs
__scs_entry_jumppad:
0x0: {  	(pc) =	sbr.rel $0x88, $3  }
0x1: {  	(tag) =	ssettag $0x0;
	lr =	simm.s32 $0x1  }
0x2: {  	[smem:$0x3F93] =	sst lr;
	_ =	strace $0xD0000000  }
0x3: {  	_ = 	snop  }
0x4: {  	_ = 	snop  }
0x5: {  	_ = 	snop  }
0x6: {  	_ = 	snop  }
0x7: {  	_ = 	snop  }
__scs_overlays_trampoline_lowered:
0x8: {  	[smem:$0x3FA2] =	sst s0  }
0x9: {  	[smem:$0x3FA3] =	sst s1  }
0xa: {  	[smem:$0x3FA4] =	sst s2  }
0xb: {  	[smem:$0x3FA5] =	sst s3  }
0xc: {  	[smem:$0x3FA6] =	sst s4  }
0xd: {  	[smem:$0x3FA7] =	sst s5  }
0xe: {  	[smem:$0x3FA8] =	sst s6  }
0xf: {  	[smem:$0x3FA9] =	sst s7  }
0x10: {  	[smem:$0x3FAA] =	sst s8  }
0x11: {  	[smem:$0x3FAB] =	sst s9;
	s0 =	simm.s32 @!p0 $0x0  }
0x12: {  	s1 =	sld [smem:$0x3F91];
	s0 =	simm.s32 @p0 $0x1  }
0x13: {  	[smem:$0x3FAC] =	sst s0;
	s0 =	simm.s32 @!p1 $0x0  }
0x14: {  	s2 =	sld [smem:$0x3F90];
	s0 =	simm.s32 @p1 $0x1  }
0x15: {  	[smem:$0x3FAD] =	sst s0;
	s0 =	simm.s32 @!p2 $0x0  }
0x16: {  	s3 =	sld [smem:$0x3FDB];
	s0 =	simm.s32 @p2 $0x1  }
0x17: {  	s4 =	simm.s32 $0x1BF5;
	[smem:$0x3FAF] =	sst s0  }
0x18: {  	s0 =	sld [smem:$0x3F92];
	_ =	swait.ge [sflag:s4], $0x0  }
0x19: {  	s7 =	sld [smem:$0x3F93]  }
0x1a: {  	s8 =	sadd.s32 $0xFFFFE003, lr  }
0x1b: {  	s9 =	sadd.s32 $0xFFFFFEF7, lr;
	s5 =	simm.s32 $0xFFFFFFFF;
	p2 =	slt.u32 s8, $0xFFFFF086  }
0x1c: {  	p1 =	slt.u32 s9, $0xF7A;
	s5 =	simm.s32 @!p2 $0x0  }
0x1d: {  	s5 =	simm.s32 @p1 $0x1;
	p0 =	seq.s32 s7, s2  }
0x1e: {  	s7 =	smul.u32 @!p0 $0xF7A, s2;
	p2 =	seq.s32 @!p0 s5, $0x0  }
0x1f: {  	s9 =	smul.u32 $0xF7A, s1;
	s8 =	simm.s32 @!p0 $0x1BF5;
	p2 =	por !p2, p0  }
0x20: {  	[sflag:s8] =	ssyncset.s32 @!p0 $0xFFFFF086;
	s6 =	sadd.s32 @!p0 s3, s7;
	s7 =	simm.s32 @!p0 $0x108  }
0x21: {  	s3 =	sadd.s32 s3, s9;
	s6 =	sadd.s32 @!p0 $0x88, s6;
	s7 =	simm.s32 @p2 $0x1082  }
0x22: {  	[simem:s7], [sflag:s8] =	dma.local @!p0 [hbm:s6], $0xF7A  }
0x23: {  	s9 =	sor.u32 $0xD0000000, s2;
	s6 =	simm.s32 $0x108;
	_ =	swait.ge @!p0 [sflag:s8], $0x0  }
0x24: {  	s3 =	sadd.s32 $0x88, s3;
	s6 =	simm.s32 @!p1 $0x1082;
	[sflag:s4] =	ssyncset.s32 $0xFFFFF086  }
0x25: {  	[simem:s6], [sflag:s4] =	dma.local [hbm:s3], $0xF7A  }
0x26: {  	[smem:$0x3F93] =	sst s1;
	(tag) =	ssettag s2;
	_ =	strace s9  }
0x27: {  	s1 =	sld [smem:$0x3FA3]  }
0x28: {  	s2 =	sld [smem:$0x3FA4]  }
0x29: {  	s4 =	sld [smem:$0x3FA6]  }
0x2a: {  	p0 =	seq.s32 s5, $0x0;
	s5 =	sld [smem:$0x3FA7]  }
0x2b: {  	s6 =	sld [smem:$0x3FA8]  }
0x2c: {  	s7 =	sld [smem:$0x3FA9]  }
0x2d: {  	s3 =	simm.s32 $0x108;
	s8 =	sld [smem:$0x3FAA]  }
0x2e: {  	s3 =	simm.s32 @!p0 $0x1082;
	s9 =	sld [smem:$0x3FAB]  }
0x2f: {  	lr =	sadd.s32 s0, s3;
	s0 =	sld [smem:$0x3FA2]  }
0x30: {  	s3 =	sld [smem:$0x3FA5]  }
0x31: {  	[smem:$0x3FAE] =	sst s10  }
0x32: {  	s10 =	sld [smem:$0x3FAC];
	_ =	sdelay $0x3  }
0x33: {  	p0 =	seq.s32 s10, $0x1;
	s10 =	sld [smem:$0x3FAE];
	_ =	sdelay $0x3  }
0x34: {  	[smem:$0x3FAE] =	sst s10  }
0x35: {  	s10 =	sld [smem:$0x3FAD];
	_ =	sdelay $0x3  }
0x36: {  	p1 =	seq.s32 s10, $0x1;
	s10 =	sld [smem:$0x3FAE];
	_ =	sdelay $0x3  }
0x37: {  	[smem:$0x3FAE] =	sst s10  }
0x38: {  	s10 =	sld [smem:$0x3FAF]  }
0x39: {  	_ = 	snop;
	(pc) =	sbr.ind lr, $3  }
0x3a: {  	_ = 	snop  }
0x3b: {  	_ = 	snop  }
0x3c: {  	p2 =	seq.s32 s10, $0x1;
	s10 =	sld [smem:$0x3FAE]  }
0x3d: {  	_ =	shalt  }
0x3e: {  	_ =	shalt  }
0x3f: {  	_ =	shalt  }
0x40: {  	_ =	shalt  }
0x41: {  	_ =	shalt  }
0x42: {  	_ =	shalt  }
0x43: {  	_ =	shalt  }
0x44: {  	_ =	shalt  }
0x45: {  	_ =	shalt  }
0x46: {  	_ =	shalt  }
0x47: {  	_ =	shalt  }
0x48: {  	_ =	shalt  }
0x49: {  	_ =	shalt  }
0x4a: {  	_ =	shalt  }
0x4b: {  	_ =	shalt  }
0x4c: {  	_ =	shalt  }
0x4d: {  	_ =	shalt  }
0x4e: {  	_ =	shalt  }
0x4f: {  	_ =	shalt  }
0x50: {  	_ =	shalt  }
0x51: {  	_ =	shalt  }
0x52: {  	_ =	shalt  }
0x53: {  	_ =	shalt  }
0x54: {  	_ =	shalt  }
0x55: {  	_ =	shalt  }
0x56: {  	_ =	shalt  }
0x57: {  	_ =	shalt  }
0x58: {  	_ =	shalt  }
0x59: {  	_ =	shalt  }
0x5a: {  	_ =	shalt  }
0x5b: {  	_ =	shalt  }
0x5c: {  	_ =	shalt  }
0x5d: {  	_ =	shalt  }
0x5e: {  	_ =	shalt  }
0x5f: {  	_ =	shalt  }
0x60: {  	_ =	shalt  }
0x61: {  	_ =	shalt  }
0x62: {  	_ =	shalt  }
0x63: {  	_ =	shalt  }
0x64: {  	_ =	shalt  }
0x65: {  	_ =	shalt  }
0x66: {  	_ =	shalt  }
0x67: {  	_ =	shalt  }
0x68: {  	_ =	shalt  }
0x69: {  	_ =	shalt  }
0x6a: {  	_ =	shalt  }
0x6b: {  	_ =	shalt  }
0x6c: {  	_ =	shalt  }
0x6d: {  	_ =	shalt  }
0x6e: {  	_ =	shalt  }
0x6f: {  	_ =	shalt  }
0x70: {  	_ =	shalt  }
0x71: {  	_ =	shalt  }
0x72: {  	_ =	shalt  }
0x73: {  	_ =	shalt  }
0x74: {  	_ =	shalt  }
0x75: {  	_ =	shalt  }
0x76: {  	_ =	shalt  }
0x77: {  	_ =	shalt  }
0x78: {  	_ =	shalt  }
0x79: {  	_ =	shalt  }
0x7a: {  	_ =	shalt  }
0x7b: {  	_ =	shalt  }
0x7c: {  	_ =	shalt  }
0x7d: {  	_ =	shalt  }
0x7e: {  	_ =	shalt  }
0x7f: {  	_ =	shalt  }
0x80: {  	_ =	shalt  }
0x81: {  	_ =	shalt  }
0x82: {  	_ =	shalt  }
0x83: {  	_ =	shalt  }
0x84: {  	_ =	shalt  }
0x85: {  	_ =	shalt  }
0x86: {  	_ =	shalt  }
0x87: {  	_ =	shalt  }
.Lfunc_end0:
.L_simem_size_0:
called_computation_lowered:
.L_overlay_start_0:
0x88: {  	s2 =	sld [smem:$0x3FD9]  }
0x89: {  	s3 =	sld [smem:$0x3FFE];
	_ =	sdelay $0x1  }
0x8a: {  	s1 =	srdreg.scid  }
0x8b: {  	s0 =	sand.u32 $0x1, s1  }
0x8c: {  	s16 =	sshll.u32 s0, $0xA;
	s2 =	sadd.s32 s3, s2  }
0x8d: {  	s2 =	sadd.s32 s2, s16  }
0x8e: {  	[smem:$0x3FBA] =	sst s2  }
0x8f: {  	_ = 	snop  }
0x90: {  	(tm) =	ssettm $0x1  }
0x91: {  	s17 =	sld [smem:$0x3FFB];
	_ =	sdelay $0x3  }
0x92: {  	_ =	strace s17  }
0x93: {  	s2 =	sld [smem:$0x3FFC];
	_ =	sdelay $0x3  }
0x94: {  	_ =	strace s2  }
0x95: {  	s2 =	sld [smem:$0x3FFD];
	_ =	sdelay $0x3  }
0x96: {  	_ =	strace s2  }
0x97: {  	_ =	strace $0x8FFFFFFF  }
0x98: {  	s18 =	sld [smem:$0x3FDB];
	_ =	sdelay $0x1  }
0x99: {  	s19 =	simm.s32 $_scs_section_size  }
0x9a: {  	s4 =	simm.s32 $_size__tile_overlayer_lowered;
	s5 =	simm.s32 $_tile_overlayer_lowered  }
0x9b: {  	s22 =	simm.s32 $0x1BFF;
	s21 =	sshll.u32 s5, $0x1;
	s2 =	sadd.s32 s19, s18  }
0x9c: {  	s6 =	simm.s32 $0x0;
	s20 =	sshll.u32 s4, $0x1;
	s4 =	sadd.s32 s21, s2  }
0x9d: {  	[timem:s6], [sflag:s22] =	dma.local [hbm:s4], s20  }
0x9e: {  	_ =	swait.ge [sflag:s22], s20  }
0x9f: {  	s3 =	ssub.s32 $0x0, s20;
	[sflag:s22] =	ssyncset.done $0x0  }
0xa0: {  	[sflag:s22] =	ssyncadd.s32 s3;
	_ =	sdelay $0x1  }
0xa1: {  	s23 =	simm.s32 $0x1B8B  }
0xa2: {  	_ =	swait.ge [sflag:s23], $0x1  }
0xa3: {  	[sflag:s23] =	ssyncset.done $0x0  }
0xa4: {  	s25 =	simm.s32 $0x1B8E;
	s24 =	sld [smem:$0x3FFE];
	[sflag:s23] =	ssyncadd.s32 $0xFFFFFFFF  }
0xa5: {  	s26 =	simm.s32 $execute0_lowered;
	[smem:$0x3FD2] =	sst s25  }
0xa6: {  	s4 =	sshll.u32 s26, $0x1;
	_ =	strace $0x80000046;
	[dreg:$0x1] =	wrdreg $0xFFFFFFFF  }
0xa7: {  	s28 =	simm.s32 $_size_execute0_lowered;
	s2 =	sadd.s32 s2, s4;
	[dreg:$0x0] =	wrdreg $0x0  }
0xa8: {  	s4 =	sshll.u32 s28, $0x1;
	[dreg:$0x2] =	wrdreg s2  }
0xa9: {  	[dreg:$0x3] =	wrdreg s4  }
0xaa: {  	[dreg:$0x4] =	wrdreg $0xC0  }
0xab: {  	_ =	task [dreg:s6], $0x5FFFF  }
0xac: {  	[dreg:$0x1] =	wrdreg $0xFFFFFFFF  }
0xad: {  	[dreg:$0x0] =	wrdreg $0x60  }
0xae: {  	[dreg:$0x2] =	wrdreg s24  }
0xaf: {  	[dreg:$0x3] =	wrdreg $0x68000  }
0xb0: {  	[dreg:$0x4] =	wrdreg $0x9  }
0xb1: {  	_ =	task.clear_ibuf [dreg:s6], $0x5FFFF;
	_ =	strace $0x90000046  }
0xb2: {  	s29 =	simm.s32 $0x9;
	_ =	strace $0x80000048  }
0xb3: {  	_ =	swait.ge [sflag:s29], $0x1  }
0xb4: {  	[sflag:s29] =	ssyncadd.s32 $0xFFFFFFFF  }
0xb5: {  	_ =	strace $0x90000048  }
0xb6: {  	_ =	sfence  }
0xb7: {  	s30 =	sld [smem:$0x0];
	_ =	sdelay $0x2  }
0xb8: {  	s31 =	sshll.u32 s1, $0xD;
	s1 =	sshrl.u32 s1, $0x2  }
0xb9: {  	s3 =	sand.u32 $0x4000, s31;
	s1 =	sadd.s32 s1, s30  }
0xba: {  	s0 =	sor.u32 s3, s0;
	s1 =	sshll.u32 s1, $0x11  }
0xbb: {  	s0 =	sor.u32 s1, s0  }
0xbc: {  	s0 =	sadd.s32 $0x8F2B, s0  }
0xbd: {  	[sflag:s0] =	ssyncadd.remote.s32 $0x1  }
0xbe: {  	_ =	sfence.sel $0xFFFF  }
0xbf: {  	[dreg:$0x0] =	wrdreg $0xFFFFFFFF;
	(pc) =	sbr.abs _section_cstart, $3  }
0xc0: {  	[dreg:$0x1] =	wrdreg $0xFFFFFFFF  }
0xc1: {  	_ =	task.clear_ibuf [dreg:s6], $0x2FFFF;
	_ =	strace $0x9FFFFFFF  }
0xc2: {  	(tm) =	ssettm $0x7FFFFFFF  }
0xc3: {  	_ =	shalt  }
tec
execute0_lowered:
.L_overlay_start_1:
0x0: {  	(tag) =	ssettag $0x1  }
0x1: {  	s0 =	srdreg.scid;
	s5 =	rddreg [dreg:$0x0]  }
0x2: {  	s2 =	rddreg [dreg:$0x1];
	s4 =	sand.u32 $0x1, s0  }
0x3: {  	s3 =	simm.s32 $0x0;
	s0 =	stileid.u32;
	s7 =	smul.u32 $0x140000, s4  }
0x4: {  	s13 =	simm.s32 $0x1;
	s14 =	simm.s32 $0x80;
	s8 =	smul.u32 $0x14000, s0  }
0x5: {  	[smem:$0x7FF] =	sst s3;
	s1 =	sshll.u32 s4, $0x4;
	s9 =	smul.u32 $0x50000, s0  }
0x6: {  	s29 =	ssub.s32 $0x2, s4;
	s15 =	sshll.u32 s0, $0x6;
	s1 =	sor.u32 s0, s1  }
0x7: {  	s31 =	sshrl.u32 s29, $0x1;
	s15 =	sor.u32 $0x1C01, s15;
	s6 =	smul.u32 $0x500, s1  }
0x8: {  	s1 =	rddreg [dreg:$0x2];
	_ =	strace $0x80000047;
	s30 =	sshrl.u32 s9, $0x2  }
0x9: {  	s28 =	sadd.s32 s8, s7;
	s12 =	ssub.s32 s29, s31;
	s4 =	sadd.s32 s30, s2  }
0xa: {  	s10 =	sadd.s32 s6, s5;
	s6 =	sshrl.u32 s28, $0x3;
	s7 =	sadd.s32 $0xC000, s4  }
0xb: {  	s8 =	sadd.s32 $0x10000, s4;
	s16 =	sshrl.u32 s4, $0x3;
	s11 =	sadd.s32 s6, s5  }
0xc: {  	s5 =	sadd.s32 $0x4000, s4;
	s6 =	sadd.s32 $0x8000, s4;
	s9 =	sadd.s32 $0x4600, s10  }
0xd: {  	v0 =	vimm.f32 $0.0e+00;
	v1 =	vimm.f32 $1.000000000e+00;
	s10 =	sadd.s32 $0x18600, s11;
	s11 =	smax.u32 s12, $0x1;
	s12 =	simm.s32 $0x2800  }
.LBB2_1:
0xe: {  	s17 =	simm.s32 $0x0;
	s18 =	simm.s32 $0x200  }
.LBB2_2:
0xf: {  	p0 =	sne.s32 s18, $0xFE00;
	[tilespmem:s17+$0x2870] =	vst v0  }
0x10: {  	[tilespmem:s17+$0x2800] =	vst v0  }
0x11: {  	[tilespmem:s17+$0x2810] =	vst v0  }
.Ltmp0:
0x12: {  	[tilespmem:s17+$0x2820] =	vst v0;
	(pc) =	sbr.rel @p0 .LBB2_2-.Ltmp0, $4  }
0x13: {  	[tilespmem:s17+$0x2830] =	vst v0  }
0x14: {  	[tilespmem:s17+$0x2840] =	vst v0  }
0x15: {  	[tilespmem:s17+$0x2850] =	vst v0  }
0x16: {  	[tilespmem:s17+$0x2860] =	vst v0;
	s17 =	sshra.s32 s18, $0x2;
	s18 =	sadd.s32 $0x200, s18  }
0x17: {  	[tilespmem:s17+$0x2870] =	vst v0  }
0x18: {  	[tilespmem:s17+$0x2800] =	vst v0  }
0x19: {  	[tilespmem:s17+$0x2810] =	vst v0  }
0x1a: {  	[tilespmem:s17+$0x2820] =	vst v0  }
0x1b: {  	[tilespmem:s17+$0x2830] =	vst v0  }
0x1c: {  	[tilespmem:s17+$0x2840] =	vst v0  }
0x1d: {  	[tilespmem:s17+$0x2850] =	vst v0  }
0x1e: {  	[tilespmem:s17+$0x2860] =	vst v0  }
0x1f: {  	[spmem:s4] =	stream.linear.scatter [tilespmem:s12], [sflag:$0x1], $0x4000, $0x38;
	[tilespmem:$0x1A800] =	vst v63  }
0x20: {  	_ =	swait.ge [sflag:s13], $0x4000  }
0x21: {  	[sflag:s13] =	ssyncset.done $0x0  }
0x22: {  	[sflag:s13] =	ssyncadd.s32 $0xFFFFC000  }
0x23: {  	[spmem:s5] =	stream.linear.scatter [tilespmem:s12], [sflag:$0x1], $0x4000, $0x38;
	[tilespmem:$0x1A800] =	vst v63  }
0x24: {  	_ =	swait.ge [sflag:s13], $0x4000  }
0x25: {  	[sflag:s13] =	ssyncset.done $0x0  }
0x26: {  	[sflag:s13] =	ssyncadd.s32 $0xFFFFC000  }
0x27: {  	[spmem:s6] =	stream.linear.scatter [tilespmem:s12], [sflag:$0x1], $0x4000, $0x38;
	[tilespmem:$0x1A800] =	vst v63  }
0x28: {  	_ =	swait.ge [sflag:s13], $0x4000  }
0x29: {  	[sflag:s13] =	ssyncset.done $0x0  }
0x2a: {  	[sflag:s13] =	ssyncadd.s32 $0xFFFFC000  }
0x2b: {  	[spmem:s7] =	stream.linear.scatter [tilespmem:s12], [sflag:$0x1], $0x4000, $0x38;
	[tilespmem:$0x1A800] =	vst v63  }
0x2c: {  	_ =	swait.ge [sflag:s13], $0x4000  }
0x2d: {  	[sflag:s13] =	ssyncset.done $0x0  }
0x2e: {  	[sflag:s13] =	ssyncadd.s32 $0xFFFFC000  }
0x2f: {  	[spmem:s8] =	stream.linear.scatter [tilespmem:s12], [sflag:$0x1], $0x4000, $0x38;
	[tilespmem:$0x1A800] =	vst v63  }
0x30: {  	_ =	swait.ge [sflag:s13], $0x4000  }
0x31: {  	[sflag:s13] =	ssyncset.done $0x0  }
0x32: {  	s17 =	simm.s32 $0x0;
	s18 =	simm.s32 $0x200;
	[sflag:s13] =	ssyncadd.s32 $0xFFFFC000  }
.LBB2_4:
0x33: {  	p0 =	sne.s32 s18, $0xFE00;
	[tilespmem:s17+$0x2870] =	vst v1  }
0x34: {  	[tilespmem:s17+$0x2800] =	vst v1  }
0x35: {  	[tilespmem:s17+$0x2810] =	vst v1  }
.Ltmp1:
0x36: {  	[tilespmem:s17+$0x2820] =	vst v1;
	(pc) =	sbr.rel @p0 .LBB2_4-.Ltmp1, $4  }
0x37: {  	[tilespmem:s17+$0x2830] =	vst v1  }
0x38: {  	[tilespmem:s17+$0x2840] =	vst v1  }
0x39: {  	[tilespmem:s17+$0x2850] =	vst v1  }
0x3a: {  	[tilespmem:s17+$0x2860] =	vst v1;
	s17 =	sshra.s32 s18, $0x2;
	s18 =	sadd.s32 $0x200, s18  }
0x3b: {  	[tilespmem:s17+$0x2870] =	vst v1  }
0x3c: {  	[tilespmem:s17+$0x2800] =	vst v1  }
0x3d: {  	[tilespmem:s17+$0x2810] =	vst v1  }
0x3e: {  	[tilespmem:s17+$0x2820] =	vst v1  }
0x3f: {  	[tilespmem:s17+$0x2830] =	vst v1  }
0x40: {  	[tilespmem:s17+$0x2840] =	vst v1  }
0x41: {  	[tilespmem:s17+$0x2850] =	vst v1  }
0x42: {  	[tilespmem:s17+$0x2860] =	vst v1;
	s30 =	simm.s32 $0x0  }
0x43: {  	[tilespmem:s30], [sflag:$0x1] =	stream.linear.gather [hbm4b:s9+s30], $0x2800, $0x38;
	[tilespmem:$0x1A800] =	vst v63  }
0x44: {  	_ =	swait.ge [sflag:s13], $0x2800  }
0x45: {  	[sflag:s13] =	ssyncset.done $0x0  }
0x46: {  	[sflag:s13] =	ssyncadd.s32 $0xFFFFD800  }
0x47: {  	s31 =	simm.s32 $0x0;
	[bflag:$0x0] =	sbarrier.arrive $0xFFFF  }
0x48: {  	[spmem:s2] =	stream.indirect.scatter.add.f32 [tilespmem:s12], [sflag:$0x1], $0x80, s31, s14, $0xb8;
	[tilespmem:$0x1A800] =	vst v63  }
0x49: {  	_ =	swait.ge [sflag:s13], $0x4000  }
0x4a: {  	s17 =	simm.s32 $0x200;
	[sflag:s13] =	ssyncset.done $0x0  }
.LBB2_6:
0x4b: {  	s18 =	sshra.s32 s17, $0x2;
	[sflag:s13] =	ssyncadd.s32 $0xFFFFC000;
	p0 =	sne.s32 s17, $0x9E00  }
0x4c: {  	[spmem:s2] =	stream.indirect.scatter.add.f32 [tilespmem:s12], [sflag:$0x1], $0x80, s18, s14, $0xb8;
	[tilespmem:$0x1A800] =	vst v63  }
.Ltmp2:
0x4d: {  	_ = 	snop;
	(pc) =	sbr.rel @p0 .LBB2_6-.Ltmp2, $4  }
0x4e: {  	_ = 	snop  }
0x4f: {  	s17 =	sadd.s32 $0x200, s17  }
0x50: {  	_ =	swait.ge [sflag:s13], $0x4000  }
0x51: {  	[sflag:s13] =	ssyncset.done $0x0  }
0x52: {  	s3 =	sadd.s32 $0x1, s3  }
0x53: {  	[sflag:s13] =	ssyncadd.s32 $0xFFFFC000;
	p0 =	sne.s32 s3, s11  }
.Ltmp3:
0x54: {  	[bflag:$0x0] =	sbarrier.arrive $0xFFFF;
	(pc) =	sbr.rel @p0 .LBB2_1-.Ltmp3, $4  }
0x55: {  	[hbm:s10], [sflag:s15] =	dma.local [spmem:s16], $0x2800  }
0x56: {  	_ =	swait.ge [sflag:s13], $0x2800  }
0x57: {  	[sflag:s13] =	ssyncset.done $0x0  }
0x58: {  	[sflag:s13] =	ssyncadd.s32 $0xFFFFD800  }
0x59: {  	_ =	sfence.sel $0x180000  }
0x5a: {  	[bflag:$0x0] =	sbarrier.arrive $0xFFFF  }
0x5b: {  	p0 =	sne.s32 s0, $0x0;
	_ =	strace $0x90000047  }
0x5c: {  	s0 =	sadd.s32 @!p0 $0x100000, s1;
	[bflag:$0x2] =	sbarrier.arrive $0xFFFF  }
0x5d: {  	[sflag:s0] =	ssyncadd.tile.s32 @!p0 $0x1;
	_ =	shalt  }
.Lfunc_end2:
_tile_overlayer_lowered:
.L_overlay_start_2:
0x5e: {  	(tag) =	ssettag $0x2  }
0x5f: {  	s0 =	rddreg [dreg:$0x0];
	s2 =	stileid.u32  }
0x60: {  	s1 =	rddreg [dreg:$0x1];
	p0 =	sne.s32 s2, $0x0  }
0x61: {  	s3 =	rddreg [dreg:$0x2];
	[bflag:$0x3] =	sbarrier.arrive $0xFFFF;
	s2 =	simm.s32 @!p0 $0x1C01  }
0x62: {  	[timem:s3], [sflag:s2] =	dma.local @!p0 [hbm:s0], s1  }
0x63: {  	s0 =	simm.s32 @!p0 $0x1  }
0x64: {  	_ =	swait.ge @!p0 [sflag:s0], s1  }
0x65: {  	s1 =	ssub.s32 @!p0 $0x0, s1;
	[sflag:s0] =	ssyncset.done @!p0 $0x0  }
0x66: {  	[sflag:s0] =	ssyncadd.s32 @!p0 s1  }
0x67: {  	[bflag:$0x3] =	sbarrier.arrive $0xFFFF  }
0x68: {  	_ =	shalt  }

// kernel: kernel.14.cloned.1.call-start
scs
__scs_entry_jumppad:
0x0: {  	(pc) =	sbr.rel $0x88, $3  }
0x1: {  	(tag) =	ssettag $0x0;
	lr =	simm.s32 $0x1  }
0x2: {  	[smem:$0x3F93] =	sst lr;
	_ =	strace $0xD0000000  }
0x3: {  	_ = 	snop  }
0x4: {  	_ = 	snop  }
0x5: {  	_ = 	snop  }
0x6: {  	_ = 	snop  }
0x7: {  	_ = 	snop  }
__scs_overlays_trampoline_lowered:
0x8: {  	[smem:$0x3FA2] =	sst s0  }
0x9: {  	[smem:$0x3FA3] =	sst s1  }
0xa: {  	[smem:$0x3FA4] =	sst s2  }
0xb: {  	[smem:$0x3FA5] =	sst s3  }
0xc: {  	[smem:$0x3FA6] =	sst s4  }
0xd: {  	[smem:$0x3FA7] =	sst s5  }
0xe: {  	[smem:$0x3FA8] =	sst s6  }
0xf: {  	[smem:$0x3FA9] =	sst s7  }
0x10: {  	[smem:$0x3FAA] =	sst s8  }
0x11: {  	[smem:$0x3FAB] =	sst s9;
	s0 =	simm.s32 @!p0 $0x0  }
0x12: {  	s1 =	sld [smem:$0x3F91];
	s0 =	simm.s32 @p0 $0x1  }
0x13: {  	[smem:$0x3FAC] =	sst s0;
	s0 =	simm.s32 @!p1 $0x0  }
0x14: {  	s2 =	sld [smem:$0x3F90];
	s0 =	simm.s32 @p1 $0x1  }
0x15: {  	[smem:$0x3FAD] =	sst s0;
	s0 =	simm.s32 @!p2 $0x0  }
0x16: {  	s3 =	sld [smem:$0x3FDB];
	s0 =	simm.s32 @p2 $0x1  }
0x17: {  	s4 =	simm.s32 $0x1BF5;
	[smem:$0x3FAF] =	sst s0  }
0x18: {  	s0 =	sld [smem:$0x3F92];
	_ =	swait.ge [sflag:s4], $0x0  }
0x19: {  	s7 =	sld [smem:$0x3F93]  }
0x1a: {  	s8 =	sadd.s32 $0xFFFFE003, lr  }
0x1b: {  	s9 =	sadd.s32 $0xFFFFFEF7, lr;
	s5 =	simm.s32 $0xFFFFFFFF;
	p2 =	slt.u32 s8, $0xFFFFF086  }
0x1c: {  	p1 =	slt.u32 s9, $0xF7A;
	s5 =	simm.s32 @!p2 $0x0  }
0x1d: {  	s5 =	simm.s32 @p1 $0x1;
	p0 =	seq.s32 s7, s2  }
0x1e: {  	s7 =	smul.u32 @!p0 $0xF7A, s2;
	p2 =	seq.s32 @!p0 s5, $0x0  }
0x1f: {  	s9 =	smul.u32 $0xF7A, s1;
	s8 =	simm.s32 @!p0 $0x1BF5;
	p2 =	por !p2, p0  }
0x20: {  	[sflag:s8] =	ssyncset.s32 @!p0 $0xFFFFF086;
	s6 =	sadd.s32 @!p0 s3, s7;
	s7 =	simm.s32 @!p0 $0x108  }
0x21: {  	s3 =	sadd.s32 s3, s9;
	s6 =	sadd.s32 @!p0 $0x88, s6;
	s7 =	simm.s32 @p2 $0x1082  }
0x22: {  	[simem:s7], [sflag:s8] =	dma.local @!p0 [hbm:s6], $0xF7A  }
0x23: {  	s9 =	sor.u32 $0xD0000000, s2;
	s6 =	simm.s32 $0x108;
	_ =	swait.ge @!p0 [sflag:s8], $0x0  }
0x24: {  	s3 =	sadd.s32 $0x88, s3;
	s6 =	simm.s32 @!p1 $0x1082;
	[sflag:s4] =	ssyncset.s32 $0xFFFFF086  }
0x25: {  	[simem:s6], [sflag:s4] =	dma.local [hbm:s3], $0xF7A  }
0x26: {  	[smem:$0x3F93] =	sst s1;
	(tag) =	ssettag s2;
	_ =	strace s9  }
0x27: {  	s1 =	sld [smem:$0x3FA3]  }
0x28: {  	s2 =	sld [smem:$0x3FA4]  }
0x29: {  	s4 =	sld [smem:$0x3FA6]  }
0x2a: {  	p0 =	seq.s32 s5, $0x0;
	s5 =	sld [smem:$0x3FA7]  }
0x2b: {  	s6 =	sld [smem:$0x3FA8]  }
0x2c: {  	s7 =	sld [smem:$0x3FA9]  }
0x2d: {  	s3 =	simm.s32 $0x108;
	s8 =	sld [smem:$0x3FAA]  }
0x2e: {  	s3 =	simm.s32 @!p0 $0x1082;
	s9 =	sld [smem:$0x3FAB]  }
0x2f: {  	lr =	sadd.s32 s0, s3;
	s0 =	sld [smem:$0x3FA2]  }
0x30: {  	s3 =	sld [smem:$0x3FA5]  }
0x31: {  	[smem:$0x3FAE] =	sst s10  }
0x32: {  	s10 =	sld [smem:$0x3FAC];
	_ =	sdelay $0x3  }
0x33: {  	p0 =	seq.s32 s10, $0x1;
	s10 =	sld [smem:$0x3FAE];
	_ =	sdelay $0x3  }
0x34: {  	[smem:$0x3FAE] =	sst s10  }
0x35: {  	s10 =	sld [smem:$0x3FAD];
	_ =	sdelay $0x3  }
0x36: {  	p1 =	seq.s32 s10, $0x1;
	s10 =	sld [smem:$0x3FAE];
	_ =	sdelay $0x3  }
0x37: {  	[smem:$0x3FAE] =	sst s10  }
0x38: {  	s10 =	sld [smem:$0x3FAF]  }
0x39: {  	_ = 	snop;
	(pc) =	sbr.ind lr, $3  }
0x3a: {  	_ = 	snop  }
0x3b: {  	_ = 	snop  }
0x3c: {  	p2 =	seq.s32 s10, $0x1;
	s10 =	sld [smem:$0x3FAE]  }
0x3d: {  	_ =	shalt  }
0x3e: {  	_ =	shalt  }
0x3f: {  	_ =	shalt  }
0x40: {  	_ =	shalt  }
0x41: {  	_ =	shalt  }
0x42: {  	_ =	shalt  }
0x43: {  	_ =	shalt  }
0x44: {  	_ =	shalt  }
0x45: {  	_ =	shalt  }
0x46: {  	_ =	shalt  }
0x47: {  	_ =	shalt  }
0x48: {  	_ =	shalt  }
0x49: {  	_ =	shalt  }
0x4a: {  	_ =	shalt  }
0x4b: {  	_ =	shalt  }
0x4c: {  	_ =	shalt  }
0x4d: {  	_ =	shalt  }
0x4e: {  	_ =	shalt  }
0x4f: {  	_ =	shalt  }
0x50: {  	_ =	shalt  }
0x51: {  	_ =	shalt  }
0x52: {  	_ =	shalt  }
0x53: {  	_ =	shalt  }
0x54: {  	_ =	shalt  }
0x55: {  	_ =	shalt  }
0x56: {  	_ =	shalt  }
0x57: {  	_ =	shalt  }
0x58: {  	_ =	shalt  }
0x59: {  	_ =	shalt  }
0x5a: {  	_ =	shalt  }
0x5b: {  	_ =	shalt  }
0x5c: {  	_ =	shalt  }
0x5d: {  	_ =	shalt  }
0x5e: {  	_ =	shalt  }
0x5f: {  	_ =	shalt  }
0x60: {  	_ =	shalt  }
0x61: {  	_ =	shalt  }
0x62: {  	_ =	shalt  }
0x63: {  	_ =	shalt  }
0x64: {  	_ =	shalt  }
0x65: {  	_ =	shalt  }
0x66: {  	_ =	shalt  }
0x67: {  	_ =	shalt  }
0x68: {  	_ =	shalt  }
0x69: {  	_ =	shalt  }
0x6a: {  	_ =	shalt  }
0x6b: {  	_ =	shalt  }
0x6c: {  	_ =	shalt  }
0x6d: {  	_ =	shalt  }
0x6e: {  	_ =	shalt  }
0x6f: {  	_ =	shalt  }
0x70: {  	_ =	shalt  }
0x71: {  	_ =	shalt  }
0x72: {  	_ =	shalt  }
0x73: {  	_ =	shalt  }
0x74: {  	_ =	shalt  }
0x75: {  	_ =	shalt  }
0x76: {  	_ =	shalt  }
0x77: {  	_ =	shalt  }
0x78: {  	_ =	shalt  }
0x79: {  	_ =	shalt  }
0x7a: {  	_ =	shalt  }
0x7b: {  	_ =	shalt  }
0x7c: {  	_ =	shalt  }
0x7d: {  	_ =	shalt  }
0x7e: {  	_ =	shalt  }
0x7f: {  	_ =	shalt  }
0x80: {  	_ =	shalt  }
0x81: {  	_ =	shalt  }
0x82: {  	_ =	shalt  }
0x83: {  	_ =	shalt  }
0x84: {  	_ =	shalt  }
0x85: {  	_ =	shalt  }
0x86: {  	_ =	shalt  }
0x87: {  	_ =	shalt  }
.Lfunc_end0:
.L_simem_size_0:
called_computation.1_lowered:
.L_overlay_start_0:
0x88: {  	s2 =	sld [smem:$0x3FD9]  }
0x89: {  	s3 =	sld [smem:$0x3FFE];
	_ =	sdelay $0x1  }
0x8a: {  	s1 =	srdreg.scid  }
0x8b: {  	s0 =	sand.u32 $0x1, s1  }
0x8c: {  	s16 =	sshll.u32 s0, $0xA;
	s2 =	sadd.s32 s3, s2  }
0x8d: {  	s2 =	sadd.s32 s2, s16  }
0x8e: {  	[smem:$0x3FBA] =	sst s2  }
0x8f: {  	_ = 	snop  }
0x90: {  	(tm) =	ssettm $0x1  }
0x91: {  	s17 =	sld [smem:$0x3FFB];
	_ =	sdelay $0x3  }
0x92: {  	_ =	strace s17  }
0x93: {  	s2 =	sld [smem:$0x3FFC];
	_ =	sdelay $0x3  }
0x94: {  	_ =	strace s2  }
0x95: {  	s2 =	sld [smem:$0x3FFD];
	_ =	sdelay $0x3  }
0x96: {  	_ =	strace s2  }
0x97: {  	_ =	strace $0x8FFFFFFF  }
0x98: {  	s18 =	sld [smem:$0x3FDB];
	_ =	sdelay $0x1  }
0x99: {  	s19 =	simm.s32 $_scs_section_size  }
0x9a: {  	s4 =	simm.s32 $_size__tile_overlayer_lowered;
	s5 =	simm.s32 $_tile_overlayer_lowered  }
0x9b: {  	s22 =	simm.s32 $0x1BFF;
	s21 =	sshll.u32 s5, $0x1;
	s2 =	sadd.s32 s19, s18  }
0x9c: {  	s6 =	simm.s32 $0x0;
	s20 =	sshll.u32 s4, $0x1;
	s4 =	sadd.s32 s21, s2  }
0x9d: {  	[timem:s6], [sflag:s22] =	dma.local [hbm:s4], s20  }
0x9e: {  	_ =	swait.ge [sflag:s22], s20  }
0x9f: {  	s3 =	ssub.s32 $0x0, s20;
	[sflag:s22] =	ssyncset.done $0x0  }
0xa0: {  	[sflag:s22] =	ssyncadd.s32 s3;
	_ =	sdelay $0x1  }
0xa1: {  	s23 =	simm.s32 $0x1B8B  }
0xa2: {  	_ =	swait.ge [sflag:s23], $0x1  }
0xa3: {  	[sflag:s23] =	ssyncset.done $0x0  }
0xa4: {  	s25 =	simm.s32 $0x1B8E;
	s24 =	sld [smem:$0x3FFE];
	[sflag:s23] =	ssyncadd.s32 $0xFFFFFFFF  }
0xa5: {  	s26 =	simm.s32 $execute0_lowered;
	[smem:$0x3FD2] =	sst s25  }
0xa6: {  	s4 =	sshll.u32 s26, $0x1;
	_ =	strace $0x80000049;
	[dreg:$0x1] =	wrdreg $0xFFFFFFFF  }
0xa7: {  	s28 =	simm.s32 $_size_execute0_lowered;
	s2 =	sadd.s32 s2, s4;
	[dreg:$0x0] =	wrdreg $0x0  }
0xa8: {  	s4 =	sshll.u32 s28, $0x1;
	[dreg:$0x2] =	wrdreg s2  }
0xa9: {  	[dreg:$0x3] =	wrdreg s4  }
0xaa: {  	[dreg:$0x4] =	wrdreg $0xC0  }
0xab: {  	_ =	task [dreg:s6], $0x5FFFF  }
0xac: {  	[dreg:$0x1] =	wrdreg $0xFFFFFFFF  }
0xad: {  	[dreg:$0x0] =	wrdreg $0x60  }
0xae: {  	[dreg:$0x2] =	wrdreg s24  }
0xaf: {  	[dreg:$0x3] =	wrdreg $0xA8000  }
0xb0: {  	[dreg:$0x4] =	wrdreg $0x9  }
0xb1: {  	_ =	task.clear_ibuf [dreg:s6], $0x5FFFF;
	_ =	strace $0x90000049  }
0xb2: {  	s29 =	simm.s32 $0x9;
	_ =	strace $0x8000004B  }
0xb3: {  	_ =	swait.ge [sflag:s29], $0x1  }
0xb4: {  	[sflag:s29] =	ssyncadd.s32 $0xFFFFFFFF  }
0xb5: {  	_ =	strace $0x9000004B  }
0xb6: {  	_ =	sfence  }
0xb7: {  	s30 =	sld [smem:$0x0];
	_ =	sdelay $0x2  }
0xb8: {  	s31 =	sshll.u32 s1, $0xD;
	s1 =	sshrl.u32 s1, $0x2  }
0xb9: {  	s3 =	sand.u32 $0x4000, s31;
	s1 =	sadd.s32 s1, s30  }
0xba: {  	s0 =	sor.u32 s3, s0;
	s1 =	sshll.u32 s1, $0x11  }
0xbb: {  	s0 =	sor.u32 s1, s0  }
0xbc: {  	s0 =	sadd.s32 $0x8F2B, s0  }
0xbd: {  	[sflag:s0] =	ssyncadd.remote.s32 $0x1  }
0xbe: {  	_ =	sfence.sel $0xFFFF  }
0xbf: {  	[dreg:$0x0] =	wrdreg $0xFFFFFFFF;
	(pc) =	sbr.abs _section_cstart, $3  }
0xc0: {  	[dreg:$0x1] =	wrdreg $0xFFFFFFFF  }
0xc1: {  	_ =	task.clear_ibuf [dreg:s6], $0x2FFFF;
	_ =	strace $0x9FFFFFFF  }
0xc2: {  	(tm) =	ssettm $0x7FFFFFFF  }
0xc3: {  	_ =	shalt  }
tec
execute0_lowered:
.L_overlay_start_1:
0x0: {  	(tag) =	ssettag $0x1  }
0x1: {  	s6 =	rddreg [dreg:$0x0]  }
0x2: {  	s1 =	rddreg [dreg:$0x1];
	s2 =	srdreg.scid  }
0x3: {  	s0 =	rddreg [dreg:$0x2];
	s3 =	simm.s32 $0x0;
	s18 =	simm.s32 $0x1400  }
0x4: {  	s19 =	simm.s32 $0x80;
	s20 =	simm.s32 $0x6800;
	s21 =	simm.s32 $0x1  }
0x5: {  	s22 =	simm.s32 $0x2;
	s23 =	simm.s32 $0x2700;
	s24 =	simm.s32 $0x2780  }
0x6: {  	s5 =	sand.u32 $0x1, s2;
	s2 =	stileid.u32;
	[smem:$0x7FF] =	sst s3  }
0x7: {  	s4 =	sadd.s32 $0x18600, s6;
	s12 =	sadd.s32 $0xE600, s6;
	s7 =	smul.u32 $0x140000, s5  }
0x8: {  	s13 =	sadd.s32 $0x4600, s6;
	s8 =	smul.u32 $0x14000, s2;
	_ =	strace $0x8000004A  }
0x9: {  	s28 =	smul.u32 $0x50000, s2;
	s9 =	sshll.u32 s5, $0x4;
	s10 =	ssub.s32 $0x2, s5  }
0xa: {  	s9 =	sor.u32 s2, s9;
	s30 =	sshrl.u32 s10, $0x1;
	s7 =	sadd.s32 s8, s7  }
0xb: {  	s29 =	sshrl.u32 s28, $0x2;
	s11 =	smul.u32 $0x2800, s9;
	s15 =	ssub.s32 s10, s30  }
0xc: {  	s16 =	smul.u32 $0x500, s9;
	s7 =	sshrl.u32 s7, $0x3;
	s5 =	sadd.s32 s29, s1  }
0xd: {  	s15 =	smax.u32 s15, $0x1;
	s14 =	sadd.s32 s7, s6;
	s6 =	sadd.s32 $0x4000, s5  }
0xe: {  	s7 =	sadd.s32 $0x8000, s5;
	s31 =	sshrl.u32 s11, $0x3;
	s8 =	sadd.s32 $0xC000, s5  }
0xf: {  	s9 =	sadd.s32 $0x10000, s5;
	s10 =	sadd.s32 s12, s16;
	s11 =	sadd.s32 s13, s16  }
0x10: {  	s16 =	simm.s32 $0x2800;
	s17 =	sadd.s32 $0x280, s31;
	s14 =	sadd.s32 $0x90600, s14  }
0x11: {  	v0 =	vimm.f32 $0.0e+00;
	s12 =	sadd.s32 s12, s17;
	s13 =	sadd.s32 s13, s17;
	s17 =	simm.s32 $0x3  }
.LBB2_1:
0x12: {  	s25 =	simm.s32 $0x0;
	s26 =	simm.s32 $0x200  }
.LBB2_2:
0x13: {  	p0 =	sne.s32 s26, $0xFE00;
	[tilespmem:s25+$0x2870] =	vst v0  }
0x14: {  	[tilespmem:s25+$0x2800] =	vst v0  }
0x15: {  	[tilespmem:s25+$0x2810] =	vst v0  }
.Ltmp0:
0x16: {  	[tilespmem:s25+$0x2820] =	vst v0;
	(pc) =	sbr.rel @p0 .LBB2_2-.Ltmp0, $4  }
0x17: {  	[tilespmem:s25+$0x2830] =	vst v0  }
0x18: {  	[tilespmem:s25+$0x2840] =	vst v0  }
0x19: {  	[tilespmem:s25+$0x2850] =	vst v0  }
0x1a: {  	[tilespmem:s25+$0x2860] =	vst v0;
	s25 =	sshra.s32 s26, $0x2;
	s26 =	sadd.s32 $0x200, s26  }
0x1b: {  	[tilespmem:s25+$0x2870] =	vst v0  }
0x1c: {  	[tilespmem:s25+$0x2800] =	vst v0  }
0x1d: {  	[tilespmem:s25+$0x2810] =	vst v0  }
0x1e: {  	[tilespmem:s25+$0x2820] =	vst v0  }
0x1f: {  	[tilespmem:s25+$0x2830] =	vst v0  }
0x20: {  	[tilespmem:s25+$0x2840] =	vst v0  }
0x21: {  	[tilespmem:s25+$0x2850] =	vst v0  }
0x22: {  	[tilespmem:s25+$0x2860] =	vst v0  }
0x23: {  	[spmem:s5] =	stream.linear.scatter [tilespmem:s16], [sflag:$0x3], $0x4000, $0x38;
	[tilespmem:$0x1E800] =	vst v63  }
0x24: {  	_ =	swait.ge [sflag:s17], $0x4000  }
0x25: {  	[sflag:s17] =	ssyncset.done $0x0  }
0x26: {  	[sflag:s17] =	ssyncadd.s32 $0xFFFFC000  }
0x27: {  	[spmem:s6] =	stream.linear.scatter [tilespmem:s16], [sflag:$0x3], $0x4000, $0x38;
	[tilespmem:$0x1E800] =	vst v63  }
0x28: {  	_ =	swait.ge [sflag:s17], $0x4000  }
0x29: {  	[sflag:s17] =	ssyncset.done $0x0  }
0x2a: {  	[sflag:s17] =	ssyncadd.s32 $0xFFFFC000  }
0x2b: {  	[spmem:s7] =	stream.linear.scatter [tilespmem:s16], [sflag:$0x3], $0x4000, $0x38;
	[tilespmem:$0x1E800] =	vst v63  }
0x2c: {  	_ =	swait.ge [sflag:s17], $0x4000  }
0x2d: {  	[sflag:s17] =	ssyncset.done $0x0  }
0x2e: {  	[sflag:s17] =	ssyncadd.s32 $0xFFFFC000  }
0x2f: {  	[spmem:s8] =	stream.linear.scatter [tilespmem:s16], [sflag:$0x3], $0x4000, $0x38;
	[tilespmem:$0x1E800] =	vst v63  }
0x30: {  	_ =	swait.ge [sflag:s17], $0x4000  }
0x31: {  	[sflag:s17] =	ssyncset.done $0x0  }
0x32: {  	[sflag:s17] =	ssyncadd.s32 $0xFFFFC000  }
0x33: {  	[spmem:s9] =	stream.linear.scatter [tilespmem:s16], [sflag:$0x3], $0x4000, $0x38;
	[tilespmem:$0x1E800] =	vst v63  }
0x34: {  	_ =	swait.ge [sflag:s17], $0x4000  }
0x35: {  	[sflag:s17] =	ssyncset.done $0x0  }
0x36: {  	[sflag:s17] =	ssyncadd.s32 $0xFFFFC000  }
0x37: {  	s28 =	simm.s32 $0x0;
	[bflag:$0x0] =	sbarrier.arrive $0xFFFF  }
0x38: {  	[tilespmem:s28], [sflag:$0x3] =	stream.linear.gather [hbm4b:s10+s28], $0x1400, $0x38;
	[tilespmem:$0x1E800] =	vst v63  }
0x39: {  	_ =	swait.ge [sflag:s17], $0x1400  }
0x3a: {  	[sflag:s17] =	ssyncset.done $0x0  }
0x3b: {  	[sflag:s17] =	ssyncadd.s32 $0xFFFFEC00  }
0x3c: {  	[tilespmem:s18], [sflag:$0x3] =	stream.linear.gather [hbm4b:s11+s28], $0x1400, $0x38;
	[tilespmem:$0x1E800] =	vst v63  }
0x3d: {  	_ =	swait.ge [sflag:s17], $0x1400  }
0x3e: {  	[sflag:s17] =	ssyncset.done $0x0  }
0x3f: {  	[sflag:s17] =	ssyncadd.s32 $0xFFFFEC00  }
0x40: {  	[tilespmem:s16], [sflag:$0x1] =	stream.indirect.gather [hbm4b:s4+s19], $0x80, s28, s19, $0xb8;
	[tilespmem:$0x1E800] =	vst v63  }
0x41: {  	_ = 	snop  }
0x42: {  	[tilespmem:s20], [sflag:$0x2] =	stream.indirect.gather [hbm4b:s4+s19], $0x80, s19, s19, $0xb8;
	[tilespmem:$0x1E800] =	vst v63  }
0x43: {  	_ =	swait.ge [sflag:s21], $0x4000  }
0x44: {  	[sflag:s21] =	ssyncset.done $0x0  }
0x45: {  	s29 =	simm.s32 $0x1400;
	[sflag:s21] =	ssyncadd.s32 $0xFFFFC000  }
0x46: {  	[spmem:s1] =	stream.indirect.scatter.add.f32 [tilespmem:s16], [sflag:$0x3], $0x80, s29, s19, $0xb8;
	[tilespmem:$0x1E800] =	vst v63  }
0x47: {  	_ =	swait.ge [sflag:s17], $0x4000  }
0x48: {  	[sflag:s17] =	ssyncset.done $0x0  }
0x49: {  	s30 =	simm.s32 $0x100;
	[sflag:s17] =	ssyncadd.s32 $0xFFFFC000  }
0x4a: {  	[tilespmem:s16], [sflag:$0x1] =	stream.indirect.gather [hbm4b:s4+s19], $0x80, s30, s19, $0xb8;
	[tilespmem:$0x1E800] =	vst v63  }
0x4b: {  	_ =	swait.ge [sflag:s22], $0x4000  }
0x4c: {  	[sflag:s22] =	ssyncset.done $0x0  }
0x4d: {  	s31 =	simm.s32 $0x1480;
	[sflag:s22] =	ssyncadd.s32 $0xFFFFC000  }
0x4e: {  	[spmem:s1] =	stream.indirect.scatter.add.f32 [tilespmem:s20], [sflag:$0x3], $0x80, s31, s19, $0xb8;
	[tilespmem:$0x1E800] =	vst v63  }
0x4f: {  	_ =	swait.ge [sflag:s17], $0x4000  }
0x50: {  	[sflag:s17] =	ssyncset.done $0x0  }
0x51: {  	s25 =	simm.s32 $0x400;
	s26 =	simm.s32 $0x180;
	[sflag:s17] =	ssyncadd.s32 $0xFFFFC000  }
.LBB2_4:
0x52: {  	[tilespmem:s20], [sflag:$0x2] =	stream.indirect.gather [hbm4b:s4+s19], $0x80, s26, s19, $0xb8;
	[tilespmem:$0x1E800] =	vst v63  }
0x53: {  	s26 =	smov.u32 s25  }
0x54: {  	p0 =	sne.s32 s25, $0x4800;
	s25 =	sadd.s32 $0x400, s25;
	_ =	swait.ge [sflag:s21], $0x4000  }
0x55: {  	s26 =	sshra.s32 s26, $0x2;
	[sflag:s21] =	ssyncset.done $0x0  }
0x56: {  	s28 =	sadd.s32 $0x1400, s26;
	[sflag:s21] =	ssyncadd.s32 $0xFFFFC000  }
0x57: {  	[spmem:s1] =	stream.indirect.scatter.add.f32 [tilespmem:s16], [sflag:$0x3], $0x80, s28, s19, $0xb8;
	[tilespmem:$0x1E800] =	vst v63  }
0x58: {  	_ =	swait.ge [sflag:s17], $0x4000  }
0x59: {  	[sflag:s17] =	ssyncset.done $0x0  }
0x5a: {  	s28 =	sadd.s32 $0x100, s26;
	[sflag:s17] =	ssyncadd.s32 $0xFFFFC000  }
0x5b: {  	[tilespmem:s16], [sflag:$0x1] =	stream.indirect.gather [hbm4b:s4+s19], $0x80, s28, s19, $0xb8;
	[tilespmem:$0x1E800] =	vst v63  }
0x5c: {  	_ =	swait.ge [sflag:s22], $0x4000  }
0x5d: {  	[sflag:s22] =	ssyncset.done $0x0  }
.Ltmp1:
0x5e: {  	s28 =	sadd.s32 $0x1480, s26;
	[sflag:s22] =	ssyncadd.s32 $0xFFFFC000;
	(pc) =	sbr.rel @p0 .LBB2_4-.Ltmp1, $4  }
0x5f: {  	[spmem:s1] =	stream.indirect.scatter.add.f32 [tilespmem:s20], [sflag:$0x3], $0x80, s28, s19, $0xb8;
	[tilespmem:$0x1E800] =	vst v63  }
0x60: {  	_ =	swait.ge [sflag:s17], $0x4000  }
0x61: {  	[sflag:s17] =	ssyncset.done $0x0  }
0x62: {  	s26 =	sadd.s32 $0x180, s26;
	[sflag:s17] =	ssyncadd.s32 $0xFFFFC000  }
0x63: {  	[tilespmem:s20], [sflag:$0x2] =	stream.indirect.gather [hbm4b:s4+s19], $0x80, s26, s19, $0xb8;
	[tilespmem:$0x1E800] =	vst v63  }
0x64: {  	_ =	swait.ge [sflag:s21], $0x4000  }
0x65: {  	[sflag:s21] =	ssyncset.done $0x0  }
0x66: {  	[sflag:s21] =	ssyncadd.s32 $0xFFFFC000  }
0x67: {  	[spmem:s1] =	stream.indirect.scatter.add.f32 [tilespmem:s16], [sflag:$0x3], $0x80, s23, s19, $0xb8;
	[tilespmem:$0x1E800] =	vst v63  }
0x68: {  	_ =	swait.ge [sflag:s17], $0x4000  }
0x69: {  	[sflag:s17] =	ssyncset.done $0x0  }
0x6a: {  	[sflag:s17] =	ssyncadd.s32 $0xFFFFC000  }
0x6b: {  	_ =	swait.ge [sflag:s22], $0x4000  }
0x6c: {  	[sflag:s22] =	ssyncset.done $0x0  }
0x6d: {  	[sflag:s22] =	ssyncadd.s32 $0xFFFFC000  }
0x6e: {  	[spmem:s1] =	stream.indirect.scatter.add.f32 [tilespmem:s20], [sflag:$0x3], $0x80, s24, s19, $0xb8;
	[tilespmem:$0x1E800] =	vst v63  }
0x6f: {  	_ =	swait.ge [sflag:s17], $0x4000  }
0x70: {  	[sflag:s17] =	ssyncset.done $0x0  }
0x71: {  	s25 =	simm.s32 $0x0;
	[sflag:s17] =	ssyncadd.s32 $0xFFFFC000  }
0x72: {  	[tilespmem:s25], [sflag:$0x3] =	stream.linear.gather [hbm4b:s12+s25], $0x1400, $0x38;
	[tilespmem:$0x1E800] =	vst v63  }
0x73: {  	_ =	swait.ge [sflag:s17], $0x1400  }
0x74: {  	[sflag:s17] =	ssyncset.done $0x0  }
0x75: {  	[sflag:s17] =	ssyncadd.s32 $0xFFFFEC00  }
0x76: {  	[tilespmem:s18], [sflag:$0x3] =	stream.linear.gather [hbm4b:s13+s25], $0x1400, $0x38;
	[tilespmem:$0x1E800] =	vst v63  }
0x77: {  	_ =	swait.ge [sflag:s17], $0x1400  }
0x78: {  	[sflag:s17] =	ssyncset.done $0x0  }
0x79: {  	[sflag:s17] =	ssyncadd.s32 $0xFFFFEC00  }
0x7a: {  	[tilespmem:s16], [sflag:$0x1] =	stream.indirect.gather [hbm4b:s4+s19], $0x80, s25, s19, $0xb8;
	[tilespmem:$0x1E800] =	vst v63  }
0x7b: {  	_ = 	snop  }
0x7c: {  	[tilespmem:s20], [sflag:$0x2] =	stream.indirect.gather [hbm4b:s4+s19], $0x80, s19, s19, $0xb8;
	[tilespmem:$0x1E800] =	vst v63  }
0x7d: {  	_ =	swait.ge [sflag:s21], $0x4000  }
0x7e: {  	[sflag:s21] =	ssyncset.done $0x0  }
0x7f: {  	s29 =	simm.s32 $0x1400;
	[sflag:s21] =	ssyncadd.s32 $0xFFFFC000  }
0x80: {  	[spmem:s1] =	stream.indirect.scatter.add.f32 [tilespmem:s16], [sflag:$0x3], $0x80, s29, s19, $0xb8;
	[tilespmem:$0x1E800] =	vst v63  }
0x81: {  	_ =	swait.ge [sflag:s17], $0x4000  }
0x82: {  	[sflag:s17] =	ssyncset.done $0x0  }
0x83: {  	s30 =	simm.s32 $0x100;
	[sflag:s17] =	ssyncadd.s32 $0xFFFFC000  }
0x84: {  	[tilespmem:s16], [sflag:$0x1] =	stream.indirect.gather [hbm4b:s4+s19], $0x80, s30, s19, $0xb8;
	[tilespmem:$0x1E800] =	vst v63  }
0x85: {  	_ =	swait.ge [sflag:s22], $0x4000  }
0x86: {  	[sflag:s22] =	ssyncset.done $0x0  }
0x87: {  	s31 =	simm.s32 $0x1480;
	[sflag:s22] =	ssyncadd.s32 $0xFFFFC000  }
0x88: {  	[spmem:s1] =	stream.indirect.scatter.add.f32 [tilespmem:s20], [sflag:$0x3], $0x80, s31, s19, $0xb8;
	[tilespmem:$0x1E800] =	vst v63  }
0x89: {  	_ =	swait.ge [sflag:s17], $0x4000  }
0x8a: {  	[sflag:s17] =	ssyncset.done $0x0  }
0x8b: {  	s26 =	simm.s32 $0x180;
	s25 =	simm.s32 $0x400;
	[sflag:s17] =	ssyncadd.s32 $0xFFFFC000  }
.LBB2_6:
0x8c: {  	[tilespmem:s20], [sflag:$0x2] =	stream.indirect.gather [hbm4b:s4+s19], $0x80, s26, s19, $0xb8;
	[tilespmem:$0x1E800] =	vst v63  }
0x8d: {  	s26 =	smov.u32 s25  }
0x8e: {  	p0 =	sne.s32 s25, $0x4800;
	s25 =	sadd.s32 $0x400, s25;
	_ =	swait.ge [sflag:s21], $0x4000  }
0x8f: {  	s26 =	sshra.s32 s26, $0x2;
	[sflag:s21] =	ssyncset.done $0x0  }
0x90: {  	s28 =	sadd.s32 $0x1400, s26;
	[sflag:s21] =	ssyncadd.s32 $0xFFFFC000  }
0x91: {  	[spmem:s1] =	stream.indirect.scatter.add.f32 [tilespmem:s16], [sflag:$0x3], $0x80, s28, s19, $0xb8;
	[tilespmem:$0x1E800] =	vst v63  }
0x92: {  	_ =	swait.ge [sflag:s17], $0x4000  }
0x93: {  	[sflag:s17] =	ssyncset.done $0x0  }
0x94: {  	s28 =	sadd.s32 $0x100, s26;
	[sflag:s17] =	ssyncadd.s32 $0xFFFFC000  }
0x95: {  	[tilespmem:s16], [sflag:$0x1] =	stream.indirect.gather [hbm4b:s4+s19], $0x80, s28, s19, $0xb8;
	[tilespmem:$0x1E800] =	vst v63  }
0x96: {  	_ =	swait.ge [sflag:s22], $0x4000  }
0x97: {  	[sflag:s22] =	ssyncset.done $0x0  }
.Ltmp2:
0x98: {  	s28 =	sadd.s32 $0x1480, s26;
	[sflag:s22] =	ssyncadd.s32 $0xFFFFC000;
	(pc) =	sbr.rel @p0 .LBB2_6-.Ltmp2, $4  }
0x99: {  	[spmem:s1] =	stream.indirect.scatter.add.f32 [tilespmem:s20], [sflag:$0x3], $0x80, s28, s19, $0xb8;
	[tilespmem:$0x1E800] =	vst v63  }
0x9a: {  	_ =	swait.ge [sflag:s17], $0x4000  }
0x9b: {  	[sflag:s17] =	ssyncset.done $0x0  }
0x9c: {  	s26 =	sadd.s32 $0x180, s26;
	[sflag:s17] =	ssyncadd.s32 $0xFFFFC000  }
0x9d: {  	[tilespmem:s20], [sflag:$0x2] =	stream.indirect.gather [hbm4b:s4+s19], $0x80, s26, s19, $0xb8;
	[tilespmem:$0x1E800] =	vst v63  }
0x9e: {  	_ =	swait.ge [sflag:s21], $0x4000  }
0x9f: {  	[sflag:s21] =	ssyncset.done $0x0  }
0xa0: {  	[sflag:s21] =	ssyncadd.s32 $0xFFFFC000  }
0xa1: {  	[spmem:s1] =	stream.indirect.scatter.add.f32 [tilespmem:s16], [sflag:$0x3], $0x80, s23, s19, $0xb8;
	[tilespmem:$0x1E800] =	vst v63  }
0xa2: {  	_ =	swait.ge [sflag:s17], $0x4000  }
0xa3: {  	[sflag:s17] =	ssyncset.done $0x0  }
0xa4: {  	[sflag:s17] =	ssyncadd.s32 $0xFFFFC000  }
0xa5: {  	_ =	swait.ge [sflag:s22], $0x4000  }
0xa6: {  	[sflag:s22] =	ssyncset.done $0x0  }
0xa7: {  	[sflag:s22] =	ssyncadd.s32 $0xFFFFC000  }
0xa8: {  	[spmem:s1] =	stream.indirect.scatter.add.f32 [tilespmem:s20], [sflag:$0x3], $0x80, s24, s19, $0xb8;
	[tilespmem:$0x1E800] =	vst v63  }
0xa9: {  	_ =	swait.ge [sflag:s17], $0x4000  }
0xaa: {  	s25 =	sshll.u32 s2, $0x6;
	s3 =	sadd.s32 $0x1, s3;
	[sflag:s17] =	ssyncset.done $0x0  }
0xab: {  	s31 =	sshrl.u32 s5, $0x3;
	p0 =	sne.s32 s3, s15;
	[sflag:s17] =	ssyncadd.s32 $0xFFFFC000  }
.Ltmp3:
0xac: {  	s25 =	sor.u32 $0x1C03, s25;
	[bflag:$0x0] =	sbarrier.arrive $0xFFFF;
	(pc) =	sbr.rel @p0 .LBB2_1-.Ltmp3, $4  }
0xad: {  	[hbm:s14], [sflag:s25] =	dma.local [spmem:s31], $0x2800  }
0xae: {  	_ =	swait.ge [sflag:s17], $0x2800  }
0xaf: {  	[sflag:s17] =	ssyncset.done $0x0  }
0xb0: {  	[sflag:s17] =	ssyncadd.s32 $0xFFFFD800  }
0xb1: {  	_ =	sfence.sel $0x180000  }
0xb2: {  	[bflag:$0x0] =	sbarrier.arrive $0xFFFF  }
0xb3: {  	p0 =	sne.s32 s2, $0x0;
	_ =	strace $0x9000004A  }
0xb4: {  	s0 =	sadd.s32 @!p0 $0x100000, s0;
	[bflag:$0x2] =	sbarrier.arrive $0xFFFF  }
0xb5: {  	[sflag:s0] =	ssyncadd.tile.s32 @!p0 $0x1;
	_ =	shalt  }
.Lfunc_end2:
_tile_overlayer_lowered:
.L_overlay_start_2:
0xb6: {  	(tag) =	ssettag $0x2  }
0xb7: {  	s0 =	rddreg [dreg:$0x0];
	s2 =	stileid.u32  }
0xb8: {  	s1 =	rddreg [dreg:$0x1];
	p0 =	sne.s32 s2, $0x0  }
0xb9: {  	s3 =	rddreg [dreg:$0x2];
	[bflag:$0x3] =	sbarrier.arrive $0xFFFF;
	s2 =	simm.s32 @!p0 $0x1C03  }
0xba: {  	[timem:s3], [sflag:s2] =	dma.local @!p0 [hbm:s0], s1  }
0xbb: {  	s0 =	simm.s32 @!p0 $0x3  }
0xbc: {  	_ =	swait.ge @!p0 [sflag:s0], s1  }
0xbd: {  	s1 =	ssub.s32 @!p0 $0x0, s1;
	[sflag:s0] =	ssyncset.done @!p0 $0x0  }
0xbe: {  	[sflag:s0] =	ssyncadd.s32 @!p0 s1  }
0xbf: {  	[bflag:$0x3] =	sbarrier.arrive $0xFFFF  }
0xc0: {  	_ =	shalt  }

// kernel: kernel.17.cloned.1.call-start
scs
__scs_entry_jumppad:
0x0: {  	(pc) =	sbr.rel $0x88, $3  }
0x1: {  	(tag) =	ssettag $0x0;
	lr =	simm.s32 $0x1  }
0x2: {  	[smem:$0x3F93] =	sst lr;
	_ =	strace $0xD0000000  }
0x3: {  	_ = 	snop  }
0x4: {  	_ = 	snop  }
0x5: {  	_ = 	snop  }
0x6: {  	_ = 	snop  }
0x7: {  	_ = 	snop  }
__scs_overlays_trampoline_lowered:
0x8: {  	[smem:$0x3FA2] =	sst s0  }
0x9: {  	[smem:$0x3FA3] =	sst s1  }
0xa: {  	[smem:$0x3FA4] =	sst s2  }
0xb: {  	[smem:$0x3FA5] =	sst s3  }
0xc: {  	[smem:$0x3FA6] =	sst s4  }
0xd: {  	[smem:$0x3FA7] =	sst s5  }
0xe: {  	[smem:$0x3FA8] =	sst s6  }
0xf: {  	[smem:$0x3FA9] =	sst s7  }
0x10: {  	[smem:$0x3FAA] =	sst s8  }
0x11: {  	[smem:$0x3FAB] =	sst s9;
	s0 =	simm.s32 @!p0 $0x0  }
0x12: {  	s1 =	sld [smem:$0x3F91];
	s0 =	simm.s32 @p0 $0x1  }
0x13: {  	[smem:$0x3FAC] =	sst s0;
	s0 =	simm.s32 @!p1 $0x0  }
0x14: {  	s2 =	sld [smem:$0x3F90];
	s0 =	simm.s32 @p1 $0x1  }
0x15: {  	[smem:$0x3FAD] =	sst s0;
	s0 =	simm.s32 @!p2 $0x0  }
0x16: {  	s3 =	sld [smem:$0x3FDB];
	s0 =	simm.s32 @p2 $0x1  }
0x17: {  	s4 =	simm.s32 $0x1BF5;
	[smem:$0x3FAF] =	sst s0  }
0x18: {  	s0 =	sld [smem:$0x3F92];
	_ =	swait.ge [sflag:s4], $0x0  }
0x19: {  	s7 =	sld [smem:$0x3F93]  }
0x1a: {  	s8 =	sadd.s32 $0xFFFFE003, lr  }
0x1b: {  	s9 =	sadd.s32 $0xFFFFFEF7, lr;
	s5 =	simm.s32 $0xFFFFFFFF;
	p2 =	slt.u32 s8, $0xFFFFF086  }
0x1c: {  	p1 =	slt.u32 s9, $0xF7A;
	s5 =	simm.s32 @!p2 $0x0  }
0x1d: {  	s5 =	simm.s32 @p1 $0x1;
	p0 =	seq.s32 s7, s2  }
0x1e: {  	s7 =	smul.u32 @!p0 $0xF7A, s2;
	p2 =	seq.s32 @!p0 s5, $0x0  }
0x1f: {  	s9 =	smul.u32 $0xF7A, s1;
	s8 =	simm.s32 @!p0 $0x1BF5;
	p2 =	por !p2, p0  }
0x20: {  	[sflag:s8] =	ssyncset.s32 @!p0 $0xFFFFF086;
	s6 =	sadd.s32 @!p0 s3, s7;
	s7 =	simm.s32 @!p0 $0x108  }
0x21: {  	s3 =	sadd.s32 s3, s9;
	s6 =	sadd.s32 @!p0 $0x88, s6;
	s7 =	simm.s32 @p2 $0x1082  }
0x22: {  	[simem:s7], [sflag:s8] =	dma.local @!p0 [hbm:s6], $0xF7A  }
0x23: {  	s9 =	sor.u32 $0xD0000000, s2;
	s6 =	simm.s32 $0x108;
	_ =	swait.ge @!p0 [sflag:s8], $0x0  }
0x24: {  	s3 =	sadd.s32 $0x88, s3;
	s6 =	simm.s32 @!p1 $0x1082;
	[sflag:s4] =	ssyncset.s32 $0xFFFFF086  }
0x25: {  	[simem:s6], [sflag:s4] =	dma.local [hbm:s3], $0xF7A  }
0x26: {  	[smem:$0x3F93] =	sst s1;
	(tag) =	ssettag s2;
	_ =	strace s9  }
0x27: {  	s1 =	sld [smem:$0x3FA3]  }
0x28: {  	s2 =	sld [smem:$0x3FA4]  }
0x29: {  	s4 =	sld [smem:$0x3FA6]  }
0x2a: {  	p0 =	seq.s32 s5, $0x0;
	s5 =	sld [smem:$0x3FA7]  }
0x2b: {  	s6 =	sld [smem:$0x3FA8]  }
0x2c: {  	s7 =	sld [smem:$0x3FA9]  }
0x2d: {  	s3 =	simm.s32 $0x108;
	s8 =	sld [smem:$0x3FAA]  }
0x2e: {  	s3 =	simm.s32 @!p0 $0x1082;
	s9 =	sld [smem:$0x3FAB]  }
0x2f: {  	lr =	sadd.s32 s0, s3;
	s0 =	sld [smem:$0x3FA2]  }
0x30: {  	s3 =	sld [smem:$0x3FA5]  }
0x31: {  	[smem:$0x3FAE] =	sst s10  }
0x32: {  	s10 =	sld [smem:$0x3FAC];
	_ =	sdelay $0x3  }
0x33: {  	p0 =	seq.s32 s10, $0x1;
	s10 =	sld [smem:$0x3FAE];
	_ =	sdelay $0x3  }
0x34: {  	[smem:$0x3FAE] =	sst s10  }
0x35: {  	s10 =	sld [smem:$0x3FAD];
	_ =	sdelay $0x3  }
0x36: {  	p1 =	seq.s32 s10, $0x1;
	s10 =	sld [smem:$0x3FAE];
	_ =	sdelay $0x3  }
0x37: {  	[smem:$0x3FAE] =	sst s10  }
0x38: {  	s10 =	sld [smem:$0x3FAF]  }
0x39: {  	_ = 	snop;
	(pc) =	sbr.ind lr, $3  }
0x3a: {  	_ = 	snop  }
0x3b: {  	_ = 	snop  }
0x3c: {  	p2 =	seq.s32 s10, $0x1;
	s10 =	sld [smem:$0x3FAE]  }
0x3d: {  	_ =	shalt  }
0x3e: {  	_ =	shalt  }
0x3f: {  	_ =	shalt  }
0x40: {  	_ =	shalt  }
0x41: {  	_ =	shalt  }
0x42: {  	_ =	shalt  }
0x43: {  	_ =	shalt  }
0x44: {  	_ =	shalt  }
0x45: {  	_ =	shalt  }
0x46: {  	_ =	shalt  }
0x47: {  	_ =	shalt  }
0x48: {  	_ =	shalt  }
0x49: {  	_ =	shalt  }
0x4a: {  	_ =	shalt  }
0x4b: {  	_ =	shalt  }
0x4c: {  	_ =	shalt  }
0x4d: {  	_ =	shalt  }
0x4e: {  	_ =	shalt  }
0x4f: {  	_ =	shalt  }
0x50: {  	_ =	shalt  }
0x51: {  	_ =	shalt  }
0x52: {  	_ =	shalt  }
0x53: {  	_ =	shalt  }
0x54: {  	_ =	shalt  }
0x55: {  	_ =	shalt  }
0x56: {  	_ =	shalt  }
0x57: {  	_ =	shalt  }
0x58: {  	_ =	shalt  }
0x59: {  	_ =	shalt  }
0x5a: {  	_ =	shalt  }
0x5b: {  	_ =	shalt  }
0x5c: {  	_ =	shalt  }
0x5d: {  	_ =	shalt  }
0x5e: {  	_ =	shalt  }
0x5f: {  	_ =	shalt  }
0x60: {  	_ =	shalt  }
0x61: {  	_ =	shalt  }
0x62: {  	_ =	shalt  }
0x63: {  	_ =	shalt  }
0x64: {  	_ =	shalt  }
0x65: {  	_ =	shalt  }
0x66: {  	_ =	shalt  }
0x67: {  	_ =	shalt  }
0x68: {  	_ =	shalt  }
0x69: {  	_ =	shalt  }
0x6a: {  	_ =	shalt  }
0x6b: {  	_ =	shalt  }
0x6c: {  	_ =	shalt  }
0x6d: {  	_ =	shalt  }
0x6e: {  	_ =	shalt  }
0x6f: {  	_ =	shalt  }
0x70: {  	_ =	shalt  }
0x71: {  	_ =	shalt  }
0x72: {  	_ =	shalt  }
0x73: {  	_ =	shalt  }
0x74: {  	_ =	shalt  }
0x75: {  	_ =	shalt  }
0x76: {  	_ =	shalt  }
0x77: {  	_ =	shalt  }
0x78: {  	_ =	shalt  }
0x79: {  	_ =	shalt  }
0x7a: {  	_ =	shalt  }
0x7b: {  	_ =	shalt  }
0x7c: {  	_ =	shalt  }
0x7d: {  	_ =	shalt  }
0x7e: {  	_ =	shalt  }
0x7f: {  	_ =	shalt  }
0x80: {  	_ =	shalt  }
0x81: {  	_ =	shalt  }
0x82: {  	_ =	shalt  }
0x83: {  	_ =	shalt  }
0x84: {  	_ =	shalt  }
0x85: {  	_ =	shalt  }
0x86: {  	_ =	shalt  }
0x87: {  	_ =	shalt  }
.Lfunc_end0:
.L_simem_size_0:
called_computation.2_lowered:
.L_overlay_start_0:
0x88: {  	s2 =	sld [smem:$0x3FD9]  }
0x89: {  	s3 =	sld [smem:$0x3FFE];
	_ =	sdelay $0x1  }
0x8a: {  	s1 =	srdreg.scid  }
0x8b: {  	s0 =	sand.u32 $0x1, s1  }
0x8c: {  	s16 =	sshll.u32 s0, $0xA;
	s2 =	sadd.s32 s3, s2  }
0x8d: {  	s2 =	sadd.s32 s2, s16  }
0x8e: {  	[smem:$0x3FBA] =	sst s2  }
0x8f: {  	_ = 	snop  }
0x90: {  	(tm) =	ssettm $0x1  }
0x91: {  	s17 =	sld [smem:$0x3FFB];
	_ =	sdelay $0x3  }
0x92: {  	_ =	strace s17  }
0x93: {  	s2 =	sld [smem:$0x3FFC];
	_ =	sdelay $0x3  }
0x94: {  	_ =	strace s2  }
0x95: {  	s2 =	sld [smem:$0x3FFD];
	_ =	sdelay $0x3  }
0x96: {  	_ =	strace s2  }
0x97: {  	_ =	strace $0x8FFFFFFF  }
0x98: {  	s18 =	sld [smem:$0x3FDB];
	_ =	sdelay $0x1  }
0x99: {  	s19 =	simm.s32 $_scs_section_size  }
0x9a: {  	s4 =	simm.s32 $_size__tile_overlayer_lowered;
	s5 =	simm.s32 $_tile_overlayer_lowered  }
0x9b: {  	s22 =	simm.s32 $0x1BFF;
	s21 =	sshll.u32 s5, $0x1;
	s2 =	sadd.s32 s19, s18  }
0x9c: {  	s6 =	simm.s32 $0x0;
	s20 =	sshll.u32 s4, $0x1;
	s4 =	sadd.s32 s21, s2  }
0x9d: {  	[timem:s6], [sflag:s22] =	dma.local [hbm:s4], s20  }
0x9e: {  	_ =	swait.ge [sflag:s22], s20  }
0x9f: {  	s3 =	ssub.s32 $0x0, s20;
	[sflag:s22] =	ssyncset.done $0x0  }
0xa0: {  	[sflag:s22] =	ssyncadd.s32 s3;
	_ =	sdelay $0x1  }
0xa1: {  	s23 =	simm.s32 $0x1B8B  }
0xa2: {  	_ =	swait.ge [sflag:s23], $0x1  }
0xa3: {  	[sflag:s23] =	ssyncset.done $0x0  }
0xa4: {  	s25 =	simm.s32 $0x1B8E;
	s24 =	sld [smem:$0x3FFE];
	[sflag:s23] =	ssyncadd.s32 $0xFFFFFFFF  }
0xa5: {  	s26 =	simm.s32 $execute0_lowered;
	[smem:$0x3FD2] =	sst s25  }
0xa6: {  	s4 =	sshll.u32 s26, $0x1;
	_ =	strace $0x8000004C;
	[dreg:$0x1] =	wrdreg $0xFFFFFFFF  }
0xa7: {  	s28 =	simm.s32 $_size_execute0_lowered;
	s2 =	sadd.s32 s2, s4;
	[dreg:$0x0] =	wrdreg $0x0  }
0xa8: {  	s4 =	sshll.u32 s28, $0x1;
	[dreg:$0x2] =	wrdreg s2  }
0xa9: {  	[dreg:$0x3] =	wrdreg s4  }
0xaa: {  	[dreg:$0x4] =	wrdreg $0xC0  }
0xab: {  	_ =	task [dreg:s6], $0x5FFFF  }
0xac: {  	[dreg:$0x1] =	wrdreg $0xFFFFFFFF  }
0xad: {  	[dreg:$0x0] =	wrdreg $0x60  }
0xae: {  	[dreg:$0x2] =	wrdreg s24  }
0xaf: {  	[dreg:$0x3] =	wrdreg $0xA8000  }
0xb0: {  	[dreg:$0x4] =	wrdreg $0x9  }
0xb1: {  	_ =	task.clear_ibuf [dreg:s6], $0x5FFFF;
	_ =	strace $0x9000004C  }
0xb2: {  	s29 =	simm.s32 $0x9;
	_ =	strace $0x8000004E  }
0xb3: {  	_ =	swait.ge [sflag:s29], $0x1  }
0xb4: {  	[sflag:s29] =	ssyncadd.s32 $0xFFFFFFFF  }
0xb5: {  	_ =	strace $0x9000004E  }
0xb6: {  	_ =	sfence  }
0xb7: {  	s30 =	sld [smem:$0x0];
	_ =	sdelay $0x2  }
0xb8: {  	s31 =	sshll.u32 s1, $0xD;
	s1 =	sshrl.u32 s1, $0x2  }
0xb9: {  	s3 =	sand.u32 $0x4000, s31;
	s1 =	sadd.s32 s1, s30  }
0xba: {  	s0 =	sor.u32 s3, s0;
	s1 =	sshll.u32 s1, $0x11  }
0xbb: {  	s0 =	sor.u32 s1, s0  }
0xbc: {  	s0 =	sadd.s32 $0x8F2B, s0  }
0xbd: {  	[sflag:s0] =	ssyncadd.remote.s32 $0x1  }
0xbe: {  	_ =	sfence.sel $0xFFFF  }
0xbf: {  	[dreg:$0x0] =	wrdreg $0xFFFFFFFF;
	(pc) =	sbr.abs _section_cstart, $3  }
0xc0: {  	[dreg:$0x1] =	wrdreg $0xFFFFFFFF  }
0xc1: {  	_ =	task.clear_ibuf [dreg:s6], $0x2FFFF;
	_ =	strace $0x9FFFFFFF  }
0xc2: {  	(tm) =	ssettm $0x7FFFFFFF  }
0xc3: {  	_ =	shalt  }
tec
execute0_lowered:
.L_overlay_start_1:
0x0: {  	(tag) =	ssettag $0x1  }
0x1: {  	s6 =	rddreg [dreg:$0x0]  }
0x2: {  	s1 =	rddreg [dreg:$0x1];
	s2 =	srdreg.scid  }
0x3: {  	s0 =	rddreg [dreg:$0x2];
	s3 =	simm.s32 $0x0;
	s18 =	simm.s32 $0x1400  }
0x4: {  	s19 =	simm.s32 $0x80;
	s20 =	simm.s32 $0x6800;
	s21 =	simm.s32 $0x1  }
0x5: {  	s22 =	simm.s32 $0x2;
	s23 =	simm.s32 $0x2700;
	s24 =	simm.s32 $0x2780  }
0x6: {  	s5 =	sand.u32 $0x1, s2;
	s2 =	stileid.u32;
	[smem:$0x7FF] =	sst s3  }
0x7: {  	s4 =	sadd.s32 $0x18600, s6;
	s12 =	sadd.s32 $0xE600, s6;
	s7 =	smul.u32 $0x140000, s5  }
0x8: {  	s13 =	sadd.s32 $0x4600, s6;
	s8 =	smul.u32 $0x14000, s2;
	_ =	strace $0x8000004D  }
0x9: {  	s28 =	smul.u32 $0x50000, s2;
	s9 =	sshll.u32 s5, $0x4;
	s10 =	ssub.s32 $0x2, s5  }
0xa: {  	s9 =	sor.u32 s2, s9;
	s30 =	sshrl.u32 s10, $0x1;
	s7 =	sadd.s32 s8, s7  }
0xb: {  	s29 =	sshrl.u32 s28, $0x2;
	s11 =	smul.u32 $0x2800, s9;
	s15 =	ssub.s32 s10, s30  }
0xc: {  	s16 =	smul.u32 $0x500, s9;
	s7 =	sshrl.u32 s7, $0x3;
	s5 =	sadd.s32 s29, s1  }
0xd: {  	s15 =	smax.u32 s15, $0x1;
	s14 =	sadd.s32 s7, s6;
	s6 =	sadd.s32 $0x4000, s5  }
0xe: {  	s7 =	sadd.s32 $0x8000, s5;
	s31 =	sshrl.u32 s11, $0x3;
	s8 =	sadd.s32 $0xC000, s5  }
0xf: {  	s9 =	sadd.s32 $0x10000, s5;
	s10 =	sadd.s32 s12, s16;
	s11 =	sadd.s32 s13, s16  }
0x10: {  	s16 =	simm.s32 $0x2800;
	s17 =	sadd.s32 $0x280, s31;
	s14 =	sadd.s32 $0x68600, s14  }
0x11: {  	v0 =	vimm.f32 $0.0e+00;
	s12 =	sadd.s32 s12, s17;
	s13 =	sadd.s32 s13, s17;
	s17 =	simm.s32 $0x3  }
.LBB2_1:
0x12: {  	s25 =	simm.s32 $0x0;
	s26 =	simm.s32 $0x200  }
.LBB2_2:
0x13: {  	p0 =	sne.s32 s26, $0xFE00;
	[tilespmem:s25+$0x2870] =	vst v0  }
0x14: {  	[tilespmem:s25+$0x2800] =	vst v0  }
0x15: {  	[tilespmem:s25+$0x2810] =	vst v0  }
.Ltmp0:
0x16: {  	[tilespmem:s25+$0x2820] =	vst v0;
	(pc) =	sbr.rel @p0 .LBB2_2-.Ltmp0, $4  }
0x17: {  	[tilespmem:s25+$0x2830] =	vst v0  }
0x18: {  	[tilespmem:s25+$0x2840] =	vst v0  }
0x19: {  	[tilespmem:s25+$0x2850] =	vst v0  }
0x1a: {  	[tilespmem:s25+$0x2860] =	vst v0;
	s25 =	sshra.s32 s26, $0x2;
	s26 =	sadd.s32 $0x200, s26  }
0x1b: {  	[tilespmem:s25+$0x2870] =	vst v0  }
0x1c: {  	[tilespmem:s25+$0x2800] =	vst v0  }
0x1d: {  	[tilespmem:s25+$0x2810] =	vst v0  }
0x1e: {  	[tilespmem:s25+$0x2820] =	vst v0  }
0x1f: {  	[tilespmem:s25+$0x2830] =	vst v0  }
0x20: {  	[tilespmem:s25+$0x2840] =	vst v0  }
0x21: {  	[tilespmem:s25+$0x2850] =	vst v0  }
0x22: {  	[tilespmem:s25+$0x2860] =	vst v0  }
0x23: {  	[spmem:s5] =	stream.linear.scatter [tilespmem:s16], [sflag:$0x3], $0x4000, $0x38;
	[tilespmem:$0x1E800] =	vst v63  }
0x24: {  	_ =	swait.ge [sflag:s17], $0x4000  }
0x25: {  	[sflag:s17] =	ssyncset.done $0x0  }
0x26: {  	[sflag:s17] =	ssyncadd.s32 $0xFFFFC000  }
0x27: {  	[spmem:s6] =	stream.linear.scatter [tilespmem:s16], [sflag:$0x3], $0x4000, $0x38;
	[tilespmem:$0x1E800] =	vst v63  }
0x28: {  	_ =	swait.ge [sflag:s17], $0x4000  }
0x29: {  	[sflag:s17] =	ssyncset.done $0x0  }
0x2a: {  	[sflag:s17] =	ssyncadd.s32 $0xFFFFC000  }
0x2b: {  	[spmem:s7] =	stream.linear.scatter [tilespmem:s16], [sflag:$0x3], $0x4000, $0x38;
	[tilespmem:$0x1E800] =	vst v63  }
0x2c: {  	_ =	swait.ge [sflag:s17], $0x4000  }
0x2d: {  	[sflag:s17] =	ssyncset.done $0x0  }
0x2e: {  	[sflag:s17] =	ssyncadd.s32 $0xFFFFC000  }
0x2f: {  	[spmem:s8] =	stream.linear.scatter [tilespmem:s16], [sflag:$0x3], $0x4000, $0x38;
	[tilespmem:$0x1E800] =	vst v63  }
0x30: {  	_ =	swait.ge [sflag:s17], $0x4000  }
0x31: {  	[sflag:s17] =	ssyncset.done $0x0  }
0x32: {  	[sflag:s17] =	ssyncadd.s32 $0xFFFFC000  }
0x33: {  	[spmem:s9] =	stream.linear.scatter [tilespmem:s16], [sflag:$0x3], $0x4000, $0x38;
	[tilespmem:$0x1E800] =	vst v63  }
0x34: {  	_ =	swait.ge [sflag:s17], $0x4000  }
0x35: {  	[sflag:s17] =	ssyncset.done $0x0  }
0x36: {  	[sflag:s17] =	ssyncadd.s32 $0xFFFFC000  }
0x37: {  	s28 =	simm.s32 $0x0;
	[bflag:$0x0] =	sbarrier.arrive $0xFFFF  }
0x38: {  	[tilespmem:s28], [sflag:$0x3] =	stream.linear.gather [hbm4b:s10+s28], $0x1400, $0x38;
	[tilespmem:$0x1E800] =	vst v63  }
0x39: {  	_ =	swait.ge [sflag:s17], $0x1400  }
0x3a: {  	[sflag:s17] =	ssyncset.done $0x0  }
0x3b: {  	[sflag:s17] =	ssyncadd.s32 $0xFFFFEC00  }
0x3c: {  	[tilespmem:s18], [sflag:$0x3] =	stream.linear.gather [hbm4b:s11+s28], $0x1400, $0x38;
	[tilespmem:$0x1E800] =	vst v63  }
0x3d: {  	_ =	swait.ge [sflag:s17], $0x1400  }
0x3e: {  	[sflag:s17] =	ssyncset.done $0x0  }
0x3f: {  	[sflag:s17] =	ssyncadd.s32 $0xFFFFEC00  }
0x40: {  	[tilespmem:s16], [sflag:$0x1] =	stream.indirect.gather [hbm4b:s4+s19], $0x80, s28, s19, $0xb8;
	[tilespmem:$0x1E800] =	vst v63  }
0x41: {  	_ = 	snop  }
0x42: {  	[tilespmem:s20], [sflag:$0x2] =	stream.indirect.gather [hbm4b:s4+s19], $0x80, s19, s19, $0xb8;
	[tilespmem:$0x1E800] =	vst v63  }
0x43: {  	_ =	swait.ge [sflag:s21], $0x4000  }
0x44: {  	[sflag:s21] =	ssyncset.done $0x0  }
0x45: {  	s29 =	simm.s32 $0x1400;
	[sflag:s21] =	ssyncadd.s32 $0xFFFFC000  }
0x46: {  	[spmem:s1] =	stream.indirect.scatter.add.f32 [tilespmem:s16], [sflag:$0x3], $0x80, s29, s19, $0xb8;
	[tilespmem:$0x1E800] =	vst v63  }
0x47: {  	_ =	swait.ge [sflag:s17], $0x4000  }
0x48: {  	[sflag:s17] =	ssyncset.done $0x0  }
0x49: {  	s30 =	simm.s32 $0x100;
	[sflag:s17] =	ssyncadd.s32 $0xFFFFC000  }
0x4a: {  	[tilespmem:s16], [sflag:$0x1] =	stream.indirect.gather [hbm4b:s4+s19], $0x80, s30, s19, $0xb8;
	[tilespmem:$0x1E800] =	vst v63  }
0x4b: {  	_ =	swait.ge [sflag:s22], $0x4000  }
0x4c: {  	[sflag:s22] =	ssyncset.done $0x0  }
0x4d: {  	s31 =	simm.s32 $0x1480;
	[sflag:s22] =	ssyncadd.s32 $0xFFFFC000  }
0x4e: {  	[spmem:s1] =	stream.indirect.scatter.add.f32 [tilespmem:s20], [sflag:$0x3], $0x80, s31, s19, $0xb8;
	[tilespmem:$0x1E800] =	vst v63  }
0x4f: {  	_ =	swait.ge [sflag:s17], $0x4000  }
0x50: {  	[sflag:s17] =	ssyncset.done $0x0  }
0x51: {  	s25 =	simm.s32 $0x400;
	s26 =	simm.s32 $0x180;
	[sflag:s17] =	ssyncadd.s32 $0xFFFFC000  }
.LBB2_4:
0x52: {  	[tilespmem:s20], [sflag:$0x2] =	stream.indirect.gather [hbm4b:s4+s19], $0x80, s26, s19, $0xb8;
	[tilespmem:$0x1E800] =	vst v63  }
0x53: {  	s26 =	smov.u32 s25  }
0x54: {  	p0 =	sne.s32 s25, $0x4800;
	s25 =	sadd.s32 $0x400, s25;
	_ =	swait.ge [sflag:s21], $0x4000  }
0x55: {  	s26 =	sshra.s32 s26, $0x2;
	[sflag:s21] =	ssyncset.done $0x0  }
0x56: {  	s28 =	sadd.s32 $0x1400, s26;
	[sflag:s21] =	ssyncadd.s32 $0xFFFFC000  }
0x57: {  	[spmem:s1] =	stream.indirect.scatter.add.f32 [tilespmem:s16], [sflag:$0x3], $0x80, s28, s19, $0xb8;
	[tilespmem:$0x1E800] =	vst v63  }
0x58: {  	_ =	swait.ge [sflag:s17], $0x4000  }
0x59: {  	[sflag:s17] =	ssyncset.done $0x0  }
0x5a: {  	s28 =	sadd.s32 $0x100, s26;
	[sflag:s17] =	ssyncadd.s32 $0xFFFFC000  }
0x5b: {  	[tilespmem:s16], [sflag:$0x1] =	stream.indirect.gather [hbm4b:s4+s19], $0x80, s28, s19, $0xb8;
	[tilespmem:$0x1E800] =	vst v63  }
0x5c: {  	_ =	swait.ge [sflag:s22], $0x4000  }
0x5d: {  	[sflag:s22] =	ssyncset.done $0x0  }
.Ltmp1:
0x5e: {  	s28 =	sadd.s32 $0x1480, s26;
	[sflag:s22] =	ssyncadd.s32 $0xFFFFC000;
	(pc) =	sbr.rel @p0 .LBB2_4-.Ltmp1, $4  }
0x5f: {  	[spmem:s1] =	stream.indirect.scatter.add.f32 [tilespmem:s20], [sflag:$0x3], $0x80, s28, s19, $0xb8;
	[tilespmem:$0x1E800] =	vst v63  }
0x60: {  	_ =	swait.ge [sflag:s17], $0x4000  }
0x61: {  	[sflag:s17] =	ssyncset.done $0x0  }
0x62: {  	s26 =	sadd.s32 $0x180, s26;
	[sflag:s17] =	ssyncadd.s32 $0xFFFFC000  }
0x63: {  	[tilespmem:s20], [sflag:$0x2] =	stream.indirect.gather [hbm4b:s4+s19], $0x80, s26, s19, $0xb8;
	[tilespmem:$0x1E800] =	vst v63  }
0x64: {  	_ =	swait.ge [sflag:s21], $0x4000  }
0x65: {  	[sflag:s21] =	ssyncset.done $0x0  }
0x66: {  	[sflag:s21] =	ssyncadd.s32 $0xFFFFC000  }
0x67: {  	[spmem:s1] =	stream.indirect.scatter.add.f32 [tilespmem:s16], [sflag:$0x3], $0x80, s23, s19, $0xb8;
	[tilespmem:$0x1E800] =	vst v63  }
0x68: {  	_ =	swait.ge [sflag:s17], $0x4000  }
0x69: {  	[sflag:s17] =	ssyncset.done $0x0  }
0x6a: {  	[sflag:s17] =	ssyncadd.s32 $0xFFFFC000  }
0x6b: {  	_ =	swait.ge [sflag:s22], $0x4000  }
0x6c: {  	[sflag:s22] =	ssyncset.done $0x0  }
0x6d: {  	[sflag:s22] =	ssyncadd.s32 $0xFFFFC000  }
0x6e: {  	[spmem:s1] =	stream.indirect.scatter.add.f32 [tilespmem:s20], [sflag:$0x3], $0x80, s24, s19, $0xb8;
	[tilespmem:$0x1E800] =	vst v63  }
0x6f: {  	_ =	swait.ge [sflag:s17], $0x4000  }
0x70: {  	[sflag:s17] =	ssyncset.done $0x0  }
0x71: {  	s25 =	simm.s32 $0x0;
	[sflag:s17] =	ssyncadd.s32 $0xFFFFC000  }
0x72: {  	[tilespmem:s25], [sflag:$0x3] =	stream.linear.gather [hbm4b:s12+s25], $0x1400, $0x38;
	[tilespmem:$0x1E800] =	vst v63  }
0x73: {  	_ =	swait.ge [sflag:s17], $0x1400  }
0x74: {  	[sflag:s17] =	ssyncset.done $0x0  }
0x75: {  	[sflag:s17] =	ssyncadd.s32 $0xFFFFEC00  }
0x76: {  	[tilespmem:s18], [sflag:$0x3] =	stream.linear.gather [hbm4b:s13+s25], $0x1400, $0x38;
	[tilespmem:$0x1E800] =	vst v63  }
0x77: {  	_ =	swait.ge [sflag:s17], $0x1400  }
0x78: {  	[sflag:s17] =	ssyncset.done $0x0  }
0x79: {  	[sflag:s17] =	ssyncadd.s32 $0xFFFFEC00  }
0x7a: {  	[tilespmem:s16], [sflag:$0x1] =	stream.indirect.gather [hbm4b:s4+s19], $0x80, s25, s19, $0xb8;
	[tilespmem:$0x1E800] =	vst v63  }
0x7b: {  	_ = 	snop  }
0x7c: {  	[tilespmem:s20], [sflag:$0x2] =	stream.indirect.gather [hbm4b:s4+s19], $0x80, s19, s19, $0xb8;
	[tilespmem:$0x1E800] =	vst v63  }
0x7d: {  	_ =	swait.ge [sflag:s21], $0x4000  }
0x7e: {  	[sflag:s21] =	ssyncset.done $0x0  }
0x7f: {  	s29 =	simm.s32 $0x1400;
	[sflag:s21] =	ssyncadd.s32 $0xFFFFC000  }
0x80: {  	[spmem:s1] =	stream.indirect.scatter.add.f32 [tilespmem:s16], [sflag:$0x3], $0x80, s29, s19, $0xb8;
	[tilespmem:$0x1E800] =	vst v63  }
0x81: {  	_ =	swait.ge [sflag:s17], $0x4000  }
0x82: {  	[sflag:s17] =	ssyncset.done $0x0  }
0x83: {  	s30 =	simm.s32 $0x100;
	[sflag:s17] =	ssyncadd.s32 $0xFFFFC000  }
0x84: {  	[tilespmem:s16], [sflag:$0x1] =	stream.indirect.gather [hbm4b:s4+s19], $0x80, s30, s19, $0xb8;
	[tilespmem:$0x1E800] =	vst v63  }
0x85: {  	_ =	swait.ge [sflag:s22], $0x4000  }
0x86: {  	[sflag:s22] =	ssyncset.done $0x0  }
0x87: {  	s31 =	simm.s32 $0x1480;
	[sflag:s22] =	ssyncadd.s32 $0xFFFFC000  }
0x88: {  	[spmem:s1] =	stream.indirect.scatter.add.f32 [tilespmem:s20], [sflag:$0x3], $0x80, s31, s19, $0xb8;
	[tilespmem:$0x1E800] =	vst v63  }
0x89: {  	_ =	swait.ge [sflag:s17], $0x4000  }
0x8a: {  	[sflag:s17] =	ssyncset.done $0x0  }
0x8b: {  	s26 =	simm.s32 $0x180;
	s25 =	simm.s32 $0x400;
	[sflag:s17] =	ssyncadd.s32 $0xFFFFC000  }
.LBB2_6:
0x8c: {  	[tilespmem:s20], [sflag:$0x2] =	stream.indirect.gather [hbm4b:s4+s19], $0x80, s26, s19, $0xb8;
	[tilespmem:$0x1E800] =	vst v63  }
0x8d: {  	s26 =	smov.u32 s25  }
0x8e: {  	p0 =	sne.s32 s25, $0x4800;
	s25 =	sadd.s32 $0x400, s25;
	_ =	swait.ge [sflag:s21], $0x4000  }
0x8f: {  	s26 =	sshra.s32 s26, $0x2;
	[sflag:s21] =	ssyncset.done $0x0  }
0x90: {  	s28 =	sadd.s32 $0x1400, s26;
	[sflag:s21] =	ssyncadd.s32 $0xFFFFC000  }
0x91: {  	[spmem:s1] =	stream.indirect.scatter.add.f32 [tilespmem:s16], [sflag:$0x3], $0x80, s28, s19, $0xb8;
	[tilespmem:$0x1E800] =	vst v63  }
0x92: {  	_ =	swait.ge [sflag:s17], $0x4000  }
0x93: {  	[sflag:s17] =	ssyncset.done $0x0  }
0x94: {  	s28 =	sadd.s32 $0x100, s26;
	[sflag:s17] =	ssyncadd.s32 $0xFFFFC000  }
0x95: {  	[tilespmem:s16], [sflag:$0x1] =	stream.indirect.gather [hbm4b:s4+s19], $0x80, s28, s19, $0xb8;
	[tilespmem:$0x1E800] =	vst v63  }
0x96: {  	_ =	swait.ge [sflag:s22], $0x4000  }
0x97: {  	[sflag:s22] =	ssyncset.done $0x0  }
.Ltmp2:
0x98: {  	s28 =	sadd.s32 $0x1480, s26;
	[sflag:s22] =	ssyncadd.s32 $0xFFFFC000;
	(pc) =	sbr.rel @p0 .LBB2_6-.Ltmp2, $4  }
0x99: {  	[spmem:s1] =	stream.indirect.scatter.add.f32 [tilespmem:s20], [sflag:$0x3], $0x80, s28, s19, $0xb8;
	[tilespmem:$0x1E800] =	vst v63  }
0x9a: {  	_ =	swait.ge [sflag:s17], $0x4000  }
0x9b: {  	[sflag:s17] =	ssyncset.done $0x0  }
0x9c: {  	s26 =	sadd.s32 $0x180, s26;
	[sflag:s17] =	ssyncadd.s32 $0xFFFFC000  }
0x9d: {  	[tilespmem:s20], [sflag:$0x2] =	stream.indirect.gather [hbm4b:s4+s19], $0x80, s26, s19, $0xb8;
	[tilespmem:$0x1E800] =	vst v63  }
0x9e: {  	_ =	swait.ge [sflag:s21], $0x4000  }
0x9f: {  	[sflag:s21] =	ssyncset.done $0x0  }
0xa0: {  	[sflag:s21] =	ssyncadd.s32 $0xFFFFC000  }
0xa1: {  	[spmem:s1] =	stream.indirect.scatter.add.f32 [tilespmem:s16], [sflag:$0x3], $0x80, s23, s19, $0xb8;
	[tilespmem:$0x1E800] =	vst v63  }
0xa2: {  	_ =	swait.ge [sflag:s17], $0x4000  }
0xa3: {  	[sflag:s17] =	ssyncset.done $0x0  }
0xa4: {  	[sflag:s17] =	ssyncadd.s32 $0xFFFFC000  }
0xa5: {  	_ =	swait.ge [sflag:s22], $0x4000  }
0xa6: {  	[sflag:s22] =	ssyncset.done $0x0  }
0xa7: {  	[sflag:s22] =	ssyncadd.s32 $0xFFFFC000  }
0xa8: {  	[spmem:s1] =	stream.indirect.scatter.add.f32 [tilespmem:s20], [sflag:$0x3], $0x80, s24, s19, $0xb8;
	[tilespmem:$0x1E800] =	vst v63  }
0xa9: {  	_ =	swait.ge [sflag:s17], $0x4000  }
0xaa: {  	s25 =	sshll.u32 s2, $0x6;
	s3 =	sadd.s32 $0x1, s3;
	[sflag:s17] =	ssyncset.done $0x0  }
0xab: {  	s31 =	sshrl.u32 s5, $0x3;
	p0 =	sne.s32 s3, s15;
	[sflag:s17] =	ssyncadd.s32 $0xFFFFC000  }
.Ltmp3:
0xac: {  	s25 =	sor.u32 $0x1C03, s25;
	[bflag:$0x0] =	sbarrier.arrive $0xFFFF;
	(pc) =	sbr.rel @p0 .LBB2_1-.Ltmp3, $4  }
0xad: {  	[hbm:s14], [sflag:s25] =	dma.local [spmem:s31], $0x2800  }
0xae: {  	_ =	swait.ge [sflag:s17], $0x2800  }
0xaf: {  	[sflag:s17] =	ssyncset.done $0x0  }
0xb0: {  	[sflag:s17] =	ssyncadd.s32 $0xFFFFD800  }
0xb1: {  	_ =	sfence.sel $0x180000  }
0xb2: {  	[bflag:$0x0] =	sbarrier.arrive $0xFFFF  }
0xb3: {  	p0 =	sne.s32 s2, $0x0;
	_ =	strace $0x9000004D  }
0xb4: {  	s0 =	sadd.s32 @!p0 $0x100000, s0;
	[bflag:$0x2] =	sbarrier.arrive $0xFFFF  }
0xb5: {  	[sflag:s0] =	ssyncadd.tile.s32 @!p0 $0x1;
	_ =	shalt  }
.Lfunc_end2:
_tile_overlayer_lowered:
.L_overlay_start_2:
0xb6: {  	(tag) =	ssettag $0x2  }
0xb7: {  	s0 =	rddreg [dreg:$0x0];
	s2 =	stileid.u32  }
0xb8: {  	s1 =	rddreg [dreg:$0x1];
	p0 =	sne.s32 s2, $0x0  }
0xb9: {  	s3 =	rddreg [dreg:$0x2];
	[bflag:$0x3] =	sbarrier.arrive $0xFFFF;
	s2 =	simm.s32 @!p0 $0x1C03  }
0xba: {  	[timem:s3], [sflag:s2] =	dma.local @!p0 [hbm:s0], s1  }
0xbb: {  	s0 =	simm.s32 @!p0 $0x3  }
0xbc: {  	_ =	swait.ge @!p0 [sflag:s0], s1  }
0xbd: {  	s1 =	ssub.s32 @!p0 $0x0, s1;
	[sflag:s0] =	ssyncset.done @!p0 $0x0  }
0xbe: {  	[sflag:s0] =	ssyncadd.s32 @!p0 s1  }
0xbf: {  	[bflag:$0x3] =	sbarrier.arrive $0xFFFF  }
0xc0: {  	_ =	shalt  }

// kernel: kernel.20.cloned.1.call-start
scs
__scs_entry_jumppad:
0x0: {  	(pc) =	sbr.rel $0x88, $3  }
0x1: {  	(tag) =	ssettag $0x0;
	lr =	simm.s32 $0x1  }
0x2: {  	[smem:$0x3F93] =	sst lr;
	_ =	strace $0xD0000000  }
0x3: {  	_ = 	snop  }
0x4: {  	_ = 	snop  }
0x5: {  	_ = 	snop  }
0x6: {  	_ = 	snop  }
0x7: {  	_ = 	snop  }
__scs_overlays_trampoline_lowered:
0x8: {  	[smem:$0x3FA2] =	sst s0  }
0x9: {  	[smem:$0x3FA3] =	sst s1  }
0xa: {  	[smem:$0x3FA4] =	sst s2  }
0xb: {  	[smem:$0x3FA5] =	sst s3  }
0xc: {  	[smem:$0x3FA6] =	sst s4  }
0xd: {  	[smem:$0x3FA7] =	sst s5  }
0xe: {  	[smem:$0x3FA8] =	sst s6  }
0xf: {  	[smem:$0x3FA9] =	sst s7  }
0x10: {  	[smem:$0x3FAA] =	sst s8  }
0x11: {  	[smem:$0x3FAB] =	sst s9;
	s0 =	simm.s32 @!p0 $0x0  }
0x12: {  	s1 =	sld [smem:$0x3F91];
	s0 =	simm.s32 @p0 $0x1  }
0x13: {  	[smem:$0x3FAC] =	sst s0;
	s0 =	simm.s32 @!p1 $0x0  }
0x14: {  	s2 =	sld [smem:$0x3F90];
	s0 =	simm.s32 @p1 $0x1  }
0x15: {  	[smem:$0x3FAD] =	sst s0;
	s0 =	simm.s32 @!p2 $0x0  }
0x16: {  	s3 =	sld [smem:$0x3FDB];
	s0 =	simm.s32 @p2 $0x1  }
0x17: {  	s4 =	simm.s32 $0x1BF5;
	[smem:$0x3FAF] =	sst s0  }
0x18: {  	s0 =	sld [smem:$0x3F92];
	_ =	swait.ge [sflag:s4], $0x0  }
0x19: {  	s7 =	sld [smem:$0x3F93]  }
0x1a: {  	s8 =	sadd.s32 $0xFFFFE003, lr  }
0x1b: {  	s9 =	sadd.s32 $0xFFFFFEF7, lr;
	s5 =	simm.s32 $0xFFFFFFFF;
	p2 =	slt.u32 s8, $0xFFFFF086  }
0x1c: {  	p1 =	slt.u32 s9, $0xF7A;
	s5 =	simm.s32 @!p2 $0x0  }
0x1d: {  	s5 =	simm.s32 @p1 $0x1;
	p0 =	seq.s32 s7, s2  }
0x1e: {  	s7 =	smul.u32 @!p0 $0xF7A, s2;
	p2 =	seq.s32 @!p0 s5, $0x0  }
0x1f: {  	s9 =	smul.u32 $0xF7A, s1;
	s8 =	simm.s32 @!p0 $0x1BF5;
	p2 =	por !p2, p0  }
0x20: {  	[sflag:s8] =	ssyncset.s32 @!p0 $0xFFFFF086;
	s6 =	sadd.s32 @!p0 s3, s7;
	s7 =	simm.s32 @!p0 $0x108  }
0x21: {  	s3 =	sadd.s32 s3, s9;
	s6 =	sadd.s32 @!p0 $0x88, s6;
	s7 =	simm.s32 @p2 $0x1082  }
0x22: {  	[simem:s7], [sflag:s8] =	dma.local @!p0 [hbm:s6], $0xF7A  }
0x23: {  	s9 =	sor.u32 $0xD0000000, s2;
	s6 =	simm.s32 $0x108;
	_ =	swait.ge @!p0 [sflag:s8], $0x0  }
0x24: {  	s3 =	sadd.s32 $0x88, s3;
	s6 =	simm.s32 @!p1 $0x1082;
	[sflag:s4] =	ssyncset.s32 $0xFFFFF086  }
0x25: {  	[simem:s6], [sflag:s4] =	dma.local [hbm:s3], $0xF7A  }
0x26: {  	[smem:$0x3F93] =	sst s1;
	(tag) =	ssettag s2;
	_ =	strace s9  }
0x27: {  	s1 =	sld [smem:$0x3FA3]  }
0x28: {  	s2 =	sld [smem:$0x3FA4]  }
0x29: {  	s4 =	sld [smem:$0x3FA6]  }
0x2a: {  	p0 =	seq.s32 s5, $0x0;
	s5 =	sld [smem:$0x3FA7]  }
0x2b: {  	s6 =	sld [smem:$0x3FA8]  }
0x2c: {  	s7 =	sld [smem:$0x3FA9]  }
0x2d: {  	s3 =	simm.s32 $0x108;
	s8 =	sld [smem:$0x3FAA]  }
0x2e: {  	s3 =	simm.s32 @!p0 $0x1082;
	s9 =	sld [smem:$0x3FAB]  }
0x2f: {  	lr =	sadd.s32 s0, s3;
	s0 =	sld [smem:$0x3FA2]  }
0x30: {  	s3 =	sld [smem:$0x3FA5]  }
0x31: {  	[smem:$0x3FAE] =	sst s10  }
0x32: {  	s10 =	sld [smem:$0x3FAC];
	_ =	sdelay $0x3  }
0x33: {  	p0 =	seq.s32 s10, $0x1;
	s10 =	sld [smem:$0x3FAE];
	_ =	sdelay $0x3  }
0x34: {  	[smem:$0x3FAE] =	sst s10  }
0x35: {  	s10 =	sld [smem:$0x3FAD];
	_ =	sdelay $0x3  }
0x36: {  	p1 =	seq.s32 s10, $0x1;
	s10 =	sld [smem:$0x3FAE];
	_ =	sdelay $0x3  }
0x37: {  	[smem:$0x3FAE] =	sst s10  }
0x38: {  	s10 =	sld [smem:$0x3FAF]  }
0x39: {  	_ = 	snop;
	(pc) =	sbr.ind lr, $3  }
0x3a: {  	_ = 	snop  }
0x3b: {  	_ = 	snop  }
0x3c: {  	p2 =	seq.s32 s10, $0x1;
	s10 =	sld [smem:$0x3FAE]  }
0x3d: {  	_ =	shalt  }
0x3e: {  	_ =	shalt  }
0x3f: {  	_ =	shalt  }
0x40: {  	_ =	shalt  }
0x41: {  	_ =	shalt  }
0x42: {  	_ =	shalt  }
0x43: {  	_ =	shalt  }
0x44: {  	_ =	shalt  }
0x45: {  	_ =	shalt  }
0x46: {  	_ =	shalt  }
0x47: {  	_ =	shalt  }
0x48: {  	_ =	shalt  }
0x49: {  	_ =	shalt  }
0x4a: {  	_ =	shalt  }
0x4b: {  	_ =	shalt  }
0x4c: {  	_ =	shalt  }
0x4d: {  	_ =	shalt  }
0x4e: {  	_ =	shalt  }
0x4f: {  	_ =	shalt  }
0x50: {  	_ =	shalt  }
0x51: {  	_ =	shalt  }
0x52: {  	_ =	shalt  }
0x53: {  	_ =	shalt  }
0x54: {  	_ =	shalt  }
0x55: {  	_ =	shalt  }
0x56: {  	_ =	shalt  }
0x57: {  	_ =	shalt  }
0x58: {  	_ =	shalt  }
0x59: {  	_ =	shalt  }
0x5a: {  	_ =	shalt  }
0x5b: {  	_ =	shalt  }
0x5c: {  	_ =	shalt  }
0x5d: {  	_ =	shalt  }
0x5e: {  	_ =	shalt  }
0x5f: {  	_ =	shalt  }
0x60: {  	_ =	shalt  }
0x61: {  	_ =	shalt  }
0x62: {  	_ =	shalt  }
0x63: {  	_ =	shalt  }
0x64: {  	_ =	shalt  }
0x65: {  	_ =	shalt  }
0x66: {  	_ =	shalt  }
0x67: {  	_ =	shalt  }
0x68: {  	_ =	shalt  }
0x69: {  	_ =	shalt  }
0x6a: {  	_ =	shalt  }
0x6b: {  	_ =	shalt  }
0x6c: {  	_ =	shalt  }
0x6d: {  	_ =	shalt  }
0x6e: {  	_ =	shalt  }
0x6f: {  	_ =	shalt  }
0x70: {  	_ =	shalt  }
0x71: {  	_ =	shalt  }
0x72: {  	_ =	shalt  }
0x73: {  	_ =	shalt  }
0x74: {  	_ =	shalt  }
0x75: {  	_ =	shalt  }
0x76: {  	_ =	shalt  }
0x77: {  	_ =	shalt  }
0x78: {  	_ =	shalt  }
0x79: {  	_ =	shalt  }
0x7a: {  	_ =	shalt  }
0x7b: {  	_ =	shalt  }
0x7c: {  	_ =	shalt  }
0x7d: {  	_ =	shalt  }
0x7e: {  	_ =	shalt  }
0x7f: {  	_ =	shalt  }
0x80: {  	_ =	shalt  }
0x81: {  	_ =	shalt  }
0x82: {  	_ =	shalt  }
0x83: {  	_ =	shalt  }
0x84: {  	_ =	shalt  }
0x85: {  	_ =	shalt  }
0x86: {  	_ =	shalt  }
0x87: {  	_ =	shalt  }
.Lfunc_end0:
.L_simem_size_0:
called_computation.3_lowered:
.L_overlay_start_0:
0x88: {  	s2 =	sld [smem:$0x3FD9]  }
0x89: {  	s3 =	sld [smem:$0x3FFE];
	_ =	sdelay $0x1  }
0x8a: {  	s1 =	srdreg.scid  }
0x8b: {  	s0 =	sand.u32 $0x1, s1  }
0x8c: {  	s17 =	sshll.u32 s0, $0xA;
	s2 =	sadd.s32 s3, s2  }
0x8d: {  	s2 =	sadd.s32 s2, s17  }
0x8e: {  	[smem:$0x3FBA] =	sst s2  }
0x8f: {  	_ = 	snop  }
0x90: {  	s2 =	sld [smem:$0x3FD0];
	(tm) =	ssettm $0x1  }
0x91: {  	s18 =	sld [smem:$0x3FFB];
	_ =	sdelay $0x3  }
0x92: {  	_ =	strace s18  }
0x93: {  	s3 =	sld [smem:$0x3FFC];
	_ =	sdelay $0x3  }
0x94: {  	_ =	strace s3  }
0x95: {  	s3 =	sld [smem:$0x3FFD];
	_ =	sdelay $0x3  }
0x96: {  	_ =	strace s3  }
0x97: {  	_ =	strace $0x8FFFFFFF  }
0x98: {  	s19 =	sld [smem:$0x3FDB];
	_ =	sdelay $0x1  }
0x99: {  	s4 =	simm.s32 $_scs_section_size  }
0x9a: {  	s5 =	simm.s32 $_size__tile_overlayer_lowered;
	s6 =	simm.s32 $_tile_overlayer_lowered  }
0x9b: {  	s22 =	simm.s32 $0x1BFF;
	s21 =	sshll.u32 s6, $0x1;
	s3 =	sadd.s32 s4, s19  }
0x9c: {  	s7 =	simm.s32 $0x0;
	s20 =	sshll.u32 s5, $0x1;
	s5 =	sadd.s32 s21, s3  }
0x9d: {  	[timem:s7], [sflag:s22] =	dma.local [hbm:s5], s20  }
0x9e: {  	_ =	swait.ge [sflag:s22], s20  }
0x9f: {  	s4 =	ssub.s32 $0x0, s20;
	[sflag:s22] =	ssyncset.done $0x0  }
0xa0: {  	[sflag:s22] =	ssyncadd.s32 s4;
	_ =	sdelay $0x1  }
0xa1: {  	s23 =	simm.s32 $0x1B8B  }
0xa2: {  	_ =	swait.ge [sflag:s23], $0x1  }
0xa3: {  	[sflag:s23] =	ssyncset.done $0x0  }
0xa4: {  	s25 =	simm.s32 $0x1B8E;
	s24 =	sld [smem:$0x3FFE];
	[sflag:s23] =	ssyncadd.s32 $0xFFFFFFFF  }
0xa5: {  	s26 =	simm.s32 $execute0_lowered;
	[smem:$0x3FD2] =	sst s25  }
0xa6: {  	s5 =	sshll.u32 s26, $0x1;
	_ =	strace $0x8000004F;
	[dreg:$0x1] =	wrdreg $0xFFFFFFFF  }
0xa7: {  	s28 =	simm.s32 $_size_execute0_lowered;
	s3 =	sadd.s32 s3, s5;
	[dreg:$0x0] =	wrdreg $0x0  }
0xa8: {  	s5 =	sshll.u32 s28, $0x1;
	[dreg:$0x2] =	wrdreg s3  }
0xa9: {  	[dreg:$0x3] =	wrdreg s5  }
0xaa: {  	[dreg:$0x4] =	wrdreg $0xC0  }
0xab: {  	_ =	task [dreg:s7], $0x5FFFF  }
0xac: {  	[dreg:$0x1] =	wrdreg $0xFFFFFFFF  }
0xad: {  	[dreg:$0x0] =	wrdreg $0x60  }
0xae: {  	[dreg:$0x2] =	wrdreg s24  }
0xaf: {  	[dreg:$0x3] =	wrdreg s2  }
0xb0: {  	[dreg:$0x4] =	wrdreg $0x9  }
0xb1: {  	_ =	task.clear_ibuf [dreg:s7], $0x5FFFF;
	_ =	strace $0x9000004F  }
0xb2: {  	s29 =	simm.s32 $0x9;
	_ =	strace $0x80000051  }
0xb3: {  	_ =	swait.ge [sflag:s29], $0x1  }
0xb4: {  	[sflag:s29] =	ssyncadd.s32 $0xFFFFFFFF  }
0xb5: {  	_ =	strace $0x90000051  }
0xb6: {  	_ =	sfence  }
0xb7: {  	s30 =	sld [smem:$0x0];
	_ =	sdelay $0x2  }
0xb8: {  	s31 =	sshll.u32 s1, $0xD;
	s1 =	sshrl.u32 s1, $0x2  }
0xb9: {  	s3 =	sand.u32 $0x4000, s31;
	s1 =	sadd.s32 s1, s30  }
0xba: {  	s0 =	sor.u32 s3, s0;
	s1 =	sshll.u32 s1, $0x11  }
0xbb: {  	s0 =	sor.u32 s1, s0  }
0xbc: {  	s0 =	sadd.s32 $0x8F2B, s0  }
0xbd: {  	[sflag:s0] =	ssyncadd.remote.s32 $0x1  }
0xbe: {  	_ =	sfence.sel $0xFFFF  }
0xbf: {  	[dreg:$0x0] =	wrdreg $0xFFFFFFFF;
	(pc) =	sbr.abs _section_cstart, $3  }
0xc0: {  	[dreg:$0x1] =	wrdreg $0xFFFFFFFF  }
0xc1: {  	_ =	task.clear_ibuf [dreg:s7], $0x2FFFF;
	_ =	strace $0x9FFFFFFF  }
0xc2: {  	(tm) =	ssettm $0x7FFFFFFF  }
0xc3: {  	_ =	shalt  }
tec
execute0_lowered:
.L_overlay_start_1:
0x0: {  	(tag) =	ssettag $0x1  }
0x1: {  	s5 =	rddreg [dreg:$0x0]  }
0x2: {  	s1 =	rddreg [dreg:$0x1]  }
0x3: {  	s2 =	srdreg.scid;
	s0 =	rddreg [dreg:$0x2]  }
0x4: {  	s3 =	simm.s32 $0x0;
	s10 =	simm.s32 $0x4080;
	s11 =	simm.s32 $0x0  }
0x5: {  	s4 =	sand.u32 $0x1, s2;
	[smem:$0x7FF] =	sst s3;
	s2 =	stileid.u32  }
.Ltmp0:
0x6: {  	s6 =	sshll.u32 s4, $0x4;
	s7 =	ssub.s32 $0x2, s4;
	(pc) =	sbr.rel .LBB2_1-.Ltmp0, $4  }
0x7: {  	_ =	strace $0x80000050;
	s6 =	sor.u32 s2, s6;
	s9 =	sshrl.u32 s7, $0x1  }
0x8: {  	s4 =	sadd.s32 $0x4600, s5;
	s8 =	sshll.u32 s6, $0x7;
	s7 =	ssub.s32 s7, s9  }
0x9: {  	s9 =	simm.s32 $0x80;
	s8 =	sadd.s32 s8, s5;
	s5 =	sshll.u32 s6, $0x1  }
0xa: {  	s7 =	smax.u32 s7, $0x1;
	s6 =	sadd.s32 $0x2C600, s8;
	s8 =	simm.s32 $0x1  }
.LBB2_9:
0xb: {  	v7 =	vimm.f32 $-Inf  }
0xc: {  	v6 =	vimm.f32 $-Inf;
	v5 =	vimm.f32 $-Inf;
	v4 =	vimm.f32 $-Inf  }
0xd: {  	v3 =	vimm.f32 $-Inf;
	v2 =	vimm.f32 $-Inf;
	v1 =	vimm.f32 $-Inf  }
.LBB2_16:
0xe: {  	[tilespmem:$0x4100] =	vst v7  }
0xf: {  	[tilespmem:$0x4110] =	vst v6  }
0x10: {  	[tilespmem:$0x4120] =	vst v5  }
0x11: {  	[tilespmem:$0x4130] =	vst v4  }
0x12: {  	[tilespmem:$0x4140] =	vst v3  }
0x13: {  	[tilespmem:$0x4150] =	vst v2;
	s11 =	sadd.s32 $0x1, s11  }
0x14: {  	[tilespmem:$0x4160] =	vst v1;
	p0 =	sne.s32 s11, s7  }
.Ltmp1:
0x15: {  	[tilespmem:$0x4170] =	vst v0;
	(pc) =	sbr.rel @!p0 .LBB2_17-.Ltmp1, $4  }
0x16: {  	[hbm4b:s6+s3] =	stream.linear.scatter [tilespmem:s10], [sflag:$0x1], $0x400, $0x38;
	[tilespmem:$0x4480] =	vst v63  }
0x17: {  	_ =	swait.ge [sflag:s8], $0x400  }
0x18: {  	[sflag:s8] =	ssyncset.done $0x0  }
0x19: {  	[sflag:s8] =	ssyncadd.s32 $0xFFFFFC00  }
.LBB2_1:
0x1a: {  	[tilespmem:s3], [sflag:$0x1] =	stream.linear.gather [hbm4b:s1+s3], $0x80, $0x38;
	[tilespmem:$0x4480] =	vst v63  }
0x1b: {  	_ =	swait.ge [sflag:s8], $0x80  }
0x1c: {  	[sflag:s8] =	ssyncset.done $0x0  }
0x1d: {  	[sflag:s8] =	ssyncadd.s32 $0xFFFFFF80  }
0x1e: {  	v0 =	vld [tilespmem:s5+$0x0];
	_ =	sdelay $0x4  }
0x1f: {  	(v2sf) =	vpush v0, $0x0;
	_ =	sdelay $0x6  }
0x20: {  	(v2sf) =	vpush v0, $0x1;
	_ =	sdelay $0x7  }
0x21: {  	s12 =	spop (v2sf)  }
0x22: {  	s15 =	scvt.f32.s32 s12;
	_ =	sdelay $0x1  }
0x23: {  	s12 =	sand.u32 $0x7, s15  }
0x24: {  	s13 =	sshra.s32 s15, $0x1F;
	p0 =	slt.s32 s15, $0x1;
	p1 =	sne.s32 s12, $0x0  }
0x25: {  	s30 =	sshrl.u32 s13, $0x1D;
	p0 =	por !p0, !p1  }
0x26: {  	s13 =	simm.s32 $0x1;
	s12 =	sadd.s32 s30, s15;
	p0 =	por !p0, !p0  }
0x27: {  	s14 =	spop (v2sf);
	s12 =	sshrl.u32 s12, $0x3;
	s13 =	simm.s32 @!p0 $0x0  }
0x28: {  	s14 =	scvt.f32.s32 s14;
	s12 =	ssub.s32 s12, s13  }
0x29: {  	s12 =	sshll.u32 s12, $0x3  }
0x2a: {  	s13 =	ssub.s32 s14, s12  }
0x2b: {  	s14 =	sadd.s32 $0x7F, s13  }
0x2c: {  	s16 =	sand.u32 $0x7F, s14  }
0x2d: {  	s31 =	sshra.s32 s14, $0x1F;
	p6 =	slt.s32 s14, $0x1;
	p5 =	sne.s32 s16, $0x0  }
0x2e: {  	s16 =	sshrl.u32 s31, $0x19;
	p0 =	por !p6, !p5  }
0x2f: {  	s14 =	sadd.s32 s16, s14;
	s16 =	simm.s32 $0x1;
	p0 =	por !p0, !p0  }
0x30: {  	s14 =	sshra.s32 s14, $0x7;
	s16 =	simm.s32 @!p0 $0x0  }
0x31: {  	s14 =	ssub.s32 s14, s16  }
0x32: {  	p0 =	slt.s32 s14, $0x1  }
.Ltmp2:
0x33: {  	_ = 	snop;
	(pc) =	sbr.rel @p0 .LBB2_8-.Ltmp2, $4  }
0x34: {  	_ = 	snop  }
0x35: {  	v8 =	vimm.f32 $-Inf;
	v7 =	vimm.f32 $-Inf;
	v6 =	vimm.f32 $-Inf  }
0x36: {  	v5 =	vimm.f32 $-Inf;
	v4 =	vimm.f32 $-Inf;
	v3 =	vimm.f32 $-Inf  }
0x37: {  	v2 =	vimm.f32 $-Inf;
	v1 =	vimm.f32 $-Inf;
	v0 =	vimm.f32 $-Inf  }
.Ltmp3:
0x38: {  	(pc) =	sbr.rel .LBB2_3-.Ltmp3, $4  }
0x39: {  	_ = 	snop  }
0x3a: {  	v1 =	vimm.f32 $-Inf;
	v2 =	vimm.f32 $-Inf  }
0x3b: {  	v3 =	vimm.f32 $-Inf;
	v4 =	vimm.f32 $-Inf;
	v5 =	vimm.f32 $-Inf  }
0x3c: {  	s15 =	ssub.s32 s15, s12;
	s16 =	smov.u32 s13;
	v6 =	vimm.f32 $-Inf;
	v7 =	vimm.f32 $-Inf;
	v8 =	vimm.f32 $-Inf;
	s17 =	simm.s32 $0x0  }
.LBB2_6:
0x3d: {  	v5 =	vmax.f32 v5, v9;
	v4 =	vmax.f32 v4, v10  }
0x3e: {  	v3 =	vmax.f32 v3, v11;
	v2 =	vmax.f32 v2, v12;
	v8 =	vmax.f32 v8, v13  }
.LBB2_7:
0x3f: {  	s17 =	sadd.s32 $0x1, s17  }
0x40: {  	p0 =	sne.s32 s17, s14  }
.Ltmp4:
0x41: {  	_ = 	snop;
	(pc) =	sbr.rel @!p0 .LBB2_8-.Ltmp4, $2  }
0x42: {  	_ =	sdelay $0x2  }
0x43: {  	s16 =	sadd.s32 $0xFFFFFF80, s16  }
.LBB2_3:
0x44: {  	s18 =	sshll.u32 s17, $0x7  }
0x45: {  	s19 =	sadd.s32 s12, s18  }
0x46: {  	s19 =	sshll.u32 s19, $0x4  }
0x47: {  	s19 =	sadd.s32 s4, s19  }
0x48: {  	[tilespmem:s9], [sflag:$0x1] =	stream.linear.gather [hbm4b:s19+s3], $0x4000, $0x38;
	[tilespmem:$0x4480] =	vst v63  }
0x49: {  	s19 =	ssub.s32 s13, s18  }
0x4a: {  	p0 =	seq.s32 s17, $0x0;
	s18 =	smov.u32 s15;
	p1 =	slt.s32 s19, $0x80  }
0x4b: {  	s18 =	simm.s32 @!p0 $0x0;
	s19 =	simm.s32 @!p1 $0x80  }
0x4c: {  	p0 =	sge.s32 s18, s19  }
.Ltmp5:
0x4d: {  	_ = 	snop;
	(pc) =	sbr.rel @p0 .LBB2_7-.Ltmp5, $4  }
0x4e: {  	_ = 	snop  }
0x4f: {  	_ =	swait.ge [sflag:s8], $0x4000  }
0x50: {  	[sflag:s8] =	ssyncset.done $0x0  }
0x51: {  	[sflag:s8] =	ssyncadd.s32 $0xFFFFC000  }
0x52: {  	s19 =	sshll.u32 s18, $0x9  }
0x53: {  	s19 =	sshra.s32 s19, $0x2  }
0x54: {  	s19 =	sadd.s32 $0xC0, s19  }
0x55: {  	v13 =	vld [tilespmem:s19+$0x30]  }
0x56: {  	p0 =	slt.s32 s16, $0x80;
	s20 =	smov.u32 s16;
	v14 =	vld [tilespmem:s19+$0xFFFFFFD0]  }
0x57: {  	s20 =	simm.s32 @!p0 $0x80;
	v15 =	vld [tilespmem:s19+$0xFFFFFFE0]  }
0x58: {  	s31 =	ssub.s32 s18, s20;
	v9 =	vld [tilespmem:s19+$0xFFFFFFF0]  }
0x59: {  	v10 =	vld [tilespmem:s19+$0x0];
	s18 =	sadd.s32 $0x1, s31  }
0x5a: {  	v11 =	vld [tilespmem:s19+$0x10];
	p0 =	seq.s32 s18, $0x0  }
.Ltmp6:
0x5b: {  	v12 =	vld [tilespmem:s19+$0x20];
	(pc) =	sbr.rel @p0 .LBB2_6-.Ltmp6, $2  }
0x5c: {  	v1 =	vmax.f32 v1, v13;
	v13 =	vld [tilespmem:s19+$0xFFFFFFC0];
	_ =	sdelay $0x2  }
0x5d: {  	v7 =	vmax.f32 v7, v14;
	v6 =	vmax.f32 v6, v15;
	s19 =	sadd.s32 $0x80, s19  }
.LBB2_5:
0x5e: {  	v14 =	vld [tilespmem:s19+$0x30];
	s18 =	sadd.s32 $0x1, s18;
	v5 =	vmax.f32 v5, v9  }
0x5f: {  	v4 =	vmax.f32 v4, v10;
	v15 =	vld [tilespmem:s19+$0xFFFFFFD0];
	p0 =	seq.s32 s18, $0x0  }
0x60: {  	v3 =	vmax.f32 v3, v11;
	v16 =	vld [tilespmem:s19+$0xFFFFFFE0]  }
.Ltmp7:
0x61: {  	v2 =	vmax.f32 v2, v12;
	v9 =	vld [tilespmem:s19+$0xFFFFFFF0];
	(pc) =	sbr.rel @!p0 .LBB2_5-.Ltmp7, $4  }
0x62: {  	v8 =	vmax.f32 v8, v13;
	v10 =	vld [tilespmem:s19+$0x0]  }
0x63: {  	v11 =	vld [tilespmem:s19+$0x10];
	v1 =	vmax.f32 v1, v14  }
0x64: {  	v7 =	vmax.f32 v7, v15;
	v12 =	vld [tilespmem:s19+$0x20]  }
0x65: {  	v13 =	vld [tilespmem:s19+$0xFFFFFFC0];
	v6 =	vmax.f32 v6, v16;
	s19 =	sadd.s32 $0x80, s19  }
.Ltmp8:
0x66: {  	_ = 	snop;
	(pc) =	sbr.rel .LBB2_6-.Ltmp8, $1  }
0x67: {  	_ =	sdelay $0x3  }
.LBB2_8:
0x68: {  	[tilespmem:$0x4080] =	vst v8  }
0x69: {  	[tilespmem:$0x4090] =	vst v7  }
0x6a: {  	[tilespmem:$0x40A0] =	vst v6  }
0x6b: {  	[tilespmem:$0x40B0] =	vst v5  }
0x6c: {  	[tilespmem:$0x40C0] =	vst v4  }
0x6d: {  	[tilespmem:$0x40D0] =	vst v3  }
0x6e: {  	[tilespmem:$0x40E0] =	vst v2  }
0x6f: {  	[tilespmem:$0x40F0] =	vst v1  }
0x70: {  	v1 =	vld [tilespmem:s5+$0x1];
	_ =	sdelay $0x4  }
0x71: {  	(v2sf) =	vpush v1, $0x0;
	_ =	sdelay $0x6  }
0x72: {  	(v2sf) =	vpush v1, $0x1;
	_ =	sdelay $0x7  }
0x73: {  	s12 =	spop (v2sf)  }
0x74: {  	s15 =	scvt.f32.s32 s12;
	_ =	sdelay $0x1  }
0x75: {  	s12 =	sand.u32 $0x7, s15  }
0x76: {  	s13 =	sshra.s32 s15, $0x1F;
	p0 =	slt.s32 s15, $0x1;
	p1 =	sne.s32 s12, $0x0  }
0x77: {  	s30 =	sshrl.u32 s13, $0x1D;
	p0 =	por !p0, !p1  }
0x78: {  	s13 =	simm.s32 $0x1;
	s12 =	sadd.s32 s30, s15;
	p0 =	por !p0, !p0  }
0x79: {  	s14 =	spop (v2sf);
	s12 =	sshrl.u32 s12, $0x3;
	s13 =	simm.s32 @!p0 $0x0  }
0x7a: {  	s14 =	scvt.f32.s32 s14;
	s12 =	ssub.s32 s12, s13  }
0x7b: {  	s12 =	sshll.u32 s12, $0x3  }
0x7c: {  	s13 =	ssub.s32 s14, s12  }
0x7d: {  	s14 =	sadd.s32 $0x7F, s13  }
0x7e: {  	s16 =	sand.u32 $0x7F, s14  }
0x7f: {  	s31 =	sshra.s32 s14, $0x1F;
	p6 =	slt.s32 s14, $0x1;
	p5 =	sne.s32 s16, $0x0  }
0x80: {  	s16 =	sshrl.u32 s31, $0x19;
	p0 =	por !p6, !p5  }
0x81: {  	s14 =	sadd.s32 s16, s14;
	s16 =	simm.s32 $0x1;
	p0 =	por !p0, !p0  }
0x82: {  	s14 =	sshra.s32 s14, $0x7;
	s16 =	simm.s32 @!p0 $0x0  }
0x83: {  	s14 =	ssub.s32 s14, s16  }
0x84: {  	p0 =	slt.s32 s14, $0x1  }
.Ltmp9:
0x85: {  	_ = 	snop;
	(pc) =	sbr.rel @p0 .LBB2_9-.Ltmp9, $1  }
0x86: {  	_ =	sdelay $0x3  }
.Ltmp10:
0x87: {  	(pc) =	sbr.rel .LBB2_11-.Ltmp10, $4  }
0x88: {  	_ = 	snop  }
0x89: {  	v1 =	vimm.f32 $-Inf  }
0x8a: {  	v2 =	vimm.f32 $-Inf;
	v3 =	vimm.f32 $-Inf;
	v4 =	vimm.f32 $-Inf  }
0x8b: {  	s15 =	ssub.s32 s15, s12;
	s16 =	simm.s32 $0x0;
	s17 =	smov.u32 s13;
	v5 =	vimm.f32 $-Inf;
	v6 =	vimm.f32 $-Inf;
	v7 =	vimm.f32 $-Inf  }
.LBB2_14:
0x8c: {  	v4 =	vmax.f32 v4, v8;
	v3 =	vmax.f32 v3, v9  }
0x8d: {  	v2 =	vmax.f32 v2, v10;
	v1 =	vmax.f32 v1, v11;
	v7 =	vmax.f32 v7, v12  }
.LBB2_15:
0x8e: {  	s16 =	sadd.s32 $0x1, s16  }
0x8f: {  	p0 =	sne.s32 s16, s14  }
.Ltmp11:
0x90: {  	_ = 	snop;
	(pc) =	sbr.rel @!p0 .LBB2_16-.Ltmp11, $2  }
0x91: {  	_ =	sdelay $0x2  }
0x92: {  	s17 =	sadd.s32 $0xFFFFFF80, s17  }
.LBB2_11:
0x93: {  	s18 =	sshll.u32 s16, $0x7  }
0x94: {  	s19 =	sadd.s32 s12, s18  }
0x95: {  	s19 =	sshll.u32 s19, $0x4  }
0x96: {  	s19 =	sadd.s32 s4, s19  }
0x97: {  	[tilespmem:s9], [sflag:$0x1] =	stream.linear.gather [hbm4b:s19+s3], $0x4000, $0x38;
	[tilespmem:$0x4480] =	vst v63  }
0x98: {  	s19 =	ssub.s32 s13, s18  }
0x99: {  	p0 =	seq.s32 s16, $0x0;
	s18 =	smov.u32 s15;
	p1 =	slt.s32 s19, $0x80  }
0x9a: {  	s18 =	simm.s32 @!p0 $0x0;
	s19 =	simm.s32 @!p1 $0x80  }
0x9b: {  	p0 =	sge.s32 s18, s19  }
.Ltmp12:
0x9c: {  	_ = 	snop;
	(pc) =	sbr.rel @p0 .LBB2_15-.Ltmp12, $4  }
0x9d: {  	_ = 	snop  }
0x9e: {  	_ =	swait.ge [sflag:s8], $0x4000  }
0x9f: {  	[sflag:s8] =	ssyncset.done $0x0  }
0xa0: {  	[sflag:s8] =	ssyncadd.s32 $0xFFFFC000  }
0xa1: {  	s19 =	sshll.u32 s18, $0x9  }
0xa2: {  	s19 =	sshra.s32 s19, $0x2  }
0xa3: {  	s19 =	sadd.s32 $0xC0, s19  }
0xa4: {  	v12 =	vld [tilespmem:s19+$0x30]  }
0xa5: {  	p0 =	slt.s32 s17, $0x80;
	s20 =	smov.u32 s17;
	v13 =	vld [tilespmem:s19+$0xFFFFFFD0]  }
0xa6: {  	s20 =	simm.s32 @!p0 $0x80;
	v14 =	vld [tilespmem:s19+$0xFFFFFFE0]  }
0xa7: {  	s31 =	ssub.s32 s18, s20;
	v8 =	vld [tilespmem:s19+$0xFFFFFFF0]  }
0xa8: {  	v9 =	vld [tilespmem:s19+$0x0];
	s18 =	sadd.s32 $0x1, s31  }
0xa9: {  	v10 =	vld [tilespmem:s19+$0x10];
	p0 =	seq.s32 s18, $0x0  }
.Ltmp13:
0xaa: {  	v11 =	vld [tilespmem:s19+$0x20];
	(pc) =	sbr.rel @p0 .LBB2_14-.Ltmp13, $2  }
0xab: {  	v0 =	vmax.f32 v0, v12;
	v12 =	vld [tilespmem:s19+$0xFFFFFFC0];
	_ =	sdelay $0x2  }
0xac: {  	v6 =	vmax.f32 v6, v13;
	v5 =	vmax.f32 v5, v14;
	s19 =	sadd.s32 $0x80, s19  }
.LBB2_13:
0xad: {  	v13 =	vld [tilespmem:s19+$0x30];
	s18 =	sadd.s32 $0x1, s18;
	v4 =	vmax.f32 v4, v8  }
0xae: {  	v3 =	vmax.f32 v3, v9;
	v14 =	vld [tilespmem:s19+$0xFFFFFFD0];
	p0 =	seq.s32 s18, $0x0  }
0xaf: {  	v2 =	vmax.f32 v2, v10;
	v15 =	vld [tilespmem:s19+$0xFFFFFFE0]  }
.Ltmp14:
0xb0: {  	v1 =	vmax.f32 v1, v11;
	v8 =	vld [tilespmem:s19+$0xFFFFFFF0];
	(pc) =	sbr.rel @!p0 .LBB2_13-.Ltmp14, $4  }
0xb1: {  	v7 =	vmax.f32 v7, v12;
	v9 =	vld [tilespmem:s19+$0x0]  }
0xb2: {  	v10 =	vld [tilespmem:s19+$0x10];
	v0 =	vmax.f32 v0, v13  }
0xb3: {  	v6 =	vmax.f32 v6, v14;
	v11 =	vld [tilespmem:s19+$0x20]  }
0xb4: {  	v12 =	vld [tilespmem:s19+$0xFFFFFFC0];
	v5 =	vmax.f32 v5, v15;
	s19 =	sadd.s32 $0x80, s19  }
.Ltmp15:
0xb5: {  	_ = 	snop;
	(pc) =	sbr.rel .LBB2_14-.Ltmp15, $1  }
0xb6: {  	_ =	sdelay $0x3  }
.LBB2_17:
0xb7: {  	_ =	sfence.sel $0x180000  }
0xb8: {  	[bflag:$0x0] =	sbarrier.arrive $0xFFFF  }
0xb9: {  	p0 =	sne.s32 s2, $0x0;
	_ =	strace $0x90000050  }
0xba: {  	s0 =	sadd.s32 @!p0 $0x100000, s0;
	[bflag:$0x2] =	sbarrier.arrive $0xFFFF  }
0xbb: {  	[sflag:s0] =	ssyncadd.tile.s32 @!p0 $0x1;
	_ =	shalt  }
.Lfunc_end2:
_tile_overlayer_lowered:
.L_overlay_start_2:
0xbc: {  	(tag) =	ssettag $0x2  }
0xbd: {  	s0 =	rddreg [dreg:$0x0];
	s2 =	stileid.u32  }
0xbe: {  	s1 =	rddreg [dreg:$0x1];
	p0 =	sne.s32 s2, $0x0  }
0xbf: {  	s3 =	rddreg [dreg:$0x2];
	[bflag:$0x3] =	sbarrier.arrive $0xFFFF;
	s2 =	simm.s32 @!p0 $0x1C01  }
0xc0: {  	[timem:s3], [sflag:s2] =	dma.local @!p0 [hbm:s0], s1  }
0xc1: {  	s0 =	simm.s32 @!p0 $0x1  }
0xc2: {  	_ =	swait.ge @!p0 [sflag:s0], s1  }
0xc3: {  	s1 =	ssub.s32 @!p0 $0x0, s1;
	[sflag:s0] =	ssyncset.done @!p0 $0x0  }
0xc4: {  	[sflag:s0] =	ssyncadd.s32 @!p0 s1  }
0xc5: {  	[bflag:$0x3] =	sbarrier.arrive $0xFFFF  }
0xc6: {  	_ =	shalt  }

</sc_bundles>
